<compile_context>
chip_gen: v7x
topology: tpu7x:2x2x1
jax: 0.10.2.dev20260603
libtpu: 0.0.44.dev20260713+nightly
codegen_flags: <defaults>
</compile_context>

<pallas_src>
import functools

import jax
import jax.numpy as jnp
from jax import lax
from jax.experimental import pallas as pl
from jax.experimental.pallas import tpu as pltpu
from jax.experimental.pallas import tpu_sc as plsc

_N_LIT = 10000
_N_CLS = 5000
_E = 320000
_C = 128
_OUT_DIM = 2

_NW = 32
_EPW = _E // _NW
_K = 80
_EPW_PAD = 10000
_NCHUNK = _EPW_PAD // _K
_N_CLS_PAD = 5120
_N_LIT_PAD = 10112

_MESH = plsc.VectorSubcoreMesh(core_axis_name="c", subcore_axis_name="s")


def _make_seg_sum(n_pad):
    stripe = n_pad // 16
    npairs = _NCHUNK // 2

    @functools.partial(
        pl.kernel,
        out_type=jax.ShapeDtypeStruct((2, n_pad, _C), jnp.float32),
        mesh=_MESH,
        scratch_types=[
            pltpu.VMEM((_EPW_PAD,), jnp.int32),
            pltpu.VMEM((_NCHUNK, _K), jnp.int32),
            pltpu.VMEM((_K, _C), jnp.float32),
            pltpu.VMEM((_K, _C), jnp.float32),
            pltpu.MemorySpace.VMEM_SHARED((n_pad, _C), jnp.float32),
            pltpu.SemaphoreType.DMA,
            pltpu.SemaphoreType.DMA,
            pltpu.SemaphoreType.DMA,
            pltpu.SemaphoreType.DMA,
        ],
    )
    def seg_sum(table, esrc, edst, zeros, out,
                idx_s, idx_d, rows_a, rows_b, acc, sem_a, sem_b, sem_c, sem_d):
        c = lax.axis_index("c")
        s = lax.axis_index("s")
        wid = s * 2 + c
        pltpu.sync_copy(zeros.at[pl.ds(s * stripe, stripe)],
                        acc.at[pl.ds(s * stripe, stripe)])
        pltpu.sync_copy(esrc.at[pl.ds(wid * _EPW_PAD, _EPW_PAD)], idx_s)
        pltpu.sync_copy(edst.at[wid], idx_d)
        plsc.subcore_barrier()

        KH = _K // 2
        bufs = [rows_a.at[pl.ds(0, KH)], rows_a.at[pl.ds(KH, KH)],
                rows_b.at[pl.ds(0, KH)], rows_b.at[pl.ds(KH, KH)]]
        sems = [sem_a, sem_b, sem_c, sem_d]

        def fire(q, b):
            pltpu.async_copy(table.at[idx_s.at[pl.ds(q * KH, KH)]],
                             bufs[b], sems[b])

        def wait(q, b):
            pltpu.make_async_copy(table.at[idx_s.at[pl.ds(q * KH, KH)]],
                                  bufs[b], sems[b]).wait()

        for b in range(4):
            fire(b, b)

        def body(g, carry):
            q0 = 4 * g
            wait(q0, 0)
            wait(q0 + 1, 1)
            pltpu.sync_copy(rows_a, acc.at[idx_d.at[2 * g]], add=True)
            for b in range(2):
                @pl.when(q0 + 4 + b < 2 * _NCHUNK)
                def _(b=b):
                    fire(q0 + 4 + b, b)
            wait(q0 + 2, 2)
            wait(q0 + 3, 3)
            pltpu.sync_copy(rows_b, acc.at[idx_d.at[2 * g + 1]], add=True)
            for b in range(2, 4):
                @pl.when(q0 + 4 + b < 2 * _NCHUNK)
                def _(b=b):
                    fire(q0 + 4 + b, b)
            return carry

        lax.fori_loop(0, _NCHUNK // 2, body, 0)
        if _NCHUNK % 2:
            q0 = 2 * (_NCHUNK - 1)
            wait(q0, 0)
            wait(q0 + 1, 1)
            pltpu.sync_copy(rows_a, acc.at[idx_d.at[_NCHUNK - 1]], add=True)
        plsc.subcore_barrier()
        pltpu.sync_copy(acc.at[pl.ds(s * stripe, stripe)],
                        out.at[c, pl.ds(s * stripe, stripe)])

    return seg_sum


_seg_to_cls = _make_seg_sum(_N_CLS_PAD)
_seg_to_lit = _make_seg_sum(_N_LIT_PAD)

_CNT_W = _C


def _make_count(n_pad):
    stripe = n_pad // 16

    @functools.partial(
        pl.kernel,
        out_type=jax.ShapeDtypeStruct((2, n_pad, _CNT_W), jnp.float32),
        mesh=_MESH,
        scratch_types=[
            pltpu.VMEM((_NCHUNK, _K), jnp.int32),
            pltpu.VMEM((_K, _CNT_W), jnp.float32),
            pltpu.MemorySpace.VMEM_SHARED((n_pad, _CNT_W), jnp.float32),
            pltpu.SemaphoreType.DMA,
        ],
    )
    def count(edst, zeros, ones, out, idx_d, ones_v, acc, sem):
        c = lax.axis_index("c")
        s = lax.axis_index("s")
        wid = s * 2 + c
        pltpu.sync_copy(zeros.at[pl.ds(s * stripe, stripe)],
                        acc.at[pl.ds(s * stripe, stripe)])
        pltpu.sync_copy(ones, ones_v)
        pltpu.sync_copy(edst.at[wid], idx_d)
        plsc.subcore_barrier()

        def body(j, carry):
            pltpu.async_copy(ones_v, acc.at[idx_d.at[j]], sem, add=True)
            return carry

        lax.fori_loop(0, _NCHUNK, body, 0)

        def drain(j, carry):
            pltpu.make_async_copy(ones_v, acc.at[idx_d.at[0]], sem).wait()
            return carry

        lax.fori_loop(0, _NCHUNK, drain, 0)
        plsc.subcore_barrier()
        pltpu.sync_copy(acc.at[pl.ds(s * stripe, stripe)],
                        out.at[c, pl.ds(s * stripe, stripe)])

    return count


_cnt_cls_kernel = _make_count(_N_CLS_PAD)
_cnt_lit_kernel = _make_count(_N_LIT_PAD)


def _mlp2(x, w1, b1, w2, b2, blk):
    n, d1 = x.shape
    dh = w1.shape[1]
    do = w2.shape[1]

    def body(x_ref, w1_ref, b1_ref, w2_ref, b2_ref, o_ref):
        z = jnp.dot(x_ref[...], w1_ref[...],
                    preferred_element_type=jnp.float32) + b1_ref[...]
        h = z * jax.nn.sigmoid(z)
        o_ref[...] = jnp.dot(h, w2_ref[...],
                             preferred_element_type=jnp.float32) + b2_ref[...]

    return pl.pallas_call(
        body,
        grid=(n // blk,),
        in_specs=[
            pl.BlockSpec((blk, d1), lambda i: (i, 0)),
            pl.BlockSpec((d1, dh), lambda i: (0, 0)),
            pl.BlockSpec((1, dh), lambda i: (0, 0)),
            pl.BlockSpec((dh, do), lambda i: (0, 0)),
            pl.BlockSpec((1, do), lambda i: (0, 0)),
        ],
        out_specs=pl.BlockSpec((blk, do), lambda i: (i, 0)),
        out_shape=jax.ShapeDtypeStruct((n, do), jnp.float32),
    )(x, w1, b1.reshape(1, dh), w2, b2.reshape(1, do))


def _layer_update(h, partials, cnts, w, b, blk):
    n = h.shape[0]

    def body(h_ref, p_ref, c_ref, w_ref, b_ref, o_ref):
        hx = h_ref[...]
        cnt = c_ref[0, :, :1] + c_ref[1, :, :1]
        agg = (p_ref[0] + p_ref[1]) / jnp.maximum(cnt, 1.0)
        z = (jnp.dot(hx, w_ref[0], preferred_element_type=jnp.float32)
             + jnp.dot(agg, w_ref[1], preferred_element_type=jnp.float32)
             + b_ref[...])
        o_ref[...] = hx + z * jax.nn.sigmoid(z)

    return pl.pallas_call(
        body,
        grid=(n // blk,),
        in_specs=[
            pl.BlockSpec((blk, _C), lambda i: (i, 0)),
            pl.BlockSpec((2, blk, _C), lambda i: (0, i, 0)),
            pl.BlockSpec((2, blk, _CNT_W), lambda i: (0, i, 0)),
            pl.BlockSpec((2, _C, _C), lambda i: (0, 0, 0)),
            pl.BlockSpec((1, _C), lambda i: (0, 0)),
        ],
        out_specs=pl.BlockSpec((blk, _C), lambda i: (i, 0)),
        out_shape=jax.ShapeDtypeStruct((n, _C), jnp.float32),
    )(h, partials, cnts, w, b.reshape(1, _C))


def kernel(x_lit, x_cls, edge_lit, edge_cls, enc_W1, enc_b1, enc_W2, enc_b2,
           lit_W, lit_b, cls_W, cls_b, out_W1, out_b1, out_W2, out_b2):
    def _pad(e, pad_val):
        e2 = e.reshape(_NW, _EPW)
        fill = jnp.full((_NW, _EPW_PAD - _EPW), pad_val, jnp.int32)
        return jnp.concatenate([e2, fill], axis=1)

    src_lit = _pad(edge_lit, 0).reshape(-1)
    src_cls = _pad(edge_cls, 0).reshape(-1)
    dst_cls = _pad(edge_cls, _N_CLS).reshape(_NW, _NCHUNK, _K)
    dst_lit = _pad(edge_lit, _N_LIT).reshape(_NW, _NCHUNK, _K)
    zeros128 = jnp.zeros((_N_LIT_PAD, _C), jnp.float32)
    zeros16 = jnp.zeros((_N_LIT_PAD, _CNT_W), jnp.float32)
    ones16 = jnp.ones((_K, _CNT_W), jnp.float32)

    cnt_cls = _cnt_cls_kernel(dst_cls, zeros16, ones16)
    cnt_lit = _cnt_lit_kernel(dst_lit, zeros16, ones16)

    x_all = jnp.concatenate([x_lit, x_cls], axis=0)
    h_all = _mlp2(x_all, enc_W1, enc_b1, enc_W2, enc_b2, blk=1000)
    h_lit, h_cls = h_all[:_N_LIT], h_all[_N_LIT:]

    n_layers = lit_W.shape[0]
    cls_W2 = cls_W.reshape(n_layers, 2, _C, _C)
    lit_W2 = lit_W.reshape(n_layers, 2, _C, _C)

    for l in range(n_layers):
        p_cls = _seg_to_cls(h_lit, src_lit, dst_cls, zeros128)
        h_cls = _layer_update(h_cls, p_cls, cnt_cls, cls_W2[l], cls_b[l], blk=1000)
        p_lit = _seg_to_lit(h_cls, src_cls, dst_lit, zeros128)
        h_lit = _layer_update(h_lit, p_lit, cnt_lit, lit_W2[l], lit_b[l], blk=1000)

    hv = h_lit.reshape(_N_CLS, 2 * _C)
    w2p = jnp.zeros((2 * _C, _C), jnp.float32).at[:, :_OUT_DIM].set(out_W2)
    b2p = jnp.zeros((_C,), jnp.float32).at[:_OUT_DIM].set(out_b2)
    y = _mlp2(hv, out_W1, out_b1, w2p, b2p, blk=1000)
    return y[:, :_OUT_DIM]

# --- scband reference (transcript-rebuilt; emitter-appended) ---
"""Pipeline reference for scband-gnn-65824668779033 (READ-ONLY COPY).

The authoritative reference and input builder live on the scoring server;
editing this copy changes nothing except your own understanding.
"""

import jax, jax.numpy as jnp
import numpy as np

N_LIT = 10000
N_CLS = 5000
E = 320000
FEAT = 128
C = 128
L = 3
OUT_DIM = 2


def _silu(v):
    return v * jax.nn.sigmoid(v)


def _seg_mean(vals, idx, num):
    s = jax.ops.segment_sum(vals, idx, num_segments=num)
    cnt = jax.ops.segment_sum(jnp.ones((idx.shape[0], 1), vals.dtype), idx, num_segments=num)
    return s / jnp.maximum(cnt, 1.0)


def setup_inputs(seed: int = 0):
    key = jax.random.key(seed)
    ks = jax.random.split(key, 20)
    s = 0.05
    inp = {}
    inp["x_lit"] = jax.random.normal(ks[0], (N_LIT, FEAT), jnp.float32)
    inp["x_cls"] = jax.random.normal(ks[1], (N_CLS, FEAT), jnp.float32)
    inp["edge_lit"] = jax.random.randint(ks[2], (E,), 0, N_LIT, jnp.int32)
    inp["edge_cls"] = jax.random.randint(ks[3], (E,), 0, N_CLS, jnp.int32)
    inp["enc_W1"] = jax.random.normal(ks[4], (FEAT, C), jnp.float32) * s
    inp["enc_b1"] = jnp.zeros((C,), jnp.float32)
    inp["enc_W2"] = jax.random.normal(ks[5], (C, C), jnp.float32) * s
    inp["enc_b2"] = jnp.zeros((C,), jnp.float32)
    inp["lit_W"] = jax.random.normal(ks[6], (L, 2 * C, C), jnp.float32) * s
    inp["lit_b"] = jnp.zeros((L, C), jnp.float32)
    inp["cls_W"] = jax.random.normal(ks[7], (L, 2 * C, C), jnp.float32) * s
    inp["cls_b"] = jnp.zeros((L, C), jnp.float32)
    inp["out_W1"] = jax.random.normal(ks[8], (2 * C, 2 * C), jnp.float32) * s
    inp["out_b1"] = jnp.zeros((2 * C,), jnp.float32)
    inp["out_W2"] = jax.random.normal(ks[9], (2 * C, OUT_DIM), jnp.float32) * s
    inp["out_b2"] = jnp.zeros((OUT_DIM,), jnp.float32)
    return inp


def reference(x_lit, x_cls, edge_lit, edge_cls, enc_W1, enc_b1, enc_W2, enc_b2, lit_W, lit_b, cls_W, cls_b, out_W1, out_b1, out_W2, out_b2):
    # feature encoder (shared MLP, SiLU) applied to both node types
    h_lit = _silu(x_lit @ enc_W1 + enc_b1) @ enc_W2 + enc_b2
    h_cls = _silu(x_cls @ enc_W1 + enc_b1) @ enc_W2 + enc_b2
    # bipartite message passing layers: lit -> cls then cls -> lit, mean aggregation, residual
    for l in range(lit_W.shape[0]):
        agg_cls = _seg_mean(h_lit[edge_lit], edge_cls, N_CLS)
        h_cls = h_cls + _silu(jnp.concatenate([h_cls, agg_cls], axis=1) @ cls_W[l] + cls_b[l])
        agg_lit = _seg_mean(h_cls[edge_cls], edge_lit, N_LIT)
        h_lit = h_lit + _silu(jnp.concatenate([h_lit, agg_lit], axis=1) @ lit_W[l] + lit_b[l])
    # var_output head: pair positive/negative literals (even/odd rows)
    h_var = jnp.concatenate([h_lit[0::2], h_lit[1::2]], axis=1)
    y_var = _silu(h_var @ out_W1 + out_b1) @ out_W2 + out_b2
    return y_var

if __name__ == "__main__":
    import jax
    _d = setup_inputs()
    print(jax.jit(kernel)(*tuple(_d.values())))

</pallas_src>

<mosaic_0001>
#map = affine_map<(d0, d1) -> (0, 0)>
#map1 = affine_map<(d0, d1) -> (0)>
#map2 = affine_map<(d0, d1) -> (0, 0, 0)>
module attributes {stable_mosaic.version = 14 : i64} {
  func.func @seg_sum(%arg0: i32, %arg1: i32, %arg2: memref<10000x128xf32, #tpu.memory_space<hbm>>, %arg3: memref<320000xi32, #tpu.memory_space<hbm>>, %arg4: memref<32x125x80xi32, #tpu.memory_space<hbm>>, %arg5: memref<10112x128xf32, #tpu.memory_space<hbm>>, %arg6: memref<2x5120x128xf32, #tpu.memory_space<hbm>>, %arg7: memref<10000xi32, #tpu.memory_space<vmem>>, %arg8: memref<125x80xi32, #tpu.memory_space<vmem>>, %arg9: memref<80x128xf32, #tpu.memory_space<vmem>>, %arg10: memref<80x128xf32, #tpu.memory_space<vmem>>, %arg11: memref<5120x128xf32, #tpu.memory_space<vmem_shared>>, %arg12: memref<!tpu.dma_semaphore, #tpu.memory_space<semaphore_mem>>, %arg13: memref<!tpu.dma_semaphore, #tpu.memory_space<semaphore_mem>>, %arg14: memref<!tpu.dma_semaphore, #tpu.memory_space<semaphore_mem>>, %arg15: memref<!tpu.dma_semaphore, #tpu.memory_space<semaphore_mem>>) attributes {dimension_semantics = [#tpu.dimension_semantics<core_parallel>, #tpu.dimension_semantics<subcore_parallel>], iteration_bounds = array<i64: 2, 16>, scalar_prefetch = 0 : i64, scratch_operands = 9 : i64, tpu.core_type = #tpu.core_type<sc_vector_subcore>, window_params = [{transform_indices = #map}, {transform_indices = #map1}, {transform_indices = #map2}, {transform_indices = #map}, {transform_indices = #map2}]} {
    %mul3A = arith.constant 2 : i32
    %mul3A_0 = arith.muli %arg1, %mul3A : i32
    %add3A = arith.addi %mul3A_0, %arg0 : i32
    %mul3A_1 = arith.constant 320 : i32
    %mul3A_2 = arith.muli %arg1, %mul3A_1 : i32
    %mul3A_3 = arith.constant 320 : i32
    %mul3A_4 = arith.muli %arg1, %mul3A_3 : i32
    "tpu.region"() ({
      %run_scoped3A_63 = tpu.sem_alloc : memref<!tpu.dma_semaphore, #tpu.memory_space<semaphore_mem>>
      %dma_start3A_64 = arith.constant 0 : i32
      %dma_start3A_65 = tpu.memref_slice %arg11[%mul3A_4, %dma_start3A_64] : memref<5120x128xf32, #tpu.memory_space<vmem_shared>> -> memref<320x128xf32, #tpu.memory_space<vmem_shared>>
      %dma_start3A_66 = arith.constant 0 : i32
      %dma_start3A_67 = tpu.memref_slice %arg5[%mul3A_2, %dma_start3A_66] : memref<10112x128xf32, #tpu.memory_space<hbm>> -> memref<320x128xf32, #tpu.memory_space<hbm>>
      tpu.enqueue_dma source(%dma_start3A_67 : memref<320x128xf32, #tpu.memory_space<hbm>>) target(%dma_start3A_65 : memref<320x128xf32, #tpu.memory_space<vmem_shared>>) target_semaphore(%run_scoped3A_63 : memref<!tpu.dma_semaphore, #tpu.memory_space<semaphore_mem>>)
      %dma_wait3A_68 = arith.constant 0 : i32
      %dma_wait3A_69 = tpu.memref_slice %arg11[%mul3A_4, %dma_wait3A_68] : memref<5120x128xf32, #tpu.memory_space<vmem_shared>> -> memref<320x128xf32, #tpu.memory_space<vmem_shared>>
      %dma_wait3A_70 = arith.constant 0 : i32
      %dma_wait3A_71 = tpu.memref_slice %arg5[%mul3A_2, %dma_wait3A_70] : memref<10112x128xf32, #tpu.memory_space<hbm>> -> memref<320x128xf32, #tpu.memory_space<hbm>>
      tpu.wait_dma2 semaphore(%run_scoped3A_63 : memref<!tpu.dma_semaphore, #tpu.memory_space<semaphore_mem>>) src(%dma_wait3A_71 : memref<320x128xf32, #tpu.memory_space<hbm>>) dst(%dma_wait3A_69 : memref<320x128xf32, #tpu.memory_space<vmem_shared>>)
      tpu.yield
    }) : () -> ()
    %mul3A_5 = arith.constant 10000 : i32
    %mul3A_6 = arith.muli %add3A, %mul3A_5 : i32
    "tpu.region"() ({
      %run_scoped3A_63 = tpu.sem_alloc : memref<!tpu.dma_semaphore, #tpu.memory_space<semaphore_mem>>
      %dma_start3A_64 = tpu.memref_slice %arg3[%mul3A_6] : memref<320000xi32, #tpu.memory_space<hbm>> -> memref<10000xi32, #tpu.memory_space<hbm>>
      %dma_start3A_65 = tpu.memref_slice %arg3[%mul3A_6] : memref<320000xi32, #tpu.memory_space<hbm>> -> memref<10000xi32, #tpu.memory_space<hbm>>
      tpu.enqueue_dma source(%dma_start3A_65 : memref<10000xi32, #tpu.memory_space<hbm>>) target(%arg7 : memref<10000xi32, #tpu.memory_space<vmem>>) target_semaphore(%run_scoped3A_63 : memref<!tpu.dma_semaphore, #tpu.memory_space<semaphore_mem>>)
      %dma_wait3A_66 = tpu.memref_slice %arg3[%mul3A_6] : memref<320000xi32, #tpu.memory_space<hbm>> -> memref<10000xi32, #tpu.memory_space<hbm>>
      %dma_wait3A_67 = tpu.memref_slice %arg3[%mul3A_6] : memref<320000xi32, #tpu.memory_space<hbm>> -> memref<10000xi32, #tpu.memory_space<hbm>>
      tpu.wait_dma2 semaphore(%run_scoped3A_63 : memref<!tpu.dma_semaphore, #tpu.memory_space<semaphore_mem>>) src(%dma_wait3A_67 : memref<10000xi32, #tpu.memory_space<hbm>>) dst(%arg7 : memref<10000xi32, #tpu.memory_space<vmem>>)
      tpu.yield
    }) : () -> ()
    "tpu.region"() ({
      %run_scoped3A_63 = tpu.sem_alloc : memref<!tpu.dma_semaphore, #tpu.memory_space<semaphore_mem>>
      %dma_start3A_64 = arith.constant 0 : i32
      %dma_start3A_65 = arith.constant 0 : i32
      %dma_start3A_66 = tpu.memref_slice %arg4[%add3A, %dma_start3A_64, %dma_start3A_65] : memref<32x125x80xi32, #tpu.memory_space<hbm>> -> memref<1x125x80xi32, #tpu.memory_space<hbm>>
      %dma_start3A_67 = tpu.memref_squeeze %dma_start3A_66 : memref<1x125x80xi32, #tpu.memory_space<hbm>> -> memref<125x80xi32, #tpu.memory_space<hbm>>
      %dma_start3A_68 = arith.constant 0 : i32
      %dma_start3A_69 = arith.constant 0 : i32
      %dma_start3A_70 = tpu.memref_slice %arg4[%add3A, %dma_start3A_68, %dma_start3A_69] : memref<32x125x80xi32, #tpu.memory_space<hbm>> -> memref<1x125x80xi32, #tpu.memory_space<hbm>>
      %dma_start3A_71 = tpu.memref_squeeze %dma_start3A_70 : memref<1x125x80xi32, #tpu.memory_space<hbm>> -> memref<125x80xi32, #tpu.memory_space<hbm>>
      tpu.enqueue_dma source(%dma_start3A_71 : memref<125x80xi32, #tpu.memory_space<hbm>>) target(%arg8 : memref<125x80xi32, #tpu.memory_space<vmem>>) target_semaphore(%run_scoped3A_63 : memref<!tpu.dma_semaphore, #tpu.memory_space<semaphore_mem>>)
      %dma_wait3A_72 = arith.constant 0 : i32
      %dma_wait3A_73 = arith.constant 0 : i32
      %dma_wait3A_74 = tpu.memref_slice %arg4[%add3A, %dma_wait3A_72, %dma_wait3A_73] : memref<32x125x80xi32, #tpu.memory_space<hbm>> -> memref<1x125x80xi32, #tpu.memory_space<hbm>>
      %dma_wait3A_75 = tpu.memref_squeeze %dma_wait3A_74 : memref<1x125x80xi32, #tpu.memory_space<hbm>> -> memref<125x80xi32, #tpu.memory_space<hbm>>
      %dma_wait3A_76 = arith.constant 0 : i32
      %dma_wait3A_77 = arith.constant 0 : i32
      %dma_wait3A_78 = tpu.memref_slice %arg4[%add3A, %dma_wait3A_76, %dma_wait3A_77] : memref<32x125x80xi32, #tpu.memory_space<hbm>> -> memref<1x125x80xi32, #tpu.memory_space<hbm>>
      %dma_wait3A_79 = tpu.memref_squeeze %dma_wait3A_78 : memref<1x125x80xi32, #tpu.memory_space<hbm>> -> memref<125x80xi32, #tpu.memory_space<hbm>>
      tpu.wait_dma2 semaphore(%run_scoped3A_63 : memref<!tpu.dma_semaphore, #tpu.memory_space<semaphore_mem>>) src(%dma_wait3A_79 : memref<125x80xi32, #tpu.memory_space<hbm>>) dst(%arg8 : memref<125x80xi32, #tpu.memory_space<vmem>>)
      tpu.yield
    }) : () -> ()
    %barrier3A = arith.constant 0 : index
    tpu.barrier barrier_id(%barrier3A)
    %dma_start3A = arith.constant 0 : i32
    %dma_start3A_7 = arith.constant 0 : i32
    %dma_start3A_8 = tpu.memref_slice %arg9[%dma_start3A, %dma_start3A_7] : memref<80x128xf32, #tpu.memory_space<vmem>> -> memref<40x128xf32, #tpu.memory_space<vmem>>
    %dma_start3A_9 = arith.constant 0 : i32
    %dma_start3A_10 = tpu.memref_slice %arg7[%dma_start3A_9] : memref<10000xi32, #tpu.memory_space<vmem>> -> memref<40xi32, #tpu.memory_space<vmem>>
    %dma_start3A_11 = arith.constant 0 : i32
    %dma_start3A_12 = arith.constant 0 : i32
    %dma_start3A_13 = tpu.memref_slice %arg2[%dma_start3A_11, %dma_start3A_12] : memref<10000x128xf32, #tpu.memory_space<hbm>> -> memref<10000x128xf32, #tpu.memory_space<hbm>>
    tpu.enqueue_indirect_dma source(%dma_start3A_13 : memref<10000x128xf32, #tpu.memory_space<hbm>>) target(%dma_start3A_8 : memref<40x128xf32, #tpu.memory_space<vmem>>) offsets(%dma_start3A_10 : memref<40xi32, #tpu.memory_space<vmem>>) semaphore(%arg12 : memref<!tpu.dma_semaphore, #tpu.memory_space<semaphore_mem>>)
    %dma_start3A_14 = arith.constant 40 : i32
    %dma_start3A_15 = arith.constant 0 : i32
    %dma_start3A_16 = tpu.memref_slice %arg9[%dma_start3A_14, %dma_start3A_15] : memref<80x128xf32, #tpu.memory_space<vmem>> -> memref<40x128xf32, #tpu.memory_space<vmem>>
    %dma_start3A_17 = arith.constant 40 : i32
    %dma_start3A_18 = tpu.memref_slice %arg7[%dma_start3A_17] : memref<10000xi32, #tpu.memory_space<vmem>> -> memref<40xi32, #tpu.memory_space<vmem>>
    %dma_start3A_19 = arith.constant 0 : i32
    %dma_start3A_20 = arith.constant 0 : i32
    %dma_start3A_21 = tpu.memref_slice %arg2[%dma_start3A_19, %dma_start3A_20] : memref<10000x128xf32, #tpu.memory_space<hbm>> -> memref<10000x128xf32, #tpu.memory_space<hbm>>
    tpu.enqueue_indirect_dma source(%dma_start3A_21 : memref<10000x128xf32, #tpu.memory_space<hbm>>) target(%dma_start3A_16 : memref<40x128xf32, #tpu.memory_space<vmem>>) offsets(%dma_start3A_18 : memref<40xi32, #tpu.memory_space<vmem>>) semaphore(%arg13 : memref<!tpu.dma_semaphore, #tpu.memory_space<semaphore_mem>>)
    %dma_start3A_22 = arith.constant 0 : i32
    %dma_start3A_23 = arith.constant 0 : i32
    %dma_start3A_24 = tpu.memref_slice %arg10[%dma_start3A_22, %dma_start3A_23] : memref<80x128xf32, #tpu.memory_space<vmem>> -> memref<40x128xf32, #tpu.memory_space<vmem>>
    %dma_start3A_25 = arith.constant 80 : i32
    %dma_start3A_26 = tpu.memref_slice %arg7[%dma_start3A_25] : memref<10000xi32, #tpu.memory_space<vmem>> -> memref<40xi32, #tpu.memory_space<vmem>>
    %dma_start3A_27 = arith.constant 0 : i32
    %dma_start3A_28 = arith.constant 0 : i32
    %dma_start3A_29 = tpu.memref_slice %arg2[%dma_start3A_27, %dma_start3A_28] : memref<10000x128xf32, #tpu.memory_space<hbm>> -> memref<10000x128xf32, #tpu.memory_space<hbm>>
    tpu.enqueue_indirect_dma source(%dma_start3A_29 : memref<10000x128xf32, #tpu.memory_space<hbm>>) target(%dma_start3A_24 : memref<40x128xf32, #tpu.memory_space<vmem>>) offsets(%dma_start3A_26 : memref<40xi32, #tpu.memory_space<vmem>>) semaphore(%arg14 : memref<!tpu.dma_semaphore, #tpu.memory_space<semaphore_mem>>)
    %dma_start3A_30 = arith.constant 40 : i32
    %dma_start3A_31 = arith.constant 0 : i32
    %dma_start3A_32 = tpu.memref_slice %arg10[%dma_start3A_30, %dma_start3A_31] : memref<80x128xf32, #tpu.memory_space<vmem>> -> memref<40x128xf32, #tpu.memory_space<vmem>>
    %dma_start3A_33 = arith.constant 120 : i32
    %dma_start3A_34 = tpu.memref_slice %arg7[%dma_start3A_33] : memref<10000xi32, #tpu.memory_space<vmem>> -> memref<40xi32, #tpu.memory_space<vmem>>
    %dma_start3A_35 = arith.constant 0 : i32
    %dma_start3A_36 = arith.constant 0 : i32
    %dma_start3A_37 = tpu.memref_slice %arg2[%dma_start3A_35, %dma_start3A_36] : memref<10000x128xf32, #tpu.memory_space<hbm>> -> memref<10000x128xf32, #tpu.memory_space<hbm>>
    tpu.enqueue_indirect_dma source(%dma_start3A_37 : memref<10000x128xf32, #tpu.memory_space<hbm>>) target(%dma_start3A_32 : memref<40x128xf32, #tpu.memory_space<vmem>>) offsets(%dma_start3A_34 : memref<40xi32, #tpu.memory_space<vmem>>) semaphore(%arg15 : memref<!tpu.dma_semaphore, #tpu.memory_space<semaphore_mem>>)
    %scan3A = arith.constant 0 : i32
    %scan3A_38 = arith.constant 0 : i32
    %scan3A_39 = arith.constant 62 : i32
    %scan3A_40 = arith.addi %scan3A_38, %scan3A_39 : i32
    %scan3A_41 = arith.constant 1 : i32
    scf.for %scan3A_63 = %scan3A_38 to %scan3A_40 step %scan3A_41  : i32 {
      %mul3A_64 = arith.constant 4 : i32
      %mul3A_65 = arith.muli %mul3A_64, %scan3A_63 : i32
      %mul3A_66 = arith.constant 40 : i32
      %mul3A_67 = arith.muli %mul3A_65, %mul3A_66 : i32
      %dma_wait3A_68 = arith.constant 0 : i32
      %dma_wait3A_69 = arith.constant 0 : i32
      %dma_wait3A_70 = tpu.memref_slice %arg9[%dma_wait3A_68, %dma_wait3A_69] : memref<80x128xf32, #tpu.memory_space<vmem>> -> memref<40x128xf32, #tpu.memory_space<vmem>>
      %dma_wait3A_71 = tpu.memref_slice %arg7[%mul3A_67] : memref<10000xi32, #tpu.memory_space<vmem>> -> memref<40xi32, #tpu.memory_space<vmem>>
      %dma_wait3A_72 = arith.constant 0 : i32
      %dma_wait3A_73 = arith.constant 0 : i32
      %dma_wait3A_74 = tpu.memref_slice %arg2[%dma_wait3A_72, %dma_wait3A_73] : memref<10000x128xf32, #tpu.memory_space<hbm>> -> memref<10000x128xf32, #tpu.memory_space<hbm>>
      tpu.wait_indirect_dma semaphore(%arg12 : memref<!tpu.dma_semaphore, #tpu.memory_space<semaphore_mem>>) src(%dma_wait3A_74 : memref<10000x128xf32, #tpu.memory_space<hbm>>) dst(%dma_wait3A_70 : memref<40x128xf32, #tpu.memory_space<vmem>>)
      %add3A_75 = arith.constant 1 : i32
      %add3A_76 = arith.addi %mul3A_65, %add3A_75 : i32
      %mul3A_77 = arith.constant 40 : i32
      %mul3A_78 = arith.muli %add3A_76, %mul3A_77 : i32
      %dma_wait3A_79 = arith.constant 40 : i32
      %dma_wait3A_80 = arith.constant 0 : i32
      %dma_wait3A_81 = tpu.memref_slice %arg9[%dma_wait3A_79, %dma_wait3A_80] : memref<80x128xf32, #tpu.memory_space<vmem>> -> memref<40x128xf32, #tpu.memory_space<vmem>>
      %dma_wait3A_82 = tpu.memref_slice %arg7[%mul3A_78] : memref<10000xi32, #tpu.memory_space<vmem>> -> memref<40xi32, #tpu.memory_space<vmem>>
      %dma_wait3A_83 = arith.constant 0 : i32
      %dma_wait3A_84 = arith.constant 0 : i32
      %dma_wait3A_85 = tpu.memref_slice %arg2[%dma_wait3A_83, %dma_wait3A_84] : memref<10000x128xf32, #tpu.memory_space<hbm>> -> memref<10000x128xf32, #tpu.memory_space<hbm>>
      tpu.wait_indirect_dma semaphore(%arg13 : memref<!tpu.dma_semaphore, #tpu.memory_space<semaphore_mem>>) src(%dma_wait3A_85 : memref<10000x128xf32, #tpu.memory_space<hbm>>) dst(%dma_wait3A_81 : memref<40x128xf32, #tpu.memory_space<vmem>>)
      %mul3A_86 = arith.constant 2 : i32
      %mul3A_87 = arith.muli %mul3A_86, %scan3A_63 : i32
      "tpu.region"() ({
        %run_scoped3A_147 = tpu.sem_alloc : memref<!tpu.dma_semaphore, #tpu.memory_space<semaphore_mem>>
        %dma_start3A_148 = arith.constant 0 : i32
        %dma_start3A_149 = tpu.memref_slice %arg8[%mul3A_87, %dma_start3A_148] : memref<125x80xi32, #tpu.memory_space<vmem>> -> memref<1x80xi32, #tpu.memory_space<vmem>>
        %dma_start3A_150 = tpu.memref_squeeze %dma_start3A_149 : memref<1x80xi32, #tpu.memory_space<vmem>> -> memref<80xi32, #tpu.memory_space<vmem>>
        %dma_start3A_151 = arith.constant 0 : i32
        %dma_start3A_152 = arith.constant 0 : i32
        %dma_start3A_153 = tpu.memref_slice %arg11[%dma_start3A_151, %dma_start3A_152] : memref<5120x128xf32, #tpu.memory_space<vmem_shared>> -> memref<5120x128xf32, #tpu.memory_space<vmem_shared>>
        tpu.enqueue_indirect_dma source(%arg9 : memref<80x128xf32, #tpu.memory_space<vmem>>) target(%dma_start3A_153 : memref<5120x128xf32, #tpu.memory_space<vmem_shared>>) offsets(%dma_start3A_150 : memref<80xi32, #tpu.memory_space<vmem>>) semaphore(%run_scoped3A_147 : memref<!tpu.dma_semaphore, #tpu.memory_space<semaphore_mem>>) {add = true}
        %dma_wait3A_154 = arith.constant 0 : i32
        %dma_wait3A_155 = tpu.memref_slice %arg8[%mul3A_87, %dma_wait3A_154] : memref<125x80xi32, #tpu.memory_space<vmem>> -> memref<1x80xi32, #tpu.memory_space<vmem>>
        %dma_wait3A_156 = tpu.memref_squeeze %dma_wait3A_155 : memref<1x80xi32, #tpu.memory_space<vmem>> -> memref<80xi32, #tpu.memory_space<vmem>>
        %dma_wait3A_157 = arith.constant 0 : i32
        %dma_wait3A_158 = arith.constant 0 : i32
        %dma_wait3A_159 = tpu.memref_slice %arg11[%dma_wait3A_157, %dma_wait3A_158] : memref<5120x128xf32, #tpu.memory_space<vmem_shared>> -> memref<5120x128xf32, #tpu.memory_space<vmem_shared>>
        tpu.wait_indirect_dma semaphore(%run_scoped3A_147 : memref<!tpu.dma_semaphore, #tpu.memory_space<semaphore_mem>>) src(%arg9 : memref<80x128xf32, #tpu.memory_space<vmem>>) dst(%dma_wait3A_159 : memref<5120x128xf32, #tpu.memory_space<vmem_shared>>)
        tpu.yield
      }) : () -> ()
      %add3A_88 = arith.constant 4 : i32
      %add3A_89 = arith.addi %mul3A_65, %add3A_88 : i32
      %add3A_90 = arith.constant 0 : i32
      %add3A_91 = arith.addi %add3A_89, %add3A_90 : i32
      %lt3A = arith.constant 250 : i32
      %lt3A_92 = arith.cmpi slt, %add3A_91, %lt3A : i32
      %convert_element_type3A = arith.extui %lt3A_92 : i1 to i32
      %cond3A = arith.constant 0 : i32
      %cond3A_93 = arith.cmpi ne, %convert_element_type3A, %cond3A : i32
      scf.if %cond3A_93 {
        %add3A_147 = arith.constant 4 : i32
        %add3A_148 = arith.addi %mul3A_65, %add3A_147 : i32
        %add3A_149 = arith.constant 0 : i32
        %add3A_150 = arith.addi %add3A_148, %add3A_149 : i32
        %mul3A_151 = arith.constant 40 : i32
        %mul3A_152 = arith.muli %add3A_150, %mul3A_151 : i32
        %dma_start3A_153 = arith.constant 0 : i32
        %dma_start3A_154 = arith.constant 0 : i32
        %dma_start3A_155 = tpu.memref_slice %arg9[%dma_start3A_153, %dma_start3A_154] : memref<80x128xf32, #tpu.memory_space<vmem>> -> memref<40x128xf32, #tpu.memory_space<vmem>>
        %dma_start3A_156 = tpu.memref_slice %arg7[%mul3A_152] : memref<10000xi32, #tpu.memory_space<vmem>> -> memref<40xi32, #tpu.memory_space<vmem>>
        %dma_start3A_157 = arith.constant 0 : i32
        %dma_start3A_158 = arith.constant 0 : i32
        %dma_start3A_159 = tpu.memref_slice %arg2[%dma_start3A_157, %dma_start3A_158] : memref<10000x128xf32, #tpu.memory_space<hbm>> -> memref<10000x128xf32, #tpu.memory_space<hbm>>
        tpu.enqueue_indirect_dma source(%dma_start3A_159 : memref<10000x128xf32, #tpu.memory_space<hbm>>) target(%dma_start3A_155 : memref<40x128xf32, #tpu.memory_space<vmem>>) offsets(%dma_start3A_156 : memref<40xi32, #tpu.memory_space<vmem>>) semaphore(%arg12 : memref<!tpu.dma_semaphore, #tpu.memory_space<semaphore_mem>>)
      } else {
      }
      %add3A_94 = arith.constant 4 : i32
      %add3A_95 = arith.addi %mul3A_65, %add3A_94 : i32
      %add3A_96 = arith.constant 1 : i32
      %add3A_97 = arith.addi %add3A_95, %add3A_96 : i32
      %lt3A_98 = arith.constant 250 : i32
      %lt3A_99 = arith.cmpi slt, %add3A_97, %lt3A_98 : i32
      %convert_element_type3A_100 = arith.extui %lt3A_99 : i1 to i32
      %cond3A_101 = arith.constant 0 : i32
      %cond3A_102 = arith.cmpi ne, %convert_element_type3A_100, %cond3A_101 : i32
      scf.if %cond3A_102 {
        %add3A_147 = arith.constant 4 : i32
        %add3A_148 = arith.addi %mul3A_65, %add3A_147 : i32
        %add3A_149 = arith.constant 1 : i32
        %add3A_150 = arith.addi %add3A_148, %add3A_149 : i32
        %mul3A_151 = arith.constant 40 : i32
        %mul3A_152 = arith.muli %add3A_150, %mul3A_151 : i32
        %dma_start3A_153 = arith.constant 40 : i32
        %dma_start3A_154 = arith.constant 0 : i32
        %dma_start3A_155 = tpu.memref_slice %arg9[%dma_start3A_153, %dma_start3A_154] : memref<80x128xf32, #tpu.memory_space<vmem>> -> memref<40x128xf32, #tpu.memory_space<vmem>>
        %dma_start3A_156 = tpu.memref_slice %arg7[%mul3A_152] : memref<10000xi32, #tpu.memory_space<vmem>> -> memref<40xi32, #tpu.memory_space<vmem>>
        %dma_start3A_157 = arith.constant 0 : i32
        %dma_start3A_158 = arith.constant 0 : i32
        %dma_start3A_159 = tpu.memref_slice %arg2[%dma_start3A_157, %dma_start3A_158] : memref<10000x128xf32, #tpu.memory_space<hbm>> -> memref<10000x128xf32, #tpu.memory_space<hbm>>
        tpu.enqueue_indirect_dma source(%dma_start3A_159 : memref<10000x128xf32, #tpu.memory_space<hbm>>) target(%dma_start3A_155 : memref<40x128xf32, #tpu.memory_space<vmem>>) offsets(%dma_start3A_156 : memref<40xi32, #tpu.memory_space<vmem>>) semaphore(%arg13 : memref<!tpu.dma_semaphore, #tpu.memory_space<semaphore_mem>>)
      } else {
      }
      %add3A_103 = arith.constant 2 : i32
      %add3A_104 = arith.addi %mul3A_65, %add3A_103 : i32
      %mul3A_105 = arith.constant 40 : i32
      %mul3A_106 = arith.muli %add3A_104, %mul3A_105 : i32
      %dma_wait3A_107 = arith.constant 0 : i32
      %dma_wait3A_108 = arith.constant 0 : i32
      %dma_wait3A_109 = tpu.memref_slice %arg10[%dma_wait3A_107, %dma_wait3A_108] : memref<80x128xf32, #tpu.memory_space<vmem>> -> memref<40x128xf32, #tpu.memory_space<vmem>>
      %dma_wait3A_110 = tpu.memref_slice %arg7[%mul3A_106] : memref<10000xi32, #tpu.memory_space<vmem>> -> memref<40xi32, #tpu.memory_space<vmem>>
      %dma_wait3A_111 = arith.constant 0 : i32
      %dma_wait3A_112 = arith.constant 0 : i32
      %dma_wait3A_113 = tpu.memref_slice %arg2[%dma_wait3A_111, %dma_wait3A_112] : memref<10000x128xf32, #tpu.memory_space<hbm>> -> memref<10000x128xf32, #tpu.memory_space<hbm>>
      tpu.wait_indirect_dma semaphore(%arg14 : memref<!tpu.dma_semaphore, #tpu.memory_space<semaphore_mem>>) src(%dma_wait3A_113 : memref<10000x128xf32, #tpu.memory_space<hbm>>) dst(%dma_wait3A_109 : memref<40x128xf32, #tpu.memory_space<vmem>>)
      %add3A_114 = arith.constant 3 : i32
      %add3A_115 = arith.addi %mul3A_65, %add3A_114 : i32
      %mul3A_116 = arith.constant 40 : i32
      %mul3A_117 = arith.muli %add3A_115, %mul3A_116 : i32
      %dma_wait3A_118 = arith.constant 40 : i32
      %dma_wait3A_119 = arith.constant 0 : i32
      %dma_wait3A_120 = tpu.memref_slice %arg10[%dma_wait3A_118, %dma_wait3A_119] : memref<80x128xf32, #tpu.memory_space<vmem>> -> memref<40x128xf32, #tpu.memory_space<vmem>>
      %dma_wait3A_121 = tpu.memref_slice %arg7[%mul3A_117] : memref<10000xi32, #tpu.memory_space<vmem>> -> memref<40xi32, #tpu.memory_space<vmem>>
      %dma_wait3A_122 = arith.constant 0 : i32
      %dma_wait3A_123 = arith.constant 0 : i32
      %dma_wait3A_124 = tpu.memref_slice %arg2[%dma_wait3A_122, %dma_wait3A_123] : memref<10000x128xf32, #tpu.memory_space<hbm>> -> memref<10000x128xf32, #tpu.memory_space<hbm>>
      tpu.wait_indirect_dma semaphore(%arg15 : memref<!tpu.dma_semaphore, #tpu.memory_space<semaphore_mem>>) src(%dma_wait3A_124 : memref<10000x128xf32, #tpu.memory_space<hbm>>) dst(%dma_wait3A_120 : memref<40x128xf32, #tpu.memory_space<vmem>>)
      %mul3A_125 = arith.constant 2 : i32
      %mul3A_126 = arith.muli %mul3A_125, %scan3A_63 : i32
      %add3A_127 = arith.constant 1 : i32
      %add3A_128 = arith.addi %mul3A_126, %add3A_127 : i32
      "tpu.region"() ({
        %run_scoped3A_147 = tpu.sem_alloc : memref<!tpu.dma_semaphore, #tpu.memory_space<semaphore_mem>>
        %dma_start3A_148 = arith.constant 0 : i32
        %dma_start3A_149 = tpu.memref_slice %arg8[%add3A_128, %dma_start3A_148] : memref<125x80xi32, #tpu.memory_space<vmem>> -> memref<1x80xi32, #tpu.memory_space<vmem>>
        %dma_start3A_150 = tpu.memref_squeeze %dma_start3A_149 : memref<1x80xi32, #tpu.memory_space<vmem>> -> memref<80xi32, #tpu.memory_space<vmem>>
        %dma_start3A_151 = arith.constant 0 : i32
        %dma_start3A_152 = arith.constant 0 : i32
        %dma_start3A_153 = tpu.memref_slice %arg11[%dma_start3A_151, %dma_start3A_152] : memref<5120x128xf32, #tpu.memory_space<vmem_shared>> -> memref<5120x128xf32, #tpu.memory_space<vmem_shared>>
        tpu.enqueue_indirect_dma source(%arg10 : memref<80x128xf32, #tpu.memory_space<vmem>>) target(%dma_start3A_153 : memref<5120x128xf32, #tpu.memory_space<vmem_shared>>) offsets(%dma_start3A_150 : memref<80xi32, #tpu.memory_space<vmem>>) semaphore(%run_scoped3A_147 : memref<!tpu.dma_semaphore, #tpu.memory_space<semaphore_mem>>) {add = true}
        %dma_wait3A_154 = arith.constant 0 : i32
        %dma_wait3A_155 = tpu.memref_slice %arg8[%add3A_128, %dma_wait3A_154] : memref<125x80xi32, #tpu.memory_space<vmem>> -> memref<1x80xi32, #tpu.memory_space<vmem>>
        %dma_wait3A_156 = tpu.memref_squeeze %dma_wait3A_155 : memref<1x80xi32, #tpu.memory_space<vmem>> -> memref<80xi32, #tpu.memory_space<vmem>>
        %dma_wait3A_157 = arith.constant 0 : i32
        %dma_wait3A_158 = arith.constant 0 : i32
        %dma_wait3A_159 = tpu.memref_slice %arg11[%dma_wait3A_157, %dma_wait3A_158] : memref<5120x128xf32, #tpu.memory_space<vmem_shared>> -> memref<5120x128xf32, #tpu.memory_space<vmem_shared>>
        tpu.wait_indirect_dma semaphore(%run_scoped3A_147 : memref<!tpu.dma_semaphore, #tpu.memory_space<semaphore_mem>>) src(%arg10 : memref<80x128xf32, #tpu.memory_space<vmem>>) dst(%dma_wait3A_159 : memref<5120x128xf32, #tpu.memory_space<vmem_shared>>)
        tpu.yield
      }) : () -> ()
      %add3A_129 = arith.constant 4 : i32
      %add3A_130 = arith.addi %mul3A_65, %add3A_129 : i32
      %add3A_131 = arith.constant 2 : i32
      %add3A_132 = arith.addi %add3A_130, %add3A_131 : i32
      %lt3A_133 = arith.constant 250 : i32
      %lt3A_134 = arith.cmpi slt, %add3A_132, %lt3A_133 : i32
      %convert_element_type3A_135 = arith.extui %lt3A_134 : i1 to i32
      %cond3A_136 = arith.constant 0 : i32
      %cond3A_137 = arith.cmpi ne, %convert_element_type3A_135, %cond3A_136 : i32
      scf.if %cond3A_137 {
        %add3A_147 = arith.constant 4 : i32
        %add3A_148 = arith.addi %mul3A_65, %add3A_147 : i32
        %add3A_149 = arith.constant 2 : i32
        %add3A_150 = arith.addi %add3A_148, %add3A_149 : i32
        %mul3A_151 = arith.constant 40 : i32
        %mul3A_152 = arith.muli %add3A_150, %mul3A_151 : i32
        %dma_start3A_153 = arith.constant 0 : i32
        %dma_start3A_154 = arith.constant 0 : i32
        %dma_start3A_155 = tpu.memref_slice %arg10[%dma_start3A_153, %dma_start3A_154] : memref<80x128xf32, #tpu.memory_space<vmem>> -> memref<40x128xf32, #tpu.memory_space<vmem>>
        %dma_start3A_156 = tpu.memref_slice %arg7[%mul3A_152] : memref<10000xi32, #tpu.memory_space<vmem>> -> memref<40xi32, #tpu.memory_space<vmem>>
        %dma_start3A_157 = arith.constant 0 : i32
        %dma_start3A_158 = arith.constant 0 : i32
        %dma_start3A_159 = tpu.memref_slice %arg2[%dma_start3A_157, %dma_start3A_158] : memref<10000x128xf32, #tpu.memory_space<hbm>> -> memref<10000x128xf32, #tpu.memory_space<hbm>>
        tpu.enqueue_indirect_dma source(%dma_start3A_159 : memref<10000x128xf32, #tpu.memory_space<hbm>>) target(%dma_start3A_155 : memref<40x128xf32, #tpu.memory_space<vmem>>) offsets(%dma_start3A_156 : memref<40xi32, #tpu.memory_space<vmem>>) semaphore(%arg14 : memref<!tpu.dma_semaphore, #tpu.memory_space<semaphore_mem>>)
      } else {
      }
      %add3A_138 = arith.constant 4 : i32
      %add3A_139 = arith.addi %mul3A_65, %add3A_138 : i32
      %add3A_140 = arith.constant 3 : i32
      %add3A_141 = arith.addi %add3A_139, %add3A_140 : i32
      %lt3A_142 = arith.constant 250 : i32
      %lt3A_143 = arith.cmpi slt, %add3A_141, %lt3A_142 : i32
      %convert_element_type3A_144 = arith.extui %lt3A_143 : i1 to i32
      %cond3A_145 = arith.constant 0 : i32
      %cond3A_146 = arith.cmpi ne, %convert_element_type3A_144, %cond3A_145 : i32
      scf.if %cond3A_146 {
        %add3A_147 = arith.constant 4 : i32
        %add3A_148 = arith.addi %mul3A_65, %add3A_147 : i32
        %add3A_149 = arith.constant 3 : i32
        %add3A_150 = arith.addi %add3A_148, %add3A_149 : i32
        %mul3A_151 = arith.constant 40 : i32
        %mul3A_152 = arith.muli %add3A_150, %mul3A_151 : i32
        %dma_start3A_153 = arith.constant 40 : i32
        %dma_start3A_154 = arith.constant 0 : i32
        %dma_start3A_155 = tpu.memref_slice %arg10[%dma_start3A_153, %dma_start3A_154] : memref<80x128xf32, #tpu.memory_space<vmem>> -> memref<40x128xf32, #tpu.memory_space<vmem>>
        %dma_start3A_156 = tpu.memref_slice %arg7[%mul3A_152] : memref<10000xi32, #tpu.memory_space<vmem>> -> memref<40xi32, #tpu.memory_space<vmem>>
        %dma_start3A_157 = arith.constant 0 : i32
        %dma_start3A_158 = arith.constant 0 : i32
        %dma_start3A_159 = tpu.memref_slice %arg2[%dma_start3A_157, %dma_start3A_158] : memref<10000x128xf32, #tpu.memory_space<hbm>> -> memref<10000x128xf32, #tpu.memory_space<hbm>>
        tpu.enqueue_indirect_dma source(%dma_start3A_159 : memref<10000x128xf32, #tpu.memory_space<hbm>>) target(%dma_start3A_155 : memref<40x128xf32, #tpu.memory_space<vmem>>) offsets(%dma_start3A_156 : memref<40xi32, #tpu.memory_space<vmem>>) semaphore(%arg15 : memref<!tpu.dma_semaphore, #tpu.memory_space<semaphore_mem>>)
      } else {
      }
    }
    %scan3A_42 = arith.constant 62 : i32
    %dma_wait3A = arith.constant 0 : i32
    %dma_wait3A_43 = arith.constant 0 : i32
    %dma_wait3A_44 = tpu.memref_slice %arg9[%dma_wait3A, %dma_wait3A_43] : memref<80x128xf32, #tpu.memory_space<vmem>> -> memref<40x128xf32, #tpu.memory_space<vmem>>
    %dma_wait3A_45 = arith.constant 9920 : i32
    %dma_wait3A_46 = tpu.memref_slice %arg7[%dma_wait3A_45] : memref<10000xi32, #tpu.memory_space<vmem>> -> memref<40xi32, #tpu.memory_space<vmem>>
    %dma_wait3A_47 = arith.constant 0 : i32
    %dma_wait3A_48 = arith.constant 0 : i32
    %dma_wait3A_49 = tpu.memref_slice %arg2[%dma_wait3A_47, %dma_wait3A_48] : memref<10000x128xf32, #tpu.memory_space<hbm>> -> memref<10000x128xf32, #tpu.memory_space<hbm>>
    tpu.wait_indirect_dma semaphore(%arg12 : memref<!tpu.dma_semaphore, #tpu.memory_space<semaphore_mem>>) src(%dma_wait3A_49 : memref<10000x128xf32, #tpu.memory_space<hbm>>) dst(%dma_wait3A_44 : memref<40x128xf32, #tpu.memory_space<vmem>>)
    %dma_wait3A_50 = arith.constant 40 : i32
    %dma_wait3A_51 = arith.constant 0 : i32
    %dma_wait3A_52 = tpu.memref_slice %arg9[%dma_wait3A_50, %dma_wait3A_51] : memref<80x128xf32, #tpu.memory_space<vmem>> -> memref<40x128xf32, #tpu.memory_space<vmem>>
    %dma_wait3A_53 = arith.constant 9960 : i32
    %dma_wait3A_54 = tpu.memref_slice %arg7[%dma_wait3A_53] : memref<10000xi32, #tpu.memory_space<vmem>> -> memref<40xi32, #tpu.memory_space<vmem>>
    %dma_wait3A_55 = arith.constant 0 : i32
    %dma_wait3A_56 = arith.constant 0 : i32
    %dma_wait3A_57 = tpu.memref_slice %arg2[%dma_wait3A_55, %dma_wait3A_56] : memref<10000x128xf32, #tpu.memory_space<hbm>> -> memref<10000x128xf32, #tpu.memory_space<hbm>>
    tpu.wait_indirect_dma semaphore(%arg13 : memref<!tpu.dma_semaphore, #tpu.memory_space<semaphore_mem>>) src(%dma_wait3A_57 : memref<10000x128xf32, #tpu.memory_space<hbm>>) dst(%dma_wait3A_52 : memref<40x128xf32, #tpu.memory_space<vmem>>)
    %run_scoped3A = arith.constant 124 : i32
    "tpu.region"() ({
      %run_scoped3A_63 = tpu.sem_alloc : memref<!tpu.dma_semaphore, #tpu.memory_space<semaphore_mem>>
      %dma_start3A_64 = arith.constant 0 : i32
      %dma_start3A_65 = tpu.memref_slice %arg8[%run_scoped3A, %dma_start3A_64] : memref<125x80xi32, #tpu.memory_space<vmem>> -> memref<1x80xi32, #tpu.memory_space<vmem>>
      %dma_start3A_66 = tpu.memref_squeeze %dma_start3A_65 : memref<1x80xi32, #tpu.memory_space<vmem>> -> memref<80xi32, #tpu.memory_space<vmem>>
      %dma_start3A_67 = arith.constant 0 : i32
      %dma_start3A_68 = arith.constant 0 : i32
      %dma_start3A_69 = tpu.memref_slice %arg11[%dma_start3A_67, %dma_start3A_68] : memref<5120x128xf32, #tpu.memory_space<vmem_shared>> -> memref<5120x128xf32, #tpu.memory_space<vmem_shared>>
      tpu.enqueue_indirect_dma source(%arg9 : memref<80x128xf32, #tpu.memory_space<vmem>>) target(%dma_start3A_69 : memref<5120x128xf32, #tpu.memory_space<vmem_shared>>) offsets(%dma_start3A_66 : memref<80xi32, #tpu.memory_space<vmem>>) semaphore(%run_scoped3A_63 : memref<!tpu.dma_semaphore, #tpu.memory_space<semaphore_mem>>) {add = true}
      %dma_wait3A_70 = arith.constant 0 : i32
      %dma_wait3A_71 = tpu.memref_slice %arg8[%run_scoped3A, %dma_wait3A_70] : memref<125x80xi32, #tpu.memory_space<vmem>> -> memref<1x80xi32, #tpu.memory_space<vmem>>
      %dma_wait3A_72 = tpu.memref_squeeze %dma_wait3A_71 : memref<1x80xi32, #tpu.memory_space<vmem>> -> memref<80xi32, #tpu.memory_space<vmem>>
      %dma_wait3A_73 = arith.constant 0 : i32
      %dma_wait3A_74 = arith.constant 0 : i32
      %dma_wait3A_75 = tpu.memref_slice %arg11[%dma_wait3A_73, %dma_wait3A_74] : memref<5120x128xf32, #tpu.memory_space<vmem_shared>> -> memref<5120x128xf32, #tpu.memory_space<vmem_shared>>
      tpu.wait_indirect_dma semaphore(%run_scoped3A_63 : memref<!tpu.dma_semaphore, #tpu.memory_space<semaphore_mem>>) src(%arg9 : memref<80x128xf32, #tpu.memory_space<vmem>>) dst(%dma_wait3A_75 : memref<5120x128xf32, #tpu.memory_space<vmem_shared>>)
      tpu.yield
    }) : () -> ()
    %barrier3A_58 = arith.constant 0 : index
    tpu.barrier barrier_id(%barrier3A_58)
    %mul3A_59 = arith.constant 320 : i32
    %mul3A_60 = arith.muli %arg1, %mul3A_59 : i32
    %mul3A_61 = arith.constant 320 : i32
    %mul3A_62 = arith.muli %arg1, %mul3A_61 : i32
    "tpu.region"() ({
      %run_scoped3A_63 = tpu.sem_alloc : memref<!tpu.dma_semaphore, #tpu.memory_space<semaphore_mem>>
      %dma_start3A_64 = arith.constant 0 : i32
      %dma_start3A_65 = tpu.memref_slice %arg6[%arg0, %mul3A_62, %dma_start3A_64] : memref<2x5120x128xf32, #tpu.memory_space<hbm>> -> memref<1x320x128xf32, #tpu.memory_space<hbm>>
      %dma_start3A_66 = tpu.memref_squeeze %dma_start3A_65 : memref<1x320x128xf32, #tpu.memory_space<hbm>> -> memref<320x128xf32, #tpu.memory_space<hbm>>
      %dma_start3A_67 = arith.constant 0 : i32
      %dma_start3A_68 = tpu.memref_slice %arg11[%mul3A_60, %dma_start3A_67] : memref<5120x128xf32, #tpu.memory_space<vmem_shared>> -> memref<320x128xf32, #tpu.memory_space<vmem_shared>>
      tpu.enqueue_dma source(%dma_start3A_68 : memref<320x128xf32, #tpu.memory_space<vmem_shared>>) target(%dma_start3A_66 : memref<320x128xf32, #tpu.memory_space<hbm>>) target_semaphore(%run_scoped3A_63 : memref<!tpu.dma_semaphore, #tpu.memory_space<semaphore_mem>>)
      %dma_wait3A_69 = arith.constant 0 : i32
      %dma_wait3A_70 = tpu.memref_slice %arg6[%arg0, %mul3A_62, %dma_wait3A_69] : memref<2x5120x128xf32, #tpu.memory_space<hbm>> -> memref<1x320x128xf32, #tpu.memory_space<hbm>>
      %dma_wait3A_71 = tpu.memref_squeeze %dma_wait3A_70 : memref<1x320x128xf32, #tpu.memory_space<hbm>> -> memref<320x128xf32, #tpu.memory_space<hbm>>
      %dma_wait3A_72 = arith.constant 0 : i32
      %dma_wait3A_73 = tpu.memref_slice %arg11[%mul3A_60, %dma_wait3A_72] : memref<5120x128xf32, #tpu.memory_space<vmem_shared>> -> memref<320x128xf32, #tpu.memory_space<vmem_shared>>
      tpu.wait_dma2 semaphore(%run_scoped3A_63 : memref<!tpu.dma_semaphore, #tpu.memory_space<semaphore_mem>>) src(%dma_wait3A_73 : memref<320x128xf32, #tpu.memory_space<vmem_shared>>) dst(%dma_wait3A_71 : memref<320x128xf32, #tpu.memory_space<hbm>>)
      tpu.yield
    }) : () -> ()
    return
  }
}

#map = affine_map<(d0, d1) -> (0, 0, 0)>
#map1 = affine_map<(d0, d1) -> (0, 0)>
module attributes {stable_mosaic.version = 14 : i64} {
  func.func @count(%arg0: i32, %arg1: i32, %arg2: memref<32x125x80xi32, #tpu.memory_space<hbm>>, %arg3: memref<10112x128xf32, #tpu.memory_space<hbm>>, %arg4: memref<80x128xf32, #tpu.memory_space<hbm>>, %arg5: memref<2x5120x128xf32, #tpu.memory_space<hbm>>, %arg6: memref<125x80xi32, #tpu.memory_space<vmem>>, %arg7: memref<80x128xf32, #tpu.memory_space<vmem>>, %arg8: memref<5120x128xf32, #tpu.memory_space<vmem_shared>>, %arg9: memref<!tpu.dma_semaphore, #tpu.memory_space<semaphore_mem>>) attributes {dimension_semantics = [#tpu.dimension_semantics<core_parallel>, #tpu.dimension_semantics<subcore_parallel>], iteration_bounds = array<i64: 2, 16>, scalar_prefetch = 0 : i64, scratch_operands = 4 : i64, tpu.core_type = #tpu.core_type<sc_vector_subcore>, window_params = [{transform_indices = #map}, {transform_indices = #map1}, {transform_indices = #map1}, {transform_indices = #map}]} {
    %mul3A = arith.constant 2 : i32
    %mul3A_0 = arith.muli %arg1, %mul3A : i32
    %add3A = arith.addi %mul3A_0, %arg0 : i32
    %mul3A_1 = arith.constant 320 : i32
    %mul3A_2 = arith.muli %arg1, %mul3A_1 : i32
    %mul3A_3 = arith.constant 320 : i32
    %mul3A_4 = arith.muli %arg1, %mul3A_3 : i32
    "tpu.region"() ({
      %run_scoped3A = tpu.sem_alloc : memref<!tpu.dma_semaphore, #tpu.memory_space<semaphore_mem>>
      %dma_start3A = arith.constant 0 : i32
      %dma_start3A_21 = tpu.memref_slice %arg8[%mul3A_4, %dma_start3A] : memref<5120x128xf32, #tpu.memory_space<vmem_shared>> -> memref<320x128xf32, #tpu.memory_space<vmem_shared>>
      %dma_start3A_22 = arith.constant 0 : i32
      %dma_start3A_23 = tpu.memref_slice %arg3[%mul3A_2, %dma_start3A_22] : memref<10112x128xf32, #tpu.memory_space<hbm>> -> memref<320x128xf32, #tpu.memory_space<hbm>>
      tpu.enqueue_dma source(%dma_start3A_23 : memref<320x128xf32, #tpu.memory_space<hbm>>) target(%dma_start3A_21 : memref<320x128xf32, #tpu.memory_space<vmem_shared>>) target_semaphore(%run_scoped3A : memref<!tpu.dma_semaphore, #tpu.memory_space<semaphore_mem>>)
      %dma_wait3A = arith.constant 0 : i32
      %dma_wait3A_24 = tpu.memref_slice %arg8[%mul3A_4, %dma_wait3A] : memref<5120x128xf32, #tpu.memory_space<vmem_shared>> -> memref<320x128xf32, #tpu.memory_space<vmem_shared>>
      %dma_wait3A_25 = arith.constant 0 : i32
      %dma_wait3A_26 = tpu.memref_slice %arg3[%mul3A_2, %dma_wait3A_25] : memref<10112x128xf32, #tpu.memory_space<hbm>> -> memref<320x128xf32, #tpu.memory_space<hbm>>
      tpu.wait_dma2 semaphore(%run_scoped3A : memref<!tpu.dma_semaphore, #tpu.memory_space<semaphore_mem>>) src(%dma_wait3A_26 : memref<320x128xf32, #tpu.memory_space<hbm>>) dst(%dma_wait3A_24 : memref<320x128xf32, #tpu.memory_space<vmem_shared>>)
      tpu.yield
    }) : () -> ()
    "tpu.region"() ({
      %run_scoped3A = tpu.sem_alloc : memref<!tpu.dma_semaphore, #tpu.memory_space<semaphore_mem>>
      tpu.enqueue_dma source(%arg4 : memref<80x128xf32, #tpu.memory_space<hbm>>) target(%arg7 : memref<80x128xf32, #tpu.memory_space<vmem>>) target_semaphore(%run_scoped3A : memref<!tpu.dma_semaphore, #tpu.memory_space<semaphore_mem>>)
      tpu.wait_dma2 semaphore(%run_scoped3A : memref<!tpu.dma_semaphore, #tpu.memory_space<semaphore_mem>>) src(%arg4 : memref<80x128xf32, #tpu.memory_space<hbm>>) dst(%arg7 : memref<80x128xf32, #tpu.memory_space<vmem>>)
      tpu.yield
    }) : () -> ()
    "tpu.region"() ({
      %run_scoped3A = tpu.sem_alloc : memref<!tpu.dma_semaphore, #tpu.memory_space<semaphore_mem>>
      %dma_start3A = arith.constant 0 : i32
      %dma_start3A_21 = arith.constant 0 : i32
      %dma_start3A_22 = tpu.memref_slice %arg2[%add3A, %dma_start3A, %dma_start3A_21] : memref<32x125x80xi32, #tpu.memory_space<hbm>> -> memref<1x125x80xi32, #tpu.memory_space<hbm>>
      %dma_start3A_23 = tpu.memref_squeeze %dma_start3A_22 : memref<1x125x80xi32, #tpu.memory_space<hbm>> -> memref<125x80xi32, #tpu.memory_space<hbm>>
      %dma_start3A_24 = arith.constant 0 : i32
      %dma_start3A_25 = arith.constant 0 : i32
      %dma_start3A_26 = tpu.memref_slice %arg2[%add3A, %dma_start3A_24, %dma_start3A_25] : memref<32x125x80xi32, #tpu.memory_space<hbm>> -> memref<1x125x80xi32, #tpu.memory_space<hbm>>
      %dma_start3A_27 = tpu.memref_squeeze %dma_start3A_26 : memref<1x125x80xi32, #tpu.memory_space<hbm>> -> memref<125x80xi32, #tpu.memory_space<hbm>>
      tpu.enqueue_dma source(%dma_start3A_27 : memref<125x80xi32, #tpu.memory_space<hbm>>) target(%arg6 : memref<125x80xi32, #tpu.memory_space<vmem>>) target_semaphore(%run_scoped3A : memref<!tpu.dma_semaphore, #tpu.memory_space<semaphore_mem>>)
      %dma_wait3A = arith.constant 0 : i32
      %dma_wait3A_28 = arith.constant 0 : i32
      %dma_wait3A_29 = tpu.memref_slice %arg2[%add3A, %dma_wait3A, %dma_wait3A_28] : memref<32x125x80xi32, #tpu.memory_space<hbm>> -> memref<1x125x80xi32, #tpu.memory_space<hbm>>
      %dma_wait3A_30 = tpu.memref_squeeze %dma_wait3A_29 : memref<1x125x80xi32, #tpu.memory_space<hbm>> -> memref<125x80xi32, #tpu.memory_space<hbm>>
      %dma_wait3A_31 = arith.constant 0 : i32
      %dma_wait3A_32 = arith.constant 0 : i32
      %dma_wait3A_33 = tpu.memref_slice %arg2[%add3A, %dma_wait3A_31, %dma_wait3A_32] : memref<32x125x80xi32, #tpu.memory_space<hbm>> -> memref<1x125x80xi32, #tpu.memory_space<hbm>>
      %dma_wait3A_34 = tpu.memref_squeeze %dma_wait3A_33 : memref<1x125x80xi32, #tpu.memory_space<hbm>> -> memref<125x80xi32, #tpu.memory_space<hbm>>
      tpu.wait_dma2 semaphore(%run_scoped3A : memref<!tpu.dma_semaphore, #tpu.memory_space<semaphore_mem>>) src(%dma_wait3A_34 : memref<125x80xi32, #tpu.memory_space<hbm>>) dst(%arg6 : memref<125x80xi32, #tpu.memory_space<vmem>>)
      tpu.yield
    }) : () -> ()
    %barrier3A = arith.constant 0 : index
    tpu.barrier barrier_id(%barrier3A)
    %scan3A = arith.constant 0 : i32
    %scan3A_5 = arith.constant 0 : i32
    %scan3A_6 = arith.constant 125 : i32
    %scan3A_7 = arith.addi %scan3A_5, %scan3A_6 : i32
    %scan3A_8 = arith.constant 1 : i32
    scf.for %scan3A_21 = %scan3A_5 to %scan3A_7 step %scan3A_8  : i32 {
      %dma_start3A = arith.constant 0 : i32
      %dma_start3A_22 = tpu.memref_slice %arg6[%scan3A_21, %dma_start3A] : memref<125x80xi32, #tpu.memory_space<vmem>> -> memref<1x80xi32, #tpu.memory_space<vmem>>
      %dma_start3A_23 = tpu.memref_squeeze %dma_start3A_22 : memref<1x80xi32, #tpu.memory_space<vmem>> -> memref<80xi32, #tpu.memory_space<vmem>>
      %dma_start3A_24 = arith.constant 0 : i32
      %dma_start3A_25 = arith.constant 0 : i32
      %dma_start3A_26 = tpu.memref_slice %arg8[%dma_start3A_24, %dma_start3A_25] : memref<5120x128xf32, #tpu.memory_space<vmem_shared>> -> memref<5120x128xf32, #tpu.memory_space<vmem_shared>>
      tpu.enqueue_indirect_dma source(%arg7 : memref<80x128xf32, #tpu.memory_space<vmem>>) target(%dma_start3A_26 : memref<5120x128xf32, #tpu.memory_space<vmem_shared>>) offsets(%dma_start3A_23 : memref<80xi32, #tpu.memory_space<vmem>>) semaphore(%arg9 : memref<!tpu.dma_semaphore, #tpu.memory_space<semaphore_mem>>) {add = true}
    }
    %scan3A_9 = arith.constant 125 : i32
    %scan3A_10 = arith.constant 0 : i32
    %scan3A_11 = arith.constant 0 : i32
    %scan3A_12 = arith.constant 125 : i32
    %scan3A_13 = arith.addi %scan3A_11, %scan3A_12 : i32
    %scan3A_14 = arith.constant 1 : i32
    scf.for %scan3A_21 = %scan3A_11 to %scan3A_13 step %scan3A_14  : i32 {
      %dma_wait3A = arith.constant 0 : i32
      %dma_wait3A_22 = arith.constant 0 : i32
      %dma_wait3A_23 = tpu.memref_slice %arg6[%dma_wait3A, %dma_wait3A_22] : memref<125x80xi32, #tpu.memory_space<vmem>> -> memref<1x80xi32, #tpu.memory_space<vmem>>
      %dma_wait3A_24 = tpu.memref_squeeze %dma_wait3A_23 : memref<1x80xi32, #tpu.memory_space<vmem>> -> memref<80xi32, #tpu.memory_space<vmem>>
      %dma_wait3A_25 = arith.constant 0 : i32
      %dma_wait3A_26 = arith.constant 0 : i32
      %dma_wait3A_27 = tpu.memref_slice %arg8[%dma_wait3A_25, %dma_wait3A_26] : memref<5120x128xf32, #tpu.memory_space<vmem_shared>> -> memref<5120x128xf32, #tpu.memory_space<vmem_shared>>
      tpu.wait_indirect_dma semaphore(%arg9 : memref<!tpu.dma_semaphore, #tpu.memory_space<semaphore_mem>>) src(%arg7 : memref<80x128xf32, #tpu.memory_space<vmem>>) dst(%dma_wait3A_27 : memref<5120x128xf32, #tpu.memory_space<vmem_shared>>)
    }
    %scan3A_15 = arith.constant 125 : i32
    %barrier3A_16 = arith.constant 0 : index
    tpu.barrier barrier_id(%barrier3A_16)
    %mul3A_17 = arith.constant 320 : i32
    %mul3A_18 = arith.muli %arg1, %mul3A_17 : i32
    %mul3A_19 = arith.constant 320 : i32
    %mul3A_20 = arith.muli %arg1, %mul3A_19 : i32
    "tpu.region"() ({
      %run_scoped3A = tpu.sem_alloc : memref<!tpu.dma_semaphore, #tpu.memory_space<semaphore_mem>>
      %dma_start3A = arith.constant 0 : i32
      %dma_start3A_21 = tpu.memref_slice %arg5[%arg0, %mul3A_20, %dma_start3A] : memref<2x5120x128xf32, #tpu.memory_space<hbm>> -> memref<1x320x128xf32, #tpu.memory_space<hbm>>
      %dma_start3A_22 = tpu.memref_squeeze %dma_start3A_21 : memref<1x320x128xf32, #tpu.memory_space<hbm>> -> memref<320x128xf32, #tpu.memory_space<hbm>>
      %dma_start3A_23 = arith.constant 0 : i32
      %dma_start3A_24 = tpu.memref_slice %arg8[%mul3A_18, %dma_start3A_23] : memref<5120x128xf32, #tpu.memory_space<vmem_shared>> -> memref<320x128xf32, #tpu.memory_space<vmem_shared>>
      tpu.enqueue_dma source(%dma_start3A_24 : memref<320x128xf32, #tpu.memory_space<vmem_shared>>) target(%dma_start3A_22 : memref<320x128xf32, #tpu.memory_space<hbm>>) target_semaphore(%run_scoped3A : memref<!tpu.dma_semaphore, #tpu.memory_space<semaphore_mem>>)
      %dma_wait3A = arith.constant 0 : i32
      %dma_wait3A_25 = tpu.memref_slice %arg5[%arg0, %mul3A_20, %dma_wait3A] : memref<2x5120x128xf32, #tpu.memory_space<hbm>> -> memref<1x320x128xf32, #tpu.memory_space<hbm>>
      %dma_wait3A_26 = tpu.memref_squeeze %dma_wait3A_25 : memref<1x320x128xf32, #tpu.memory_space<hbm>> -> memref<320x128xf32, #tpu.memory_space<hbm>>
      %dma_wait3A_27 = arith.constant 0 : i32
      %dma_wait3A_28 = tpu.memref_slice %arg8[%mul3A_18, %dma_wait3A_27] : memref<5120x128xf32, #tpu.memory_space<vmem_shared>> -> memref<320x128xf32, #tpu.memory_space<vmem_shared>>
      tpu.wait_dma2 semaphore(%run_scoped3A : memref<!tpu.dma_semaphore, #tpu.memory_space<semaphore_mem>>) src(%dma_wait3A_28 : memref<320x128xf32, #tpu.memory_space<vmem_shared>>) dst(%dma_wait3A_26 : memref<320x128xf32, #tpu.memory_space<hbm>>)
      tpu.yield
    }) : () -> ()
    return
  }
}

#map = affine_map<(d0, d1) -> (0, 0, 0)>
#map1 = affine_map<(d0, d1) -> (0, 0)>
module attributes {stable_mosaic.version = 14 : i64} {
  func.func @count(%arg0: i32, %arg1: i32, %arg2: memref<32x125x80xi32, #tpu.memory_space<hbm>>, %arg3: memref<10112x128xf32, #tpu.memory_space<hbm>>, %arg4: memref<80x128xf32, #tpu.memory_space<hbm>>, %arg5: memref<2x10112x128xf32, #tpu.memory_space<hbm>>, %arg6: memref<125x80xi32, #tpu.memory_space<vmem>>, %arg7: memref<80x128xf32, #tpu.memory_space<vmem>>, %arg8: memref<10112x128xf32, #tpu.memory_space<vmem_shared>>, %arg9: memref<!tpu.dma_semaphore, #tpu.memory_space<semaphore_mem>>) attributes {dimension_semantics = [#tpu.dimension_semantics<core_parallel>, #tpu.dimension_semantics<subcore_parallel>], iteration_bounds = array<i64: 2, 16>, scalar_prefetch = 0 : i64, scratch_operands = 4 : i64, tpu.core_type = #tpu.core_type<sc_vector_subcore>, window_params = [{transform_indices = #map}, {transform_indices = #map1}, {transform_indices = #map1}, {transform_indices = #map}]} {
    %mul3A = arith.constant 2 : i32
    %mul3A_0 = arith.muli %arg1, %mul3A : i32
    %add3A = arith.addi %mul3A_0, %arg0 : i32
    %mul3A_1 = arith.constant 632 : i32
    %mul3A_2 = arith.muli %arg1, %mul3A_1 : i32
    %mul3A_3 = arith.constant 632 : i32
    %mul3A_4 = arith.muli %arg1, %mul3A_3 : i32
    "tpu.region"() ({
      %run_scoped3A = tpu.sem_alloc : memref<!tpu.dma_semaphore, #tpu.memory_space<semaphore_mem>>
      %dma_start3A = arith.constant 0 : i32
      %dma_start3A_21 = tpu.memref_slice %arg8[%mul3A_4, %dma_start3A] : memref<10112x128xf32, #tpu.memory_space<vmem_shared>> -> memref<632x128xf32, #tpu.memory_space<vmem_shared>>
      %dma_start3A_22 = arith.constant 0 : i32
      %dma_start3A_23 = tpu.memref_slice %arg3[%mul3A_2, %dma_start3A_22] : memref<10112x128xf32, #tpu.memory_space<hbm>> -> memref<632x128xf32, #tpu.memory_space<hbm>>
      tpu.enqueue_dma source(%dma_start3A_23 : memref<632x128xf32, #tpu.memory_space<hbm>>) target(%dma_start3A_21 : memref<632x128xf32, #tpu.memory_space<vmem_shared>>) target_semaphore(%run_scoped3A : memref<!tpu.dma_semaphore, #tpu.memory_space<semaphore_mem>>)
      %dma_wait3A = arith.constant 0 : i32
      %dma_wait3A_24 = tpu.memref_slice %arg8[%mul3A_4, %dma_wait3A] : memref<10112x128xf32, #tpu.memory_space<vmem_shared>> -> memref<632x128xf32, #tpu.memory_space<vmem_shared>>
      %dma_wait3A_25 = arith.constant 0 : i32
      %dma_wait3A_26 = tpu.memref_slice %arg3[%mul3A_2, %dma_wait3A_25] : memref<10112x128xf32, #tpu.memory_space<hbm>> -> memref<632x128xf32, #tpu.memory_space<hbm>>
      tpu.wait_dma2 semaphore(%run_scoped3A : memref<!tpu.dma_semaphore, #tpu.memory_space<semaphore_mem>>) src(%dma_wait3A_26 : memref<632x128xf32, #tpu.memory_space<hbm>>) dst(%dma_wait3A_24 : memref<632x128xf32, #tpu.memory_space<vmem_shared>>)
      tpu.yield
    }) : () -> ()
    "tpu.region"() ({
      %run_scoped3A = tpu.sem_alloc : memref<!tpu.dma_semaphore, #tpu.memory_space<semaphore_mem>>
      tpu.enqueue_dma source(%arg4 : memref<80x128xf32, #tpu.memory_space<hbm>>) target(%arg7 : memref<80x128xf32, #tpu.memory_space<vmem>>) target_semaphore(%run_scoped3A : memref<!tpu.dma_semaphore, #tpu.memory_space<semaphore_mem>>)
      tpu.wait_dma2 semaphore(%run_scoped3A : memref<!tpu.dma_semaphore, #tpu.memory_space<semaphore_mem>>) src(%arg4 : memref<80x128xf32, #tpu.memory_space<hbm>>) dst(%arg7 : memref<80x128xf32, #tpu.memory_space<vmem>>)
      tpu.yield
    }) : () -> ()
    "tpu.region"() ({
      %run_scoped3A = tpu.sem_alloc : memref<!tpu.dma_semaphore, #tpu.memory_space<semaphore_mem>>
      %dma_start3A = arith.constant 0 : i32
      %dma_start3A_21 = arith.constant 0 : i32
      %dma_start3A_22 = tpu.memref_slice %arg2[%add3A, %dma_start3A, %dma_start3A_21] : memref<32x125x80xi32, #tpu.memory_space<hbm>> -> memref<1x125x80xi32, #tpu.memory_space<hbm>>
      %dma_start3A_23 = tpu.memref_squeeze %dma_start3A_22 : memref<1x125x80xi32, #tpu.memory_space<hbm>> -> memref<125x80xi32, #tpu.memory_space<hbm>>
      %dma_start3A_24 = arith.constant 0 : i32
      %dma_start3A_25 = arith.constant 0 : i32
      %dma_start3A_26 = tpu.memref_slice %arg2[%add3A, %dma_start3A_24, %dma_start3A_25] : memref<32x125x80xi32, #tpu.memory_space<hbm>> -> memref<1x125x80xi32, #tpu.memory_space<hbm>>
      %dma_start3A_27 = tpu.memref_squeeze %dma_start3A_26 : memref<1x125x80xi32, #tpu.memory_space<hbm>> -> memref<125x80xi32, #tpu.memory_space<hbm>>
      tpu.enqueue_dma source(%dma_start3A_27 : memref<125x80xi32, #tpu.memory_space<hbm>>) target(%arg6 : memref<125x80xi32, #tpu.memory_space<vmem>>) target_semaphore(%run_scoped3A : memref<!tpu.dma_semaphore, #tpu.memory_space<semaphore_mem>>)
      %dma_wait3A = arith.constant 0 : i32
      %dma_wait3A_28 = arith.constant 0 : i32
      %dma_wait3A_29 = tpu.memref_slice %arg2[%add3A, %dma_wait3A, %dma_wait3A_28] : memref<32x125x80xi32, #tpu.memory_space<hbm>> -> memref<1x125x80xi32, #tpu.memory_space<hbm>>
      %dma_wait3A_30 = tpu.memref_squeeze %dma_wait3A_29 : memref<1x125x80xi32, #tpu.memory_space<hbm>> -> memref<125x80xi32, #tpu.memory_space<hbm>>
      %dma_wait3A_31 = arith.constant 0 : i32
      %dma_wait3A_32 = arith.constant 0 : i32
      %dma_wait3A_33 = tpu.memref_slice %arg2[%add3A, %dma_wait3A_31, %dma_wait3A_32] : memref<32x125x80xi32, #tpu.memory_space<hbm>> -> memref<1x125x80xi32, #tpu.memory_space<hbm>>
      %dma_wait3A_34 = tpu.memref_squeeze %dma_wait3A_33 : memref<1x125x80xi32, #tpu.memory_space<hbm>> -> memref<125x80xi32, #tpu.memory_space<hbm>>
      tpu.wait_dma2 semaphore(%run_scoped3A : memref<!tpu.dma_semaphore, #tpu.memory_space<semaphore_mem>>) src(%dma_wait3A_34 : memref<125x80xi32, #tpu.memory_space<hbm>>) dst(%arg6 : memref<125x80xi32, #tpu.memory_space<vmem>>)
      tpu.yield
    }) : () -> ()
    %barrier3A = arith.constant 0 : index
    tpu.barrier barrier_id(%barrier3A)
    %scan3A = arith.constant 0 : i32
    %scan3A_5 = arith.constant 0 : i32
    %scan3A_6 = arith.constant 125 : i32
    %scan3A_7 = arith.addi %scan3A_5, %scan3A_6 : i32
    %scan3A_8 = arith.constant 1 : i32
    scf.for %scan3A_21 = %scan3A_5 to %scan3A_7 step %scan3A_8  : i32 {
      %dma_start3A = arith.constant 0 : i32
      %dma_start3A_22 = tpu.memref_slice %arg6[%scan3A_21, %dma_start3A] : memref<125x80xi32, #tpu.memory_space<vmem>> -> memref<1x80xi32, #tpu.memory_space<vmem>>
      %dma_start3A_23 = tpu.memref_squeeze %dma_start3A_22 : memref<1x80xi32, #tpu.memory_space<vmem>> -> memref<80xi32, #tpu.memory_space<vmem>>
      %dma_start3A_24 = arith.constant 0 : i32
      %dma_start3A_25 = arith.constant 0 : i32
      %dma_start3A_26 = tpu.memref_slice %arg8[%dma_start3A_24, %dma_start3A_25] : memref<10112x128xf32, #tpu.memory_space<vmem_shared>> -> memref<10112x128xf32, #tpu.memory_space<vmem_shared>>
      tpu.enqueue_indirect_dma source(%arg7 : memref<80x128xf32, #tpu.memory_space<vmem>>) target(%dma_start3A_26 : memref<10112x128xf32, #tpu.memory_space<vmem_shared>>) offsets(%dma_start3A_23 : memref<80xi32, #tpu.memory_space<vmem>>) semaphore(%arg9 : memref<!tpu.dma_semaphore, #tpu.memory_space<semaphore_mem>>) {add = true}
    }
    %scan3A_9 = arith.constant 125 : i32
    %scan3A_10 = arith.constant 0 : i32
    %scan3A_11 = arith.constant 0 : i32
    %scan3A_12 = arith.constant 125 : i32
    %scan3A_13 = arith.addi %scan3A_11, %scan3A_12 : i32
    %scan3A_14 = arith.constant 1 : i32
    scf.for %scan3A_21 = %scan3A_11 to %scan3A_13 step %scan3A_14  : i32 {
      %dma_wait3A = arith.constant 0 : i32
      %dma_wait3A_22 = arith.constant 0 : i32
      %dma_wait3A_23 = tpu.memref_slice %arg6[%dma_wait3A, %dma_wait3A_22] : memref<125x80xi32, #tpu.memory_space<vmem>> -> memref<1x80xi32, #tpu.memory_space<vmem>>
      %dma_wait3A_24 = tpu.memref_squeeze %dma_wait3A_23 : memref<1x80xi32, #tpu.memory_space<vmem>> -> memref<80xi32, #tpu.memory_space<vmem>>
      %dma_wait3A_25 = arith.constant 0 : i32
      %dma_wait3A_26 = arith.constant 0 : i32
      %dma_wait3A_27 = tpu.memref_slice %arg8[%dma_wait3A_25, %dma_wait3A_26] : memref<10112x128xf32, #tpu.memory_space<vmem_shared>> -> memref<10112x128xf32, #tpu.memory_space<vmem_shared>>
      tpu.wait_indirect_dma semaphore(%arg9 : memref<!tpu.dma_semaphore, #tpu.memory_space<semaphore_mem>>) src(%arg7 : memref<80x128xf32, #tpu.memory_space<vmem>>) dst(%dma_wait3A_27 : memref<10112x128xf32, #tpu.memory_space<vmem_shared>>)
    }
    %scan3A_15 = arith.constant 125 : i32
    %barrier3A_16 = arith.constant 0 : index
    tpu.barrier barrier_id(%barrier3A_16)
    %mul3A_17 = arith.constant 632 : i32
    %mul3A_18 = arith.muli %arg1, %mul3A_17 : i32
    %mul3A_19 = arith.constant 632 : i32
    %mul3A_20 = arith.muli %arg1, %mul3A_19 : i32
    "tpu.region"() ({
      %run_scoped3A = tpu.sem_alloc : memref<!tpu.dma_semaphore, #tpu.memory_space<semaphore_mem>>
      %dma_start3A = arith.constant 0 : i32
      %dma_start3A_21 = tpu.memref_slice %arg5[%arg0, %mul3A_20, %dma_start3A] : memref<2x10112x128xf32, #tpu.memory_space<hbm>> -> memref<1x632x128xf32, #tpu.memory_space<hbm>>
      %dma_start3A_22 = tpu.memref_squeeze %dma_start3A_21 : memref<1x632x128xf32, #tpu.memory_space<hbm>> -> memref<632x128xf32, #tpu.memory_space<hbm>>
      %dma_start3A_23 = arith.constant 0 : i32
      %dma_start3A_24 = tpu.memref_slice %arg8[%mul3A_18, %dma_start3A_23] : memref<10112x128xf32, #tpu.memory_space<vmem_shared>> -> memref<632x128xf32, #tpu.memory_space<vmem_shared>>
      tpu.enqueue_dma source(%dma_start3A_24 : memref<632x128xf32, #tpu.memory_space<vmem_shared>>) target(%dma_start3A_22 : memref<632x128xf32, #tpu.memory_space<hbm>>) target_semaphore(%run_scoped3A : memref<!tpu.dma_semaphore, #tpu.memory_space<semaphore_mem>>)
      %dma_wait3A = arith.constant 0 : i32
      %dma_wait3A_25 = tpu.memref_slice %arg5[%arg0, %mul3A_20, %dma_wait3A] : memref<2x10112x128xf32, #tpu.memory_space<hbm>> -> memref<1x632x128xf32, #tpu.memory_space<hbm>>
      %dma_wait3A_26 = tpu.memref_squeeze %dma_wait3A_25 : memref<1x632x128xf32, #tpu.memory_space<hbm>> -> memref<632x128xf32, #tpu.memory_space<hbm>>
      %dma_wait3A_27 = arith.constant 0 : i32
      %dma_wait3A_28 = tpu.memref_slice %arg8[%mul3A_18, %dma_wait3A_27] : memref<10112x128xf32, #tpu.memory_space<vmem_shared>> -> memref<632x128xf32, #tpu.memory_space<vmem_shared>>
      tpu.wait_dma2 semaphore(%run_scoped3A : memref<!tpu.dma_semaphore, #tpu.memory_space<semaphore_mem>>) src(%dma_wait3A_28 : memref<632x128xf32, #tpu.memory_space<vmem_shared>>) dst(%dma_wait3A_26 : memref<632x128xf32, #tpu.memory_space<hbm>>)
      tpu.yield
    }) : () -> ()
    return
  }
}

#map = affine_map<(d0, d1) -> (0, 0)>
#map1 = affine_map<(d0, d1) -> (0)>
#map2 = affine_map<(d0, d1) -> (0, 0, 0)>
module attributes {stable_mosaic.version = 14 : i64} {
  func.func @seg_sum(%arg0: i32, %arg1: i32, %arg2: memref<5000x128xf32, #tpu.memory_space<hbm>>, %arg3: memref<320000xi32, #tpu.memory_space<hbm>>, %arg4: memref<32x125x80xi32, #tpu.memory_space<hbm>>, %arg5: memref<10112x128xf32, #tpu.memory_space<hbm>>, %arg6: memref<2x10112x128xf32, #tpu.memory_space<hbm>>, %arg7: memref<10000xi32, #tpu.memory_space<vmem>>, %arg8: memref<125x80xi32, #tpu.memory_space<vmem>>, %arg9: memref<80x128xf32, #tpu.memory_space<vmem>>, %arg10: memref<80x128xf32, #tpu.memory_space<vmem>>, %arg11: memref<10112x128xf32, #tpu.memory_space<vmem_shared>>, %arg12: memref<!tpu.dma_semaphore, #tpu.memory_space<semaphore_mem>>, %arg13: memref<!tpu.dma_semaphore, #tpu.memory_space<semaphore_mem>>, %arg14: memref<!tpu.dma_semaphore, #tpu.memory_space<semaphore_mem>>, %arg15: memref<!tpu.dma_semaphore, #tpu.memory_space<semaphore_mem>>) attributes {dimension_semantics = [#tpu.dimension_semantics<core_parallel>, #tpu.dimension_semantics<subcore_parallel>], iteration_bounds = array<i64: 2, 16>, scalar_prefetch = 0 : i64, scratch_operands = 9 : i64, tpu.core_type = #tpu.core_type<sc_vector_subcore>, window_params = [{transform_indices = #map}, {transform_indices = #map1}, {transform_indices = #map2}, {transform_indices = #map}, {transform_indices = #map2}]} {
    %mul3A = arith.constant 2 : i32
    %mul3A_0 = arith.muli %arg1, %mul3A : i32
    %add3A = arith.addi %mul3A_0, %arg0 : i32
    %mul3A_1 = arith.constant 632 : i32
    %mul3A_2 = arith.muli %arg1, %mul3A_1 : i32
    %mul3A_3 = arith.constant 632 : i32
    %mul3A_4 = arith.muli %arg1, %mul3A_3 : i32
    "tpu.region"() ({
      %run_scoped3A_63 = tpu.sem_alloc : memref<!tpu.dma_semaphore, #tpu.memory_space<semaphore_mem>>
      %dma_start3A_64 = arith.constant 0 : i32
      %dma_start3A_65 = tpu.memref_slice %arg11[%mul3A_4, %dma_start3A_64] : memref<10112x128xf32, #tpu.memory_space<vmem_shared>> -> memref<632x128xf32, #tpu.memory_space<vmem_shared>>
      %dma_start3A_66 = arith.constant 0 : i32
      %dma_start3A_67 = tpu.memref_slice %arg5[%mul3A_2, %dma_start3A_66] : memref<10112x128xf32, #tpu.memory_space<hbm>> -> memref<632x128xf32, #tpu.memory_space<hbm>>
      tpu.enqueue_dma source(%dma_start3A_67 : memref<632x128xf32, #tpu.memory_space<hbm>>) target(%dma_start3A_65 : memref<632x128xf32, #tpu.memory_space<vmem_shared>>) target_semaphore(%run_scoped3A_63 : memref<!tpu.dma_semaphore, #tpu.memory_space<semaphore_mem>>)
      %dma_wait3A_68 = arith.constant 0 : i32
      %dma_wait3A_69 = tpu.memref_slice %arg11[%mul3A_4, %dma_wait3A_68] : memref<10112x128xf32, #tpu.memory_space<vmem_shared>> -> memref<632x128xf32, #tpu.memory_space<vmem_shared>>
      %dma_wait3A_70 = arith.constant 0 : i32
      %dma_wait3A_71 = tpu.memref_slice %arg5[%mul3A_2, %dma_wait3A_70] : memref<10112x128xf32, #tpu.memory_space<hbm>> -> memref<632x128xf32, #tpu.memory_space<hbm>>
      tpu.wait_dma2 semaphore(%run_scoped3A_63 : memref<!tpu.dma_semaphore, #tpu.memory_space<semaphore_mem>>) src(%dma_wait3A_71 : memref<632x128xf32, #tpu.memory_space<hbm>>) dst(%dma_wait3A_69 : memref<632x128xf32, #tpu.memory_space<vmem_shared>>)
      tpu.yield
    }) : () -> ()
    %mul3A_5 = arith.constant 10000 : i32
    %mul3A_6 = arith.muli %add3A, %mul3A_5 : i32
    "tpu.region"() ({
      %run_scoped3A_63 = tpu.sem_alloc : memref<!tpu.dma_semaphore, #tpu.memory_space<semaphore_mem>>
      %dma_start3A_64 = tpu.memref_slice %arg3[%mul3A_6] : memref<320000xi32, #tpu.memory_space<hbm>> -> memref<10000xi32, #tpu.memory_space<hbm>>
      %dma_start3A_65 = tpu.memref_slice %arg3[%mul3A_6] : memref<320000xi32, #tpu.memory_space<hbm>> -> memref<10000xi32, #tpu.memory_space<hbm>>
      tpu.enqueue_dma source(%dma_start3A_65 : memref<10000xi32, #tpu.memory_space<hbm>>) target(%arg7 : memref<10000xi32, #tpu.memory_space<vmem>>) target_semaphore(%run_scoped3A_63 : memref<!tpu.dma_semaphore, #tpu.memory_space<semaphore_mem>>)
      %dma_wait3A_66 = tpu.memref_slice %arg3[%mul3A_6] : memref<320000xi32, #tpu.memory_space<hbm>> -> memref<10000xi32, #tpu.memory_space<hbm>>
      %dma_wait3A_67 = tpu.memref_slice %arg3[%mul3A_6] : memref<320000xi32, #tpu.memory_space<hbm>> -> memref<10000xi32, #tpu.memory_space<hbm>>
      tpu.wait_dma2 semaphore(%run_scoped3A_63 : memref<!tpu.dma_semaphore, #tpu.memory_space<semaphore_mem>>) src(%dma_wait3A_67 : memref<10000xi32, #tpu.memory_space<hbm>>) dst(%arg7 : memref<10000xi32, #tpu.memory_space<vmem>>)
      tpu.yield
    }) : () -> ()
    "tpu.region"() ({
      %run_scoped3A_63 = tpu.sem_alloc : memref<!tpu.dma_semaphore, #tpu.memory_space<semaphore_mem>>
      %dma_start3A_64 = arith.constant 0 : i32
      %dma_start3A_65 = arith.constant 0 : i32
      %dma_start3A_66 = tpu.memref_slice %arg4[%add3A, %dma_start3A_64, %dma_start3A_65] : memref<32x125x80xi32, #tpu.memory_space<hbm>> -> memref<1x125x80xi32, #tpu.memory_space<hbm>>
      %dma_start3A_67 = tpu.memref_squeeze %dma_start3A_66 : memref<1x125x80xi32, #tpu.memory_space<hbm>> -> memref<125x80xi32, #tpu.memory_space<hbm>>
      %dma_start3A_68 = arith.constant 0 : i32
      %dma_start3A_69 = arith.constant 0 : i32
      %dma_start3A_70 = tpu.memref_slice %arg4[%add3A, %dma_start3A_68, %dma_start3A_69] : memref<32x125x80xi32, #tpu.memory_space<hbm>> -> memref<1x125x80xi32, #tpu.memory_space<hbm>>
      %dma_start3A_71 = tpu.memref_squeeze %dma_start3A_70 : memref<1x125x80xi32, #tpu.memory_space<hbm>> -> memref<125x80xi32, #tpu.memory_space<hbm>>
      tpu.enqueue_dma source(%dma_start3A_71 : memref<125x80xi32, #tpu.memory_space<hbm>>) target(%arg8 : memref<125x80xi32, #tpu.memory_space<vmem>>) target_semaphore(%run_scoped3A_63 : memref<!tpu.dma_semaphore, #tpu.memory_space<semaphore_mem>>)
      %dma_wait3A_72 = arith.constant 0 : i32
      %dma_wait3A_73 = arith.constant 0 : i32
      %dma_wait3A_74 = tpu.memref_slice %arg4[%add3A, %dma_wait3A_72, %dma_wait3A_73] : memref<32x125x80xi32, #tpu.memory_space<hbm>> -> memref<1x125x80xi32, #tpu.memory_space<hbm>>
      %dma_wait3A_75 = tpu.memref_squeeze %dma_wait3A_74 : memref<1x125x80xi32, #tpu.memory_space<hbm>> -> memref<125x80xi32, #tpu.memory_space<hbm>>
      %dma_wait3A_76 = arith.constant 0 : i32
      %dma_wait3A_77 = arith.constant 0 : i32
      %dma_wait3A_78 = tpu.memref_slice %arg4[%add3A, %dma_wait3A_76, %dma_wait3A_77] : memref<32x125x80xi32, #tpu.memory_space<hbm>> -> memref<1x125x80xi32, #tpu.memory_space<hbm>>
      %dma_wait3A_79 = tpu.memref_squeeze %dma_wait3A_78 : memref<1x125x80xi32, #tpu.memory_space<hbm>> -> memref<125x80xi32, #tpu.memory_space<hbm>>
      tpu.wait_dma2 semaphore(%run_scoped3A_63 : memref<!tpu.dma_semaphore, #tpu.memory_space<semaphore_mem>>) src(%dma_wait3A_79 : memref<125x80xi32, #tpu.memory_space<hbm>>) dst(%arg8 : memref<125x80xi32, #tpu.memory_space<vmem>>)
      tpu.yield
    }) : () -> ()
    %barrier3A = arith.constant 0 : index
    tpu.barrier barrier_id(%barrier3A)
    %dma_start3A = arith.constant 0 : i32
    %dma_start3A_7 = arith.constant 0 : i32
    %dma_start3A_8 = tpu.memref_slice %arg9[%dma_start3A, %dma_start3A_7] : memref<80x128xf32, #tpu.memory_space<vmem>> -> memref<40x128xf32, #tpu.memory_space<vmem>>
    %dma_start3A_9 = arith.constant 0 : i32
    %dma_start3A_10 = tpu.memref_slice %arg7[%dma_start3A_9] : memref<10000xi32, #tpu.memory_space<vmem>> -> memref<40xi32, #tpu.memory_space<vmem>>
    %dma_start3A_11 = arith.constant 0 : i32
    %dma_start3A_12 = arith.constant 0 : i32
    %dma_start3A_13 = tpu.memref_slice %arg2[%dma_start3A_11, %dma_start3A_12] : memref<5000x128xf32, #tpu.memory_space<hbm>> -> memref<5000x128xf32, #tpu.memory_space<hbm>>
    tpu.enqueue_indirect_dma source(%dma_start3A_13 : memref<5000x128xf32, #tpu.memory_space<hbm>>) target(%dma_start3A_8 : memref<40x128xf32, #tpu.memory_space<vmem>>) offsets(%dma_start3A_10 : memref<40xi32, #tpu.memory_space<vmem>>) semaphore(%arg12 : memref<!tpu.dma_semaphore, #tpu.memory_space<semaphore_mem>>)
    %dma_start3A_14 = arith.constant 40 : i32
    %dma_start3A_15 = arith.constant 0 : i32
    %dma_start3A_16 = tpu.memref_slice %arg9[%dma_start3A_14, %dma_start3A_15] : memref<80x128xf32, #tpu.memory_space<vmem>> -> memref<40x128xf32, #tpu.memory_space<vmem>>
    %dma_start3A_17 = arith.constant 40 : i32
    %dma_start3A_18 = tpu.memref_slice %arg7[%dma_start3A_17] : memref<10000xi32, #tpu.memory_space<vmem>> -> memref<40xi32, #tpu.memory_space<vmem>>
    %dma_start3A_19 = arith.constant 0 : i32
    %dma_start3A_20 = arith.constant 0 : i32
    %dma_start3A_21 = tpu.memref_slice %arg2[%dma_start3A_19, %dma_start3A_20] : memref<5000x128xf32, #tpu.memory_space<hbm>> -> memref<5000x128xf32, #tpu.memory_space<hbm>>
    tpu.enqueue_indirect_dma source(%dma_start3A_21 : memref<5000x128xf32, #tpu.memory_space<hbm>>) target(%dma_start3A_16 : memref<40x128xf32, #tpu.memory_space<vmem>>) offsets(%dma_start3A_18 : memref<40xi32, #tpu.memory_space<vmem>>) semaphore(%arg13 : memref<!tpu.dma_semaphore, #tpu.memory_space<semaphore_mem>>)
    %dma_start3A_22 = arith.constant 0 : i32
    %dma_start3A_23 = arith.constant 0 : i32
    %dma_start3A_24 = tpu.memref_slice %arg10[%dma_start3A_22, %dma_start3A_23] : memref<80x128xf32, #tpu.memory_space<vmem>> -> memref<40x128xf32, #tpu.memory_space<vmem>>
    %dma_start3A_25 = arith.constant 80 : i32
    %dma_start3A_26 = tpu.memref_slice %arg7[%dma_start3A_25] : memref<10000xi32, #tpu.memory_space<vmem>> -> memref<40xi32, #tpu.memory_space<vmem>>
    %dma_start3A_27 = arith.constant 0 : i32
    %dma_start3A_28 = arith.constant 0 : i32
    %dma_start3A_29 = tpu.memref_slice %arg2[%dma_start3A_27, %dma_start3A_28] : memref<5000x128xf32, #tpu.memory_space<hbm>> -> memref<5000x128xf32, #tpu.memory_space<hbm>>
    tpu.enqueue_indirect_dma source(%dma_start3A_29 : memref<5000x128xf32, #tpu.memory_space<hbm>>) target(%dma_start3A_24 : memref<40x128xf32, #tpu.memory_space<vmem>>) offsets(%dma_start3A_26 : memref<40xi32, #tpu.memory_space<vmem>>) semaphore(%arg14 : memref<!tpu.dma_semaphore, #tpu.memory_space<semaphore_mem>>)
    %dma_start3A_30 = arith.constant 40 : i32
    %dma_start3A_31 = arith.constant 0 : i32
    %dma_start3A_32 = tpu.memref_slice %arg10[%dma_start3A_30, %dma_start3A_31] : memref<80x128xf32, #tpu.memory_space<vmem>> -> memref<40x128xf32, #tpu.memory_space<vmem>>
    %dma_start3A_33 = arith.constant 120 : i32
    %dma_start3A_34 = tpu.memref_slice %arg7[%dma_start3A_33] : memref<10000xi32, #tpu.memory_space<vmem>> -> memref<40xi32, #tpu.memory_space<vmem>>
    %dma_start3A_35 = arith.constant 0 : i32
    %dma_start3A_36 = arith.constant 0 : i32
    %dma_start3A_37 = tpu.memref_slice %arg2[%dma_start3A_35, %dma_start3A_36] : memref<5000x128xf32, #tpu.memory_space<hbm>> -> memref<5000x128xf32, #tpu.memory_space<hbm>>
    tpu.enqueue_indirect_dma source(%dma_start3A_37 : memref<5000x128xf32, #tpu.memory_space<hbm>>) target(%dma_start3A_32 : memref<40x128xf32, #tpu.memory_space<vmem>>) offsets(%dma_start3A_34 : memref<40xi32, #tpu.memory_space<vmem>>) semaphore(%arg15 : memref<!tpu.dma_semaphore, #tpu.memory_space<semaphore_mem>>)
    %scan3A = arith.constant 0 : i32
    %scan3A_38 = arith.constant 0 : i32
    %scan3A_39 = arith.constant 62 : i32
    %scan3A_40 = arith.addi %scan3A_38, %scan3A_39 : i32
    %scan3A_41 = arith.constant 1 : i32
    scf.for %scan3A_63 = %scan3A_38 to %scan3A_40 step %scan3A_41  : i32 {
      %mul3A_64 = arith.constant 4 : i32
      %mul3A_65 = arith.muli %mul3A_64, %scan3A_63 : i32
      %mul3A_66 = arith.constant 40 : i32
      %mul3A_67 = arith.muli %mul3A_65, %mul3A_66 : i32
      %dma_wait3A_68 = arith.constant 0 : i32
      %dma_wait3A_69 = arith.constant 0 : i32
      %dma_wait3A_70 = tpu.memref_slice %arg9[%dma_wait3A_68, %dma_wait3A_69] : memref<80x128xf32, #tpu.memory_space<vmem>> -> memref<40x128xf32, #tpu.memory_space<vmem>>
      %dma_wait3A_71 = tpu.memref_slice %arg7[%mul3A_67] : memref<10000xi32, #tpu.memory_space<vmem>> -> memref<40xi32, #tpu.memory_space<vmem>>
      %dma_wait3A_72 = arith.constant 0 : i32
      %dma_wait3A_73 = arith.constant 0 : i32
      %dma_wait3A_74 = tpu.memref_slice %arg2[%dma_wait3A_72, %dma_wait3A_73] : memref<5000x128xf32, #tpu.memory_space<hbm>> -> memref<5000x128xf32, #tpu.memory_space<hbm>>
      tpu.wait_indirect_dma semaphore(%arg12 : memref<!tpu.dma_semaphore, #tpu.memory_space<semaphore_mem>>) src(%dma_wait3A_74 : memref<5000x128xf32, #tpu.memory_space<hbm>>) dst(%dma_wait3A_70 : memref<40x128xf32, #tpu.memory_space<vmem>>)
      %add3A_75 = arith.constant 1 : i32
      %add3A_76 = arith.addi %mul3A_65, %add3A_75 : i32
      %mul3A_77 = arith.constant 40 : i32
      %mul3A_78 = arith.muli %add3A_76, %mul3A_77 : i32
      %dma_wait3A_79 = arith.constant 40 : i32
      %dma_wait3A_80 = arith.constant 0 : i32
      %dma_wait3A_81 = tpu.memref_slice %arg9[%dma_wait3A_79, %dma_wait3A_80] : memref<80x128xf32, #tpu.memory_space<vmem>> -> memref<40x128xf32, #tpu.memory_space<vmem>>
      %dma_wait3A_82 = tpu.memref_slice %arg7[%mul3A_78] : memref<10000xi32, #tpu.memory_space<vmem>> -> memref<40xi32, #tpu.memory_space<vmem>>
      %dma_wait3A_83 = arith.constant 0 : i32
      %dma_wait3A_84 = arith.constant 0 : i32
      %dma_wait3A_85 = tpu.memref_slice %arg2[%dma_wait3A_83, %dma_wait3A_84] : memref<5000x128xf32, #tpu.memory_space<hbm>> -> memref<5000x128xf32, #tpu.memory_space<hbm>>
      tpu.wait_indirect_dma semaphore(%arg13 : memref<!tpu.dma_semaphore, #tpu.memory_space<semaphore_mem>>) src(%dma_wait3A_85 : memref<5000x128xf32, #tpu.memory_space<hbm>>) dst(%dma_wait3A_81 : memref<40x128xf32, #tpu.memory_space<vmem>>)
      %mul3A_86 = arith.constant 2 : i32
      %mul3A_87 = arith.muli %mul3A_86, %scan3A_63 : i32
      "tpu.region"() ({
        %run_scoped3A_147 = tpu.sem_alloc : memref<!tpu.dma_semaphore, #tpu.memory_space<semaphore_mem>>
        %dma_start3A_148 = arith.constant 0 : i32
        %dma_start3A_149 = tpu.memref_slice %arg8[%mul3A_87, %dma_start3A_148] : memref<125x80xi32, #tpu.memory_space<vmem>> -> memref<1x80xi32, #tpu.memory_space<vmem>>
        %dma_start3A_150 = tpu.memref_squeeze %dma_start3A_149 : memref<1x80xi32, #tpu.memory_space<vmem>> -> memref<80xi32, #tpu.memory_space<vmem>>
        %dma_start3A_151 = arith.constant 0 : i32
        %dma_start3A_152 = arith.constant 0 : i32
        %dma_start3A_153 = tpu.memref_slice %arg11[%dma_start3A_151, %dma_start3A_152] : memref<10112x128xf32, #tpu.memory_space<vmem_shared>> -> memref<10112x128xf32, #tpu.memory_space<vmem_shared>>
        tpu.enqueue_indirect_dma source(%arg9 : memref<80x128xf32, #tpu.memory_space<vmem>>) target(%dma_start3A_153 : memref<10112x128xf32, #tpu.memory_space<vmem_shared>>) offsets(%dma_start3A_150 : memref<80xi32, #tpu.memory_space<vmem>>) semaphore(%run_scoped3A_147 : memref<!tpu.dma_semaphore, #tpu.memory_space<semaphore_mem>>) {add = true}
        %dma_wait3A_154 = arith.constant 0 : i32
        %dma_wait3A_155 = tpu.memref_slice %arg8[%mul3A_87, %dma_wait3A_154] : memref<125x80xi32, #tpu.memory_space<vmem>> -> memref<1x80xi32, #tpu.memory_space<vmem>>
        %dma_wait3A_156 = tpu.memref_squeeze %dma_wait3A_155 : memref<1x80xi32, #tpu.memory_space<vmem>> -> memref<80xi32, #tpu.memory_space<vmem>>
        %dma_wait3A_157 = arith.constant 0 : i32
        %dma_wait3A_158 = arith.constant 0 : i32
        %dma_wait3A_159 = tpu.memref_slice %arg11[%dma_wait3A_157, %dma_wait3A_158] : memref<10112x128xf32, #tpu.memory_space<vmem_shared>> -> memref<10112x128xf32, #tpu.memory_space<vmem_shared>>
        tpu.wait_indirect_dma semaphore(%run_scoped3A_147 : memref<!tpu.dma_semaphore, #tpu.memory_space<semaphore_mem>>) src(%arg9 : memref<80x128xf32, #tpu.memory_space<vmem>>) dst(%dma_wait3A_159 : memref<10112x128xf32, #tpu.memory_space<vmem_shared>>)
        tpu.yield
      }) : () -> ()
      %add3A_88 = arith.constant 4 : i32
      %add3A_89 = arith.addi %mul3A_65, %add3A_88 : i32
      %add3A_90 = arith.constant 0 : i32
      %add3A_91 = arith.addi %add3A_89, %add3A_90 : i32
      %lt3A = arith.constant 250 : i32
      %lt3A_92 = arith.cmpi slt, %add3A_91, %lt3A : i32
      %convert_element_type3A = arith.extui %lt3A_92 : i1 to i32
      %cond3A = arith.constant 0 : i32
      %cond3A_93 = arith.cmpi ne, %convert_element_type3A, %cond3A : i32
      scf.if %cond3A_93 {
        %add3A_147 = arith.constant 4 : i32
        %add3A_148 = arith.addi %mul3A_65, %add3A_147 : i32
        %add3A_149 = arith.constant 0 : i32
        %add3A_150 = arith.addi %add3A_148, %add3A_149 : i32
        %mul3A_151 = arith.constant 40 : i32
        %mul3A_152 = arith.muli %add3A_150, %mul3A_151 : i32
        %dma_start3A_153 = arith.constant 0 : i32
        %dma_start3A_154 = arith.constant 0 : i32
        %dma_start3A_155 = tpu.memref_slice %arg9[%dma_start3A_153, %dma_start3A_154] : memref<80x128xf32, #tpu.memory_space<vmem>> -> memref<40x128xf32, #tpu.memory_space<vmem>>
        %dma_start3A_156 = tpu.memref_slice %arg7[%mul3A_152] : memref<10000xi32, #tpu.memory_space<vmem>> -> memref<40xi32, #tpu.memory_space<vmem>>
        %dma_start3A_157 = arith.constant 0 : i32
        %dma_start3A_158 = arith.constant 0 : i32
        %dma_start3A_159 = tpu.memref_slice %arg2[%dma_start3A_157, %dma_start3A_158] : memref<5000x128xf32, #tpu.memory_space<hbm>> -> memref<5000x128xf32, #tpu.memory_space<hbm>>
        tpu.enqueue_indirect_dma source(%dma_start3A_159 : memref<5000x128xf32, #tpu.memory_space<hbm>>) target(%dma_start3A_155 : memref<40x128xf32, #tpu.memory_space<vmem>>) offsets(%dma_start3A_156 : memref<40xi32, #tpu.memory_space<vmem>>) semaphore(%arg12 : memref<!tpu.dma_semaphore, #tpu.memory_space<semaphore_mem>>)
      } else {
      }
      %add3A_94 = arith.constant 4 : i32
      %add3A_95 = arith.addi %mul3A_65, %add3A_94 : i32
      %add3A_96 = arith.constant 1 : i32
      %add3A_97 = arith.addi %add3A_95, %add3A_96 : i32
      %lt3A_98 = arith.constant 250 : i32
      %lt3A_99 = arith.cmpi slt, %add3A_97, %lt3A_98 : i32
      %convert_element_type3A_100 = arith.extui %lt3A_99 : i1 to i32
      %cond3A_101 = arith.constant 0 : i32
      %cond3A_102 = arith.cmpi ne, %convert_element_type3A_100, %cond3A_101 : i32
      scf.if %cond3A_102 {
        %add3A_147 = arith.constant 4 : i32
        %add3A_148 = arith.addi %mul3A_65, %add3A_147 : i32
        %add3A_149 = arith.constant 1 : i32
        %add3A_150 = arith.addi %add3A_148, %add3A_149 : i32
        %mul3A_151 = arith.constant 40 : i32
        %mul3A_152 = arith.muli %add3A_150, %mul3A_151 : i32
        %dma_start3A_153 = arith.constant 40 : i32
        %dma_start3A_154 = arith.constant 0 : i32
        %dma_start3A_155 = tpu.memref_slice %arg9[%dma_start3A_153, %dma_start3A_154] : memref<80x128xf32, #tpu.memory_space<vmem>> -> memref<40x128xf32, #tpu.memory_space<vmem>>
        %dma_start3A_156 = tpu.memref_slice %arg7[%mul3A_152] : memref<10000xi32, #tpu.memory_space<vmem>> -> memref<40xi32, #tpu.memory_space<vmem>>
        %dma_start3A_157 = arith.constant 0 : i32
        %dma_start3A_158 = arith.constant 0 : i32
        %dma_start3A_159 = tpu.memref_slice %arg2[%dma_start3A_157, %dma_start3A_158] : memref<5000x128xf32, #tpu.memory_space<hbm>> -> memref<5000x128xf32, #tpu.memory_space<hbm>>
        tpu.enqueue_indirect_dma source(%dma_start3A_159 : memref<5000x128xf32, #tpu.memory_space<hbm>>) target(%dma_start3A_155 : memref<40x128xf32, #tpu.memory_space<vmem>>) offsets(%dma_start3A_156 : memref<40xi32, #tpu.memory_space<vmem>>) semaphore(%arg13 : memref<!tpu.dma_semaphore, #tpu.memory_space<semaphore_mem>>)
      } else {
      }
      %add3A_103 = arith.constant 2 : i32
      %add3A_104 = arith.addi %mul3A_65, %add3A_103 : i32
      %mul3A_105 = arith.constant 40 : i32
      %mul3A_106 = arith.muli %add3A_104, %mul3A_105 : i32
      %dma_wait3A_107 = arith.constant 0 : i32
      %dma_wait3A_108 = arith.constant 0 : i32
      %dma_wait3A_109 = tpu.memref_slice %arg10[%dma_wait3A_107, %dma_wait3A_108] : memref<80x128xf32, #tpu.memory_space<vmem>> -> memref<40x128xf32, #tpu.memory_space<vmem>>
      %dma_wait3A_110 = tpu.memref_slice %arg7[%mul3A_106] : memref<10000xi32, #tpu.memory_space<vmem>> -> memref<40xi32, #tpu.memory_space<vmem>>
      %dma_wait3A_111 = arith.constant 0 : i32
      %dma_wait3A_112 = arith.constant 0 : i32
      %dma_wait3A_113 = tpu.memref_slice %arg2[%dma_wait3A_111, %dma_wait3A_112] : memref<5000x128xf32, #tpu.memory_space<hbm>> -> memref<5000x128xf32, #tpu.memory_space<hbm>>
      tpu.wait_indirect_dma semaphore(%arg14 : memref<!tpu.dma_semaphore, #tpu.memory_space<semaphore_mem>>) src(%dma_wait3A_113 : memref<5000x128xf32, #tpu.memory_space<hbm>>) dst(%dma_wait3A_109 : memref<40x128xf32, #tpu.memory_space<vmem>>)
      %add3A_114 = arith.constant 3 : i32
      %add3A_115 = arith.addi %mul3A_65, %add3A_114 : i32
      %mul3A_116 = arith.constant 40 : i32
      %mul3A_117 = arith.muli %add3A_115, %mul3A_116 : i32
      %dma_wait3A_118 = arith.constant 40 : i32
      %dma_wait3A_119 = arith.constant 0 : i32
      %dma_wait3A_120 = tpu.memref_slice %arg10[%dma_wait3A_118, %dma_wait3A_119] : memref<80x128xf32, #tpu.memory_space<vmem>> -> memref<40x128xf32, #tpu.memory_space<vmem>>
      %dma_wait3A_121 = tpu.memref_slice %arg7[%mul3A_117] : memref<10000xi32, #tpu.memory_space<vmem>> -> memref<40xi32, #tpu.memory_space<vmem>>
      %dma_wait3A_122 = arith.constant 0 : i32
      %dma_wait3A_123 = arith.constant 0 : i32
      %dma_wait3A_124 = tpu.memref_slice %arg2[%dma_wait3A_122, %dma_wait3A_123] : memref<5000x128xf32, #tpu.memory_space<hbm>> -> memref<5000x128xf32, #tpu.memory_space<hbm>>
      tpu.wait_indirect_dma semaphore(%arg15 : memref<!tpu.dma_semaphore, #tpu.memory_space<semaphore_mem>>) src(%dma_wait3A_124 : memref<5000x128xf32, #tpu.memory_space<hbm>>) dst(%dma_wait3A_120 : memref<40x128xf32, #tpu.memory_space<vmem>>)
      %mul3A_125 = arith.constant 2 : i32
      %mul3A_126 = arith.muli %mul3A_125, %scan3A_63 : i32
      %add3A_127 = arith.constant 1 : i32
      %add3A_128 = arith.addi %mul3A_126, %add3A_127 : i32
      "tpu.region"() ({
        %run_scoped3A_147 = tpu.sem_alloc : memref<!tpu.dma_semaphore, #tpu.memory_space<semaphore_mem>>
        %dma_start3A_148 = arith.constant 0 : i32
        %dma_start3A_149 = tpu.memref_slice %arg8[%add3A_128, %dma_start3A_148] : memref<125x80xi32, #tpu.memory_space<vmem>> -> memref<1x80xi32, #tpu.memory_space<vmem>>
        %dma_start3A_150 = tpu.memref_squeeze %dma_start3A_149 : memref<1x80xi32, #tpu.memory_space<vmem>> -> memref<80xi32, #tpu.memory_space<vmem>>
        %dma_start3A_151 = arith.constant 0 : i32
        %dma_start3A_152 = arith.constant 0 : i32
        %dma_start3A_153 = tpu.memref_slice %arg11[%dma_start3A_151, %dma_start3A_152] : memref<10112x128xf32, #tpu.memory_space<vmem_shared>> -> memref<10112x128xf32, #tpu.memory_space<vmem_shared>>
        tpu.enqueue_indirect_dma source(%arg10 : memref<80x128xf32, #tpu.memory_space<vmem>>) target(%dma_start3A_153 : memref<10112x128xf32, #tpu.memory_space<vmem_shared>>) offsets(%dma_start3A_150 : memref<80xi32, #tpu.memory_space<vmem>>) semaphore(%run_scoped3A_147 : memref<!tpu.dma_semaphore, #tpu.memory_space<semaphore_mem>>) {add = true}
        %dma_wait3A_154 = arith.constant 0 : i32
        %dma_wait3A_155 = tpu.memref_slice %arg8[%add3A_128, %dma_wait3A_154] : memref<125x80xi32, #tpu.memory_space<vmem>> -> memref<1x80xi32, #tpu.memory_space<vmem>>
        %dma_wait3A_156 = tpu.memref_squeeze %dma_wait3A_155 : memref<1x80xi32, #tpu.memory_space<vmem>> -> memref<80xi32, #tpu.memory_space<vmem>>
        %dma_wait3A_157 = arith.constant 0 : i32
        %dma_wait3A_158 = arith.constant 0 : i32
        %dma_wait3A_159 = tpu.memref_slice %arg11[%dma_wait3A_157, %dma_wait3A_158] : memref<10112x128xf32, #tpu.memory_space<vmem_shared>> -> memref<10112x128xf32, #tpu.memory_space<vmem_shared>>
        tpu.wait_indirect_dma semaphore(%run_scoped3A_147 : memref<!tpu.dma_semaphore, #tpu.memory_space<semaphore_mem>>) src(%arg10 : memref<80x128xf32, #tpu.memory_space<vmem>>) dst(%dma_wait3A_159 : memref<10112x128xf32, #tpu.memory_space<vmem_shared>>)
        tpu.yield
      }) : () -> ()
      %add3A_129 = arith.constant 4 : i32
      %add3A_130 = arith.addi %mul3A_65, %add3A_129 : i32
      %add3A_131 = arith.constant 2 : i32
      %add3A_132 = arith.addi %add3A_130, %add3A_131 : i32
      %lt3A_133 = arith.constant 250 : i32
      %lt3A_134 = arith.cmpi slt, %add3A_132, %lt3A_133 : i32
      %convert_element_type3A_135 = arith.extui %lt3A_134 : i1 to i32
      %cond3A_136 = arith.constant 0 : i32
      %cond3A_137 = arith.cmpi ne, %convert_element_type3A_135, %cond3A_136 : i32
      scf.if %cond3A_137 {
        %add3A_147 = arith.constant 4 : i32
        %add3A_148 = arith.addi %mul3A_65, %add3A_147 : i32
        %add3A_149 = arith.constant 2 : i32
        %add3A_150 = arith.addi %add3A_148, %add3A_149 : i32
        %mul3A_151 = arith.constant 40 : i32
        %mul3A_152 = arith.muli %add3A_150, %mul3A_151 : i32
        %dma_start3A_153 = arith.constant 0 : i32
        %dma_start3A_154 = arith.constant 0 : i32
        %dma_start3A_155 = tpu.memref_slice %arg10[%dma_start3A_153, %dma_start3A_154] : memref<80x128xf32, #tpu.memory_space<vmem>> -> memref<40x128xf32, #tpu.memory_space<vmem>>
        %dma_start3A_156 = tpu.memref_slice %arg7[%mul3A_152] : memref<10000xi32, #tpu.memory_space<vmem>> -> memref<40xi32, #tpu.memory_space<vmem>>
        %dma_start3A_157 = arith.constant 0 : i32
        %dma_start3A_158 = arith.constant 0 : i32
        %dma_start3A_159 = tpu.memref_slice %arg2[%dma_start3A_157, %dma_start3A_158] : memref<5000x128xf32, #tpu.memory_space<hbm>> -> memref<5000x128xf32, #tpu.memory_space<hbm>>
        tpu.enqueue_indirect_dma source(%dma_start3A_159 : memref<5000x128xf32, #tpu.memory_space<hbm>>) target(%dma_start3A_155 : memref<40x128xf32, #tpu.memory_space<vmem>>) offsets(%dma_start3A_156 : memref<40xi32, #tpu.memory_space<vmem>>) semaphore(%arg14 : memref<!tpu.dma_semaphore, #tpu.memory_space<semaphore_mem>>)
      } else {
      }
      %add3A_138 = arith.constant 4 : i32
      %add3A_139 = arith.addi %mul3A_65, %add3A_138 : i32
      %add3A_140 = arith.constant 3 : i32
      %add3A_141 = arith.addi %add3A_139, %add3A_140 : i32
      %lt3A_142 = arith.constant 250 : i32
      %lt3A_143 = arith.cmpi slt, %add3A_141, %lt3A_142 : i32
      %convert_element_type3A_144 = arith.extui %lt3A_143 : i1 to i32
      %cond3A_145 = arith.constant 0 : i32
      %cond3A_146 = arith.cmpi ne, %convert_element_type3A_144, %cond3A_145 : i32
      scf.if %cond3A_146 {
        %add3A_147 = arith.constant 4 : i32
        %add3A_148 = arith.addi %mul3A_65, %add3A_147 : i32
        %add3A_149 = arith.constant 3 : i32
        %add3A_150 = arith.addi %add3A_148, %add3A_149 : i32
        %mul3A_151 = arith.constant 40 : i32
        %mul3A_152 = arith.muli %add3A_150, %mul3A_151 : i32
        %dma_start3A_153 = arith.constant 40 : i32
        %dma_start3A_154 = arith.constant 0 : i32
        %dma_start3A_155 = tpu.memref_slice %arg10[%dma_start3A_153, %dma_start3A_154] : memref<80x128xf32, #tpu.memory_space<vmem>> -> memref<40x128xf32, #tpu.memory_space<vmem>>
        %dma_start3A_156 = tpu.memref_slice %arg7[%mul3A_152] : memref<10000xi32, #tpu.memory_space<vmem>> -> memref<40xi32, #tpu.memory_space<vmem>>
        %dma_start3A_157 = arith.constant 0 : i32
        %dma_start3A_158 = arith.constant 0 : i32
        %dma_start3A_159 = tpu.memref_slice %arg2[%dma_start3A_157, %dma_start3A_158] : memref<5000x128xf32, #tpu.memory_space<hbm>> -> memref<5000x128xf32, #tpu.memory_space<hbm>>
        tpu.enqueue_indirect_dma source(%dma_start3A_159 : memref<5000x128xf32, #tpu.memory_space<hbm>>) target(%dma_start3A_155 : memref<40x128xf32, #tpu.memory_space<vmem>>) offsets(%dma_start3A_156 : memref<40xi32, #tpu.memory_space<vmem>>) semaphore(%arg15 : memref<!tpu.dma_semaphore, #tpu.memory_space<semaphore_mem>>)
      } else {
      }
    }
    %scan3A_42 = arith.constant 62 : i32
    %dma_wait3A = arith.constant 0 : i32
    %dma_wait3A_43 = arith.constant 0 : i32
    %dma_wait3A_44 = tpu.memref_slice %arg9[%dma_wait3A, %dma_wait3A_43] : memref<80x128xf32, #tpu.memory_space<vmem>> -> memref<40x128xf32, #tpu.memory_space<vmem>>
    %dma_wait3A_45 = arith.constant 9920 : i32
    %dma_wait3A_46 = tpu.memref_slice %arg7[%dma_wait3A_45] : memref<10000xi32, #tpu.memory_space<vmem>> -> memref<40xi32, #tpu.memory_space<vmem>>
    %dma_wait3A_47 = arith.constant 0 : i32
    %dma_wait3A_48 = arith.constant 0 : i32
    %dma_wait3A_49 = tpu.memref_slice %arg2[%dma_wait3A_47, %dma_wait3A_48] : memref<5000x128xf32, #tpu.memory_space<hbm>> -> memref<5000x128xf32, #tpu.memory_space<hbm>>
    tpu.wait_indirect_dma semaphore(%arg12 : memref<!tpu.dma_semaphore, #tpu.memory_space<semaphore_mem>>) src(%dma_wait3A_49 : memref<5000x128xf32, #tpu.memory_space<hbm>>) dst(%dma_wait3A_44 : memref<40x128xf32, #tpu.memory_space<vmem>>)
    %dma_wait3A_50 = arith.constant 40 : i32
    %dma_wait3A_51 = arith.constant 0 : i32
    %dma_wait3A_52 = tpu.memref_slice %arg9[%dma_wait3A_50, %dma_wait3A_51] : memref<80x128xf32, #tpu.memory_space<vmem>> -> memref<40x128xf32, #tpu.memory_space<vmem>>
    %dma_wait3A_53 = arith.constant 9960 : i32
    %dma_wait3A_54 = tpu.memref_slice %arg7[%dma_wait3A_53] : memref<10000xi32, #tpu.memory_space<vmem>> -> memref<40xi32, #tpu.memory_space<vmem>>
    %dma_wait3A_55 = arith.constant 0 : i32
    %dma_wait3A_56 = arith.constant 0 : i32
    %dma_wait3A_57 = tpu.memref_slice %arg2[%dma_wait3A_55, %dma_wait3A_56] : memref<5000x128xf32, #tpu.memory_space<hbm>> -> memref<5000x128xf32, #tpu.memory_space<hbm>>
    tpu.wait_indirect_dma semaphore(%arg13 : memref<!tpu.dma_semaphore, #tpu.memory_space<semaphore_mem>>) src(%dma_wait3A_57 : memref<5000x128xf32, #tpu.memory_space<hbm>>) dst(%dma_wait3A_52 : memref<40x128xf32, #tpu.memory_space<vmem>>)
    %run_scoped3A = arith.constant 124 : i32
    "tpu.region"() ({
      %run_scoped3A_63 = tpu.sem_alloc : memref<!tpu.dma_semaphore, #tpu.memory_space<semaphore_mem>>
      %dma_start3A_64 = arith.constant 0 : i32
      %dma_start3A_65 = tpu.memref_slice %arg8[%run_scoped3A, %dma_start3A_64] : memref<125x80xi32, #tpu.memory_space<vmem>> -> memref<1x80xi32, #tpu.memory_space<vmem>>
      %dma_start3A_66 = tpu.memref_squeeze %dma_start3A_65 : memref<1x80xi32, #tpu.memory_space<vmem>> -> memref<80xi32, #tpu.memory_space<vmem>>
      %dma_start3A_67 = arith.constant 0 : i32
      %dma_start3A_68 = arith.constant 0 : i32
      %dma_start3A_69 = tpu.memref_slice %arg11[%dma_start3A_67, %dma_start3A_68] : memref<10112x128xf32, #tpu.memory_space<vmem_shared>> -> memref<10112x128xf32, #tpu.memory_space<vmem_shared>>
      tpu.enqueue_indirect_dma source(%arg9 : memref<80x128xf32, #tpu.memory_space<vmem>>) target(%dma_start3A_69 : memref<10112x128xf32, #tpu.memory_space<vmem_shared>>) offsets(%dma_start3A_66 : memref<80xi32, #tpu.memory_space<vmem>>) semaphore(%run_scoped3A_63 : memref<!tpu.dma_semaphore, #tpu.memory_space<semaphore_mem>>) {add = true}
      %dma_wait3A_70 = arith.constant 0 : i32
      %dma_wait3A_71 = tpu.memref_slice %arg8[%run_scoped3A, %dma_wait3A_70] : memref<125x80xi32, #tpu.memory_space<vmem>> -> memref<1x80xi32, #tpu.memory_space<vmem>>
      %dma_wait3A_72 = tpu.memref_squeeze %dma_wait3A_71 : memref<1x80xi32, #tpu.memory_space<vmem>> -> memref<80xi32, #tpu.memory_space<vmem>>
      %dma_wait3A_73 = arith.constant 0 : i32
      %dma_wait3A_74 = arith.constant 0 : i32
      %dma_wait3A_75 = tpu.memref_slice %arg11[%dma_wait3A_73, %dma_wait3A_74] : memref<10112x128xf32, #tpu.memory_space<vmem_shared>> -> memref<10112x128xf32, #tpu.memory_space<vmem_shared>>
      tpu.wait_indirect_dma semaphore(%run_scoped3A_63 : memref<!tpu.dma_semaphore, #tpu.memory_space<semaphore_mem>>) src(%arg9 : memref<80x128xf32, #tpu.memory_space<vmem>>) dst(%dma_wait3A_75 : memref<10112x128xf32, #tpu.memory_space<vmem_shared>>)
      tpu.yield
    }) : () -> ()
    %barrier3A_58 = arith.constant 0 : index
    tpu.barrier barrier_id(%barrier3A_58)
    %mul3A_59 = arith.constant 632 : i32
    %mul3A_60 = arith.muli %arg1, %mul3A_59 : i32
    %mul3A_61 = arith.constant 632 : i32
    %mul3A_62 = arith.muli %arg1, %mul3A_61 : i32
    "tpu.region"() ({
      %run_scoped3A_63 = tpu.sem_alloc : memref<!tpu.dma_semaphore, #tpu.memory_space<semaphore_mem>>
      %dma_start3A_64 = arith.constant 0 : i32
      %dma_start3A_65 = tpu.memref_slice %arg6[%arg0, %mul3A_62, %dma_start3A_64] : memref<2x10112x128xf32, #tpu.memory_space<hbm>> -> memref<1x632x128xf32, #tpu.memory_space<hbm>>
      %dma_start3A_66 = tpu.memref_squeeze %dma_start3A_65 : memref<1x632x128xf32, #tpu.memory_space<hbm>> -> memref<632x128xf32, #tpu.memory_space<hbm>>
      %dma_start3A_67 = arith.constant 0 : i32
      %dma_start3A_68 = tpu.memref_slice %arg11[%mul3A_60, %dma_start3A_67] : memref<10112x128xf32, #tpu.memory_space<vmem_shared>> -> memref<632x128xf32, #tpu.memory_space<vmem_shared>>
      tpu.enqueue_dma source(%dma_start3A_68 : memref<632x128xf32, #tpu.memory_space<vmem_shared>>) target(%dma_start3A_66 : memref<632x128xf32, #tpu.memory_space<hbm>>) target_semaphore(%run_scoped3A_63 : memref<!tpu.dma_semaphore, #tpu.memory_space<semaphore_mem>>)
      %dma_wait3A_69 = arith.constant 0 : i32
      %dma_wait3A_70 = tpu.memref_slice %arg6[%arg0, %mul3A_62, %dma_wait3A_69] : memref<2x10112x128xf32, #tpu.memory_space<hbm>> -> memref<1x632x128xf32, #tpu.memory_space<hbm>>
      %dma_wait3A_71 = tpu.memref_squeeze %dma_wait3A_70 : memref<1x632x128xf32, #tpu.memory_space<hbm>> -> memref<632x128xf32, #tpu.memory_space<hbm>>
      %dma_wait3A_72 = arith.constant 0 : i32
      %dma_wait3A_73 = tpu.memref_slice %arg11[%mul3A_60, %dma_wait3A_72] : memref<10112x128xf32, #tpu.memory_space<vmem_shared>> -> memref<632x128xf32, #tpu.memory_space<vmem_shared>>
      tpu.wait_dma2 semaphore(%run_scoped3A_63 : memref<!tpu.dma_semaphore, #tpu.memory_space<semaphore_mem>>) src(%dma_wait3A_73 : memref<632x128xf32, #tpu.memory_space<vmem_shared>>) dst(%dma_wait3A_71 : memref<632x128xf32, #tpu.memory_space<hbm>>)
      tpu.yield
    }) : () -> ()
    return
  }
}

#map = affine_map<(d0, d1) -> (0, 0)>
#map1 = affine_map<(d0, d1) -> (0)>
#map2 = affine_map<(d0, d1) -> (0, 0, 0)>
module attributes {stable_mosaic.version = 14 : i64} {
  func.func @seg_sum(%arg0: i32, %arg1: i32, %arg2: memref<10000x128xf32, #tpu.memory_space<hbm>>, %arg3: memref<320000xi32, #tpu.memory_space<hbm>>, %arg4: memref<32x125x80xi32, #tpu.memory_space<hbm>>, %arg5: memref<10112x128xf32, #tpu.memory_space<hbm>>, %arg6: memref<2x5120x128xf32, #tpu.memory_space<hbm>>, %arg7: memref<10000xi32, #tpu.memory_space<vmem>>, %arg8: memref<125x80xi32, #tpu.memory_space<vmem>>, %arg9: memref<80x128xf32, #tpu.memory_space<vmem>>, %arg10: memref<80x128xf32, #tpu.memory_space<vmem>>, %arg11: memref<5120x128xf32, #tpu.memory_space<vmem_shared>>, %arg12: memref<!tpu.dma_semaphore, #tpu.memory_space<semaphore_mem>>, %arg13: memref<!tpu.dma_semaphore, #tpu.memory_space<semaphore_mem>>, %arg14: memref<!tpu.dma_semaphore, #tpu.memory_space<semaphore_mem>>, %arg15: memref<!tpu.dma_semaphore, #tpu.memory_space<semaphore_mem>>) attributes {dimension_semantics = [#tpu.dimension_semantics<core_parallel>, #tpu.dimension_semantics<subcore_parallel>], iteration_bounds = array<i64: 2, 16>, scalar_prefetch = 0 : i64, scratch_operands = 9 : i64, tpu.core_type = #tpu.core_type<sc_vector_subcore>, window_params = [{transform_indices = #map}, {transform_indices = #map1}, {transform_indices = #map2}, {transform_indices = #map}, {transform_indices = #map2}]} {
    %mul3A = arith.constant 2 : i32
    %mul3A_0 = arith.muli %arg1, %mul3A : i32
    %add3A = arith.addi %mul3A_0, %arg0 : i32
    %mul3A_1 = arith.constant 320 : i32
    %mul3A_2 = arith.muli %arg1, %mul3A_1 : i32
    %mul3A_3 = arith.constant 320 : i32
    %mul3A_4 = arith.muli %arg1, %mul3A_3 : i32
    "tpu.region"() ({
      %run_scoped3A_63 = tpu.sem_alloc : memref<!tpu.dma_semaphore, #tpu.memory_space<semaphore_mem>>
      %dma_start3A_64 = arith.constant 0 : i32
      %dma_start3A_65 = tpu.memref_slice %arg11[%mul3A_4, %dma_start3A_64] : memref<5120x128xf32, #tpu.memory_space<vmem_shared>> -> memref<320x128xf32, #tpu.memory_space<vmem_shared>>
      %dma_start3A_66 = arith.constant 0 : i32
      %dma_start3A_67 = tpu.memref_slice %arg5[%mul3A_2, %dma_start3A_66] : memref<10112x128xf32, #tpu.memory_space<hbm>> -> memref<320x128xf32, #tpu.memory_space<hbm>>
      tpu.enqueue_dma source(%dma_start3A_67 : memref<320x128xf32, #tpu.memory_space<hbm>>) target(%dma_start3A_65 : memref<320x128xf32, #tpu.memory_space<vmem_shared>>) target_semaphore(%run_scoped3A_63 : memref<!tpu.dma_semaphore, #tpu.memory_space<semaphore_mem>>)
      %dma_wait3A_68 = arith.constant 0 : i32
      %dma_wait3A_69 = tpu.memref_slice %arg11[%mul3A_4, %dma_wait3A_68] : memref<5120x128xf32, #tpu.memory_space<vmem_shared>> -> memref<320x128xf32, #tpu.memory_space<vmem_shared>>
      %dma_wait3A_70 = arith.constant 0 : i32
      %dma_wait3A_71 = tpu.memref_slice %arg5[%mul3A_2, %dma_wait3A_70] : memref<10112x128xf32, #tpu.memory_space<hbm>> -> memref<320x128xf32, #tpu.memory_space<hbm>>
      tpu.wait_dma2 semaphore(%run_scoped3A_63 : memref<!tpu.dma_semaphore, #tpu.memory_space<semaphore_mem>>) src(%dma_wait3A_71 : memref<320x128xf32, #tpu.memory_space<hbm>>) dst(%dma_wait3A_69 : memref<320x128xf32, #tpu.memory_space<vmem_shared>>)
      tpu.yield
    }) : () -> ()
    %mul3A_5 = arith.constant 10000 : i32
    %mul3A_6 = arith.muli %add3A, %mul3A_5 : i32
    "tpu.region"() ({
      %run_scoped3A_63 = tpu.sem_alloc : memref<!tpu.dma_semaphore, #tpu.memory_space<semaphore_mem>>
      %dma_start3A_64 = tpu.memref_slice %arg3[%mul3A_6] : memref<320000xi32, #tpu.memory_space<hbm>> -> memref<10000xi32, #tpu.memory_space<hbm>>
      %dma_start3A_65 = tpu.memref_slice %arg3[%mul3A_6] : memref<320000xi32, #tpu.memory_space<hbm>> -> memref<10000xi32, #tpu.memory_space<hbm>>
      tpu.enqueue_dma source(%dma_start3A_65 : memref<10000xi32, #tpu.memory_space<hbm>>) target(%arg7 : memref<10000xi32, #tpu.memory_space<vmem>>) target_semaphore(%run_scoped3A_63 : memref<!tpu.dma_semaphore, #tpu.memory_space<semaphore_mem>>)
      %dma_wait3A_66 = tpu.memref_slice %arg3[%mul3A_6] : memref<320000xi32, #tpu.memory_space<hbm>> -> memref<10000xi32, #tpu.memory_space<hbm>>
      %dma_wait3A_67 = tpu.memref_slice %arg3[%mul3A_6] : memref<320000xi32, #tpu.memory_space<hbm>> -> memref<10000xi32, #tpu.memory_space<hbm>>
      tpu.wait_dma2 semaphore(%run_scoped3A_63 : memref<!tpu.dma_semaphore, #tpu.memory_space<semaphore_mem>>) src(%dma_wait3A_67 : memref<10000xi32, #tpu.memory_space<hbm>>) dst(%arg7 : memref<10000xi32, #tpu.memory_space<vmem>>)
      tpu.yield
    }) : () -> ()
    "tpu.region"() ({
      %run_scoped3A_63 = tpu.sem_alloc : memref<!tpu.dma_semaphore, #tpu.memory_space<semaphore_mem>>
      %dma_start3A_64 = arith.constant 0 : i32
      %dma_start3A_65 = arith.constant 0 : i32
      %dma_start3A_66 = tpu.memref_slice %arg4[%add3A, %dma_start3A_64, %dma_start3A_65] : memref<32x125x80xi32, #tpu.memory_space<hbm>> -> memref<1x125x80xi32, #tpu.memory_space<hbm>>
      %dma_start3A_67 = tpu.memref_squeeze %dma_start3A_66 : memref<1x125x80xi32, #tpu.memory_space<hbm>> -> memref<125x80xi32, #tpu.memory_space<hbm>>
      %dma_start3A_68 = arith.constant 0 : i32
      %dma_start3A_69 = arith.constant 0 : i32
      %dma_start3A_70 = tpu.memref_slice %arg4[%add3A, %dma_start3A_68, %dma_start3A_69] : memref<32x125x80xi32, #tpu.memory_space<hbm>> -> memref<1x125x80xi32, #tpu.memory_space<hbm>>
      %dma_start3A_71 = tpu.memref_squeeze %dma_start3A_70 : memref<1x125x80xi32, #tpu.memory_space<hbm>> -> memref<125x80xi32, #tpu.memory_space<hbm>>
      tpu.enqueue_dma source(%dma_start3A_71 : memref<125x80xi32, #tpu.memory_space<hbm>>) target(%arg8 : memref<125x80xi32, #tpu.memory_space<vmem>>) target_semaphore(%run_scoped3A_63 : memref<!tpu.dma_semaphore, #tpu.memory_space<semaphore_mem>>)
      %dma_wait3A_72 = arith.constant 0 : i32
      %dma_wait3A_73 = arith.constant 0 : i32
      %dma_wait3A_74 = tpu.memref_slice %arg4[%add3A, %dma_wait3A_72, %dma_wait3A_73] : memref<32x125x80xi32, #tpu.memory_space<hbm>> -> memref<1x125x80xi32, #tpu.memory_space<hbm>>
      %dma_wait3A_75 = tpu.memref_squeeze %dma_wait3A_74 : memref<1x125x80xi32, #tpu.memory_space<hbm>> -> memref<125x80xi32, #tpu.memory_space<hbm>>
      %dma_wait3A_76 = arith.constant 0 : i32
      %dma_wait3A_77 = arith.constant 0 : i32
      %dma_wait3A_78 = tpu.memref_slice %arg4[%add3A, %dma_wait3A_76, %dma_wait3A_77] : memref<32x125x80xi32, #tpu.memory_space<hbm>> -> memref<1x125x80xi32, #tpu.memory_space<hbm>>
      %dma_wait3A_79 = tpu.memref_squeeze %dma_wait3A_78 : memref<1x125x80xi32, #tpu.memory_space<hbm>> -> memref<125x80xi32, #tpu.memory_space<hbm>>
      tpu.wait_dma2 semaphore(%run_scoped3A_63 : memref<!tpu.dma_semaphore, #tpu.memory_space<semaphore_mem>>) src(%dma_wait3A_79 : memref<125x80xi32, #tpu.memory_space<hbm>>) dst(%arg8 : memref<125x80xi32, #tpu.memory_space<vmem>>)
      tpu.yield
    }) : () -> ()
    %barrier3A = arith.constant 0 : index
    tpu.barrier barrier_id(%barrier3A)
    %dma_start3A = arith.constant 0 : i32
    %dma_start3A_7 = arith.constant 0 : i32
    %dma_start3A_8 = tpu.memref_slice %arg9[%dma_start3A, %dma_start3A_7] : memref<80x128xf32, #tpu.memory_space<vmem>> -> memref<40x128xf32, #tpu.memory_space<vmem>>
    %dma_start3A_9 = arith.constant 0 : i32
    %dma_start3A_10 = tpu.memref_slice %arg7[%dma_start3A_9] : memref<10000xi32, #tpu.memory_space<vmem>> -> memref<40xi32, #tpu.memory_space<vmem>>
    %dma_start3A_11 = arith.constant 0 : i32
    %dma_start3A_12 = arith.constant 0 : i32
    %dma_start3A_13 = tpu.memref_slice %arg2[%dma_start3A_11, %dma_start3A_12] : memref<10000x128xf32, #tpu.memory_space<hbm>> -> memref<10000x128xf32, #tpu.memory_space<hbm>>
    tpu.enqueue_indirect_dma source(%dma_start3A_13 : memref<10000x128xf32, #tpu.memory_space<hbm>>) target(%dma_start3A_8 : memref<40x128xf32, #tpu.memory_space<vmem>>) offsets(%dma_start3A_10 : memref<40xi32, #tpu.memory_space<vmem>>) semaphore(%arg12 : memref<!tpu.dma_semaphore, #tpu.memory_space<semaphore_mem>>)
    %dma_start3A_14 = arith.constant 40 : i32
    %dma_start3A_15 = arith.constant 0 : i32
    %dma_start3A_16 = tpu.memref_slice %arg9[%dma_start3A_14, %dma_start3A_15] : memref<80x128xf32, #tpu.memory_space<vmem>> -> memref<40x128xf32, #tpu.memory_space<vmem>>
    %dma_start3A_17 = arith.constant 40 : i32
    %dma_start3A_18 = tpu.memref_slice %arg7[%dma_start3A_17] : memref<10000xi32, #tpu.memory_space<vmem>> -> memref<40xi32, #tpu.memory_space<vmem>>
    %dma_start3A_19 = arith.constant 0 : i32
    %dma_start3A_20 = arith.constant 0 : i32
    %dma_start3A_21 = tpu.memref_slice %arg2[%dma_start3A_19, %dma_start3A_20] : memref<10000x128xf32, #tpu.memory_space<hbm>> -> memref<10000x128xf32, #tpu.memory_space<hbm>>
    tpu.enqueue_indirect_dma source(%dma_start3A_21 : memref<10000x128xf32, #tpu.memory_space<hbm>>) target(%dma_start3A_16 : memref<40x128xf32, #tpu.memory_space<vmem>>) offsets(%dma_start3A_18 : memref<40xi32, #tpu.memory_space<vmem>>) semaphore(%arg13 : memref<!tpu.dma_semaphore, #tpu.memory_space<semaphore_mem>>)
    %dma_start3A_22 = arith.constant 0 : i32
    %dma_start3A_23 = arith.constant 0 : i32
    %dma_start3A_24 = tpu.memref_slice %arg10[%dma_start3A_22, %dma_start3A_23] : memref<80x128xf32, #tpu.memory_space<vmem>> -> memref<40x128xf32, #tpu.memory_space<vmem>>
    %dma_start3A_25 = arith.constant 80 : i32
    %dma_start3A_26 = tpu.memref_slice %arg7[%dma_start3A_25] : memref<10000xi32, #tpu.memory_space<vmem>> -> memref<40xi32, #tpu.memory_space<vmem>>
    %dma_start3A_27 = arith.constant 0 : i32
    %dma_start3A_28 = arith.constant 0 : i32
    %dma_start3A_29 = tpu.memref_slice %arg2[%dma_start3A_27, %dma_start3A_28] : memref<10000x128xf32, #tpu.memory_space<hbm>> -> memref<10000x128xf32, #tpu.memory_space<hbm>>
    tpu.enqueue_indirect_dma source(%dma_start3A_29 : memref<10000x128xf32, #tpu.memory_space<hbm>>) target(%dma_start3A_24 : memref<40x128xf32, #tpu.memory_space<vmem>>) offsets(%dma_start3A_26 : memref<40xi32, #tpu.memory_space<vmem>>) semaphore(%arg14 : memref<!tpu.dma_semaphore, #tpu.memory_space<semaphore_mem>>)
    %dma_start3A_30 = arith.constant 40 : i32
    %dma_start3A_31 = arith.constant 0 : i32
    %dma_start3A_32 = tpu.memref_slice %arg10[%dma_start3A_30, %dma_start3A_31] : memref<80x128xf32, #tpu.memory_space<vmem>> -> memref<40x128xf32, #tpu.memory_space<vmem>>
    %dma_start3A_33 = arith.constant 120 : i32
    %dma_start3A_34 = tpu.memref_slice %arg7[%dma_start3A_33] : memref<10000xi32, #tpu.memory_space<vmem>> -> memref<40xi32, #tpu.memory_space<vmem>>
    %dma_start3A_35 = arith.constant 0 : i32
    %dma_start3A_36 = arith.constant 0 : i32
    %dma_start3A_37 = tpu.memref_slice %arg2[%dma_start3A_35, %dma_start3A_36] : memref<10000x128xf32, #tpu.memory_space<hbm>> -> memref<10000x128xf32, #tpu.memory_space<hbm>>
    tpu.enqueue_indirect_dma source(%dma_start3A_37 : memref<10000x128xf32, #tpu.memory_space<hbm>>) target(%dma_start3A_32 : memref<40x128xf32, #tpu.memory_space<vmem>>) offsets(%dma_start3A_34 : memref<40xi32, #tpu.memory_space<vmem>>) semaphore(%arg15 : memref<!tpu.dma_semaphore, #tpu.memory_space<semaphore_mem>>)
    %scan3A = arith.constant 0 : i32
    %scan3A_38 = arith.constant 0 : i32
    %scan3A_39 = arith.constant 62 : i32
    %scan3A_40 = arith.addi %scan3A_38, %scan3A_39 : i32
    %scan3A_41 = arith.constant 1 : i32
    scf.for %scan3A_63 = %scan3A_38 to %scan3A_40 step %scan3A_41  : i32 {
      %mul3A_64 = arith.constant 4 : i32
      %mul3A_65 = arith.muli %mul3A_64, %scan3A_63 : i32
      %mul3A_66 = arith.constant 40 : i32
      %mul3A_67 = arith.muli %mul3A_65, %mul3A_66 : i32
      %dma_wait3A_68 = arith.constant 0 : i32
      %dma_wait3A_69 = arith.constant 0 : i32
      %dma_wait3A_70 = tpu.memref_slice %arg9[%dma_wait3A_68, %dma_wait3A_69] : memref<80x128xf32, #tpu.memory_space<vmem>> -> memref<40x128xf32, #tpu.memory_space<vmem>>
      %dma_wait3A_71 = tpu.memref_slice %arg7[%mul3A_67] : memref<10000xi32, #tpu.memory_space<vmem>> -> memref<40xi32, #tpu.memory_space<vmem>>
      %dma_wait3A_72 = arith.constant 0 : i32
      %dma_wait3A_73 = arith.constant 0 : i32
      %dma_wait3A_74 = tpu.memref_slice %arg2[%dma_wait3A_72, %dma_wait3A_73] : memref<10000x128xf32, #tpu.memory_space<hbm>> -> memref<10000x128xf32, #tpu.memory_space<hbm>>
      tpu.wait_indirect_dma semaphore(%arg12 : memref<!tpu.dma_semaphore, #tpu.memory_space<semaphore_mem>>) src(%dma_wait3A_74 : memref<10000x128xf32, #tpu.memory_space<hbm>>) dst(%dma_wait3A_70 : memref<40x128xf32, #tpu.memory_space<vmem>>)
      %add3A_75 = arith.constant 1 : i32
      %add3A_76 = arith.addi %mul3A_65, %add3A_75 : i32
      %mul3A_77 = arith.constant 40 : i32
      %mul3A_78 = arith.muli %add3A_76, %mul3A_77 : i32
      %dma_wait3A_79 = arith.constant 40 : i32
      %dma_wait3A_80 = arith.constant 0 : i32
      %dma_wait3A_81 = tpu.memref_slice %arg9[%dma_wait3A_79, %dma_wait3A_80] : memref<80x128xf32, #tpu.memory_space<vmem>> -> memref<40x128xf32, #tpu.memory_space<vmem>>
      %dma_wait3A_82 = tpu.memref_slice %arg7[%mul3A_78] : memref<10000xi32, #tpu.memory_space<vmem>> -> memref<40xi32, #tpu.memory_space<vmem>>
      %dma_wait3A_83 = arith.constant 0 : i32
      %dma_wait3A_84 = arith.constant 0 : i32
      %dma_wait3A_85 = tpu.memref_slice %arg2[%dma_wait3A_83, %dma_wait3A_84] : memref<10000x128xf32, #tpu.memory_space<hbm>> -> memref<10000x128xf32, #tpu.memory_space<hbm>>
      tpu.wait_indirect_dma semaphore(%arg13 : memref<!tpu.dma_semaphore, #tpu.memory_space<semaphore_mem>>) src(%dma_wait3A_85 : memref<10000x128xf32, #tpu.memory_space<hbm>>) dst(%dma_wait3A_81 : memref<40x128xf32, #tpu.memory_space<vmem>>)
      %mul3A_86 = arith.constant 2 : i32
      %mul3A_87 = arith.muli %mul3A_86, %scan3A_63 : i32
      "tpu.region"() ({
        %run_scoped3A_147 = tpu.sem_alloc : memref<!tpu.dma_semaphore, #tpu.memory_space<semaphore_mem>>
        %dma_start3A_148 = arith.constant 0 : i32
        %dma_start3A_149 = tpu.memref_slice %arg8[%mul3A_87, %dma_start3A_148] : memref<125x80xi32, #tpu.memory_space<vmem>> -> memref<1x80xi32, #tpu.memory_space<vmem>>
        %dma_start3A_150 = tpu.memref_squeeze %dma_start3A_149 : memref<1x80xi32, #tpu.memory_space<vmem>> -> memref<80xi32, #tpu.memory_space<vmem>>
        %dma_start3A_151 = arith.constant 0 : i32
        %dma_start3A_152 = arith.constant 0 : i32
        %dma_start3A_153 = tpu.memref_slice %arg11[%dma_start3A_151, %dma_start3A_152] : memref<5120x128xf32, #tpu.memory_space<vmem_shared>> -> memref<5120x128xf32, #tpu.memory_space<vmem_shared>>
        tpu.enqueue_indirect_dma source(%arg9 : memref<80x128xf32, #tpu.memory_space<vmem>>) target(%dma_start3A_153 : memref<5120x128xf32, #tpu.memory_space<vmem_shared>>) offsets(%dma_start3A_150 : memref<80xi32, #tpu.memory_space<vmem>>) semaphore(%run_scoped3A_147 : memref<!tpu.dma_semaphore, #tpu.memory_space<semaphore_mem>>) {add = true}
        %dma_wait3A_154 = arith.constant 0 : i32
        %dma_wait3A_155 = tpu.memref_slice %arg8[%mul3A_87, %dma_wait3A_154] : memref<125x80xi32, #tpu.memory_space<vmem>> -> memref<1x80xi32, #tpu.memory_space<vmem>>
        %dma_wait3A_156 = tpu.memref_squeeze %dma_wait3A_155 : memref<1x80xi32, #tpu.memory_space<vmem>> -> memref<80xi32, #tpu.memory_space<vmem>>
        %dma_wait3A_157 = arith.constant 0 : i32
        %dma_wait3A_158 = arith.constant 0 : i32
        %dma_wait3A_159 = tpu.memref_slice %arg11[%dma_wait3A_157, %dma_wait3A_158] : memref<5120x128xf32, #tpu.memory_space<vmem_shared>> -> memref<5120x128xf32, #tpu.memory_space<vmem_shared>>
        tpu.wait_indirect_dma semaphore(%run_scoped3A_147 : memref<!tpu.dma_semaphore, #tpu.memory_space<semaphore_mem>>) src(%arg9 : memref<80x128xf32, #tpu.memory_space<vmem>>) dst(%dma_wait3A_159 : memref<5120x128xf32, #tpu.memory_space<vmem_shared>>)
        tpu.yield
      }) : () -> ()
      %add3A_88 = arith.constant 4 : i32
      %add3A_89 = arith.addi %mul3A_65, %add3A_88 : i32
      %add3A_90 = arith.constant 0 : i32
      %add3A_91 = arith.addi %add3A_89, %add3A_90 : i32
      %lt3A = arith.constant 250 : i32
      %lt3A_92 = arith.cmpi slt, %add3A_91, %lt3A : i32
      %convert_element_type3A = arith.extui %lt3A_92 : i1 to i32
      %cond3A = arith.constant 0 : i32
      %cond3A_93 = arith.cmpi ne, %convert_element_type3A, %cond3A : i32
      scf.if %cond3A_93 {
        %add3A_147 = arith.constant 4 : i32
        %add3A_148 = arith.addi %mul3A_65, %add3A_147 : i32
        %add3A_149 = arith.constant 0 : i32
        %add3A_150 = arith.addi %add3A_148, %add3A_149 : i32
        %mul3A_151 = arith.constant 40 : i32
        %mul3A_152 = arith.muli %add3A_150, %mul3A_151 : i32
        %dma_start3A_153 = arith.constant 0 : i32
        %dma_start3A_154 = arith.constant 0 : i32
        %dma_start3A_155 = tpu.memref_slice %arg9[%dma_start3A_153, %dma_start3A_154] : memref<80x128xf32, #tpu.memory_space<vmem>> -> memref<40x128xf32, #tpu.memory_space<vmem>>
        %dma_start3A_156 = tpu.memref_slice %arg7[%mul3A_152] : memref<10000xi32, #tpu.memory_space<vmem>> -> memref<40xi32, #tpu.memory_space<vmem>>
        %dma_start3A_157 = arith.constant 0 : i32
        %dma_start3A_158 = arith.constant 0 : i32
        %dma_start3A_159 = tpu.memref_slice %arg2[%dma_start3A_157, %dma_start3A_158] : memref<10000x128xf32, #tpu.memory_space<hbm>> -> memref<10000x128xf32, #tpu.memory_space<hbm>>
        tpu.enqueue_indirect_dma source(%dma_start3A_159 : memref<10000x128xf32, #tpu.memory_space<hbm>>) target(%dma_start3A_155 : memref<40x128xf32, #tpu.memory_space<vmem>>) offsets(%dma_start3A_156 : memref<40xi32, #tpu.memory_space<vmem>>) semaphore(%arg12 : memref<!tpu.dma_semaphore, #tpu.memory_space<semaphore_mem>>)
      } else {
      }
      %add3A_94 = arith.constant 4 : i32
      %add3A_95 = arith.addi %mul3A_65, %add3A_94 : i32
      %add3A_96 = arith.constant 1 : i32
      %add3A_97 = arith.addi %add3A_95, %add3A_96 : i32
      %lt3A_98 = arith.constant 250 : i32
      %lt3A_99 = arith.cmpi slt, %add3A_97, %lt3A_98 : i32
      %convert_element_type3A_100 = arith.extui %lt3A_99 : i1 to i32
      %cond3A_101 = arith.constant 0 : i32
      %cond3A_102 = arith.cmpi ne, %convert_element_type3A_100, %cond3A_101 : i32
      scf.if %cond3A_102 {
        %add3A_147 = arith.constant 4 : i32
        %add3A_148 = arith.addi %mul3A_65, %add3A_147 : i32
        %add3A_149 = arith.constant 1 : i32
        %add3A_150 = arith.addi %add3A_148, %add3A_149 : i32
        %mul3A_151 = arith.constant 40 : i32
        %mul3A_152 = arith.muli %add3A_150, %mul3A_151 : i32
        %dma_start3A_153 = arith.constant 40 : i32
        %dma_start3A_154 = arith.constant 0 : i32
        %dma_start3A_155 = tpu.memref_slice %arg9[%dma_start3A_153, %dma_start3A_154] : memref<80x128xf32, #tpu.memory_space<vmem>> -> memref<40x128xf32, #tpu.memory_space<vmem>>
        %dma_start3A_156 = tpu.memref_slice %arg7[%mul3A_152] : memref<10000xi32, #tpu.memory_space<vmem>> -> memref<40xi32, #tpu.memory_space<vmem>>
        %dma_start3A_157 = arith.constant 0 : i32
        %dma_start3A_158 = arith.constant 0 : i32
        %dma_start3A_159 = tpu.memref_slice %arg2[%dma_start3A_157, %dma_start3A_158] : memref<10000x128xf32, #tpu.memory_space<hbm>> -> memref<10000x128xf32, #tpu.memory_space<hbm>>
        tpu.enqueue_indirect_dma source(%dma_start3A_159 : memref<10000x128xf32, #tpu.memory_space<hbm>>) target(%dma_start3A_155 : memref<40x128xf32, #tpu.memory_space<vmem>>) offsets(%dma_start3A_156 : memref<40xi32, #tpu.memory_space<vmem>>) semaphore(%arg13 : memref<!tpu.dma_semaphore, #tpu.memory_space<semaphore_mem>>)
      } else {
      }
      %add3A_103 = arith.constant 2 : i32
      %add3A_104 = arith.addi %mul3A_65, %add3A_103 : i32
      %mul3A_105 = arith.constant 40 : i32
      %mul3A_106 = arith.muli %add3A_104, %mul3A_105 : i32
      %dma_wait3A_107 = arith.constant 0 : i32
      %dma_wait3A_108 = arith.constant 0 : i32
      %dma_wait3A_109 = tpu.memref_slice %arg10[%dma_wait3A_107, %dma_wait3A_108] : memref<80x128xf32, #tpu.memory_space<vmem>> -> memref<40x128xf32, #tpu.memory_space<vmem>>
      %dma_wait3A_110 = tpu.memref_slice %arg7[%mul3A_106] : memref<10000xi32, #tpu.memory_space<vmem>> -> memref<40xi32, #tpu.memory_space<vmem>>
      %dma_wait3A_111 = arith.constant 0 : i32
      %dma_wait3A_112 = arith.constant 0 : i32
      %dma_wait3A_113 = tpu.memref_slice %arg2[%dma_wait3A_111, %dma_wait3A_112] : memref<10000x128xf32, #tpu.memory_space<hbm>> -> memref<10000x128xf32, #tpu.memory_space<hbm>>
      tpu.wait_indirect_dma semaphore(%arg14 : memref<!tpu.dma_semaphore, #tpu.memory_space<semaphore_mem>>) src(%dma_wait3A_113 : memref<10000x128xf32, #tpu.memory_space<hbm>>) dst(%dma_wait3A_109 : memref<40x128xf32, #tpu.memory_space<vmem>>)
      %add3A_114 = arith.constant 3 : i32
      %add3A_115 = arith.addi %mul3A_65, %add3A_114 : i32
      %mul3A_116 = arith.constant 40 : i32
      %mul3A_117 = arith.muli %add3A_115, %mul3A_116 : i32
      %dma_wait3A_118 = arith.constant 40 : i32
      %dma_wait3A_119 = arith.constant 0 : i32
      %dma_wait3A_120 = tpu.memref_slice %arg10[%dma_wait3A_118, %dma_wait3A_119] : memref<80x128xf32, #tpu.memory_space<vmem>> -> memref<40x128xf32, #tpu.memory_space<vmem>>
      %dma_wait3A_121 = tpu.memref_slice %arg7[%mul3A_117] : memref<10000xi32, #tpu.memory_space<vmem>> -> memref<40xi32, #tpu.memory_space<vmem>>
      %dma_wait3A_122 = arith.constant 0 : i32
      %dma_wait3A_123 = arith.constant 0 : i32
      %dma_wait3A_124 = tpu.memref_slice %arg2[%dma_wait3A_122, %dma_wait3A_123] : memref<10000x128xf32, #tpu.memory_space<hbm>> -> memref<10000x128xf32, #tpu.memory_space<hbm>>
      tpu.wait_indirect_dma semaphore(%arg15 : memref<!tpu.dma_semaphore, #tpu.memory_space<semaphore_mem>>) src(%dma_wait3A_124 : memref<10000x128xf32, #tpu.memory_space<hbm>>) dst(%dma_wait3A_120 : memref<40x128xf32, #tpu.memory_space<vmem>>)
      %mul3A_125 = arith.constant 2 : i32
      %mul3A_126 = arith.muli %mul3A_125, %scan3A_63 : i32
      %add3A_127 = arith.constant 1 : i32
      %add3A_128 = arith.addi %mul3A_126, %add3A_127 : i32
      "tpu.region"() ({
        %run_scoped3A_147 = tpu.sem_alloc : memref<!tpu.dma_semaphore, #tpu.memory_space<semaphore_mem>>
        %dma_start3A_148 = arith.constant 0 : i32
        %dma_start3A_149 = tpu.memref_slice %arg8[%add3A_128, %dma_start3A_148] : memref<125x80xi32, #tpu.memory_space<vmem>> -> memref<1x80xi32, #tpu.memory_space<vmem>>
        %dma_start3A_150 = tpu.memref_squeeze %dma_start3A_149 : memref<1x80xi32, #tpu.memory_space<vmem>> -> memref<80xi32, #tpu.memory_space<vmem>>
        %dma_start3A_151 = arith.constant 0 : i32
        %dma_start3A_152 = arith.constant 0 : i32
        %dma_start3A_153 = tpu.memref_slice %arg11[%dma_start3A_151, %dma_start3A_152] : memref<5120x128xf32, #tpu.memory_space<vmem_shared>> -> memref<5120x128xf32, #tpu.memory_space<vmem_shared>>
        tpu.enqueue_indirect_dma source(%arg10 : memref<80x128xf32, #tpu.memory_space<vmem>>) target(%dma_start3A_153 : memref<5120x128xf32, #tpu.memory_space<vmem_shared>>) offsets(%dma_start3A_150 : memref<80xi32, #tpu.memory_space<vmem>>) semaphore(%run_scoped3A_147 : memref<!tpu.dma_semaphore, #tpu.memory_space<semaphore_mem>>) {add = true}
        %dma_wait3A_154 = arith.constant 0 : i32
        %dma_wait3A_155 = tpu.memref_slice %arg8[%add3A_128, %dma_wait3A_154] : memref<125x80xi32, #tpu.memory_space<vmem>> -> memref<1x80xi32, #tpu.memory_space<vmem>>
        %dma_wait3A_156 = tpu.memref_squeeze %dma_wait3A_155 : memref<1x80xi32, #tpu.memory_space<vmem>> -> memref<80xi32, #tpu.memory_space<vmem>>
        %dma_wait3A_157 = arith.constant 0 : i32
        %dma_wait3A_158 = arith.constant 0 : i32
        %dma_wait3A_159 = tpu.memref_slice %arg11[%dma_wait3A_157, %dma_wait3A_158] : memref<5120x128xf32, #tpu.memory_space<vmem_shared>> -> memref<5120x128xf32, #tpu.memory_space<vmem_shared>>
        tpu.wait_indirect_dma semaphore(%run_scoped3A_147 : memref<!tpu.dma_semaphore, #tpu.memory_space<semaphore_mem>>) src(%arg10 : memref<80x128xf32, #tpu.memory_space<vmem>>) dst(%dma_wait3A_159 : memref<5120x128xf32, #tpu.memory_space<vmem_shared>>)
        tpu.yield
      }) : () -> ()
      %add3A_129 = arith.constant 4 : i32
      %add3A_130 = arith.addi %mul3A_65, %add3A_129 : i32
      %add3A_131 = arith.constant 2 : i32
      %add3A_132 = arith.addi %add3A_130, %add3A_131 : i32
      %lt3A_133 = arith.constant 250 : i32
      %lt3A_134 = arith.cmpi slt, %add3A_132, %lt3A_133 : i32
      %convert_element_type3A_135 = arith.extui %lt3A_134 : i1 to i32
      %cond3A_136 = arith.constant 0 : i32
      %cond3A_137 = arith.cmpi ne, %convert_element_type3A_135, %cond3A_136 : i32
      scf.if %cond3A_137 {
        %add3A_147 = arith.constant 4 : i32
        %add3A_148 = arith.addi %mul3A_65, %add3A_147 : i32
        %add3A_149 = arith.constant 2 : i32
        %add3A_150 = arith.addi %add3A_148, %add3A_149 : i32
        %mul3A_151 = arith.constant 40 : i32
        %mul3A_152 = arith.muli %add3A_150, %mul3A_151 : i32
        %dma_start3A_153 = arith.constant 0 : i32
        %dma_start3A_154 = arith.constant 0 : i32
        %dma_start3A_155 = tpu.memref_slice %arg10[%dma_start3A_153, %dma_start3A_154] : memref<80x128xf32, #tpu.memory_space<vmem>> -> memref<40x128xf32, #tpu.memory_space<vmem>>
        %dma_start3A_156 = tpu.memref_slice %arg7[%mul3A_152] : memref<10000xi32, #tpu.memory_space<vmem>> -> memref<40xi32, #tpu.memory_space<vmem>>
        %dma_start3A_157 = arith.constant 0 : i32
        %dma_start3A_158 = arith.constant 0 : i32
        %dma_start3A_159 = tpu.memref_slice %arg2[%dma_start3A_157, %dma_start3A_158] : memref<10000x128xf32, #tpu.memory_space<hbm>> -> memref<10000x128xf32, #tpu.memory_space<hbm>>
        tpu.enqueue_indirect_dma source(%dma_start3A_159 : memref<10000x128xf32, #tpu.memory_space<hbm>>) target(%dma_start3A_155 : memref<40x128xf32, #tpu.memory_space<vmem>>) offsets(%dma_start3A_156 : memref<40xi32, #tpu.memory_space<vmem>>) semaphore(%arg14 : memref<!tpu.dma_semaphore, #tpu.memory_space<semaphore_mem>>)
      } else {
      }
      %add3A_138 = arith.constant 4 : i32
      %add3A_139 = arith.addi %mul3A_65, %add3A_138 : i32
      %add3A_140 = arith.constant 3 : i32
      %add3A_141 = arith.addi %add3A_139, %add3A_140 : i32
      %lt3A_142 = arith.constant 250 : i32
      %lt3A_143 = arith.cmpi slt, %add3A_141, %lt3A_142 : i32
      %convert_element_type3A_144 = arith.extui %lt3A_143 : i1 to i32
      %cond3A_145 = arith.constant 0 : i32
      %cond3A_146 = arith.cmpi ne, %convert_element_type3A_144, %cond3A_145 : i32
      scf.if %cond3A_146 {
        %add3A_147 = arith.constant 4 : i32
        %add3A_148 = arith.addi %mul3A_65, %add3A_147 : i32
        %add3A_149 = arith.constant 3 : i32
        %add3A_150 = arith.addi %add3A_148, %add3A_149 : i32
        %mul3A_151 = arith.constant 40 : i32
        %mul3A_152 = arith.muli %add3A_150, %mul3A_151 : i32
        %dma_start3A_153 = arith.constant 40 : i32
        %dma_start3A_154 = arith.constant 0 : i32
        %dma_start3A_155 = tpu.memref_slice %arg10[%dma_start3A_153, %dma_start3A_154] : memref<80x128xf32, #tpu.memory_space<vmem>> -> memref<40x128xf32, #tpu.memory_space<vmem>>
        %dma_start3A_156 = tpu.memref_slice %arg7[%mul3A_152] : memref<10000xi32, #tpu.memory_space<vmem>> -> memref<40xi32, #tpu.memory_space<vmem>>
        %dma_start3A_157 = arith.constant 0 : i32
        %dma_start3A_158 = arith.constant 0 : i32
        %dma_start3A_159 = tpu.memref_slice %arg2[%dma_start3A_157, %dma_start3A_158] : memref<10000x128xf32, #tpu.memory_space<hbm>> -> memref<10000x128xf32, #tpu.memory_space<hbm>>
        tpu.enqueue_indirect_dma source(%dma_start3A_159 : memref<10000x128xf32, #tpu.memory_space<hbm>>) target(%dma_start3A_155 : memref<40x128xf32, #tpu.memory_space<vmem>>) offsets(%dma_start3A_156 : memref<40xi32, #tpu.memory_space<vmem>>) semaphore(%arg15 : memref<!tpu.dma_semaphore, #tpu.memory_space<semaphore_mem>>)
      } else {
      }
    }
    %scan3A_42 = arith.constant 62 : i32
    %dma_wait3A = arith.constant 0 : i32
    %dma_wait3A_43 = arith.constant 0 : i32
    %dma_wait3A_44 = tpu.memref_slice %arg9[%dma_wait3A, %dma_wait3A_43] : memref<80x128xf32, #tpu.memory_space<vmem>> -> memref<40x128xf32, #tpu.memory_space<vmem>>
    %dma_wait3A_45 = arith.constant 9920 : i32
    %dma_wait3A_46 = tpu.memref_slice %arg7[%dma_wait3A_45] : memref<10000xi32, #tpu.memory_space<vmem>> -> memref<40xi32, #tpu.memory_space<vmem>>
    %dma_wait3A_47 = arith.constant 0 : i32
    %dma_wait3A_48 = arith.constant 0 : i32
    %dma_wait3A_49 = tpu.memref_slice %arg2[%dma_wait3A_47, %dma_wait3A_48] : memref<10000x128xf32, #tpu.memory_space<hbm>> -> memref<10000x128xf32, #tpu.memory_space<hbm>>
    tpu.wait_indirect_dma semaphore(%arg12 : memref<!tpu.dma_semaphore, #tpu.memory_space<semaphore_mem>>) src(%dma_wait3A_49 : memref<10000x128xf32, #tpu.memory_space<hbm>>) dst(%dma_wait3A_44 : memref<40x128xf32, #tpu.memory_space<vmem>>)
    %dma_wait3A_50 = arith.constant 40 : i32
    %dma_wait3A_51 = arith.constant 0 : i32
    %dma_wait3A_52 = tpu.memref_slice %arg9[%dma_wait3A_50, %dma_wait3A_51] : memref<80x128xf32, #tpu.memory_space<vmem>> -> memref<40x128xf32, #tpu.memory_space<vmem>>
    %dma_wait3A_53 = arith.constant 9960 : i32
    %dma_wait3A_54 = tpu.memref_slice %arg7[%dma_wait3A_53] : memref<10000xi32, #tpu.memory_space<vmem>> -> memref<40xi32, #tpu.memory_space<vmem>>
    %dma_wait3A_55 = arith.constant 0 : i32
    %dma_wait3A_56 = arith.constant 0 : i32
    %dma_wait3A_57 = tpu.memref_slice %arg2[%dma_wait3A_55, %dma_wait3A_56] : memref<10000x128xf32, #tpu.memory_space<hbm>> -> memref<10000x128xf32, #tpu.memory_space<hbm>>
    tpu.wait_indirect_dma semaphore(%arg13 : memref<!tpu.dma_semaphore, #tpu.memory_space<semaphore_mem>>) src(%dma_wait3A_57 : memref<10000x128xf32, #tpu.memory_space<hbm>>) dst(%dma_wait3A_52 : memref<40x128xf32, #tpu.memory_space<vmem>>)
    %run_scoped3A = arith.constant 124 : i32
    "tpu.region"() ({
      %run_scoped3A_63 = tpu.sem_alloc : memref<!tpu.dma_semaphore, #tpu.memory_space<semaphore_mem>>
      %dma_start3A_64 = arith.constant 0 : i32
      %dma_start3A_65 = tpu.memref_slice %arg8[%run_scoped3A, %dma_start3A_64] : memref<125x80xi32, #tpu.memory_space<vmem>> -> memref<1x80xi32, #tpu.memory_space<vmem>>
      %dma_start3A_66 = tpu.memref_squeeze %dma_start3A_65 : memref<1x80xi32, #tpu.memory_space<vmem>> -> memref<80xi32, #tpu.memory_space<vmem>>
      %dma_start3A_67 = arith.constant 0 : i32
      %dma_start3A_68 = arith.constant 0 : i32
      %dma_start3A_69 = tpu.memref_slice %arg11[%dma_start3A_67, %dma_start3A_68] : memref<5120x128xf32, #tpu.memory_space<vmem_shared>> -> memref<5120x128xf32, #tpu.memory_space<vmem_shared>>
      tpu.enqueue_indirect_dma source(%arg9 : memref<80x128xf32, #tpu.memory_space<vmem>>) target(%dma_start3A_69 : memref<5120x128xf32, #tpu.memory_space<vmem_shared>>) offsets(%dma_start3A_66 : memref<80xi32, #tpu.memory_space<vmem>>) semaphore(%run_scoped3A_63 : memref<!tpu.dma_semaphore, #tpu.memory_space<semaphore_mem>>) {add = true}
      %dma_wait3A_70 = arith.constant 0 : i32
      %dma_wait3A_71 = tpu.memref_slice %arg8[%run_scoped3A, %dma_wait3A_70] : memref<125x80xi32, #tpu.memory_space<vmem>> -> memref<1x80xi32, #tpu.memory_space<vmem>>
      %dma_wait3A_72 = tpu.memref_squeeze %dma_wait3A_71 : memref<1x80xi32, #tpu.memory_space<vmem>> -> memref<80xi32, #tpu.memory_space<vmem>>
      %dma_wait3A_73 = arith.constant 0 : i32
      %dma_wait3A_74 = arith.constant 0 : i32
      %dma_wait3A_75 = tpu.memref_slice %arg11[%dma_wait3A_73, %dma_wait3A_74] : memref<5120x128xf32, #tpu.memory_space<vmem_shared>> -> memref<5120x128xf32, #tpu.memory_space<vmem_shared>>
      tpu.wait_indirect_dma semaphore(%run_scoped3A_63 : memref<!tpu.dma_semaphore, #tpu.memory_space<semaphore_mem>>) src(%arg9 : memref<80x128xf32, #tpu.memory_space<vmem>>) dst(%dma_wait3A_75 : memref<5120x128xf32, #tpu.memory_space<vmem_shared>>)
      tpu.yield
    }) : () -> ()
    %barrier3A_58 = arith.constant 0 : index
    tpu.barrier barrier_id(%barrier3A_58)
    %mul3A_59 = arith.constant 320 : i32
    %mul3A_60 = arith.muli %arg1, %mul3A_59 : i32
    %mul3A_61 = arith.constant 320 : i32
    %mul3A_62 = arith.muli %arg1, %mul3A_61 : i32
    "tpu.region"() ({
      %run_scoped3A_63 = tpu.sem_alloc : memref<!tpu.dma_semaphore, #tpu.memory_space<semaphore_mem>>
      %dma_start3A_64 = arith.constant 0 : i32
      %dma_start3A_65 = tpu.memref_slice %arg6[%arg0, %mul3A_62, %dma_start3A_64] : memref<2x5120x128xf32, #tpu.memory_space<hbm>> -> memref<1x320x128xf32, #tpu.memory_space<hbm>>
      %dma_start3A_66 = tpu.memref_squeeze %dma_start3A_65 : memref<1x320x128xf32, #tpu.memory_space<hbm>> -> memref<320x128xf32, #tpu.memory_space<hbm>>
      %dma_start3A_67 = arith.constant 0 : i32
      %dma_start3A_68 = tpu.memref_slice %arg11[%mul3A_60, %dma_start3A_67] : memref<5120x128xf32, #tpu.memory_space<vmem_shared>> -> memref<320x128xf32, #tpu.memory_space<vmem_shared>>
      tpu.enqueue_dma source(%dma_start3A_68 : memref<320x128xf32, #tpu.memory_space<vmem_shared>>) target(%dma_start3A_66 : memref<320x128xf32, #tpu.memory_space<hbm>>) target_semaphore(%run_scoped3A_63 : memref<!tpu.dma_semaphore, #tpu.memory_space<semaphore_mem>>)
      %dma_wait3A_69 = arith.constant 0 : i32
      %dma_wait3A_70 = tpu.memref_slice %arg6[%arg0, %mul3A_62, %dma_wait3A_69] : memref<2x5120x128xf32, #tpu.memory_space<hbm>> -> memref<1x320x128xf32, #tpu.memory_space<hbm>>
      %dma_wait3A_71 = tpu.memref_squeeze %dma_wait3A_70 : memref<1x320x128xf32, #tpu.memory_space<hbm>> -> memref<320x128xf32, #tpu.memory_space<hbm>>
      %dma_wait3A_72 = arith.constant 0 : i32
      %dma_wait3A_73 = tpu.memref_slice %arg11[%mul3A_60, %dma_wait3A_72] : memref<5120x128xf32, #tpu.memory_space<vmem_shared>> -> memref<320x128xf32, #tpu.memory_space<vmem_shared>>
      tpu.wait_dma2 semaphore(%run_scoped3A_63 : memref<!tpu.dma_semaphore, #tpu.memory_space<semaphore_mem>>) src(%dma_wait3A_73 : memref<320x128xf32, #tpu.memory_space<vmem_shared>>) dst(%dma_wait3A_71 : memref<320x128xf32, #tpu.memory_space<hbm>>)
      tpu.yield
    }) : () -> ()
    return
  }
}

#map = affine_map<(d0, d1) -> (0, 0)>
#map1 = affine_map<(d0, d1) -> (0)>
#map2 = affine_map<(d0, d1) -> (0, 0, 0)>
module attributes {stable_mosaic.version = 14 : i64} {
  func.func @seg_sum(%arg0: i32, %arg1: i32, %arg2: memref<5000x128xf32, #tpu.memory_space<hbm>>, %arg3: memref<320000xi32, #tpu.memory_space<hbm>>, %arg4: memref<32x125x80xi32, #tpu.memory_space<hbm>>, %arg5: memref<10112x128xf32, #tpu.memory_space<hbm>>, %arg6: memref<2x10112x128xf32, #tpu.memory_space<hbm>>, %arg7: memref<10000xi32, #tpu.memory_space<vmem>>, %arg8: memref<125x80xi32, #tpu.memory_space<vmem>>, %arg9: memref<80x128xf32, #tpu.memory_space<vmem>>, %arg10: memref<80x128xf32, #tpu.memory_space<vmem>>, %arg11: memref<10112x128xf32, #tpu.memory_space<vmem_shared>>, %arg12: memref<!tpu.dma_semaphore, #tpu.memory_space<semaphore_mem>>, %arg13: memref<!tpu.dma_semaphore, #tpu.memory_space<semaphore_mem>>, %arg14: memref<!tpu.dma_semaphore, #tpu.memory_space<semaphore_mem>>, %arg15: memref<!tpu.dma_semaphore, #tpu.memory_space<semaphore_mem>>) attributes {dimension_semantics = [#tpu.dimension_semantics<core_parallel>, #tpu.dimension_semantics<subcore_parallel>], iteration_bounds = array<i64: 2, 16>, scalar_prefetch = 0 : i64, scratch_operands = 9 : i64, tpu.core_type = #tpu.core_type<sc_vector_subcore>, window_params = [{transform_indices = #map}, {transform_indices = #map1}, {transform_indices = #map2}, {transform_indices = #map}, {transform_indices = #map2}]} {
    %mul3A = arith.constant 2 : i32
    %mul3A_0 = arith.muli %arg1, %mul3A : i32
    %add3A = arith.addi %mul3A_0, %arg0 : i32
    %mul3A_1 = arith.constant 632 : i32
    %mul3A_2 = arith.muli %arg1, %mul3A_1 : i32
    %mul3A_3 = arith.constant 632 : i32
    %mul3A_4 = arith.muli %arg1, %mul3A_3 : i32
    "tpu.region"() ({
      %run_scoped3A_63 = tpu.sem_alloc : memref<!tpu.dma_semaphore, #tpu.memory_space<semaphore_mem>>
      %dma_start3A_64 = arith.constant 0 : i32
      %dma_start3A_65 = tpu.memref_slice %arg11[%mul3A_4, %dma_start3A_64] : memref<10112x128xf32, #tpu.memory_space<vmem_shared>> -> memref<632x128xf32, #tpu.memory_space<vmem_shared>>
      %dma_start3A_66 = arith.constant 0 : i32
      %dma_start3A_67 = tpu.memref_slice %arg5[%mul3A_2, %dma_start3A_66] : memref<10112x128xf32, #tpu.memory_space<hbm>> -> memref<632x128xf32, #tpu.memory_space<hbm>>
      tpu.enqueue_dma source(%dma_start3A_67 : memref<632x128xf32, #tpu.memory_space<hbm>>) target(%dma_start3A_65 : memref<632x128xf32, #tpu.memory_space<vmem_shared>>) target_semaphore(%run_scoped3A_63 : memref<!tpu.dma_semaphore, #tpu.memory_space<semaphore_mem>>)
      %dma_wait3A_68 = arith.constant 0 : i32
      %dma_wait3A_69 = tpu.memref_slice %arg11[%mul3A_4, %dma_wait3A_68] : memref<10112x128xf32, #tpu.memory_space<vmem_shared>> -> memref<632x128xf32, #tpu.memory_space<vmem_shared>>
      %dma_wait3A_70 = arith.constant 0 : i32
      %dma_wait3A_71 = tpu.memref_slice %arg5[%mul3A_2, %dma_wait3A_70] : memref<10112x128xf32, #tpu.memory_space<hbm>> -> memref<632x128xf32, #tpu.memory_space<hbm>>
      tpu.wait_dma2 semaphore(%run_scoped3A_63 : memref<!tpu.dma_semaphore, #tpu.memory_space<semaphore_mem>>) src(%dma_wait3A_71 : memref<632x128xf32, #tpu.memory_space<hbm>>) dst(%dma_wait3A_69 : memref<632x128xf32, #tpu.memory_space<vmem_shared>>)
      tpu.yield
    }) : () -> ()
    %mul3A_5 = arith.constant 10000 : i32
    %mul3A_6 = arith.muli %add3A, %mul3A_5 : i32
    "tpu.region"() ({
      %run_scoped3A_63 = tpu.sem_alloc : memref<!tpu.dma_semaphore, #tpu.memory_space<semaphore_mem>>
      %dma_start3A_64 = tpu.memref_slice %arg3[%mul3A_6] : memref<320000xi32, #tpu.memory_space<hbm>> -> memref<10000xi32, #tpu.memory_space<hbm>>
      %dma_start3A_65 = tpu.memref_slice %arg3[%mul3A_6] : memref<320000xi32, #tpu.memory_space<hbm>> -> memref<10000xi32, #tpu.memory_space<hbm>>
      tpu.enqueue_dma source(%dma_start3A_65 : memref<10000xi32, #tpu.memory_space<hbm>>) target(%arg7 : memref<10000xi32, #tpu.memory_space<vmem>>) target_semaphore(%run_scoped3A_63 : memref<!tpu.dma_semaphore, #tpu.memory_space<semaphore_mem>>)
      %dma_wait3A_66 = tpu.memref_slice %arg3[%mul3A_6] : memref<320000xi32, #tpu.memory_space<hbm>> -> memref<10000xi32, #tpu.memory_space<hbm>>
      %dma_wait3A_67 = tpu.memref_slice %arg3[%mul3A_6] : memref<320000xi32, #tpu.memory_space<hbm>> -> memref<10000xi32, #tpu.memory_space<hbm>>
      tpu.wait_dma2 semaphore(%run_scoped3A_63 : memref<!tpu.dma_semaphore, #tpu.memory_space<semaphore_mem>>) src(%dma_wait3A_67 : memref<10000xi32, #tpu.memory_space<hbm>>) dst(%arg7 : memref<10000xi32, #tpu.memory_space<vmem>>)
      tpu.yield
    }) : () -> ()
    "tpu.region"() ({
      %run_scoped3A_63 = tpu.sem_alloc : memref<!tpu.dma_semaphore, #tpu.memory_space<semaphore_mem>>
      %dma_start3A_64 = arith.constant 0 : i32
      %dma_start3A_65 = arith.constant 0 : i32
      %dma_start3A_66 = tpu.memref_slice %arg4[%add3A, %dma_start3A_64, %dma_start3A_65] : memref<32x125x80xi32, #tpu.memory_space<hbm>> -> memref<1x125x80xi32, #tpu.memory_space<hbm>>
      %dma_start3A_67 = tpu.memref_squeeze %dma_start3A_66 : memref<1x125x80xi32, #tpu.memory_space<hbm>> -> memref<125x80xi32, #tpu.memory_space<hbm>>
      %dma_start3A_68 = arith.constant 0 : i32
      %dma_start3A_69 = arith.constant 0 : i32
      %dma_start3A_70 = tpu.memref_slice %arg4[%add3A, %dma_start3A_68, %dma_start3A_69] : memref<32x125x80xi32, #tpu.memory_space<hbm>> -> memref<1x125x80xi32, #tpu.memory_space<hbm>>
      %dma_start3A_71 = tpu.memref_squeeze %dma_start3A_70 : memref<1x125x80xi32, #tpu.memory_space<hbm>> -> memref<125x80xi32, #tpu.memory_space<hbm>>
      tpu.enqueue_dma source(%dma_start3A_71 : memref<125x80xi32, #tpu.memory_space<hbm>>) target(%arg8 : memref<125x80xi32, #tpu.memory_space<vmem>>) target_semaphore(%run_scoped3A_63 : memref<!tpu.dma_semaphore, #tpu.memory_space<semaphore_mem>>)
      %dma_wait3A_72 = arith.constant 0 : i32
      %dma_wait3A_73 = arith.constant 0 : i32
      %dma_wait3A_74 = tpu.memref_slice %arg4[%add3A, %dma_wait3A_72, %dma_wait3A_73] : memref<32x125x80xi32, #tpu.memory_space<hbm>> -> memref<1x125x80xi32, #tpu.memory_space<hbm>>
      %dma_wait3A_75 = tpu.memref_squeeze %dma_wait3A_74 : memref<1x125x80xi32, #tpu.memory_space<hbm>> -> memref<125x80xi32, #tpu.memory_space<hbm>>
      %dma_wait3A_76 = arith.constant 0 : i32
      %dma_wait3A_77 = arith.constant 0 : i32
      %dma_wait3A_78 = tpu.memref_slice %arg4[%add3A, %dma_wait3A_76, %dma_wait3A_77] : memref<32x125x80xi32, #tpu.memory_space<hbm>> -> memref<1x125x80xi32, #tpu.memory_space<hbm>>
      %dma_wait3A_79 = tpu.memref_squeeze %dma_wait3A_78 : memref<1x125x80xi32, #tpu.memory_space<hbm>> -> memref<125x80xi32, #tpu.memory_space<hbm>>
      tpu.wait_dma2 semaphore(%run_scoped3A_63 : memref<!tpu.dma_semaphore, #tpu.memory_space<semaphore_mem>>) src(%dma_wait3A_79 : memref<125x80xi32, #tpu.memory_space<hbm>>) dst(%arg8 : memref<125x80xi32, #tpu.memory_space<vmem>>)
      tpu.yield
    }) : () -> ()
    %barrier3A = arith.constant 0 : index
    tpu.barrier barrier_id(%barrier3A)
    %dma_start3A = arith.constant 0 : i32
    %dma_start3A_7 = arith.constant 0 : i32
    %dma_start3A_8 = tpu.memref_slice %arg9[%dma_start3A, %dma_start3A_7] : memref<80x128xf32, #tpu.memory_space<vmem>> -> memref<40x128xf32, #tpu.memory_space<vmem>>
    %dma_start3A_9 = arith.constant 0 : i32
    %dma_start3A_10 = tpu.memref_slice %arg7[%dma_start3A_9] : memref<10000xi32, #tpu.memory_space<vmem>> -> memref<40xi32, #tpu.memory_space<vmem>>
    %dma_start3A_11 = arith.constant 0 : i32
    %dma_start3A_12 = arith.constant 0 : i32
    %dma_start3A_13 = tpu.memref_slice %arg2[%dma_start3A_11, %dma_start3A_12] : memref<5000x128xf32, #tpu.memory_space<hbm>> -> memref<5000x128xf32, #tpu.memory_space<hbm>>
    tpu.enqueue_indirect_dma source(%dma_start3A_13 : memref<5000x128xf32, #tpu.memory_space<hbm>>) target(%dma_start3A_8 : memref<40x128xf32, #tpu.memory_space<vmem>>) offsets(%dma_start3A_10 : memref<40xi32, #tpu.memory_space<vmem>>) semaphore(%arg12 : memref<!tpu.dma_semaphore, #tpu.memory_space<semaphore_mem>>)
    %dma_start3A_14 = arith.constant 40 : i32
    %dma_start3A_15 = arith.constant 0 : i32
    %dma_start3A_16 = tpu.memref_slice %arg9[%dma_start3A_14, %dma_start3A_15] : memref<80x128xf32, #tpu.memory_space<vmem>> -> memref<40x128xf32, #tpu.memory_space<vmem>>
    %dma_start3A_17 = arith.constant 40 : i32
    %dma_start3A_18 = tpu.memref_slice %arg7[%dma_start3A_17] : memref<10000xi32, #tpu.memory_space<vmem>> -> memref<40xi32, #tpu.memory_space<vmem>>
    %dma_start3A_19 = arith.constant 0 : i32
    %dma_start3A_20 = arith.constant 0 : i32
    %dma_start3A_21 = tpu.memref_slice %arg2[%dma_start3A_19, %dma_start3A_20] : memref<5000x128xf32, #tpu.memory_space<hbm>> -> memref<5000x128xf32, #tpu.memory_space<hbm>>
    tpu.enqueue_indirect_dma source(%dma_start3A_21 : memref<5000x128xf32, #tpu.memory_space<hbm>>) target(%dma_start3A_16 : memref<40x128xf32, #tpu.memory_space<vmem>>) offsets(%dma_start3A_18 : memref<40xi32, #tpu.memory_space<vmem>>) semaphore(%arg13 : memref<!tpu.dma_semaphore, #tpu.memory_space<semaphore_mem>>)
    %dma_start3A_22 = arith.constant 0 : i32
    %dma_start3A_23 = arith.constant 0 : i32
    %dma_start3A_24 = tpu.memref_slice %arg10[%dma_start3A_22, %dma_start3A_23] : memref<80x128xf32, #tpu.memory_space<vmem>> -> memref<40x128xf32, #tpu.memory_space<vmem>>
    %dma_start3A_25 = arith.constant 80 : i32
    %dma_start3A_26 = tpu.memref_slice %arg7[%dma_start3A_25] : memref<10000xi32, #tpu.memory_space<vmem>> -> memref<40xi32, #tpu.memory_space<vmem>>
    %dma_start3A_27 = arith.constant 0 : i32
    %dma_start3A_28 = arith.constant 0 : i32
    %dma_start3A_29 = tpu.memref_slice %arg2[%dma_start3A_27, %dma_start3A_28] : memref<5000x128xf32, #tpu.memory_space<hbm>> -> memref<5000x128xf32, #tpu.memory_space<hbm>>
    tpu.enqueue_indirect_dma source(%dma_start3A_29 : memref<5000x128xf32, #tpu.memory_space<hbm>>) target(%dma_start3A_24 : memref<40x128xf32, #tpu.memory_space<vmem>>) offsets(%dma_start3A_26 : memref<40xi32, #tpu.memory_space<vmem>>) semaphore(%arg14 : memref<!tpu.dma_semaphore, #tpu.memory_space<semaphore_mem>>)
    %dma_start3A_30 = arith.constant 40 : i32
    %dma_start3A_31 = arith.constant 0 : i32
    %dma_start3A_32 = tpu.memref_slice %arg10[%dma_start3A_30, %dma_start3A_31] : memref<80x128xf32, #tpu.memory_space<vmem>> -> memref<40x128xf32, #tpu.memory_space<vmem>>
    %dma_start3A_33 = arith.constant 120 : i32
    %dma_start3A_34 = tpu.memref_slice %arg7[%dma_start3A_33] : memref<10000xi32, #tpu.memory_space<vmem>> -> memref<40xi32, #tpu.memory_space<vmem>>
    %dma_start3A_35 = arith.constant 0 : i32
    %dma_start3A_36 = arith.constant 0 : i32
    %dma_start3A_37 = tpu.memref_slice %arg2[%dma_start3A_35, %dma_start3A_36] : memref<5000x128xf32, #tpu.memory_space<hbm>> -> memref<5000x128xf32, #tpu.memory_space<hbm>>
    tpu.enqueue_indirect_dma source(%dma_start3A_37 : memref<5000x128xf32, #tpu.memory_space<hbm>>) target(%dma_start3A_32 : memref<40x128xf32, #tpu.memory_space<vmem>>) offsets(%dma_start3A_34 : memref<40xi32, #tpu.memory_space<vmem>>) semaphore(%arg15 : memref<!tpu.dma_semaphore, #tpu.memory_space<semaphore_mem>>)
    %scan3A = arith.constant 0 : i32
    %scan3A_38 = arith.constant 0 : i32
    %scan3A_39 = arith.constant 62 : i32
    %scan3A_40 = arith.addi %scan3A_38, %scan3A_39 : i32
    %scan3A_41 = arith.constant 1 : i32
    scf.for %scan3A_63 = %scan3A_38 to %scan3A_40 step %scan3A_41  : i32 {
      %mul3A_64 = arith.constant 4 : i32
      %mul3A_65 = arith.muli %mul3A_64, %scan3A_63 : i32
      %mul3A_66 = arith.constant 40 : i32
      %mul3A_67 = arith.muli %mul3A_65, %mul3A_66 : i32
      %dma_wait3A_68 = arith.constant 0 : i32
      %dma_wait3A_69 = arith.constant 0 : i32
      %dma_wait3A_70 = tpu.memref_slice %arg9[%dma_wait3A_68, %dma_wait3A_69] : memref<80x128xf32, #tpu.memory_space<vmem>> -> memref<40x128xf32, #tpu.memory_space<vmem>>
      %dma_wait3A_71 = tpu.memref_slice %arg7[%mul3A_67] : memref<10000xi32, #tpu.memory_space<vmem>> -> memref<40xi32, #tpu.memory_space<vmem>>
      %dma_wait3A_72 = arith.constant 0 : i32
      %dma_wait3A_73 = arith.constant 0 : i32
      %dma_wait3A_74 = tpu.memref_slice %arg2[%dma_wait3A_72, %dma_wait3A_73] : memref<5000x128xf32, #tpu.memory_space<hbm>> -> memref<5000x128xf32, #tpu.memory_space<hbm>>
      tpu.wait_indirect_dma semaphore(%arg12 : memref<!tpu.dma_semaphore, #tpu.memory_space<semaphore_mem>>) src(%dma_wait3A_74 : memref<5000x128xf32, #tpu.memory_space<hbm>>) dst(%dma_wait3A_70 : memref<40x128xf32, #tpu.memory_space<vmem>>)
      %add3A_75 = arith.constant 1 : i32
      %add3A_76 = arith.addi %mul3A_65, %add3A_75 : i32
      %mul3A_77 = arith.constant 40 : i32
      %mul3A_78 = arith.muli %add3A_76, %mul3A_77 : i32
      %dma_wait3A_79 = arith.constant 40 : i32
      %dma_wait3A_80 = arith.constant 0 : i32
      %dma_wait3A_81 = tpu.memref_slice %arg9[%dma_wait3A_79, %dma_wait3A_80] : memref<80x128xf32, #tpu.memory_space<vmem>> -> memref<40x128xf32, #tpu.memory_space<vmem>>
      %dma_wait3A_82 = tpu.memref_slice %arg7[%mul3A_78] : memref<10000xi32, #tpu.memory_space<vmem>> -> memref<40xi32, #tpu.memory_space<vmem>>
      %dma_wait3A_83 = arith.constant 0 : i32
      %dma_wait3A_84 = arith.constant 0 : i32
      %dma_wait3A_85 = tpu.memref_slice %arg2[%dma_wait3A_83, %dma_wait3A_84] : memref<5000x128xf32, #tpu.memory_space<hbm>> -> memref<5000x128xf32, #tpu.memory_space<hbm>>
      tpu.wait_indirect_dma semaphore(%arg13 : memref<!tpu.dma_semaphore, #tpu.memory_space<semaphore_mem>>) src(%dma_wait3A_85 : memref<5000x128xf32, #tpu.memory_space<hbm>>) dst(%dma_wait3A_81 : memref<40x128xf32, #tpu.memory_space<vmem>>)
      %mul3A_86 = arith.constant 2 : i32
      %mul3A_87 = arith.muli %mul3A_86, %scan3A_63 : i32
      "tpu.region"() ({
        %run_scoped3A_147 = tpu.sem_alloc : memref<!tpu.dma_semaphore, #tpu.memory_space<semaphore_mem>>
        %dma_start3A_148 = arith.constant 0 : i32
        %dma_start3A_149 = tpu.memref_slice %arg8[%mul3A_87, %dma_start3A_148] : memref<125x80xi32, #tpu.memory_space<vmem>> -> memref<1x80xi32, #tpu.memory_space<vmem>>
        %dma_start3A_150 = tpu.memref_squeeze %dma_start3A_149 : memref<1x80xi32, #tpu.memory_space<vmem>> -> memref<80xi32, #tpu.memory_space<vmem>>
        %dma_start3A_151 = arith.constant 0 : i32
        %dma_start3A_152 = arith.constant 0 : i32
        %dma_start3A_153 = tpu.memref_slice %arg11[%dma_start3A_151, %dma_start3A_152] : memref<10112x128xf32, #tpu.memory_space<vmem_shared>> -> memref<10112x128xf32, #tpu.memory_space<vmem_shared>>
        tpu.enqueue_indirect_dma source(%arg9 : memref<80x128xf32, #tpu.memory_space<vmem>>) target(%dma_start3A_153 : memref<10112x128xf32, #tpu.memory_space<vmem_shared>>) offsets(%dma_start3A_150 : memref<80xi32, #tpu.memory_space<vmem>>) semaphore(%run_scoped3A_147 : memref<!tpu.dma_semaphore, #tpu.memory_space<semaphore_mem>>) {add = true}
        %dma_wait3A_154 = arith.constant 0 : i32
        %dma_wait3A_155 = tpu.memref_slice %arg8[%mul3A_87, %dma_wait3A_154] : memref<125x80xi32, #tpu.memory_space<vmem>> -> memref<1x80xi32, #tpu.memory_space<vmem>>
        %dma_wait3A_156 = tpu.memref_squeeze %dma_wait3A_155 : memref<1x80xi32, #tpu.memory_space<vmem>> -> memref<80xi32, #tpu.memory_space<vmem>>
        %dma_wait3A_157 = arith.constant 0 : i32
        %dma_wait3A_158 = arith.constant 0 : i32
        %dma_wait3A_159 = tpu.memref_slice %arg11[%dma_wait3A_157, %dma_wait3A_158] : memref<10112x128xf32, #tpu.memory_space<vmem_shared>> -> memref<10112x128xf32, #tpu.memory_space<vmem_shared>>
        tpu.wait_indirect_dma semaphore(%run_scoped3A_147 : memref<!tpu.dma_semaphore, #tpu.memory_space<semaphore_mem>>) src(%arg9 : memref<80x128xf32, #tpu.memory_space<vmem>>) dst(%dma_wait3A_159 : memref<10112x128xf32, #tpu.memory_space<vmem_shared>>)
        tpu.yield
      }) : () -> ()
      %add3A_88 = arith.constant 4 : i32
      %add3A_89 = arith.addi %mul3A_65, %add3A_88 : i32
      %add3A_90 = arith.constant 0 : i32
      %add3A_91 = arith.addi %add3A_89, %add3A_90 : i32
      %lt3A = arith.constant 250 : i32
      %lt3A_92 = arith.cmpi slt, %add3A_91, %lt3A : i32
      %convert_element_type3A = arith.extui %lt3A_92 : i1 to i32
      %cond3A = arith.constant 0 : i32
      %cond3A_93 = arith.cmpi ne, %convert_element_type3A, %cond3A : i32
      scf.if %cond3A_93 {
        %add3A_147 = arith.constant 4 : i32
        %add3A_148 = arith.addi %mul3A_65, %add3A_147 : i32
        %add3A_149 = arith.constant 0 : i32
        %add3A_150 = arith.addi %add3A_148, %add3A_149 : i32
        %mul3A_151 = arith.constant 40 : i32
        %mul3A_152 = arith.muli %add3A_150, %mul3A_151 : i32
        %dma_start3A_153 = arith.constant 0 : i32
        %dma_start3A_154 = arith.constant 0 : i32
        %dma_start3A_155 = tpu.memref_slice %arg9[%dma_start3A_153, %dma_start3A_154] : memref<80x128xf32, #tpu.memory_space<vmem>> -> memref<40x128xf32, #tpu.memory_space<vmem>>
        %dma_start3A_156 = tpu.memref_slice %arg7[%mul3A_152] : memref<10000xi32, #tpu.memory_space<vmem>> -> memref<40xi32, #tpu.memory_space<vmem>>
        %dma_start3A_157 = arith.constant 0 : i32
        %dma_start3A_158 = arith.constant 0 : i32
        %dma_start3A_159 = tpu.memref_slice %arg2[%dma_start3A_157, %dma_start3A_158] : memref<5000x128xf32, #tpu.memory_space<hbm>> -> memref<5000x128xf32, #tpu.memory_space<hbm>>
        tpu.enqueue_indirect_dma source(%dma_start3A_159 : memref<5000x128xf32, #tpu.memory_space<hbm>>) target(%dma_start3A_155 : memref<40x128xf32, #tpu.memory_space<vmem>>) offsets(%dma_start3A_156 : memref<40xi32, #tpu.memory_space<vmem>>) semaphore(%arg12 : memref<!tpu.dma_semaphore, #tpu.memory_space<semaphore_mem>>)
      } else {
      }
      %add3A_94 = arith.constant 4 : i32
      %add3A_95 = arith.addi %mul3A_65, %add3A_94 : i32
      %add3A_96 = arith.constant 1 : i32
      %add3A_97 = arith.addi %add3A_95, %add3A_96 : i32
      %lt3A_98 = arith.constant 250 : i32
      %lt3A_99 = arith.cmpi slt, %add3A_97, %lt3A_98 : i32
      %convert_element_type3A_100 = arith.extui %lt3A_99 : i1 to i32
      %cond3A_101 = arith.constant 0 : i32
      %cond3A_102 = arith.cmpi ne, %convert_element_type3A_100, %cond3A_101 : i32
      scf.if %cond3A_102 {
        %add3A_147 = arith.constant 4 : i32
        %add3A_148 = arith.addi %mul3A_65, %add3A_147 : i32
        %add3A_149 = arith.constant 1 : i32
        %add3A_150 = arith.addi %add3A_148, %add3A_149 : i32
        %mul3A_151 = arith.constant 40 : i32
        %mul3A_152 = arith.muli %add3A_150, %mul3A_151 : i32
        %dma_start3A_153 = arith.constant 40 : i32
        %dma_start3A_154 = arith.constant 0 : i32
        %dma_start3A_155 = tpu.memref_slice %arg9[%dma_start3A_153, %dma_start3A_154] : memref<80x128xf32, #tpu.memory_space<vmem>> -> memref<40x128xf32, #tpu.memory_space<vmem>>
        %dma_start3A_156 = tpu.memref_slice %arg7[%mul3A_152] : memref<10000xi32, #tpu.memory_space<vmem>> -> memref<40xi32, #tpu.memory_space<vmem>>
        %dma_start3A_157 = arith.constant 0 : i32
        %dma_start3A_158 = arith.constant 0 : i32
        %dma_start3A_159 = tpu.memref_slice %arg2[%dma_start3A_157, %dma_start3A_158] : memref<5000x128xf32, #tpu.memory_space<hbm>> -> memref<5000x128xf32, #tpu.memory_space<hbm>>
        tpu.enqueue_indirect_dma source(%dma_start3A_159 : memref<5000x128xf32, #tpu.memory_space<hbm>>) target(%dma_start3A_155 : memref<40x128xf32, #tpu.memory_space<vmem>>) offsets(%dma_start3A_156 : memref<40xi32, #tpu.memory_space<vmem>>) semaphore(%arg13 : memref<!tpu.dma_semaphore, #tpu.memory_space<semaphore_mem>>)
      } else {
      }
      %add3A_103 = arith.constant 2 : i32
      %add3A_104 = arith.addi %mul3A_65, %add3A_103 : i32
      %mul3A_105 = arith.constant 40 : i32
      %mul3A_106 = arith.muli %add3A_104, %mul3A_105 : i32
      %dma_wait3A_107 = arith.constant 0 : i32
      %dma_wait3A_108 = arith.constant 0 : i32
      %dma_wait3A_109 = tpu.memref_slice %arg10[%dma_wait3A_107, %dma_wait3A_108] : memref<80x128xf32, #tpu.memory_space<vmem>> -> memref<40x128xf32, #tpu.memory_space<vmem>>
      %dma_wait3A_110 = tpu.memref_slice %arg7[%mul3A_106] : memref<10000xi32, #tpu.memory_space<vmem>> -> memref<40xi32, #tpu.memory_space<vmem>>
      %dma_wait3A_111 = arith.constant 0 : i32
      %dma_wait3A_112 = arith.constant 0 : i32
      %dma_wait3A_113 = tpu.memref_slice %arg2[%dma_wait3A_111, %dma_wait3A_112] : memref<5000x128xf32, #tpu.memory_space<hbm>> -> memref<5000x128xf32, #tpu.memory_space<hbm>>
      tpu.wait_indirect_dma semaphore(%arg14 : memref<!tpu.dma_semaphore, #tpu.memory_space<semaphore_mem>>) src(%dma_wait3A_113 : memref<5000x128xf32, #tpu.memory_space<hbm>>) dst(%dma_wait3A_109 : memref<40x128xf32, #tpu.memory_space<vmem>>)
      %add3A_114 = arith.constant 3 : i32
      %add3A_115 = arith.addi %mul3A_65, %add3A_114 : i32
      %mul3A_116 = arith.constant 40 : i32
      %mul3A_117 = arith.muli %add3A_115, %mul3A_116 : i32
      %dma_wait3A_118 = arith.constant 40 : i32
      %dma_wait3A_119 = arith.constant 0 : i32
      %dma_wait3A_120 = tpu.memref_slice %arg10[%dma_wait3A_118, %dma_wait3A_119] : memref<80x128xf32, #tpu.memory_space<vmem>> -> memref<40x128xf32, #tpu.memory_space<vmem>>
      %dma_wait3A_121 = tpu.memref_slice %arg7[%mul3A_117] : memref<10000xi32, #tpu.memory_space<vmem>> -> memref<40xi32, #tpu.memory_space<vmem>>
      %dma_wait3A_122 = arith.constant 0 : i32
      %dma_wait3A_123 = arith.constant 0 : i32
      %dma_wait3A_124 = tpu.memref_slice %arg2[%dma_wait3A_122, %dma_wait3A_123] : memref<5000x128xf32, #tpu.memory_space<hbm>> -> memref<5000x128xf32, #tpu.memory_space<hbm>>
      tpu.wait_indirect_dma semaphore(%arg15 : memref<!tpu.dma_semaphore, #tpu.memory_space<semaphore_mem>>) src(%dma_wait3A_124 : memref<5000x128xf32, #tpu.memory_space<hbm>>) dst(%dma_wait3A_120 : memref<40x128xf32, #tpu.memory_space<vmem>>)
      %mul3A_125 = arith.constant 2 : i32
      %mul3A_126 = arith.muli %mul3A_125, %scan3A_63 : i32
      %add3A_127 = arith.constant 1 : i32
      %add3A_128 = arith.addi %mul3A_126, %add3A_127 : i32
      "tpu.region"() ({
        %run_scoped3A_147 = tpu.sem_alloc : memref<!tpu.dma_semaphore, #tpu.memory_space<semaphore_mem>>
        %dma_start3A_148 = arith.constant 0 : i32
        %dma_start3A_149 = tpu.memref_slice %arg8[%add3A_128, %dma_start3A_148] : memref<125x80xi32, #tpu.memory_space<vmem>> -> memref<1x80xi32, #tpu.memory_space<vmem>>
        %dma_start3A_150 = tpu.memref_squeeze %dma_start3A_149 : memref<1x80xi32, #tpu.memory_space<vmem>> -> memref<80xi32, #tpu.memory_space<vmem>>
        %dma_start3A_151 = arith.constant 0 : i32
        %dma_start3A_152 = arith.constant 0 : i32
        %dma_start3A_153 = tpu.memref_slice %arg11[%dma_start3A_151, %dma_start3A_152] : memref<10112x128xf32, #tpu.memory_space<vmem_shared>> -> memref<10112x128xf32, #tpu.memory_space<vmem_shared>>
        tpu.enqueue_indirect_dma source(%arg10 : memref<80x128xf32, #tpu.memory_space<vmem>>) target(%dma_start3A_153 : memref<10112x128xf32, #tpu.memory_space<vmem_shared>>) offsets(%dma_start3A_150 : memref<80xi32, #tpu.memory_space<vmem>>) semaphore(%run_scoped3A_147 : memref<!tpu.dma_semaphore, #tpu.memory_space<semaphore_mem>>) {add = true}
        %dma_wait3A_154 = arith.constant 0 : i32
        %dma_wait3A_155 = tpu.memref_slice %arg8[%add3A_128, %dma_wait3A_154] : memref<125x80xi32, #tpu.memory_space<vmem>> -> memref<1x80xi32, #tpu.memory_space<vmem>>
        %dma_wait3A_156 = tpu.memref_squeeze %dma_wait3A_155 : memref<1x80xi32, #tpu.memory_space<vmem>> -> memref<80xi32, #tpu.memory_space<vmem>>
        %dma_wait3A_157 = arith.constant 0 : i32
        %dma_wait3A_158 = arith.constant 0 : i32
        %dma_wait3A_159 = tpu.memref_slice %arg11[%dma_wait3A_157, %dma_wait3A_158] : memref<10112x128xf32, #tpu.memory_space<vmem_shared>> -> memref<10112x128xf32, #tpu.memory_space<vmem_shared>>
        tpu.wait_indirect_dma semaphore(%run_scoped3A_147 : memref<!tpu.dma_semaphore, #tpu.memory_space<semaphore_mem>>) src(%arg10 : memref<80x128xf32, #tpu.memory_space<vmem>>) dst(%dma_wait3A_159 : memref<10112x128xf32, #tpu.memory_space<vmem_shared>>)
        tpu.yield
      }) : () -> ()
      %add3A_129 = arith.constant 4 : i32
      %add3A_130 = arith.addi %mul3A_65, %add3A_129 : i32
      %add3A_131 = arith.constant 2 : i32
      %add3A_132 = arith.addi %add3A_130, %add3A_131 : i32
      %lt3A_133 = arith.constant 250 : i32
      %lt3A_134 = arith.cmpi slt, %add3A_132, %lt3A_133 : i32
      %convert_element_type3A_135 = arith.extui %lt3A_134 : i1 to i32
      %cond3A_136 = arith.constant 0 : i32
      %cond3A_137 = arith.cmpi ne, %convert_element_type3A_135, %cond3A_136 : i32
      scf.if %cond3A_137 {
        %add3A_147 = arith.constant 4 : i32
        %add3A_148 = arith.addi %mul3A_65, %add3A_147 : i32
        %add3A_149 = arith.constant 2 : i32
        %add3A_150 = arith.addi %add3A_148, %add3A_149 : i32
        %mul3A_151 = arith.constant 40 : i32
        %mul3A_152 = arith.muli %add3A_150, %mul3A_151 : i32
        %dma_start3A_153 = arith.constant 0 : i32
        %dma_start3A_154 = arith.constant 0 : i32
        %dma_start3A_155 = tpu.memref_slice %arg10[%dma_start3A_153, %dma_start3A_154] : memref<80x128xf32, #tpu.memory_space<vmem>> -> memref<40x128xf32, #tpu.memory_space<vmem>>
        %dma_start3A_156 = tpu.memref_slice %arg7[%mul3A_152] : memref<10000xi32, #tpu.memory_space<vmem>> -> memref<40xi32, #tpu.memory_space<vmem>>
        %dma_start3A_157 = arith.constant 0 : i32
        %dma_start3A_158 = arith.constant 0 : i32
        %dma_start3A_159 = tpu.memref_slice %arg2[%dma_start3A_157, %dma_start3A_158] : memref<5000x128xf32, #tpu.memory_space<hbm>> -> memref<5000x128xf32, #tpu.memory_space<hbm>>
        tpu.enqueue_indirect_dma source(%dma_start3A_159 : memref<5000x128xf32, #tpu.memory_space<hbm>>) target(%dma_start3A_155 : memref<40x128xf32, #tpu.memory_space<vmem>>) offsets(%dma_start3A_156 : memref<40xi32, #tpu.memory_space<vmem>>) semaphore(%arg14 : memref<!tpu.dma_semaphore, #tpu.memory_space<semaphore_mem>>)
      } else {
      }
      %add3A_138 = arith.constant 4 : i32
      %add3A_139 = arith.addi %mul3A_65, %add3A_138 : i32
      %add3A_140 = arith.constant 3 : i32
      %add3A_141 = arith.addi %add3A_139, %add3A_140 : i32
      %lt3A_142 = arith.constant 250 : i32
      %lt3A_143 = arith.cmpi slt, %add3A_141, %lt3A_142 : i32
      %convert_element_type3A_144 = arith.extui %lt3A_143 : i1 to i32
      %cond3A_145 = arith.constant 0 : i32
      %cond3A_146 = arith.cmpi ne, %convert_element_type3A_144, %cond3A_145 : i32
      scf.if %cond3A_146 {
        %add3A_147 = arith.constant 4 : i32
        %add3A_148 = arith.addi %mul3A_65, %add3A_147 : i32
        %add3A_149 = arith.constant 3 : i32
        %add3A_150 = arith.addi %add3A_148, %add3A_149 : i32
        %mul3A_151 = arith.constant 40 : i32
        %mul3A_152 = arith.muli %add3A_150, %mul3A_151 : i32
        %dma_start3A_153 = arith.constant 40 : i32
        %dma_start3A_154 = arith.constant 0 : i32
        %dma_start3A_155 = tpu.memref_slice %arg10[%dma_start3A_153, %dma_start3A_154] : memref<80x128xf32, #tpu.memory_space<vmem>> -> memref<40x128xf32, #tpu.memory_space<vmem>>
        %dma_start3A_156 = tpu.memref_slice %arg7[%mul3A_152] : memref<10000xi32, #tpu.memory_space<vmem>> -> memref<40xi32, #tpu.memory_space<vmem>>
        %dma_start3A_157 = arith.constant 0 : i32
        %dma_start3A_158 = arith.constant 0 : i32
        %dma_start3A_159 = tpu.memref_slice %arg2[%dma_start3A_157, %dma_start3A_158] : memref<5000x128xf32, #tpu.memory_space<hbm>> -> memref<5000x128xf32, #tpu.memory_space<hbm>>
        tpu.enqueue_indirect_dma source(%dma_start3A_159 : memref<5000x128xf32, #tpu.memory_space<hbm>>) target(%dma_start3A_155 : memref<40x128xf32, #tpu.memory_space<vmem>>) offsets(%dma_start3A_156 : memref<40xi32, #tpu.memory_space<vmem>>) semaphore(%arg15 : memref<!tpu.dma_semaphore, #tpu.memory_space<semaphore_mem>>)
      } else {
      }
    }
    %scan3A_42 = arith.constant 62 : i32
    %dma_wait3A = arith.constant 0 : i32
    %dma_wait3A_43 = arith.constant 0 : i32
    %dma_wait3A_44 = tpu.memref_slice %arg9[%dma_wait3A, %dma_wait3A_43] : memref<80x128xf32, #tpu.memory_space<vmem>> -> memref<40x128xf32, #tpu.memory_space<vmem>>
    %dma_wait3A_45 = arith.constant 9920 : i32
    %dma_wait3A_46 = tpu.memref_slice %arg7[%dma_wait3A_45] : memref<10000xi32, #tpu.memory_space<vmem>> -> memref<40xi32, #tpu.memory_space<vmem>>
    %dma_wait3A_47 = arith.constant 0 : i32
    %dma_wait3A_48 = arith.constant 0 : i32
    %dma_wait3A_49 = tpu.memref_slice %arg2[%dma_wait3A_47, %dma_wait3A_48] : memref<5000x128xf32, #tpu.memory_space<hbm>> -> memref<5000x128xf32, #tpu.memory_space<hbm>>
    tpu.wait_indirect_dma semaphore(%arg12 : memref<!tpu.dma_semaphore, #tpu.memory_space<semaphore_mem>>) src(%dma_wait3A_49 : memref<5000x128xf32, #tpu.memory_space<hbm>>) dst(%dma_wait3A_44 : memref<40x128xf32, #tpu.memory_space<vmem>>)
    %dma_wait3A_50 = arith.constant 40 : i32
    %dma_wait3A_51 = arith.constant 0 : i32
    %dma_wait3A_52 = tpu.memref_slice %arg9[%dma_wait3A_50, %dma_wait3A_51] : memref<80x128xf32, #tpu.memory_space<vmem>> -> memref<40x128xf32, #tpu.memory_space<vmem>>
    %dma_wait3A_53 = arith.constant 9960 : i32
    %dma_wait3A_54 = tpu.memref_slice %arg7[%dma_wait3A_53] : memref<10000xi32, #tpu.memory_space<vmem>> -> memref<40xi32, #tpu.memory_space<vmem>>
    %dma_wait3A_55 = arith.constant 0 : i32
    %dma_wait3A_56 = arith.constant 0 : i32
    %dma_wait3A_57 = tpu.memref_slice %arg2[%dma_wait3A_55, %dma_wait3A_56] : memref<5000x128xf32, #tpu.memory_space<hbm>> -> memref<5000x128xf32, #tpu.memory_space<hbm>>
    tpu.wait_indirect_dma semaphore(%arg13 : memref<!tpu.dma_semaphore, #tpu.memory_space<semaphore_mem>>) src(%dma_wait3A_57 : memref<5000x128xf32, #tpu.memory_space<hbm>>) dst(%dma_wait3A_52 : memref<40x128xf32, #tpu.memory_space<vmem>>)
    %run_scoped3A = arith.constant 124 : i32
    "tpu.region"() ({
      %run_scoped3A_63 = tpu.sem_alloc : memref<!tpu.dma_semaphore, #tpu.memory_space<semaphore_mem>>
      %dma_start3A_64 = arith.constant 0 : i32
      %dma_start3A_65 = tpu.memref_slice %arg8[%run_scoped3A, %dma_start3A_64] : memref<125x80xi32, #tpu.memory_space<vmem>> -> memref<1x80xi32, #tpu.memory_space<vmem>>
      %dma_start3A_66 = tpu.memref_squeeze %dma_start3A_65 : memref<1x80xi32, #tpu.memory_space<vmem>> -> memref<80xi32, #tpu.memory_space<vmem>>
      %dma_start3A_67 = arith.constant 0 : i32
      %dma_start3A_68 = arith.constant 0 : i32
      %dma_start3A_69 = tpu.memref_slice %arg11[%dma_start3A_67, %dma_start3A_68] : memref<10112x128xf32, #tpu.memory_space<vmem_shared>> -> memref<10112x128xf32, #tpu.memory_space<vmem_shared>>
      tpu.enqueue_indirect_dma source(%arg9 : memref<80x128xf32, #tpu.memory_space<vmem>>) target(%dma_start3A_69 : memref<10112x128xf32, #tpu.memory_space<vmem_shared>>) offsets(%dma_start3A_66 : memref<80xi32, #tpu.memory_space<vmem>>) semaphore(%run_scoped3A_63 : memref<!tpu.dma_semaphore, #tpu.memory_space<semaphore_mem>>) {add = true}
      %dma_wait3A_70 = arith.constant 0 : i32
      %dma_wait3A_71 = tpu.memref_slice %arg8[%run_scoped3A, %dma_wait3A_70] : memref<125x80xi32, #tpu.memory_space<vmem>> -> memref<1x80xi32, #tpu.memory_space<vmem>>
      %dma_wait3A_72 = tpu.memref_squeeze %dma_wait3A_71 : memref<1x80xi32, #tpu.memory_space<vmem>> -> memref<80xi32, #tpu.memory_space<vmem>>
      %dma_wait3A_73 = arith.constant 0 : i32
      %dma_wait3A_74 = arith.constant 0 : i32
      %dma_wait3A_75 = tpu.memref_slice %arg11[%dma_wait3A_73, %dma_wait3A_74] : memref<10112x128xf32, #tpu.memory_space<vmem_shared>> -> memref<10112x128xf32, #tpu.memory_space<vmem_shared>>
      tpu.wait_indirect_dma semaphore(%run_scoped3A_63 : memref<!tpu.dma_semaphore, #tpu.memory_space<semaphore_mem>>) src(%arg9 : memref<80x128xf32, #tpu.memory_space<vmem>>) dst(%dma_wait3A_75 : memref<10112x128xf32, #tpu.memory_space<vmem_shared>>)
      tpu.yield
    }) : () -> ()
    %barrier3A_58 = arith.constant 0 : index
    tpu.barrier barrier_id(%barrier3A_58)
    %mul3A_59 = arith.constant 632 : i32
    %mul3A_60 = arith.muli %arg1, %mul3A_59 : i32
    %mul3A_61 = arith.constant 632 : i32
    %mul3A_62 = arith.muli %arg1, %mul3A_61 : i32
    "tpu.region"() ({
      %run_scoped3A_63 = tpu.sem_alloc : memref<!tpu.dma_semaphore, #tpu.memory_space<semaphore_mem>>
      %dma_start3A_64 = arith.constant 0 : i32
      %dma_start3A_65 = tpu.memref_slice %arg6[%arg0, %mul3A_62, %dma_start3A_64] : memref<2x10112x128xf32, #tpu.memory_space<hbm>> -> memref<1x632x128xf32, #tpu.memory_space<hbm>>
      %dma_start3A_66 = tpu.memref_squeeze %dma_start3A_65 : memref<1x632x128xf32, #tpu.memory_space<hbm>> -> memref<632x128xf32, #tpu.memory_space<hbm>>
      %dma_start3A_67 = arith.constant 0 : i32
      %dma_start3A_68 = tpu.memref_slice %arg11[%mul3A_60, %dma_start3A_67] : memref<10112x128xf32, #tpu.memory_space<vmem_shared>> -> memref<632x128xf32, #tpu.memory_space<vmem_shared>>
      tpu.enqueue_dma source(%dma_start3A_68 : memref<632x128xf32, #tpu.memory_space<vmem_shared>>) target(%dma_start3A_66 : memref<632x128xf32, #tpu.memory_space<hbm>>) target_semaphore(%run_scoped3A_63 : memref<!tpu.dma_semaphore, #tpu.memory_space<semaphore_mem>>)
      %dma_wait3A_69 = arith.constant 0 : i32
      %dma_wait3A_70 = tpu.memref_slice %arg6[%arg0, %mul3A_62, %dma_wait3A_69] : memref<2x10112x128xf32, #tpu.memory_space<hbm>> -> memref<1x632x128xf32, #tpu.memory_space<hbm>>
      %dma_wait3A_71 = tpu.memref_squeeze %dma_wait3A_70 : memref<1x632x128xf32, #tpu.memory_space<hbm>> -> memref<632x128xf32, #tpu.memory_space<hbm>>
      %dma_wait3A_72 = arith.constant 0 : i32
      %dma_wait3A_73 = tpu.memref_slice %arg11[%mul3A_60, %dma_wait3A_72] : memref<10112x128xf32, #tpu.memory_space<vmem_shared>> -> memref<632x128xf32, #tpu.memory_space<vmem_shared>>
      tpu.wait_dma2 semaphore(%run_scoped3A_63 : memref<!tpu.dma_semaphore, #tpu.memory_space<semaphore_mem>>) src(%dma_wait3A_73 : memref<632x128xf32, #tpu.memory_space<vmem_shared>>) dst(%dma_wait3A_71 : memref<632x128xf32, #tpu.memory_space<hbm>>)
      tpu.yield
    }) : () -> ()
    return
  }
}

#map = affine_map<(d0, d1) -> (0, 0)>
#map1 = affine_map<(d0, d1) -> (0)>
#map2 = affine_map<(d0, d1) -> (0, 0, 0)>
module attributes {stable_mosaic.version = 14 : i64} {
  func.func @seg_sum(%arg0: i32, %arg1: i32, %arg2: memref<10000x128xf32, #tpu.memory_space<hbm>>, %arg3: memref<320000xi32, #tpu.memory_space<hbm>>, %arg4: memref<32x125x80xi32, #tpu.memory_space<hbm>>, %arg5: memref<10112x128xf32, #tpu.memory_space<hbm>>, %arg6: memref<2x5120x128xf32, #tpu.memory_space<hbm>>, %arg7: memref<10000xi32, #tpu.memory_space<vmem>>, %arg8: memref<125x80xi32, #tpu.memory_space<vmem>>, %arg9: memref<80x128xf32, #tpu.memory_space<vmem>>, %arg10: memref<80x128xf32, #tpu.memory_space<vmem>>, %arg11: memref<5120x128xf32, #tpu.memory_space<vmem_shared>>, %arg12: memref<!tpu.dma_semaphore, #tpu.memory_space<semaphore_mem>>, %arg13: memref<!tpu.dma_semaphore, #tpu.memory_space<semaphore_mem>>, %arg14: memref<!tpu.dma_semaphore, #tpu.memory_space<semaphore_mem>>, %arg15: memref<!tpu.dma_semaphore, #tpu.memory_space<semaphore_mem>>) attributes {dimension_semantics = [#tpu.dimension_semantics<core_parallel>, #tpu.dimension_semantics<subcore_parallel>], iteration_bounds = array<i64: 2, 16>, scalar_prefetch = 0 : i64, scratch_operands = 9 : i64, tpu.core_type = #tpu.core_type<sc_vector_subcore>, window_params = [{transform_indices = #map}, {transform_indices = #map1}, {transform_indices = #map2}, {transform_indices = #map}, {transform_indices = #map2}]} {
    %mul3A = arith.constant 2 : i32
    %mul3A_0 = arith.muli %arg1, %mul3A : i32
    %add3A = arith.addi %mul3A_0, %arg0 : i32
    %mul3A_1 = arith.constant 320 : i32
    %mul3A_2 = arith.muli %arg1, %mul3A_1 : i32
    %mul3A_3 = arith.constant 320 : i32
    %mul3A_4 = arith.muli %arg1, %mul3A_3 : i32
    "tpu.region"() ({
      %run_scoped3A_63 = tpu.sem_alloc : memref<!tpu.dma_semaphore, #tpu.memory_space<semaphore_mem>>
      %dma_start3A_64 = arith.constant 0 : i32
      %dma_start3A_65 = tpu.memref_slice %arg11[%mul3A_4, %dma_start3A_64] : memref<5120x128xf32, #tpu.memory_space<vmem_shared>> -> memref<320x128xf32, #tpu.memory_space<vmem_shared>>
      %dma_start3A_66 = arith.constant 0 : i32
      %dma_start3A_67 = tpu.memref_slice %arg5[%mul3A_2, %dma_start3A_66] : memref<10112x128xf32, #tpu.memory_space<hbm>> -> memref<320x128xf32, #tpu.memory_space<hbm>>
      tpu.enqueue_dma source(%dma_start3A_67 : memref<320x128xf32, #tpu.memory_space<hbm>>) target(%dma_start3A_65 : memref<320x128xf32, #tpu.memory_space<vmem_shared>>) target_semaphore(%run_scoped3A_63 : memref<!tpu.dma_semaphore, #tpu.memory_space<semaphore_mem>>)
      %dma_wait3A_68 = arith.constant 0 : i32
      %dma_wait3A_69 = tpu.memref_slice %arg11[%mul3A_4, %dma_wait3A_68] : memref<5120x128xf32, #tpu.memory_space<vmem_shared>> -> memref<320x128xf32, #tpu.memory_space<vmem_shared>>
      %dma_wait3A_70 = arith.constant 0 : i32
      %dma_wait3A_71 = tpu.memref_slice %arg5[%mul3A_2, %dma_wait3A_70] : memref<10112x128xf32, #tpu.memory_space<hbm>> -> memref<320x128xf32, #tpu.memory_space<hbm>>
      tpu.wait_dma2 semaphore(%run_scoped3A_63 : memref<!tpu.dma_semaphore, #tpu.memory_space<semaphore_mem>>) src(%dma_wait3A_71 : memref<320x128xf32, #tpu.memory_space<hbm>>) dst(%dma_wait3A_69 : memref<320x128xf32, #tpu.memory_space<vmem_shared>>)
      tpu.yield
    }) : () -> ()
    %mul3A_5 = arith.constant 10000 : i32
    %mul3A_6 = arith.muli %add3A, %mul3A_5 : i32
    "tpu.region"() ({
      %run_scoped3A_63 = tpu.sem_alloc : memref<!tpu.dma_semaphore, #tpu.memory_space<semaphore_mem>>
      %dma_start3A_64 = tpu.memref_slice %arg3[%mul3A_6] : memref<320000xi32, #tpu.memory_space<hbm>> -> memref<10000xi32, #tpu.memory_space<hbm>>
      %dma_start3A_65 = tpu.memref_slice %arg3[%mul3A_6] : memref<320000xi32, #tpu.memory_space<hbm>> -> memref<10000xi32, #tpu.memory_space<hbm>>
      tpu.enqueue_dma source(%dma_start3A_65 : memref<10000xi32, #tpu.memory_space<hbm>>) target(%arg7 : memref<10000xi32, #tpu.memory_space<vmem>>) target_semaphore(%run_scoped3A_63 : memref<!tpu.dma_semaphore, #tpu.memory_space<semaphore_mem>>)
      %dma_wait3A_66 = tpu.memref_slice %arg3[%mul3A_6] : memref<320000xi32, #tpu.memory_space<hbm>> -> memref<10000xi32, #tpu.memory_space<hbm>>
      %dma_wait3A_67 = tpu.memref_slice %arg3[%mul3A_6] : memref<320000xi32, #tpu.memory_space<hbm>> -> memref<10000xi32, #tpu.memory_space<hbm>>
      tpu.wait_dma2 semaphore(%run_scoped3A_63 : memref<!tpu.dma_semaphore, #tpu.memory_space<semaphore_mem>>) src(%dma_wait3A_67 : memref<10000xi32, #tpu.memory_space<hbm>>) dst(%arg7 : memref<10000xi32, #tpu.memory_space<vmem>>)
      tpu.yield
    }) : () -> ()
    "tpu.region"() ({
      %run_scoped3A_63 = tpu.sem_alloc : memref<!tpu.dma_semaphore, #tpu.memory_space<semaphore_mem>>
      %dma_start3A_64 = arith.constant 0 : i32
      %dma_start3A_65 = arith.constant 0 : i32
      %dma_start3A_66 = tpu.memref_slice %arg4[%add3A, %dma_start3A_64, %dma_start3A_65] : memref<32x125x80xi32, #tpu.memory_space<hbm>> -> memref<1x125x80xi32, #tpu.memory_space<hbm>>
      %dma_start3A_67 = tpu.memref_squeeze %dma_start3A_66 : memref<1x125x80xi32, #tpu.memory_space<hbm>> -> memref<125x80xi32, #tpu.memory_space<hbm>>
      %dma_start3A_68 = arith.constant 0 : i32
      %dma_start3A_69 = arith.constant 0 : i32
      %dma_start3A_70 = tpu.memref_slice %arg4[%add3A, %dma_start3A_68, %dma_start3A_69] : memref<32x125x80xi32, #tpu.memory_space<hbm>> -> memref<1x125x80xi32, #tpu.memory_space<hbm>>
      %dma_start3A_71 = tpu.memref_squeeze %dma_start3A_70 : memref<1x125x80xi32, #tpu.memory_space<hbm>> -> memref<125x80xi32, #tpu.memory_space<hbm>>
      tpu.enqueue_dma source(%dma_start3A_71 : memref<125x80xi32, #tpu.memory_space<hbm>>) target(%arg8 : memref<125x80xi32, #tpu.memory_space<vmem>>) target_semaphore(%run_scoped3A_63 : memref<!tpu.dma_semaphore, #tpu.memory_space<semaphore_mem>>)
      %dma_wait3A_72 = arith.constant 0 : i32
      %dma_wait3A_73 = arith.constant 0 : i32
      %dma_wait3A_74 = tpu.memref_slice %arg4[%add3A, %dma_wait3A_72, %dma_wait3A_73] : memref<32x125x80xi32, #tpu.memory_space<hbm>> -> memref<1x125x80xi32, #tpu.memory_space<hbm>>
      %dma_wait3A_75 = tpu.memref_squeeze %dma_wait3A_74 : memref<1x125x80xi32, #tpu.memory_space<hbm>> -> memref<125x80xi32, #tpu.memory_space<hbm>>
      %dma_wait3A_76 = arith.constant 0 : i32
      %dma_wait3A_77 = arith.constant 0 : i32
      %dma_wait3A_78 = tpu.memref_slice %arg4[%add3A, %dma_wait3A_76, %dma_wait3A_77] : memref<32x125x80xi32, #tpu.memory_space<hbm>> -> memref<1x125x80xi32, #tpu.memory_space<hbm>>
      %dma_wait3A_79 = tpu.memref_squeeze %dma_wait3A_78 : memref<1x125x80xi32, #tpu.memory_space<hbm>> -> memref<125x80xi32, #tpu.memory_space<hbm>>
      tpu.wait_dma2 semaphore(%run_scoped3A_63 : memref<!tpu.dma_semaphore, #tpu.memory_space<semaphore_mem>>) src(%dma_wait3A_79 : memref<125x80xi32, #tpu.memory_space<hbm>>) dst(%arg8 : memref<125x80xi32, #tpu.memory_space<vmem>>)
      tpu.yield
    }) : () -> ()
    %barrier3A = arith.constant 0 : index
    tpu.barrier barrier_id(%barrier3A)
    %dma_start3A = arith.constant 0 : i32
    %dma_start3A_7 = arith.constant 0 : i32
    %dma_start3A_8 = tpu.memref_slice %arg9[%dma_start3A, %dma_start3A_7] : memref<80x128xf32, #tpu.memory_space<vmem>> -> memref<40x128xf32, #tpu.memory_space<vmem>>
    %dma_start3A_9 = arith.constant 0 : i32
    %dma_start3A_10 = tpu.memref_slice %arg7[%dma_start3A_9] : memref<10000xi32, #tpu.memory_space<vmem>> -> memref<40xi32, #tpu.memory_space<vmem>>
    %dma_start3A_11 = arith.constant 0 : i32
    %dma_start3A_12 = arith.constant 0 : i32
    %dma_start3A_13 = tpu.memref_slice %arg2[%dma_start3A_11, %dma_start3A_12] : memref<10000x128xf32, #tpu.memory_space<hbm>> -> memref<10000x128xf32, #tpu.memory_space<hbm>>
    tpu.enqueue_indirect_dma source(%dma_start3A_13 : memref<10000x128xf32, #tpu.memory_space<hbm>>) target(%dma_start3A_8 : memref<40x128xf32, #tpu.memory_space<vmem>>) offsets(%dma_start3A_10 : memref<40xi32, #tpu.memory_space<vmem>>) semaphore(%arg12 : memref<!tpu.dma_semaphore, #tpu.memory_space<semaphore_mem>>)
    %dma_start3A_14 = arith.constant 40 : i32
    %dma_start3A_15 = arith.constant 0 : i32
    %dma_start3A_16 = tpu.memref_slice %arg9[%dma_start3A_14, %dma_start3A_15] : memref<80x128xf32, #tpu.memory_space<vmem>> -> memref<40x128xf32, #tpu.memory_space<vmem>>
    %dma_start3A_17 = arith.constant 40 : i32
    %dma_start3A_18 = tpu.memref_slice %arg7[%dma_start3A_17] : memref<10000xi32, #tpu.memory_space<vmem>> -> memref<40xi32, #tpu.memory_space<vmem>>
    %dma_start3A_19 = arith.constant 0 : i32
    %dma_start3A_20 = arith.constant 0 : i32
    %dma_start3A_21 = tpu.memref_slice %arg2[%dma_start3A_19, %dma_start3A_20] : memref<10000x128xf32, #tpu.memory_space<hbm>> -> memref<10000x128xf32, #tpu.memory_space<hbm>>
    tpu.enqueue_indirect_dma source(%dma_start3A_21 : memref<10000x128xf32, #tpu.memory_space<hbm>>) target(%dma_start3A_16 : memref<40x128xf32, #tpu.memory_space<vmem>>) offsets(%dma_start3A_18 : memref<40xi32, #tpu.memory_space<vmem>>) semaphore(%arg13 : memref<!tpu.dma_semaphore, #tpu.memory_space<semaphore_mem>>)
    %dma_start3A_22 = arith.constant 0 : i32
    %dma_start3A_23 = arith.constant 0 : i32
    %dma_start3A_24 = tpu.memref_slice %arg10[%dma_start3A_22, %dma_start3A_23] : memref<80x128xf32, #tpu.memory_space<vmem>> -> memref<40x128xf32, #tpu.memory_space<vmem>>
    %dma_start3A_25 = arith.constant 80 : i32
    %dma_start3A_26 = tpu.memref_slice %arg7[%dma_start3A_25] : memref<10000xi32, #tpu.memory_space<vmem>> -> memref<40xi32, #tpu.memory_space<vmem>>
    %dma_start3A_27 = arith.constant 0 : i32
    %dma_start3A_28 = arith.constant 0 : i32
    %dma_start3A_29 = tpu.memref_slice %arg2[%dma_start3A_27, %dma_start3A_28] : memref<10000x128xf32, #tpu.memory_space<hbm>> -> memref<10000x128xf32, #tpu.memory_space<hbm>>
    tpu.enqueue_indirect_dma source(%dma_start3A_29 : memref<10000x128xf32, #tpu.memory_space<hbm>>) target(%dma_start3A_24 : memref<40x128xf32, #tpu.memory_space<vmem>>) offsets(%dma_start3A_26 : memref<40xi32, #tpu.memory_space<vmem>>) semaphore(%arg14 : memref<!tpu.dma_semaphore, #tpu.memory_space<semaphore_mem>>)
    %dma_start3A_30 = arith.constant 40 : i32
    %dma_start3A_31 = arith.constant 0 : i32
    %dma_start3A_32 = tpu.memref_slice %arg10[%dma_start3A_30, %dma_start3A_31] : memref<80x128xf32, #tpu.memory_space<vmem>> -> memref<40x128xf32, #tpu.memory_space<vmem>>
    %dma_start3A_33 = arith.constant 120 : i32
    %dma_start3A_34 = tpu.memref_slice %arg7[%dma_start3A_33] : memref<10000xi32, #tpu.memory_space<vmem>> -> memref<40xi32, #tpu.memory_space<vmem>>
    %dma_start3A_35 = arith.constant 0 : i32
    %dma_start3A_36 = arith.constant 0 : i32
    %dma_start3A_37 = tpu.memref_slice %arg2[%dma_start3A_35, %dma_start3A_36] : memref<10000x128xf32, #tpu.memory_space<hbm>> -> memref<10000x128xf32, #tpu.memory_space<hbm>>
    tpu.enqueue_indirect_dma source(%dma_start3A_37 : memref<10000x128xf32, #tpu.memory_space<hbm>>) target(%dma_start3A_32 : memref<40x128xf32, #tpu.memory_space<vmem>>) offsets(%dma_start3A_34 : memref<40xi32, #tpu.memory_space<vmem>>) semaphore(%arg15 : memref<!tpu.dma_semaphore, #tpu.memory_space<semaphore_mem>>)
    %scan3A = arith.constant 0 : i32
    %scan3A_38 = arith.constant 0 : i32
    %scan3A_39 = arith.constant 62 : i32
    %scan3A_40 = arith.addi %scan3A_38, %scan3A_39 : i32
    %scan3A_41 = arith.constant 1 : i32
    scf.for %scan3A_63 = %scan3A_38 to %scan3A_40 step %scan3A_41  : i32 {
      %mul3A_64 = arith.constant 4 : i32
      %mul3A_65 = arith.muli %mul3A_64, %scan3A_63 : i32
      %mul3A_66 = arith.constant 40 : i32
      %mul3A_67 = arith.muli %mul3A_65, %mul3A_66 : i32
      %dma_wait3A_68 = arith.constant 0 : i32
      %dma_wait3A_69 = arith.constant 0 : i32
      %dma_wait3A_70 = tpu.memref_slice %arg9[%dma_wait3A_68, %dma_wait3A_69] : memref<80x128xf32, #tpu.memory_space<vmem>> -> memref<40x128xf32, #tpu.memory_space<vmem>>
      %dma_wait3A_71 = tpu.memref_slice %arg7[%mul3A_67] : memref<10000xi32, #tpu.memory_space<vmem>> -> memref<40xi32, #tpu.memory_space<vmem>>
      %dma_wait3A_72 = arith.constant 0 : i32
      %dma_wait3A_73 = arith.constant 0 : i32
      %dma_wait3A_74 = tpu.memref_slice %arg2[%dma_wait3A_72, %dma_wait3A_73] : memref<10000x128xf32, #tpu.memory_space<hbm>> -> memref<10000x128xf32, #tpu.memory_space<hbm>>
      tpu.wait_indirect_dma semaphore(%arg12 : memref<!tpu.dma_semaphore, #tpu.memory_space<semaphore_mem>>) src(%dma_wait3A_74 : memref<10000x128xf32, #tpu.memory_space<hbm>>) dst(%dma_wait3A_70 : memref<40x128xf32, #tpu.memory_space<vmem>>)
      %add3A_75 = arith.constant 1 : i32
      %add3A_76 = arith.addi %mul3A_65, %add3A_75 : i32
      %mul3A_77 = arith.constant 40 : i32
      %mul3A_78 = arith.muli %add3A_76, %mul3A_77 : i32
      %dma_wait3A_79 = arith.constant 40 : i32
      %dma_wait3A_80 = arith.constant 0 : i32
      %dma_wait3A_81 = tpu.memref_slice %arg9[%dma_wait3A_79, %dma_wait3A_80] : memref<80x128xf32, #tpu.memory_space<vmem>> -> memref<40x128xf32, #tpu.memory_space<vmem>>
      %dma_wait3A_82 = tpu.memref_slice %arg7[%mul3A_78] : memref<10000xi32, #tpu.memory_space<vmem>> -> memref<40xi32, #tpu.memory_space<vmem>>
      %dma_wait3A_83 = arith.constant 0 : i32
      %dma_wait3A_84 = arith.constant 0 : i32
      %dma_wait3A_85 = tpu.memref_slice %arg2[%dma_wait3A_83, %dma_wait3A_84] : memref<10000x128xf32, #tpu.memory_space<hbm>> -> memref<10000x128xf32, #tpu.memory_space<hbm>>
      tpu.wait_indirect_dma semaphore(%arg13 : memref<!tpu.dma_semaphore, #tpu.memory_space<semaphore_mem>>) src(%dma_wait3A_85 : memref<10000x128xf32, #tpu.memory_space<hbm>>) dst(%dma_wait3A_81 : memref<40x128xf32, #tpu.memory_space<vmem>>)
      %mul3A_86 = arith.constant 2 : i32
      %mul3A_87 = arith.muli %mul3A_86, %scan3A_63 : i32
      "tpu.region"() ({
        %run_scoped3A_147 = tpu.sem_alloc : memref<!tpu.dma_semaphore, #tpu.memory_space<semaphore_mem>>
        %dma_start3A_148 = arith.constant 0 : i32
        %dma_start3A_149 = tpu.memref_slice %arg8[%mul3A_87, %dma_start3A_148] : memref<125x80xi32, #tpu.memory_space<vmem>> -> memref<1x80xi32, #tpu.memory_space<vmem>>
        %dma_start3A_150 = tpu.memref_squeeze %dma_start3A_149 : memref<1x80xi32, #tpu.memory_space<vmem>> -> memref<80xi32, #tpu.memory_space<vmem>>
        %dma_start3A_151 = arith.constant 0 : i32
        %dma_start3A_152 = arith.constant 0 : i32
        %dma_start3A_153 = tpu.memref_slice %arg11[%dma_start3A_151, %dma_start3A_152] : memref<5120x128xf32, #tpu.memory_space<vmem_shared>> -> memref<5120x128xf32, #tpu.memory_space<vmem_shared>>
        tpu.enqueue_indirect_dma source(%arg9 : memref<80x128xf32, #tpu.memory_space<vmem>>) target(%dma_start3A_153 : memref<5120x128xf32, #tpu.memory_space<vmem_shared>>) offsets(%dma_start3A_150 : memref<80xi32, #tpu.memory_space<vmem>>) semaphore(%run_scoped3A_147 : memref<!tpu.dma_semaphore, #tpu.memory_space<semaphore_mem>>) {add = true}
        %dma_wait3A_154 = arith.constant 0 : i32
        %dma_wait3A_155 = tpu.memref_slice %arg8[%mul3A_87, %dma_wait3A_154] : memref<125x80xi32, #tpu.memory_space<vmem>> -> memref<1x80xi32, #tpu.memory_space<vmem>>
        %dma_wait3A_156 = tpu.memref_squeeze %dma_wait3A_155 : memref<1x80xi32, #tpu.memory_space<vmem>> -> memref<80xi32, #tpu.memory_space<vmem>>
        %dma_wait3A_157 = arith.constant 0 : i32
        %dma_wait3A_158 = arith.constant 0 : i32
        %dma_wait3A_159 = tpu.memref_slice %arg11[%dma_wait3A_157, %dma_wait3A_158] : memref<5120x128xf32, #tpu.memory_space<vmem_shared>> -> memref<5120x128xf32, #tpu.memory_space<vmem_shared>>
        tpu.wait_indirect_dma semaphore(%run_scoped3A_147 : memref<!tpu.dma_semaphore, #tpu.memory_space<semaphore_mem>>) src(%arg9 : memref<80x128xf32, #tpu.memory_space<vmem>>) dst(%dma_wait3A_159 : memref<5120x128xf32, #tpu.memory_space<vmem_shared>>)
        tpu.yield
      }) : () -> ()
      %add3A_88 = arith.constant 4 : i32
      %add3A_89 = arith.addi %mul3A_65, %add3A_88 : i32
      %add3A_90 = arith.constant 0 : i32
      %add3A_91 = arith.addi %add3A_89, %add3A_90 : i32
      %lt3A = arith.constant 250 : i32
      %lt3A_92 = arith.cmpi slt, %add3A_91, %lt3A : i32
      %convert_element_type3A = arith.extui %lt3A_92 : i1 to i32
      %cond3A = arith.constant 0 : i32
      %cond3A_93 = arith.cmpi ne, %convert_element_type3A, %cond3A : i32
      scf.if %cond3A_93 {
        %add3A_147 = arith.constant 4 : i32
        %add3A_148 = arith.addi %mul3A_65, %add3A_147 : i32
        %add3A_149 = arith.constant 0 : i32
        %add3A_150 = arith.addi %add3A_148, %add3A_149 : i32
        %mul3A_151 = arith.constant 40 : i32
        %mul3A_152 = arith.muli %add3A_150, %mul3A_151 : i32
        %dma_start3A_153 = arith.constant 0 : i32
        %dma_start3A_154 = arith.constant 0 : i32
        %dma_start3A_155 = tpu.memref_slice %arg9[%dma_start3A_153, %dma_start3A_154] : memref<80x128xf32, #tpu.memory_space<vmem>> -> memref<40x128xf32, #tpu.memory_space<vmem>>
        %dma_start3A_156 = tpu.memref_slice %arg7[%mul3A_152] : memref<10000xi32, #tpu.memory_space<vmem>> -> memref<40xi32, #tpu.memory_space<vmem>>
        %dma_start3A_157 = arith.constant 0 : i32
        %dma_start3A_158 = arith.constant 0 : i32
        %dma_start3A_159 = tpu.memref_slice %arg2[%dma_start3A_157, %dma_start3A_158] : memref<10000x128xf32, #tpu.memory_space<hbm>> -> memref<10000x128xf32, #tpu.memory_space<hbm>>
        tpu.enqueue_indirect_dma source(%dma_start3A_159 : memref<10000x128xf32, #tpu.memory_space<hbm>>) target(%dma_start3A_155 : memref<40x128xf32, #tpu.memory_space<vmem>>) offsets(%dma_start3A_156 : memref<40xi32, #tpu.memory_space<vmem>>) semaphore(%arg12 : memref<!tpu.dma_semaphore, #tpu.memory_space<semaphore_mem>>)
      } else {
      }
      %add3A_94 = arith.constant 4 : i32
      %add3A_95 = arith.addi %mul3A_65, %add3A_94 : i32
      %add3A_96 = arith.constant 1 : i32
      %add3A_97 = arith.addi %add3A_95, %add3A_96 : i32
      %lt3A_98 = arith.constant 250 : i32
      %lt3A_99 = arith.cmpi slt, %add3A_97, %lt3A_98 : i32
      %convert_element_type3A_100 = arith.extui %lt3A_99 : i1 to i32
      %cond3A_101 = arith.constant 0 : i32
      %cond3A_102 = arith.cmpi ne, %convert_element_type3A_100, %cond3A_101 : i32
      scf.if %cond3A_102 {
        %add3A_147 = arith.constant 4 : i32
        %add3A_148 = arith.addi %mul3A_65, %add3A_147 : i32
        %add3A_149 = arith.constant 1 : i32
        %add3A_150 = arith.addi %add3A_148, %add3A_149 : i32
        %mul3A_151 = arith.constant 40 : i32
        %mul3A_152 = arith.muli %add3A_150, %mul3A_151 : i32
        %dma_start3A_153 = arith.constant 40 : i32
        %dma_start3A_154 = arith.constant 0 : i32
        %dma_start3A_155 = tpu.memref_slice %arg9[%dma_start3A_153, %dma_start3A_154] : memref<80x128xf32, #tpu.memory_space<vmem>> -> memref<40x128xf32, #tpu.memory_space<vmem>>
        %dma_start3A_156 = tpu.memref_slice %arg7[%mul3A_152] : memref<10000xi32, #tpu.memory_space<vmem>> -> memref<40xi32, #tpu.memory_space<vmem>>
        %dma_start3A_157 = arith.constant 0 : i32
        %dma_start3A_158 = arith.constant 0 : i32
        %dma_start3A_159 = tpu.memref_slice %arg2[%dma_start3A_157, %dma_start3A_158] : memref<10000x128xf32, #tpu.memory_space<hbm>> -> memref<10000x128xf32, #tpu.memory_space<hbm>>
        tpu.enqueue_indirect_dma source(%dma_start3A_159 : memref<10000x128xf32, #tpu.memory_space<hbm>>) target(%dma_start3A_155 : memref<40x128xf32, #tpu.memory_space<vmem>>) offsets(%dma_start3A_156 : memref<40xi32, #tpu.memory_space<vmem>>) semaphore(%arg13 : memref<!tpu.dma_semaphore, #tpu.memory_space<semaphore_mem>>)
      } else {
      }
      %add3A_103 = arith.constant 2 : i32
      %add3A_104 = arith.addi %mul3A_65, %add3A_103 : i32
      %mul3A_105 = arith.constant 40 : i32
      %mul3A_106 = arith.muli %add3A_104, %mul3A_105 : i32
      %dma_wait3A_107 = arith.constant 0 : i32
      %dma_wait3A_108 = arith.constant 0 : i32
      %dma_wait3A_109 = tpu.memref_slice %arg10[%dma_wait3A_107, %dma_wait3A_108] : memref<80x128xf32, #tpu.memory_space<vmem>> -> memref<40x128xf32, #tpu.memory_space<vmem>>
      %dma_wait3A_110 = tpu.memref_slice %arg7[%mul3A_106] : memref<10000xi32, #tpu.memory_space<vmem>> -> memref<40xi32, #tpu.memory_space<vmem>>
      %dma_wait3A_111 = arith.constant 0 : i32
      %dma_wait3A_112 = arith.constant 0 : i32
      %dma_wait3A_113 = tpu.memref_slice %arg2[%dma_wait3A_111, %dma_wait3A_112] : memref<10000x128xf32, #tpu.memory_space<hbm>> -> memref<10000x128xf32, #tpu.memory_space<hbm>>
      tpu.wait_indirect_dma semaphore(%arg14 : memref<!tpu.dma_semaphore, #tpu.memory_space<semaphore_mem>>) src(%dma_wait3A_113 : memref<10000x128xf32, #tpu.memory_space<hbm>>) dst(%dma_wait3A_109 : memref<40x128xf32, #tpu.memory_space<vmem>>)
      %add3A_114 = arith.constant 3 : i32
      %add3A_115 = arith.addi %mul3A_65, %add3A_114 : i32
      %mul3A_116 = arith.constant 40 : i32
      %mul3A_117 = arith.muli %add3A_115, %mul3A_116 : i32
      %dma_wait3A_118 = arith.constant 40 : i32
      %dma_wait3A_119 = arith.constant 0 : i32
      %dma_wait3A_120 = tpu.memref_slice %arg10[%dma_wait3A_118, %dma_wait3A_119] : memref<80x128xf32, #tpu.memory_space<vmem>> -> memref<40x128xf32, #tpu.memory_space<vmem>>
      %dma_wait3A_121 = tpu.memref_slice %arg7[%mul3A_117] : memref<10000xi32, #tpu.memory_space<vmem>> -> memref<40xi32, #tpu.memory_space<vmem>>
      %dma_wait3A_122 = arith.constant 0 : i32
      %dma_wait3A_123 = arith.constant 0 : i32
      %dma_wait3A_124 = tpu.memref_slice %arg2[%dma_wait3A_122, %dma_wait3A_123] : memref<10000x128xf32, #tpu.memory_space<hbm>> -> memref<10000x128xf32, #tpu.memory_space<hbm>>
      tpu.wait_indirect_dma semaphore(%arg15 : memref<!tpu.dma_semaphore, #tpu.memory_space<semaphore_mem>>) src(%dma_wait3A_124 : memref<10000x128xf32, #tpu.memory_space<hbm>>) dst(%dma_wait3A_120 : memref<40x128xf32, #tpu.memory_space<vmem>>)
      %mul3A_125 = arith.constant 2 : i32
      %mul3A_126 = arith.muli %mul3A_125, %scan3A_63 : i32
      %add3A_127 = arith.constant 1 : i32
      %add3A_128 = arith.addi %mul3A_126, %add3A_127 : i32
      "tpu.region"() ({
        %run_scoped3A_147 = tpu.sem_alloc : memref<!tpu.dma_semaphore, #tpu.memory_space<semaphore_mem>>
        %dma_start3A_148 = arith.constant 0 : i32
        %dma_start3A_149 = tpu.memref_slice %arg8[%add3A_128, %dma_start3A_148] : memref<125x80xi32, #tpu.memory_space<vmem>> -> memref<1x80xi32, #tpu.memory_space<vmem>>
        %dma_start3A_150 = tpu.memref_squeeze %dma_start3A_149 : memref<1x80xi32, #tpu.memory_space<vmem>> -> memref<80xi32, #tpu.memory_space<vmem>>
        %dma_start3A_151 = arith.constant 0 : i32
        %dma_start3A_152 = arith.constant 0 : i32
        %dma_start3A_153 = tpu.memref_slice %arg11[%dma_start3A_151, %dma_start3A_152] : memref<5120x128xf32, #tpu.memory_space<vmem_shared>> -> memref<5120x128xf32, #tpu.memory_space<vmem_shared>>
        tpu.enqueue_indirect_dma source(%arg10 : memref<80x128xf32, #tpu.memory_space<vmem>>) target(%dma_start3A_153 : memref<5120x128xf32, #tpu.memory_space<vmem_shared>>) offsets(%dma_start3A_150 : memref<80xi32, #tpu.memory_space<vmem>>) semaphore(%run_scoped3A_147 : memref<!tpu.dma_semaphore, #tpu.memory_space<semaphore_mem>>) {add = true}
        %dma_wait3A_154 = arith.constant 0 : i32
        %dma_wait3A_155 = tpu.memref_slice %arg8[%add3A_128, %dma_wait3A_154] : memref<125x80xi32, #tpu.memory_space<vmem>> -> memref<1x80xi32, #tpu.memory_space<vmem>>
        %dma_wait3A_156 = tpu.memref_squeeze %dma_wait3A_155 : memref<1x80xi32, #tpu.memory_space<vmem>> -> memref<80xi32, #tpu.memory_space<vmem>>
        %dma_wait3A_157 = arith.constant 0 : i32
        %dma_wait3A_158 = arith.constant 0 : i32
        %dma_wait3A_159 = tpu.memref_slice %arg11[%dma_wait3A_157, %dma_wait3A_158] : memref<5120x128xf32, #tpu.memory_space<vmem_shared>> -> memref<5120x128xf32, #tpu.memory_space<vmem_shared>>
        tpu.wait_indirect_dma semaphore(%run_scoped3A_147 : memref<!tpu.dma_semaphore, #tpu.memory_space<semaphore_mem>>) src(%arg10 : memref<80x128xf32, #tpu.memory_space<vmem>>) dst(%dma_wait3A_159 : memref<5120x128xf32, #tpu.memory_space<vmem_shared>>)
        tpu.yield
      }) : () -> ()
      %add3A_129 = arith.constant 4 : i32
      %add3A_130 = arith.addi %mul3A_65, %add3A_129 : i32
      %add3A_131 = arith.constant 2 : i32
      %add3A_132 = arith.addi %add3A_130, %add3A_131 : i32
      %lt3A_133 = arith.constant 250 : i32
      %lt3A_134 = arith.cmpi slt, %add3A_132, %lt3A_133 : i32
      %convert_element_type3A_135 = arith.extui %lt3A_134 : i1 to i32
      %cond3A_136 = arith.constant 0 : i32
      %cond3A_137 = arith.cmpi ne, %convert_element_type3A_135, %cond3A_136 : i32
      scf.if %cond3A_137 {
        %add3A_147 = arith.constant 4 : i32
        %add3A_148 = arith.addi %mul3A_65, %add3A_147 : i32
        %add3A_149 = arith.constant 2 : i32
        %add3A_150 = arith.addi %add3A_148, %add3A_149 : i32
        %mul3A_151 = arith.constant 40 : i32
        %mul3A_152 = arith.muli %add3A_150, %mul3A_151 : i32
        %dma_start3A_153 = arith.constant 0 : i32
        %dma_start3A_154 = arith.constant 0 : i32
        %dma_start3A_155 = tpu.memref_slice %arg10[%dma_start3A_153, %dma_start3A_154] : memref<80x128xf32, #tpu.memory_space<vmem>> -> memref<40x128xf32, #tpu.memory_space<vmem>>
        %dma_start3A_156 = tpu.memref_slice %arg7[%mul3A_152] : memref<10000xi32, #tpu.memory_space<vmem>> -> memref<40xi32, #tpu.memory_space<vmem>>
        %dma_start3A_157 = arith.constant 0 : i32
        %dma_start3A_158 = arith.constant 0 : i32
        %dma_start3A_159 = tpu.memref_slice %arg2[%dma_start3A_157, %dma_start3A_158] : memref<10000x128xf32, #tpu.memory_space<hbm>> -> memref<10000x128xf32, #tpu.memory_space<hbm>>
        tpu.enqueue_indirect_dma source(%dma_start3A_159 : memref<10000x128xf32, #tpu.memory_space<hbm>>) target(%dma_start3A_155 : memref<40x128xf32, #tpu.memory_space<vmem>>) offsets(%dma_start3A_156 : memref<40xi32, #tpu.memory_space<vmem>>) semaphore(%arg14 : memref<!tpu.dma_semaphore, #tpu.memory_space<semaphore_mem>>)
      } else {
      }
      %add3A_138 = arith.constant 4 : i32
      %add3A_139 = arith.addi %mul3A_65, %add3A_138 : i32
      %add3A_140 = arith.constant 3 : i32
      %add3A_141 = arith.addi %add3A_139, %add3A_140 : i32
      %lt3A_142 = arith.constant 250 : i32
      %lt3A_143 = arith.cmpi slt, %add3A_141, %lt3A_142 : i32
      %convert_element_type3A_144 = arith.extui %lt3A_143 : i1 to i32
      %cond3A_145 = arith.constant 0 : i32
      %cond3A_146 = arith.cmpi ne, %convert_element_type3A_144, %cond3A_145 : i32
      scf.if %cond3A_146 {
        %add3A_147 = arith.constant 4 : i32
        %add3A_148 = arith.addi %mul3A_65, %add3A_147 : i32
        %add3A_149 = arith.constant 3 : i32
        %add3A_150 = arith.addi %add3A_148, %add3A_149 : i32
        %mul3A_151 = arith.constant 40 : i32
        %mul3A_152 = arith.muli %add3A_150, %mul3A_151 : i32
        %dma_start3A_153 = arith.constant 40 : i32
        %dma_start3A_154 = arith.constant 0 : i32
        %dma_start3A_155 = tpu.memref_slice %arg10[%dma_start3A_153, %dma_start3A_154] : memref<80x128xf32, #tpu.memory_space<vmem>> -> memref<40x128xf32, #tpu.memory_space<vmem>>
        %dma_start3A_156 = tpu.memref_slice %arg7[%mul3A_152] : memref<10000xi32, #tpu.memory_space<vmem>> -> memref<40xi32, #tpu.memory_space<vmem>>
        %dma_start3A_157 = arith.constant 0 : i32
        %dma_start3A_158 = arith.constant 0 : i32
        %dma_start3A_159 = tpu.memref_slice %arg2[%dma_start3A_157, %dma_start3A_158] : memref<10000x128xf32, #tpu.memory_space<hbm>> -> memref<10000x128xf32, #tpu.memory_space<hbm>>
        tpu.enqueue_indirect_dma source(%dma_start3A_159 : memref<10000x128xf32, #tpu.memory_space<hbm>>) target(%dma_start3A_155 : memref<40x128xf32, #tpu.memory_space<vmem>>) offsets(%dma_start3A_156 : memref<40xi32, #tpu.memory_space<vmem>>) semaphore(%arg15 : memref<!tpu.dma_semaphore, #tpu.memory_space<semaphore_mem>>)
      } else {
      }
    }
    %scan3A_42 = arith.constant 62 : i32
    %dma_wait3A = arith.constant 0 : i32
    %dma_wait3A_43 = arith.constant 0 : i32
    %dma_wait3A_44 = tpu.memref_slice %arg9[%dma_wait3A, %dma_wait3A_43] : memref<80x128xf32, #tpu.memory_space<vmem>> -> memref<40x128xf32, #tpu.memory_space<vmem>>
    %dma_wait3A_45 = arith.constant 9920 : i32
    %dma_wait3A_46 = tpu.memref_slice %arg7[%dma_wait3A_45] : memref<10000xi32, #tpu.memory_space<vmem>> -> memref<40xi32, #tpu.memory_space<vmem>>
    %dma_wait3A_47 = arith.constant 0 : i32
    %dma_wait3A_48 = arith.constant 0 : i32
    %dma_wait3A_49 = tpu.memref_slice %arg2[%dma_wait3A_47, %dma_wait3A_48] : memref<10000x128xf32, #tpu.memory_space<hbm>> -> memref<10000x128xf32, #tpu.memory_space<hbm>>
    tpu.wait_indirect_dma semaphore(%arg12 : memref<!tpu.dma_semaphore, #tpu.memory_space<semaphore_mem>>) src(%dma_wait3A_49 : memref<10000x128xf32, #tpu.memory_space<hbm>>) dst(%dma_wait3A_44 : memref<40x128xf32, #tpu.memory_space<vmem>>)
    %dma_wait3A_50 = arith.constant 40 : i32
    %dma_wait3A_51 = arith.constant 0 : i32
    %dma_wait3A_52 = tpu.memref_slice %arg9[%dma_wait3A_50, %dma_wait3A_51] : memref<80x128xf32, #tpu.memory_space<vmem>> -> memref<40x128xf32, #tpu.memory_space<vmem>>
    %dma_wait3A_53 = arith.constant 9960 : i32
    %dma_wait3A_54 = tpu.memref_slice %arg7[%dma_wait3A_53] : memref<10000xi32, #tpu.memory_space<vmem>> -> memref<40xi32, #tpu.memory_space<vmem>>
    %dma_wait3A_55 = arith.constant 0 : i32
    %dma_wait3A_56 = arith.constant 0 : i32
    %dma_wait3A_57 = tpu.memref_slice %arg2[%dma_wait3A_55, %dma_wait3A_56] : memref<10000x128xf32, #tpu.memory_space<hbm>> -> memref<10000x128xf32, #tpu.memory_space<hbm>>
    tpu.wait_indirect_dma semaphore(%arg13 : memref<!tpu.dma_semaphore, #tpu.memory_space<semaphore_mem>>) src(%dma_wait3A_57 : memref<10000x128xf32, #tpu.memory_space<hbm>>) dst(%dma_wait3A_52 : memref<40x128xf32, #tpu.memory_space<vmem>>)
    %run_scoped3A = arith.constant 124 : i32
    "tpu.region"() ({
      %run_scoped3A_63 = tpu.sem_alloc : memref<!tpu.dma_semaphore, #tpu.memory_space<semaphore_mem>>
      %dma_start3A_64 = arith.constant 0 : i32
      %dma_start3A_65 = tpu.memref_slice %arg8[%run_scoped3A, %dma_start3A_64] : memref<125x80xi32, #tpu.memory_space<vmem>> -> memref<1x80xi32, #tpu.memory_space<vmem>>
      %dma_start3A_66 = tpu.memref_squeeze %dma_start3A_65 : memref<1x80xi32, #tpu.memory_space<vmem>> -> memref<80xi32, #tpu.memory_space<vmem>>
      %dma_start3A_67 = arith.constant 0 : i32
      %dma_start3A_68 = arith.constant 0 : i32
      %dma_start3A_69 = tpu.memref_slice %arg11[%dma_start3A_67, %dma_start3A_68] : memref<5120x128xf32, #tpu.memory_space<vmem_shared>> -> memref<5120x128xf32, #tpu.memory_space<vmem_shared>>
      tpu.enqueue_indirect_dma source(%arg9 : memref<80x128xf32, #tpu.memory_space<vmem>>) target(%dma_start3A_69 : memref<5120x128xf32, #tpu.memory_space<vmem_shared>>) offsets(%dma_start3A_66 : memref<80xi32, #tpu.memory_space<vmem>>) semaphore(%run_scoped3A_63 : memref<!tpu.dma_semaphore, #tpu.memory_space<semaphore_mem>>) {add = true}
      %dma_wait3A_70 = arith.constant 0 : i32
      %dma_wait3A_71 = tpu.memref_slice %arg8[%run_scoped3A, %dma_wait3A_70] : memref<125x80xi32, #tpu.memory_space<vmem>> -> memref<1x80xi32, #tpu.memory_space<vmem>>
      %dma_wait3A_72 = tpu.memref_squeeze %dma_wait3A_71 : memref<1x80xi32, #tpu.memory_space<vmem>> -> memref<80xi32, #tpu.memory_space<vmem>>
      %dma_wait3A_73 = arith.constant 0 : i32
      %dma_wait3A_74 = arith.constant 0 : i32
      %dma_wait3A_75 = tpu.memref_slice %arg11[%dma_wait3A_73, %dma_wait3A_74] : memref<5120x128xf32, #tpu.memory_space<vmem_shared>> -> memref<5120x128xf32, #tpu.memory_space<vmem_shared>>
      tpu.wait_indirect_dma semaphore(%run_scoped3A_63 : memref<!tpu.dma_semaphore, #tpu.memory_space<semaphore_mem>>) src(%arg9 : memref<80x128xf32, #tpu.memory_space<vmem>>) dst(%dma_wait3A_75 : memref<5120x128xf32, #tpu.memory_space<vmem_shared>>)
      tpu.yield
    }) : () -> ()
    %barrier3A_58 = arith.constant 0 : index
    tpu.barrier barrier_id(%barrier3A_58)
    %mul3A_59 = arith.constant 320 : i32
    %mul3A_60 = arith.muli %arg1, %mul3A_59 : i32
    %mul3A_61 = arith.constant 320 : i32
    %mul3A_62 = arith.muli %arg1, %mul3A_61 : i32
    "tpu.region"() ({
      %run_scoped3A_63 = tpu.sem_alloc : memref<!tpu.dma_semaphore, #tpu.memory_space<semaphore_mem>>
      %dma_start3A_64 = arith.constant 0 : i32
      %dma_start3A_65 = tpu.memref_slice %arg6[%arg0, %mul3A_62, %dma_start3A_64] : memref<2x5120x128xf32, #tpu.memory_space<hbm>> -> memref<1x320x128xf32, #tpu.memory_space<hbm>>
      %dma_start3A_66 = tpu.memref_squeeze %dma_start3A_65 : memref<1x320x128xf32, #tpu.memory_space<hbm>> -> memref<320x128xf32, #tpu.memory_space<hbm>>
      %dma_start3A_67 = arith.constant 0 : i32
      %dma_start3A_68 = tpu.memref_slice %arg11[%mul3A_60, %dma_start3A_67] : memref<5120x128xf32, #tpu.memory_space<vmem_shared>> -> memref<320x128xf32, #tpu.memory_space<vmem_shared>>
      tpu.enqueue_dma source(%dma_start3A_68 : memref<320x128xf32, #tpu.memory_space<vmem_shared>>) target(%dma_start3A_66 : memref<320x128xf32, #tpu.memory_space<hbm>>) target_semaphore(%run_scoped3A_63 : memref<!tpu.dma_semaphore, #tpu.memory_space<semaphore_mem>>)
      %dma_wait3A_69 = arith.constant 0 : i32
      %dma_wait3A_70 = tpu.memref_slice %arg6[%arg0, %mul3A_62, %dma_wait3A_69] : memref<2x5120x128xf32, #tpu.memory_space<hbm>> -> memref<1x320x128xf32, #tpu.memory_space<hbm>>
      %dma_wait3A_71 = tpu.memref_squeeze %dma_wait3A_70 : memref<1x320x128xf32, #tpu.memory_space<hbm>> -> memref<320x128xf32, #tpu.memory_space<hbm>>
      %dma_wait3A_72 = arith.constant 0 : i32
      %dma_wait3A_73 = tpu.memref_slice %arg11[%mul3A_60, %dma_wait3A_72] : memref<5120x128xf32, #tpu.memory_space<vmem_shared>> -> memref<320x128xf32, #tpu.memory_space<vmem_shared>>
      tpu.wait_dma2 semaphore(%run_scoped3A_63 : memref<!tpu.dma_semaphore, #tpu.memory_space<semaphore_mem>>) src(%dma_wait3A_73 : memref<320x128xf32, #tpu.memory_space<vmem_shared>>) dst(%dma_wait3A_71 : memref<320x128xf32, #tpu.memory_space<hbm>>)
      tpu.yield
    }) : () -> ()
    return
  }
}

#map = affine_map<(d0, d1) -> (0, 0)>
#map1 = affine_map<(d0, d1) -> (0)>
#map2 = affine_map<(d0, d1) -> (0, 0, 0)>
module attributes {stable_mosaic.version = 14 : i64} {
  func.func @seg_sum(%arg0: i32, %arg1: i32, %arg2: memref<5000x128xf32, #tpu.memory_space<hbm>>, %arg3: memref<320000xi32, #tpu.memory_space<hbm>>, %arg4: memref<32x125x80xi32, #tpu.memory_space<hbm>>, %arg5: memref<10112x128xf32, #tpu.memory_space<hbm>>, %arg6: memref<2x10112x128xf32, #tpu.memory_space<hbm>>, %arg7: memref<10000xi32, #tpu.memory_space<vmem>>, %arg8: memref<125x80xi32, #tpu.memory_space<vmem>>, %arg9: memref<80x128xf32, #tpu.memory_space<vmem>>, %arg10: memref<80x128xf32, #tpu.memory_space<vmem>>, %arg11: memref<10112x128xf32, #tpu.memory_space<vmem_shared>>, %arg12: memref<!tpu.dma_semaphore, #tpu.memory_space<semaphore_mem>>, %arg13: memref<!tpu.dma_semaphore, #tpu.memory_space<semaphore_mem>>, %arg14: memref<!tpu.dma_semaphore, #tpu.memory_space<semaphore_mem>>, %arg15: memref<!tpu.dma_semaphore, #tpu.memory_space<semaphore_mem>>) attributes {dimension_semantics = [#tpu.dimension_semantics<core_parallel>, #tpu.dimension_semantics<subcore_parallel>], iteration_bounds = array<i64: 2, 16>, scalar_prefetch = 0 : i64, scratch_operands = 9 : i64, tpu.core_type = #tpu.core_type<sc_vector_subcore>, window_params = [{transform_indices = #map}, {transform_indices = #map1}, {transform_indices = #map2}, {transform_indices = #map}, {transform_indices = #map2}]} {
    %mul3A = arith.constant 2 : i32
    %mul3A_0 = arith.muli %arg1, %mul3A : i32
    %add3A = arith.addi %mul3A_0, %arg0 : i32
    %mul3A_1 = arith.constant 632 : i32
    %mul3A_2 = arith.muli %arg1, %mul3A_1 : i32
    %mul3A_3 = arith.constant 632 : i32
    %mul3A_4 = arith.muli %arg1, %mul3A_3 : i32
    "tpu.region"() ({
      %run_scoped3A_63 = tpu.sem_alloc : memref<!tpu.dma_semaphore, #tpu.memory_space<semaphore_mem>>
      %dma_start3A_64 = arith.constant 0 : i32
      %dma_start3A_65 = tpu.memref_slice %arg11[%mul3A_4, %dma_start3A_64] : memref<10112x128xf32, #tpu.memory_space<vmem_shared>> -> memref<632x128xf32, #tpu.memory_space<vmem_shared>>
      %dma_start3A_66 = arith.constant 0 : i32
      %dma_start3A_67 = tpu.memref_slice %arg5[%mul3A_2, %dma_start3A_66] : memref<10112x128xf32, #tpu.memory_space<hbm>> -> memref<632x128xf32, #tpu.memory_space<hbm>>
      tpu.enqueue_dma source(%dma_start3A_67 : memref<632x128xf32, #tpu.memory_space<hbm>>) target(%dma_start3A_65 : memref<632x128xf32, #tpu.memory_space<vmem_shared>>) target_semaphore(%run_scoped3A_63 : memref<!tpu.dma_semaphore, #tpu.memory_space<semaphore_mem>>)
      %dma_wait3A_68 = arith.constant 0 : i32
      %dma_wait3A_69 = tpu.memref_slice %arg11[%mul3A_4, %dma_wait3A_68] : memref<10112x128xf32, #tpu.memory_space<vmem_shared>> -> memref<632x128xf32, #tpu.memory_space<vmem_shared>>
      %dma_wait3A_70 = arith.constant 0 : i32
      %dma_wait3A_71 = tpu.memref_slice %arg5[%mul3A_2, %dma_wait3A_70] : memref<10112x128xf32, #tpu.memory_space<hbm>> -> memref<632x128xf32, #tpu.memory_space<hbm>>
      tpu.wait_dma2 semaphore(%run_scoped3A_63 : memref<!tpu.dma_semaphore, #tpu.memory_space<semaphore_mem>>) src(%dma_wait3A_71 : memref<632x128xf32, #tpu.memory_space<hbm>>) dst(%dma_wait3A_69 : memref<632x128xf32, #tpu.memory_space<vmem_shared>>)
      tpu.yield
    }) : () -> ()
    %mul3A_5 = arith.constant 10000 : i32
    %mul3A_6 = arith.muli %add3A, %mul3A_5 : i32
    "tpu.region"() ({
      %run_scoped3A_63 = tpu.sem_alloc : memref<!tpu.dma_semaphore, #tpu.memory_space<semaphore_mem>>
      %dma_start3A_64 = tpu.memref_slice %arg3[%mul3A_6] : memref<320000xi32, #tpu.memory_space<hbm>> -> memref<10000xi32, #tpu.memory_space<hbm>>
      %dma_start3A_65 = tpu.memref_slice %arg3[%mul3A_6] : memref<320000xi32, #tpu.memory_space<hbm>> -> memref<10000xi32, #tpu.memory_space<hbm>>
      tpu.enqueue_dma source(%dma_start3A_65 : memref<10000xi32, #tpu.memory_space<hbm>>) target(%arg7 : memref<10000xi32, #tpu.memory_space<vmem>>) target_semaphore(%run_scoped3A_63 : memref<!tpu.dma_semaphore, #tpu.memory_space<semaphore_mem>>)
      %dma_wait3A_66 = tpu.memref_slice %arg3[%mul3A_6] : memref<320000xi32, #tpu.memory_space<hbm>> -> memref<10000xi32, #tpu.memory_space<hbm>>
      %dma_wait3A_67 = tpu.memref_slice %arg3[%mul3A_6] : memref<320000xi32, #tpu.memory_space<hbm>> -> memref<10000xi32, #tpu.memory_space<hbm>>
      tpu.wait_dma2 semaphore(%run_scoped3A_63 : memref<!tpu.dma_semaphore, #tpu.memory_space<semaphore_mem>>) src(%dma_wait3A_67 : memref<10000xi32, #tpu.memory_space<hbm>>) dst(%arg7 : memref<10000xi32, #tpu.memory_space<vmem>>)
      tpu.yield
    }) : () -> ()
    "tpu.region"() ({
      %run_scoped3A_63 = tpu.sem_alloc : memref<!tpu.dma_semaphore, #tpu.memory_space<semaphore_mem>>
      %dma_start3A_64 = arith.constant 0 : i32
      %dma_start3A_65 = arith.constant 0 : i32
      %dma_start3A_66 = tpu.memref_slice %arg4[%add3A, %dma_start3A_64, %dma_start3A_65] : memref<32x125x80xi32, #tpu.memory_space<hbm>> -> memref<1x125x80xi32, #tpu.memory_space<hbm>>
      %dma_start3A_67 = tpu.memref_squeeze %dma_start3A_66 : memref<1x125x80xi32, #tpu.memory_space<hbm>> -> memref<125x80xi32, #tpu.memory_space<hbm>>
      %dma_start3A_68 = arith.constant 0 : i32
      %dma_start3A_69 = arith.constant 0 : i32
      %dma_start3A_70 = tpu.memref_slice %arg4[%add3A, %dma_start3A_68, %dma_start3A_69] : memref<32x125x80xi32, #tpu.memory_space<hbm>> -> memref<1x125x80xi32, #tpu.memory_space<hbm>>
      %dma_start3A_71 = tpu.memref_squeeze %dma_start3A_70 : memref<1x125x80xi32, #tpu.memory_space<hbm>> -> memref<125x80xi32, #tpu.memory_space<hbm>>
      tpu.enqueue_dma source(%dma_start3A_71 : memref<125x80xi32, #tpu.memory_space<hbm>>) target(%arg8 : memref<125x80xi32, #tpu.memory_space<vmem>>) target_semaphore(%run_scoped3A_63 : memref<!tpu.dma_semaphore, #tpu.memory_space<semaphore_mem>>)
      %dma_wait3A_72 = arith.constant 0 : i32
      %dma_wait3A_73 = arith.constant 0 : i32
      %dma_wait3A_74 = tpu.memref_slice %arg4[%add3A, %dma_wait3A_72, %dma_wait3A_73] : memref<32x125x80xi32, #tpu.memory_space<hbm>> -> memref<1x125x80xi32, #tpu.memory_space<hbm>>
      %dma_wait3A_75 = tpu.memref_squeeze %dma_wait3A_74 : memref<1x125x80xi32, #tpu.memory_space<hbm>> -> memref<125x80xi32, #tpu.memory_space<hbm>>
      %dma_wait3A_76 = arith.constant 0 : i32
      %dma_wait3A_77 = arith.constant 0 : i32
      %dma_wait3A_78 = tpu.memref_slice %arg4[%add3A, %dma_wait3A_76, %dma_wait3A_77] : memref<32x125x80xi32, #tpu.memory_space<hbm>> -> memref<1x125x80xi32, #tpu.memory_space<hbm>>
      %dma_wait3A_79 = tpu.memref_squeeze %dma_wait3A_78 : memref<1x125x80xi32, #tpu.memory_space<hbm>> -> memref<125x80xi32, #tpu.memory_space<hbm>>
      tpu.wait_dma2 semaphore(%run_scoped3A_63 : memref<!tpu.dma_semaphore, #tpu.memory_space<semaphore_mem>>) src(%dma_wait3A_79 : memref<125x80xi32, #tpu.memory_space<hbm>>) dst(%arg8 : memref<125x80xi32, #tpu.memory_space<vmem>>)
      tpu.yield
    }) : () -> ()
    %barrier3A = arith.constant 0 : index
    tpu.barrier barrier_id(%barrier3A)
    %dma_start3A = arith.constant 0 : i32
    %dma_start3A_7 = arith.constant 0 : i32
    %dma_start3A_8 = tpu.memref_slice %arg9[%dma_start3A, %dma_start3A_7] : memref<80x128xf32, #tpu.memory_space<vmem>> -> memref<40x128xf32, #tpu.memory_space<vmem>>
    %dma_start3A_9 = arith.constant 0 : i32
    %dma_start3A_10 = tpu.memref_slice %arg7[%dma_start3A_9] : memref<10000xi32, #tpu.memory_space<vmem>> -> memref<40xi32, #tpu.memory_space<vmem>>
    %dma_start3A_11 = arith.constant 0 : i32
    %dma_start3A_12 = arith.constant 0 : i32
    %dma_start3A_13 = tpu.memref_slice %arg2[%dma_start3A_11, %dma_start3A_12] : memref<5000x128xf32, #tpu.memory_space<hbm>> -> memref<5000x128xf32, #tpu.memory_space<hbm>>
    tpu.enqueue_indirect_dma source(%dma_start3A_13 : memref<5000x128xf32, #tpu.memory_space<hbm>>) target(%dma_start3A_8 : memref<40x128xf32, #tpu.memory_space<vmem>>) offsets(%dma_start3A_10 : memref<40xi32, #tpu.memory_space<vmem>>) semaphore(%arg12 : memref<!tpu.dma_semaphore, #tpu.memory_space<semaphore_mem>>)
    %dma_start3A_14 = arith.constant 40 : i32
    %dma_start3A_15 = arith.constant 0 : i32
    %dma_start3A_16 = tpu.memref_slice %arg9[%dma_start3A_14, %dma_start3A_15] : memref<80x128xf32, #tpu.memory_space<vmem>> -> memref<40x128xf32, #tpu.memory_space<vmem>>
    %dma_start3A_17 = arith.constant 40 : i32
    %dma_start3A_18 = tpu.memref_slice %arg7[%dma_start3A_17] : memref<10000xi32, #tpu.memory_space<vmem>> -> memref<40xi32, #tpu.memory_space<vmem>>
    %dma_start3A_19 = arith.constant 0 : i32
    %dma_start3A_20 = arith.constant 0 : i32
    %dma_start3A_21 = tpu.memref_slice %arg2[%dma_start3A_19, %dma_start3A_20] : memref<5000x128xf32, #tpu.memory_space<hbm>> -> memref<5000x128xf32, #tpu.memory_space<hbm>>
    tpu.enqueue_indirect_dma source(%dma_start3A_21 : memref<5000x128xf32, #tpu.memory_space<hbm>>) target(%dma_start3A_16 : memref<40x128xf32, #tpu.memory_space<vmem>>) offsets(%dma_start3A_18 : memref<40xi32, #tpu.memory_space<vmem>>) semaphore(%arg13 : memref<!tpu.dma_semaphore, #tpu.memory_space<semaphore_mem>>)
    %dma_start3A_22 = arith.constant 0 : i32
    %dma_start3A_23 = arith.constant 0 : i32
    %dma_start3A_24 = tpu.memref_slice %arg10[%dma_start3A_22, %dma_start3A_23] : memref<80x128xf32, #tpu.memory_space<vmem>> -> memref<40x128xf32, #tpu.memory_space<vmem>>
    %dma_start3A_25 = arith.constant 80 : i32
    %dma_start3A_26 = tpu.memref_slice %arg7[%dma_start3A_25] : memref<10000xi32, #tpu.memory_space<vmem>> -> memref<40xi32, #tpu.memory_space<vmem>>
    %dma_start3A_27 = arith.constant 0 : i32
    %dma_start3A_28 = arith.constant 0 : i32
    %dma_start3A_29 = tpu.memref_slice %arg2[%dma_start3A_27, %dma_start3A_28] : memref<5000x128xf32, #tpu.memory_space<hbm>> -> memref<5000x128xf32, #tpu.memory_space<hbm>>
    tpu.enqueue_indirect_dma source(%dma_start3A_29 : memref<5000x128xf32, #tpu.memory_space<hbm>>) target(%dma_start3A_24 : memref<40x128xf32, #tpu.memory_space<vmem>>) offsets(%dma_start3A_26 : memref<40xi32, #tpu.memory_space<vmem>>) semaphore(%arg14 : memref<!tpu.dma_semaphore, #tpu.memory_space<semaphore_mem>>)
    %dma_start3A_30 = arith.constant 40 : i32
    %dma_start3A_31 = arith.constant 0 : i32
    %dma_start3A_32 = tpu.memref_slice %arg10[%dma_start3A_30, %dma_start3A_31] : memref<80x128xf32, #tpu.memory_space<vmem>> -> memref<40x128xf32, #tpu.memory_space<vmem>>
    %dma_start3A_33 = arith.constant 120 : i32
    %dma_start3A_34 = tpu.memref_slice %arg7[%dma_start3A_33] : memref<10000xi32, #tpu.memory_space<vmem>> -> memref<40xi32, #tpu.memory_space<vmem>>
    %dma_start3A_35 = arith.constant 0 : i32
    %dma_start3A_36 = arith.constant 0 : i32
    %dma_start3A_37 = tpu.memref_slice %arg2[%dma_start3A_35, %dma_start3A_36] : memref<5000x128xf32, #tpu.memory_space<hbm>> -> memref<5000x128xf32, #tpu.memory_space<hbm>>
    tpu.enqueue_indirect_dma source(%dma_start3A_37 : memref<5000x128xf32, #tpu.memory_space<hbm>>) target(%dma_start3A_32 : memref<40x128xf32, #tpu.memory_space<vmem>>) offsets(%dma_start3A_34 : memref<40xi32, #tpu.memory_space<vmem>>) semaphore(%arg15 : memref<!tpu.dma_semaphore, #tpu.memory_space<semaphore_mem>>)
    %scan3A = arith.constant 0 : i32
    %scan3A_38 = arith.constant 0 : i32
    %scan3A_39 = arith.constant 62 : i32
    %scan3A_40 = arith.addi %scan3A_38, %scan3A_39 : i32
    %scan3A_41 = arith.constant 1 : i32
    scf.for %scan3A_63 = %scan3A_38 to %scan3A_40 step %scan3A_41  : i32 {
      %mul3A_64 = arith.constant 4 : i32
      %mul3A_65 = arith.muli %mul3A_64, %scan3A_63 : i32
      %mul3A_66 = arith.constant 40 : i32
      %mul3A_67 = arith.muli %mul3A_65, %mul3A_66 : i32
      %dma_wait3A_68 = arith.constant 0 : i32
      %dma_wait3A_69 = arith.constant 0 : i32
      %dma_wait3A_70 = tpu.memref_slice %arg9[%dma_wait3A_68, %dma_wait3A_69] : memref<80x128xf32, #tpu.memory_space<vmem>> -> memref<40x128xf32, #tpu.memory_space<vmem>>
      %dma_wait3A_71 = tpu.memref_slice %arg7[%mul3A_67] : memref<10000xi32, #tpu.memory_space<vmem>> -> memref<40xi32, #tpu.memory_space<vmem>>
      %dma_wait3A_72 = arith.constant 0 : i32
      %dma_wait3A_73 = arith.constant 0 : i32
      %dma_wait3A_74 = tpu.memref_slice %arg2[%dma_wait3A_72, %dma_wait3A_73] : memref<5000x128xf32, #tpu.memory_space<hbm>> -> memref<5000x128xf32, #tpu.memory_space<hbm>>
      tpu.wait_indirect_dma semaphore(%arg12 : memref<!tpu.dma_semaphore, #tpu.memory_space<semaphore_mem>>) src(%dma_wait3A_74 : memref<5000x128xf32, #tpu.memory_space<hbm>>) dst(%dma_wait3A_70 : memref<40x128xf32, #tpu.memory_space<vmem>>)
      %add3A_75 = arith.constant 1 : i32
      %add3A_76 = arith.addi %mul3A_65, %add3A_75 : i32
      %mul3A_77 = arith.constant 40 : i32
      %mul3A_78 = arith.muli %add3A_76, %mul3A_77 : i32
      %dma_wait3A_79 = arith.constant 40 : i32
      %dma_wait3A_80 = arith.constant 0 : i32
      %dma_wait3A_81 = tpu.memref_slice %arg9[%dma_wait3A_79, %dma_wait3A_80] : memref<80x128xf32, #tpu.memory_space<vmem>> -> memref<40x128xf32, #tpu.memory_space<vmem>>
      %dma_wait3A_82 = tpu.memref_slice %arg7[%mul3A_78] : memref<10000xi32, #tpu.memory_space<vmem>> -> memref<40xi32, #tpu.memory_space<vmem>>
      %dma_wait3A_83 = arith.constant 0 : i32
      %dma_wait3A_84 = arith.constant 0 : i32
      %dma_wait3A_85 = tpu.memref_slice %arg2[%dma_wait3A_83, %dma_wait3A_84] : memref<5000x128xf32, #tpu.memory_space<hbm>> -> memref<5000x128xf32, #tpu.memory_space<hbm>>
      tpu.wait_indirect_dma semaphore(%arg13 : memref<!tpu.dma_semaphore, #tpu.memory_space<semaphore_mem>>) src(%dma_wait3A_85 : memref<5000x128xf32, #tpu.memory_space<hbm>>) dst(%dma_wait3A_81 : memref<40x128xf32, #tpu.memory_space<vmem>>)
      %mul3A_86 = arith.constant 2 : i32
      %mul3A_87 = arith.muli %mul3A_86, %scan3A_63 : i32
      "tpu.region"() ({
        %run_scoped3A_147 = tpu.sem_alloc : memref<!tpu.dma_semaphore, #tpu.memory_space<semaphore_mem>>
        %dma_start3A_148 = arith.constant 0 : i32
        %dma_start3A_149 = tpu.memref_slice %arg8[%mul3A_87, %dma_start3A_148] : memref<125x80xi32, #tpu.memory_space<vmem>> -> memref<1x80xi32, #tpu.memory_space<vmem>>
        %dma_start3A_150 = tpu.memref_squeeze %dma_start3A_149 : memref<1x80xi32, #tpu.memory_space<vmem>> -> memref<80xi32, #tpu.memory_space<vmem>>
        %dma_start3A_151 = arith.constant 0 : i32
        %dma_start3A_152 = arith.constant 0 : i32
        %dma_start3A_153 = tpu.memref_slice %arg11[%dma_start3A_151, %dma_start3A_152] : memref<10112x128xf32, #tpu.memory_space<vmem_shared>> -> memref<10112x128xf32, #tpu.memory_space<vmem_shared>>
        tpu.enqueue_indirect_dma source(%arg9 : memref<80x128xf32, #tpu.memory_space<vmem>>) target(%dma_start3A_153 : memref<10112x128xf32, #tpu.memory_space<vmem_shared>>) offsets(%dma_start3A_150 : memref<80xi32, #tpu.memory_space<vmem>>) semaphore(%run_scoped3A_147 : memref<!tpu.dma_semaphore, #tpu.memory_space<semaphore_mem>>) {add = true}
        %dma_wait3A_154 = arith.constant 0 : i32
        %dma_wait3A_155 = tpu.memref_slice %arg8[%mul3A_87, %dma_wait3A_154] : memref<125x80xi32, #tpu.memory_space<vmem>> -> memref<1x80xi32, #tpu.memory_space<vmem>>
        %dma_wait3A_156 = tpu.memref_squeeze %dma_wait3A_155 : memref<1x80xi32, #tpu.memory_space<vmem>> -> memref<80xi32, #tpu.memory_space<vmem>>
        %dma_wait3A_157 = arith.constant 0 : i32
        %dma_wait3A_158 = arith.constant 0 : i32
        %dma_wait3A_159 = tpu.memref_slice %arg11[%dma_wait3A_157, %dma_wait3A_158] : memref<10112x128xf32, #tpu.memory_space<vmem_shared>> -> memref<10112x128xf32, #tpu.memory_space<vmem_shared>>
        tpu.wait_indirect_dma semaphore(%run_scoped3A_147 : memref<!tpu.dma_semaphore, #tpu.memory_space<semaphore_mem>>) src(%arg9 : memref<80x128xf32, #tpu.memory_space<vmem>>) dst(%dma_wait3A_159 : memref<10112x128xf32, #tpu.memory_space<vmem_shared>>)
        tpu.yield
      }) : () -> ()
      %add3A_88 = arith.constant 4 : i32
      %add3A_89 = arith.addi %mul3A_65, %add3A_88 : i32
      %add3A_90 = arith.constant 0 : i32
      %add3A_91 = arith.addi %add3A_89, %add3A_90 : i32
      %lt3A = arith.constant 250 : i32
      %lt3A_92 = arith.cmpi slt, %add3A_91, %lt3A : i32
      %convert_element_type3A = arith.extui %lt3A_92 : i1 to i32
      %cond3A = arith.constant 0 : i32
      %cond3A_93 = arith.cmpi ne, %convert_element_type3A, %cond3A : i32
      scf.if %cond3A_93 {
        %add3A_147 = arith.constant 4 : i32
        %add3A_148 = arith.addi %mul3A_65, %add3A_147 : i32
        %add3A_149 = arith.constant 0 : i32
        %add3A_150 = arith.addi %add3A_148, %add3A_149 : i32
        %mul3A_151 = arith.constant 40 : i32
        %mul3A_152 = arith.muli %add3A_150, %mul3A_151 : i32
        %dma_start3A_153 = arith.constant 0 : i32
        %dma_start3A_154 = arith.constant 0 : i32
        %dma_start3A_155 = tpu.memref_slice %arg9[%dma_start3A_153, %dma_start3A_154] : memref<80x128xf32, #tpu.memory_space<vmem>> -> memref<40x128xf32, #tpu.memory_space<vmem>>
        %dma_start3A_156 = tpu.memref_slice %arg7[%mul3A_152] : memref<10000xi32, #tpu.memory_space<vmem>> -> memref<40xi32, #tpu.memory_space<vmem>>
        %dma_start3A_157 = arith.constant 0 : i32
        %dma_start3A_158 = arith.constant 0 : i32
        %dma_start3A_159 = tpu.memref_slice %arg2[%dma_start3A_157, %dma_start3A_158] : memref<5000x128xf32, #tpu.memory_space<hbm>> -> memref<5000x128xf32, #tpu.memory_space<hbm>>
        tpu.enqueue_indirect_dma source(%dma_start3A_159 : memref<5000x128xf32, #tpu.memory_space<hbm>>) target(%dma_start3A_155 : memref<40x128xf32, #tpu.memory_space<vmem>>) offsets(%dma_start3A_156 : memref<40xi32, #tpu.memory_space<vmem>>) semaphore(%arg12 : memref<!tpu.dma_semaphore, #tpu.memory_space<semaphore_mem>>)
      } else {
      }
      %add3A_94 = arith.constant 4 : i32
      %add3A_95 = arith.addi %mul3A_65, %add3A_94 : i32
      %add3A_96 = arith.constant 1 : i32
      %add3A_97 = arith.addi %add3A_95, %add3A_96 : i32
      %lt3A_98 = arith.constant 250 : i32
      %lt3A_99 = arith.cmpi slt, %add3A_97, %lt3A_98 : i32
      %convert_element_type3A_100 = arith.extui %lt3A_99 : i1 to i32
      %cond3A_101 = arith.constant 0 : i32
      %cond3A_102 = arith.cmpi ne, %convert_element_type3A_100, %cond3A_101 : i32
      scf.if %cond3A_102 {
        %add3A_147 = arith.constant 4 : i32
        %add3A_148 = arith.addi %mul3A_65, %add3A_147 : i32
        %add3A_149 = arith.constant 1 : i32
        %add3A_150 = arith.addi %add3A_148, %add3A_149 : i32
        %mul3A_151 = arith.constant 40 : i32
        %mul3A_152 = arith.muli %add3A_150, %mul3A_151 : i32
        %dma_start3A_153 = arith.constant 40 : i32
        %dma_start3A_154 = arith.constant 0 : i32
        %dma_start3A_155 = tpu.memref_slice %arg9[%dma_start3A_153, %dma_start3A_154] : memref<80x128xf32, #tpu.memory_space<vmem>> -> memref<40x128xf32, #tpu.memory_space<vmem>>
        %dma_start3A_156 = tpu.memref_slice %arg7[%mul3A_152] : memref<10000xi32, #tpu.memory_space<vmem>> -> memref<40xi32, #tpu.memory_space<vmem>>
        %dma_start3A_157 = arith.constant 0 : i32
        %dma_start3A_158 = arith.constant 0 : i32
        %dma_start3A_159 = tpu.memref_slice %arg2[%dma_start3A_157, %dma_start3A_158] : memref<5000x128xf32, #tpu.memory_space<hbm>> -> memref<5000x128xf32, #tpu.memory_space<hbm>>
        tpu.enqueue_indirect_dma source(%dma_start3A_159 : memref<5000x128xf32, #tpu.memory_space<hbm>>) target(%dma_start3A_155 : memref<40x128xf32, #tpu.memory_space<vmem>>) offsets(%dma_start3A_156 : memref<40xi32, #tpu.memory_space<vmem>>) semaphore(%arg13 : memref<!tpu.dma_semaphore, #tpu.memory_space<semaphore_mem>>)
      } else {
      }
      %add3A_103 = arith.constant 2 : i32
      %add3A_104 = arith.addi %mul3A_65, %add3A_103 : i32
      %mul3A_105 = arith.constant 40 : i32
      %mul3A_106 = arith.muli %add3A_104, %mul3A_105 : i32
      %dma_wait3A_107 = arith.constant 0 : i32
      %dma_wait3A_108 = arith.constant 0 : i32
      %dma_wait3A_109 = tpu.memref_slice %arg10[%dma_wait3A_107, %dma_wait3A_108] : memref<80x128xf32, #tpu.memory_space<vmem>> -> memref<40x128xf32, #tpu.memory_space<vmem>>
      %dma_wait3A_110 = tpu.memref_slice %arg7[%mul3A_106] : memref<10000xi32, #tpu.memory_space<vmem>> -> memref<40xi32, #tpu.memory_space<vmem>>
      %dma_wait3A_111 = arith.constant 0 : i32
      %dma_wait3A_112 = arith.constant 0 : i32
      %dma_wait3A_113 = tpu.memref_slice %arg2[%dma_wait3A_111, %dma_wait3A_112] : memref<5000x128xf32, #tpu.memory_space<hbm>> -> memref<5000x128xf32, #tpu.memory_space<hbm>>
      tpu.wait_indirect_dma semaphore(%arg14 : memref<!tpu.dma_semaphore, #tpu.memory_space<semaphore_mem>>) src(%dma_wait3A_113 : memref<5000x128xf32, #tpu.memory_space<hbm>>) dst(%dma_wait3A_109 : memref<40x128xf32, #tpu.memory_space<vmem>>)
      %add3A_114 = arith.constant 3 : i32
      %add3A_115 = arith.addi %mul3A_65, %add3A_114 : i32
      %mul3A_116 = arith.constant 40 : i32
      %mul3A_117 = arith.muli %add3A_115, %mul3A_116 : i32
      %dma_wait3A_118 = arith.constant 40 : i32
      %dma_wait3A_119 = arith.constant 0 : i32
      %dma_wait3A_120 = tpu.memref_slice %arg10[%dma_wait3A_118, %dma_wait3A_119] : memref<80x128xf32, #tpu.memory_space<vmem>> -> memref<40x128xf32, #tpu.memory_space<vmem>>
      %dma_wait3A_121 = tpu.memref_slice %arg7[%mul3A_117] : memref<10000xi32, #tpu.memory_space<vmem>> -> memref<40xi32, #tpu.memory_space<vmem>>
      %dma_wait3A_122 = arith.constant 0 : i32
      %dma_wait3A_123 = arith.constant 0 : i32
      %dma_wait3A_124 = tpu.memref_slice %arg2[%dma_wait3A_122, %dma_wait3A_123] : memref<5000x128xf32, #tpu.memory_space<hbm>> -> memref<5000x128xf32, #tpu.memory_space<hbm>>
      tpu.wait_indirect_dma semaphore(%arg15 : memref<!tpu.dma_semaphore, #tpu.memory_space<semaphore_mem>>) src(%dma_wait3A_124 : memref<5000x128xf32, #tpu.memory_space<hbm>>) dst(%dma_wait3A_120 : memref<40x128xf32, #tpu.memory_space<vmem>>)
      %mul3A_125 = arith.constant 2 : i32
      %mul3A_126 = arith.muli %mul3A_125, %scan3A_63 : i32
      %add3A_127 = arith.constant 1 : i32
      %add3A_128 = arith.addi %mul3A_126, %add3A_127 : i32
      "tpu.region"() ({
        %run_scoped3A_147 = tpu.sem_alloc : memref<!tpu.dma_semaphore, #tpu.memory_space<semaphore_mem>>
        %dma_start3A_148 = arith.constant 0 : i32
        %dma_start3A_149 = tpu.memref_slice %arg8[%add3A_128, %dma_start3A_148] : memref<125x80xi32, #tpu.memory_space<vmem>> -> memref<1x80xi32, #tpu.memory_space<vmem>>
        %dma_start3A_150 = tpu.memref_squeeze %dma_start3A_149 : memref<1x80xi32, #tpu.memory_space<vmem>> -> memref<80xi32, #tpu.memory_space<vmem>>
        %dma_start3A_151 = arith.constant 0 : i32
        %dma_start3A_152 = arith.constant 0 : i32
        %dma_start3A_153 = tpu.memref_slice %arg11[%dma_start3A_151, %dma_start3A_152] : memref<10112x128xf32, #tpu.memory_space<vmem_shared>> -> memref<10112x128xf32, #tpu.memory_space<vmem_shared>>
        tpu.enqueue_indirect_dma source(%arg10 : memref<80x128xf32, #tpu.memory_space<vmem>>) target(%dma_start3A_153 : memref<10112x128xf32, #tpu.memory_space<vmem_shared>>) offsets(%dma_start3A_150 : memref<80xi32, #tpu.memory_space<vmem>>) semaphore(%run_scoped3A_147 : memref<!tpu.dma_semaphore, #tpu.memory_space<semaphore_mem>>) {add = true}
        %dma_wait3A_154 = arith.constant 0 : i32
        %dma_wait3A_155 = tpu.memref_slice %arg8[%add3A_128, %dma_wait3A_154] : memref<125x80xi32, #tpu.memory_space<vmem>> -> memref<1x80xi32, #tpu.memory_space<vmem>>
        %dma_wait3A_156 = tpu.memref_squeeze %dma_wait3A_155 : memref<1x80xi32, #tpu.memory_space<vmem>> -> memref<80xi32, #tpu.memory_space<vmem>>
        %dma_wait3A_157 = arith.constant 0 : i32
        %dma_wait3A_158 = arith.constant 0 : i32
        %dma_wait3A_159 = tpu.memref_slice %arg11[%dma_wait3A_157, %dma_wait3A_158] : memref<10112x128xf32, #tpu.memory_space<vmem_shared>> -> memref<10112x128xf32, #tpu.memory_space<vmem_shared>>
        tpu.wait_indirect_dma semaphore(%run_scoped3A_147 : memref<!tpu.dma_semaphore, #tpu.memory_space<semaphore_mem>>) src(%arg10 : memref<80x128xf32, #tpu.memory_space<vmem>>) dst(%dma_wait3A_159 : memref<10112x128xf32, #tpu.memory_space<vmem_shared>>)
        tpu.yield
      }) : () -> ()
      %add3A_129 = arith.constant 4 : i32
      %add3A_130 = arith.addi %mul3A_65, %add3A_129 : i32
      %add3A_131 = arith.constant 2 : i32
      %add3A_132 = arith.addi %add3A_130, %add3A_131 : i32
      %lt3A_133 = arith.constant 250 : i32
      %lt3A_134 = arith.cmpi slt, %add3A_132, %lt3A_133 : i32
      %convert_element_type3A_135 = arith.extui %lt3A_134 : i1 to i32
      %cond3A_136 = arith.constant 0 : i32
      %cond3A_137 = arith.cmpi ne, %convert_element_type3A_135, %cond3A_136 : i32
      scf.if %cond3A_137 {
        %add3A_147 = arith.constant 4 : i32
        %add3A_148 = arith.addi %mul3A_65, %add3A_147 : i32
        %add3A_149 = arith.constant 2 : i32
        %add3A_150 = arith.addi %add3A_148, %add3A_149 : i32
        %mul3A_151 = arith.constant 40 : i32
        %mul3A_152 = arith.muli %add3A_150, %mul3A_151 : i32
        %dma_start3A_153 = arith.constant 0 : i32
        %dma_start3A_154 = arith.constant 0 : i32
        %dma_start3A_155 = tpu.memref_slice %arg10[%dma_start3A_153, %dma_start3A_154] : memref<80x128xf32, #tpu.memory_space<vmem>> -> memref<40x128xf32, #tpu.memory_space<vmem>>
        %dma_start3A_156 = tpu.memref_slice %arg7[%mul3A_152] : memref<10000xi32, #tpu.memory_space<vmem>> -> memref<40xi32, #tpu.memory_space<vmem>>
        %dma_start3A_157 = arith.constant 0 : i32
        %dma_start3A_158 = arith.constant 0 : i32
        %dma_start3A_159 = tpu.memref_slice %arg2[%dma_start3A_157, %dma_start3A_158] : memref<5000x128xf32, #tpu.memory_space<hbm>> -> memref<5000x128xf32, #tpu.memory_space<hbm>>
        tpu.enqueue_indirect_dma source(%dma_start3A_159 : memref<5000x128xf32, #tpu.memory_space<hbm>>) target(%dma_start3A_155 : memref<40x128xf32, #tpu.memory_space<vmem>>) offsets(%dma_start3A_156 : memref<40xi32, #tpu.memory_space<vmem>>) semaphore(%arg14 : memref<!tpu.dma_semaphore, #tpu.memory_space<semaphore_mem>>)
      } else {
      }
      %add3A_138 = arith.constant 4 : i32
      %add3A_139 = arith.addi %mul3A_65, %add3A_138 : i32
      %add3A_140 = arith.constant 3 : i32
      %add3A_141 = arith.addi %add3A_139, %add3A_140 : i32
      %lt3A_142 = arith.constant 250 : i32
      %lt3A_143 = arith.cmpi slt, %add3A_141, %lt3A_142 : i32
      %convert_element_type3A_144 = arith.extui %lt3A_143 : i1 to i32
      %cond3A_145 = arith.constant 0 : i32
      %cond3A_146 = arith.cmpi ne, %convert_element_type3A_144, %cond3A_145 : i32
      scf.if %cond3A_146 {
        %add3A_147 = arith.constant 4 : i32
        %add3A_148 = arith.addi %mul3A_65, %add3A_147 : i32
        %add3A_149 = arith.constant 3 : i32
        %add3A_150 = arith.addi %add3A_148, %add3A_149 : i32
        %mul3A_151 = arith.constant 40 : i32
        %mul3A_152 = arith.muli %add3A_150, %mul3A_151 : i32
        %dma_start3A_153 = arith.constant 40 : i32
        %dma_start3A_154 = arith.constant 0 : i32
        %dma_start3A_155 = tpu.memref_slice %arg10[%dma_start3A_153, %dma_start3A_154] : memref<80x128xf32, #tpu.memory_space<vmem>> -> memref<40x128xf32, #tpu.memory_space<vmem>>
        %dma_start3A_156 = tpu.memref_slice %arg7[%mul3A_152] : memref<10000xi32, #tpu.memory_space<vmem>> -> memref<40xi32, #tpu.memory_space<vmem>>
        %dma_start3A_157 = arith.constant 0 : i32
        %dma_start3A_158 = arith.constant 0 : i32
        %dma_start3A_159 = tpu.memref_slice %arg2[%dma_start3A_157, %dma_start3A_158] : memref<5000x128xf32, #tpu.memory_space<hbm>> -> memref<5000x128xf32, #tpu.memory_space<hbm>>
        tpu.enqueue_indirect_dma source(%dma_start3A_159 : memref<5000x128xf32, #tpu.memory_space<hbm>>) target(%dma_start3A_155 : memref<40x128xf32, #tpu.memory_space<vmem>>) offsets(%dma_start3A_156 : memref<40xi32, #tpu.memory_space<vmem>>) semaphore(%arg15 : memref<!tpu.dma_semaphore, #tpu.memory_space<semaphore_mem>>)
      } else {
      }
    }
    %scan3A_42 = arith.constant 62 : i32
    %dma_wait3A = arith.constant 0 : i32
    %dma_wait3A_43 = arith.constant 0 : i32
    %dma_wait3A_44 = tpu.memref_slice %arg9[%dma_wait3A, %dma_wait3A_43] : memref<80x128xf32, #tpu.memory_space<vmem>> -> memref<40x128xf32, #tpu.memory_space<vmem>>
    %dma_wait3A_45 = arith.constant 9920 : i32
    %dma_wait3A_46 = tpu.memref_slice %arg7[%dma_wait3A_45] : memref<10000xi32, #tpu.memory_space<vmem>> -> memref<40xi32, #tpu.memory_space<vmem>>
    %dma_wait3A_47 = arith.constant 0 : i32
    %dma_wait3A_48 = arith.constant 0 : i32
    %dma_wait3A_49 = tpu.memref_slice %arg2[%dma_wait3A_47, %dma_wait3A_48] : memref<5000x128xf32, #tpu.memory_space<hbm>> -> memref<5000x128xf32, #tpu.memory_space<hbm>>
    tpu.wait_indirect_dma semaphore(%arg12 : memref<!tpu.dma_semaphore, #tpu.memory_space<semaphore_mem>>) src(%dma_wait3A_49 : memref<5000x128xf32, #tpu.memory_space<hbm>>) dst(%dma_wait3A_44 : memref<40x128xf32, #tpu.memory_space<vmem>>)
    %dma_wait3A_50 = arith.constant 40 : i32
    %dma_wait3A_51 = arith.constant 0 : i32
    %dma_wait3A_52 = tpu.memref_slice %arg9[%dma_wait3A_50, %dma_wait3A_51] : memref<80x128xf32, #tpu.memory_space<vmem>> -> memref<40x128xf32, #tpu.memory_space<vmem>>
    %dma_wait3A_53 = arith.constant 9960 : i32
    %dma_wait3A_54 = tpu.memref_slice %arg7[%dma_wait3A_53] : memref<10000xi32, #tpu.memory_space<vmem>> -> memref<40xi32, #tpu.memory_space<vmem>>
    %dma_wait3A_55 = arith.constant 0 : i32
    %dma_wait3A_56 = arith.constant 0 : i32
    %dma_wait3A_57 = tpu.memref_slice %arg2[%dma_wait3A_55, %dma_wait3A_56] : memref<5000x128xf32, #tpu.memory_space<hbm>> -> memref<5000x128xf32, #tpu.memory_space<hbm>>
    tpu.wait_indirect_dma semaphore(%arg13 : memref<!tpu.dma_semaphore, #tpu.memory_space<semaphore_mem>>) src(%dma_wait3A_57 : memref<5000x128xf32, #tpu.memory_space<hbm>>) dst(%dma_wait3A_52 : memref<40x128xf32, #tpu.memory_space<vmem>>)
    %run_scoped3A = arith.constant 124 : i32
    "tpu.region"() ({
      %run_scoped3A_63 = tpu.sem_alloc : memref<!tpu.dma_semaphore, #tpu.memory_space<semaphore_mem>>
      %dma_start3A_64 = arith.constant 0 : i32
      %dma_start3A_65 = tpu.memref_slice %arg8[%run_scoped3A, %dma_start3A_64] : memref<125x80xi32, #tpu.memory_space<vmem>> -> memref<1x80xi32, #tpu.memory_space<vmem>>
      %dma_start3A_66 = tpu.memref_squeeze %dma_start3A_65 : memref<1x80xi32, #tpu.memory_space<vmem>> -> memref<80xi32, #tpu.memory_space<vmem>>
      %dma_start3A_67 = arith.constant 0 : i32
      %dma_start3A_68 = arith.constant 0 : i32
      %dma_start3A_69 = tpu.memref_slice %arg11[%dma_start3A_67, %dma_start3A_68] : memref<10112x128xf32, #tpu.memory_space<vmem_shared>> -> memref<10112x128xf32, #tpu.memory_space<vmem_shared>>
      tpu.enqueue_indirect_dma source(%arg9 : memref<80x128xf32, #tpu.memory_space<vmem>>) target(%dma_start3A_69 : memref<10112x128xf32, #tpu.memory_space<vmem_shared>>) offsets(%dma_start3A_66 : memref<80xi32, #tpu.memory_space<vmem>>) semaphore(%run_scoped3A_63 : memref<!tpu.dma_semaphore, #tpu.memory_space<semaphore_mem>>) {add = true}
      %dma_wait3A_70 = arith.constant 0 : i32
      %dma_wait3A_71 = tpu.memref_slice %arg8[%run_scoped3A, %dma_wait3A_70] : memref<125x80xi32, #tpu.memory_space<vmem>> -> memref<1x80xi32, #tpu.memory_space<vmem>>
      %dma_wait3A_72 = tpu.memref_squeeze %dma_wait3A_71 : memref<1x80xi32, #tpu.memory_space<vmem>> -> memref<80xi32, #tpu.memory_space<vmem>>
      %dma_wait3A_73 = arith.constant 0 : i32
      %dma_wait3A_74 = arith.constant 0 : i32
      %dma_wait3A_75 = tpu.memref_slice %arg11[%dma_wait3A_73, %dma_wait3A_74] : memref<10112x128xf32, #tpu.memory_space<vmem_shared>> -> memref<10112x128xf32, #tpu.memory_space<vmem_shared>>
      tpu.wait_indirect_dma semaphore(%run_scoped3A_63 : memref<!tpu.dma_semaphore, #tpu.memory_space<semaphore_mem>>) src(%arg9 : memref<80x128xf32, #tpu.memory_space<vmem>>) dst(%dma_wait3A_75 : memref<10112x128xf32, #tpu.memory_space<vmem_shared>>)
      tpu.yield
    }) : () -> ()
    %barrier3A_58 = arith.constant 0 : index
    tpu.barrier barrier_id(%barrier3A_58)
    %mul3A_59 = arith.constant 632 : i32
    %mul3A_60 = arith.muli %arg1, %mul3A_59 : i32
    %mul3A_61 = arith.constant 632 : i32
    %mul3A_62 = arith.muli %arg1, %mul3A_61 : i32
    "tpu.region"() ({
      %run_scoped3A_63 = tpu.sem_alloc : memref<!tpu.dma_semaphore, #tpu.memory_space<semaphore_mem>>
      %dma_start3A_64 = arith.constant 0 : i32
      %dma_start3A_65 = tpu.memref_slice %arg6[%arg0, %mul3A_62, %dma_start3A_64] : memref<2x10112x128xf32, #tpu.memory_space<hbm>> -> memref<1x632x128xf32, #tpu.memory_space<hbm>>
      %dma_start3A_66 = tpu.memref_squeeze %dma_start3A_65 : memref<1x632x128xf32, #tpu.memory_space<hbm>> -> memref<632x128xf32, #tpu.memory_space<hbm>>
      %dma_start3A_67 = arith.constant 0 : i32
      %dma_start3A_68 = tpu.memref_slice %arg11[%mul3A_60, %dma_start3A_67] : memref<10112x128xf32, #tpu.memory_space<vmem_shared>> -> memref<632x128xf32, #tpu.memory_space<vmem_shared>>
      tpu.enqueue_dma source(%dma_start3A_68 : memref<632x128xf32, #tpu.memory_space<vmem_shared>>) target(%dma_start3A_66 : memref<632x128xf32, #tpu.memory_space<hbm>>) target_semaphore(%run_scoped3A_63 : memref<!tpu.dma_semaphore, #tpu.memory_space<semaphore_mem>>)
      %dma_wait3A_69 = arith.constant 0 : i32
      %dma_wait3A_70 = tpu.memref_slice %arg6[%arg0, %mul3A_62, %dma_wait3A_69] : memref<2x10112x128xf32, #tpu.memory_space<hbm>> -> memref<1x632x128xf32, #tpu.memory_space<hbm>>
      %dma_wait3A_71 = tpu.memref_squeeze %dma_wait3A_70 : memref<1x632x128xf32, #tpu.memory_space<hbm>> -> memref<632x128xf32, #tpu.memory_space<hbm>>
      %dma_wait3A_72 = arith.constant 0 : i32
      %dma_wait3A_73 = tpu.memref_slice %arg11[%mul3A_60, %dma_wait3A_72] : memref<10112x128xf32, #tpu.memory_space<vmem_shared>> -> memref<632x128xf32, #tpu.memory_space<vmem_shared>>
      tpu.wait_dma2 semaphore(%run_scoped3A_63 : memref<!tpu.dma_semaphore, #tpu.memory_space<semaphore_mem>>) src(%dma_wait3A_73 : memref<632x128xf32, #tpu.memory_space<vmem_shared>>) dst(%dma_wait3A_71 : memref<632x128xf32, #tpu.memory_space<hbm>>)
      tpu.yield
    }) : () -> ()
    return
  }
}

module attributes {stable_mosaic.version = 14 : i64} {
  func.func @body(%arg0: i32, %arg1: memref<1000x128xf32, #tpu.memory_space<vmem>>, %arg2: memref<128x128xf32, #tpu.memory_space<vmem>>, %arg3: memref<1x128xf32, #tpu.memory_space<vmem>>, %arg4: memref<128x128xf32, #tpu.memory_space<vmem>>, %arg5: memref<1x128xf32, #tpu.memory_space<vmem>>, %arg6: memref<1000x128xf32, #tpu.memory_space<vmem>>) attributes {dimension_semantics = [#tpu.dimension_semantics<arbitrary>], iteration_bounds = array<i64: 15>, scalar_prefetch = 0 : i64, scratch_operands = 0 : i64, tpu.core_type = #tpu.core_type<tc>, window_params = [{transform_indices = @transform_0, window_bounds = array<i64: 1000, 128>}, {pipeline_mode = #tpu.pipeline_mode<synchronous>, transform_indices = @transform_1, window_bounds = array<i64: 128, 128>}, {pipeline_mode = #tpu.pipeline_mode<synchronous>, transform_indices = @transform_2, window_bounds = array<i64: 1, 128>}, {pipeline_mode = #tpu.pipeline_mode<synchronous>, transform_indices = @transform_3, window_bounds = array<i64: 128, 128>}, {pipeline_mode = #tpu.pipeline_mode<synchronous>, transform_indices = @transform_4, window_bounds = array<i64: 1, 128>}, {transform_indices = @transform_5, window_bounds = array<i64: 1000, 128>}]} {
    %get3A = arith.constant 0 : index
    %get3A_0 = arith.constant 0 : index
    %get3A_1 = vector.load %arg1[%get3A, %get3A_0] : memref<1000x128xf32, #tpu.memory_space<vmem>>, vector<1000x128xf32>
    %get3A_2 = arith.constant 0 : index
    %get3A_3 = arith.constant 0 : index
    %get3A_4 = vector.load %arg2[%get3A_2, %get3A_3] : memref<128x128xf32, #tpu.memory_space<vmem>>, vector<128x128xf32>
    %dot_general3A = arith.constant dense<0.000000e+00> : vector<1000x128xf32>
    %dot_general3A_5 = tpu.matmul %get3A_1, %get3A_4, %dot_general3A {dimension_numbers = #tpu.dot_dimension_numbers<[1], [0], [0], [1], [0, 0, 1, 1], [], []>, transpose_lhs_hint = false} : vector<1000x128xf32>, vector<128x128xf32>, vector<1000x128xf32> -> vector<1000x128xf32>
    %get3A_6 = arith.constant 0 : index
    %get3A_7 = arith.constant 0 : index
    %get3A_8 = vector.load %arg3[%get3A_6, %get3A_7] : memref<1x128xf32, #tpu.memory_space<vmem>>, vector<1x128xf32>
    %add3A = vector.broadcast %get3A_8 : vector<1x128xf32> to vector<1000x128xf32>
    %add3A_9 = arith.addf %dot_general3A_5, %add3A : vector<1000x128xf32>
    %logistic3A = arith.negf %add3A_9 : vector<1000x128xf32>
    %logistic3A_10 = math.exp %logistic3A : vector<1000x128xf32>
    %logistic3A_11 = arith.constant 1.000000e+00 : f32
    %logistic3A_12 = vector.broadcast %logistic3A_11 : f32 to vector<1000x128xf32>
    %logistic3A_13 = arith.addf %logistic3A_12, %logistic3A_10 : vector<1000x128xf32>
    %logistic3A_14 = arith.divf %logistic3A_12, %logistic3A_13 : vector<1000x128xf32>
    %mul3A = arith.mulf %add3A_9, %logistic3A_14 : vector<1000x128xf32>
    %get3A_15 = arith.constant 0 : index
    %get3A_16 = arith.constant 0 : index
    %get3A_17 = vector.load %arg4[%get3A_15, %get3A_16] : memref<128x128xf32, #tpu.memory_space<vmem>>, vector<128x128xf32>
    %dot_general3A_18 = arith.constant dense<0.000000e+00> : vector<1000x128xf32>
    %dot_general3A_19 = tpu.matmul %mul3A, %get3A_17, %dot_general3A_18 {dimension_numbers = #tpu.dot_dimension_numbers<[1], [0], [0], [1], [0, 0, 1, 1], [], []>, transpose_lhs_hint = false} : vector<1000x128xf32>, vector<128x128xf32>, vector<1000x128xf32> -> vector<1000x128xf32>
    %get3A_20 = arith.constant 0 : index
    %get3A_21 = arith.constant 0 : index
    %get3A_22 = vector.load %arg5[%get3A_20, %get3A_21] : memref<1x128xf32, #tpu.memory_space<vmem>>, vector<1x128xf32>
    %add3A_23 = vector.broadcast %get3A_22 : vector<1x128xf32> to vector<1000x128xf32>
    %add3A_24 = arith.addf %dot_general3A_19, %add3A_23 : vector<1000x128xf32>
    %swap3A = arith.constant 0 : index
    %swap3A_25 = arith.constant 0 : index
    %swap3A_26 = vector.load %arg6[%swap3A, %swap3A_25] : memref<1000x128xf32, #tpu.memory_space<vmem>>, vector<1000x128xf32>
    tpu.vector_store %arg6[%swap3A, %swap3A_25], %add3A_24 {strides = array<i32>} : memref<1000x128xf32, #tpu.memory_space<vmem>>, vector<1000x128xf32>,
    return
  }
  func.func @transform_0(%arg0: i32) -> (i32, i32) {
    %c0_i32 = arith.constant 0 : i32
    %c0_i32_0 = arith.constant 0 : i32
    return %arg0, %c0_i32 : i32, i32
  }
  func.func @transform_1(%arg0: i32) -> (i32, i32) {
    %c0_i32 = arith.constant 0 : i32
    %c0_i32_0 = arith.constant 0 : i32
    %c0_i32_1 = arith.constant 0 : i32
    return %c0_i32, %c0_i32_0 : i32, i32
  }
  func.func @transform_2(%arg0: i32) -> (i32, i32) {
    %c0_i32 = arith.constant 0 : i32
    %c0_i32_0 = arith.constant 0 : i32
    %c0_i32_1 = arith.constant 0 : i32
    return %c0_i32, %c0_i32_0 : i32, i32
  }
  func.func @transform_3(%arg0: i32) -> (i32, i32) {
    %c0_i32 = arith.constant 0 : i32
    %c0_i32_0 = arith.constant 0 : i32
    %c0_i32_1 = arith.constant 0 : i32
    return %c0_i32, %c0_i32_0 : i32, i32
  }
  func.func @transform_4(%arg0: i32) -> (i32, i32) {
    %c0_i32 = arith.constant 0 : i32
    %c0_i32_0 = arith.constant 0 : i32
    %c0_i32_1 = arith.constant 0 : i32
    return %c0_i32, %c0_i32_0 : i32, i32
  }
  func.func @transform_5(%arg0: i32) -> (i32, i32) {
    %c0_i32 = arith.constant 0 : i32
    %c0_i32_0 = arith.constant 0 : i32
    return %arg0, %c0_i32 : i32, i32
  }
}

module attributes {stable_mosaic.version = 14 : i64} {
  func.func @body(%arg0: i32, %arg1: memref<1000x128xf32, #tpu.memory_space<vmem>>, %arg2: memref<2x1000x128xf32, #tpu.memory_space<vmem>>, %arg3: memref<2x1000x128xf32, #tpu.memory_space<vmem>>, %arg4: memref<2x128x128xf32, #tpu.memory_space<vmem>>, %arg5: memref<1x128xf32, #tpu.memory_space<vmem>>, %arg6: memref<1000x128xf32, #tpu.memory_space<vmem>>) attributes {dimension_semantics = [#tpu.dimension_semantics<arbitrary>], iteration_bounds = array<i64: 5>, scalar_prefetch = 0 : i64, scratch_operands = 0 : i64, tpu.core_type = #tpu.core_type<tc>, window_params = [{transform_indices = @transform_0, window_bounds = array<i64: 1000, 128>}, {transform_indices = @transform_1, window_bounds = array<i64: 2, 1000, 128>}, {transform_indices = @transform_2, window_bounds = array<i64: 2, 1000, 128>}, {pipeline_mode = #tpu.pipeline_mode<synchronous>, transform_indices = @transform_3, window_bounds = array<i64: 2, 128, 128>}, {pipeline_mode = #tpu.pipeline_mode<synchronous>, transform_indices = @transform_4, window_bounds = array<i64: 1, 128>}, {transform_indices = @transform_5, window_bounds = array<i64: 1000, 128>}]} {
    %get3A = arith.constant 0 : index
    %get3A_0 = arith.constant 0 : index
    %get3A_1 = vector.load %arg1[%get3A, %get3A_0] : memref<1000x128xf32, #tpu.memory_space<vmem>>, vector<1000x128xf32>
    %get3A_2 = arith.constant 0 : index
    %get3A_3 = arith.constant 0 : index
    %get3A_4 = arith.constant 0 : index
    %get3A_5 = vector.load %arg3[%get3A_2, %get3A_3, %get3A_4] : memref<2x1000x128xf32, #tpu.memory_space<vmem>>, vector<1x1000x1xf32>
    %get3A_6 = vector.shape_cast %get3A_5 : vector<1x1000x1xf32> to vector<1000x1xf32>
    %get3A_7 = arith.constant 1 : index
    %get3A_8 = arith.constant 0 : index
    %get3A_9 = arith.constant 0 : index
    %get3A_10 = vector.load %arg3[%get3A_7, %get3A_8, %get3A_9] : memref<2x1000x128xf32, #tpu.memory_space<vmem>>, vector<1x1000x1xf32>
    %get3A_11 = vector.shape_cast %get3A_10 : vector<1x1000x1xf32> to vector<1000x1xf32>
    %add3A = arith.addf %get3A_6, %get3A_11 : vector<1000x1xf32>
    %get3A_12 = arith.constant 0 : index
    %get3A_13 = arith.constant 0 : index
    %get3A_14 = arith.constant 0 : index
    %get3A_15 = vector.load %arg2[%get3A_12, %get3A_13, %get3A_14] : memref<2x1000x128xf32, #tpu.memory_space<vmem>>, vector<1x1000x128xf32>
    %get3A_16 = vector.shape_cast %get3A_15 : vector<1x1000x128xf32> to vector<1000x128xf32>
    %get3A_17 = arith.constant 1 : index
    %get3A_18 = arith.constant 0 : index
    %get3A_19 = arith.constant 0 : index
    %get3A_20 = vector.load %arg2[%get3A_17, %get3A_18, %get3A_19] : memref<2x1000x128xf32, #tpu.memory_space<vmem>>, vector<1x1000x128xf32>
    %get3A_21 = vector.shape_cast %get3A_20 : vector<1x1000x128xf32> to vector<1000x128xf32>
    %add3A_22 = arith.addf %get3A_16, %get3A_21 : vector<1000x128xf32>
    %max3A = arith.constant 1.000000e+00 : f32
    %max3A_23 = vector.broadcast %max3A : f32 to vector<1000x1xf32>
    %max3A_24 = arith.maximumf %add3A, %max3A_23 : vector<1000x1xf32>
    %div3A = vector.broadcast %max3A_24 : vector<1000x1xf32> to vector<1000x128xf32>
    %div3A_25 = arith.divf %add3A_22, %div3A : vector<1000x128xf32>
    %get3A_26 = arith.constant 0 : index
    %get3A_27 = arith.constant 0 : index
    %get3A_28 = arith.constant 0 : index
    %get3A_29 = vector.load %arg4[%get3A_26, %get3A_27, %get3A_28] : memref<2x128x128xf32, #tpu.memory_space<vmem>>, vector<1x128x128xf32>
    %get3A_30 = vector.shape_cast %get3A_29 : vector<1x128x128xf32> to vector<128x128xf32>
    %dot_general3A = arith.constant dense<0.000000e+00> : vector<1000x128xf32>
    %dot_general3A_31 = tpu.matmul %get3A_1, %get3A_30, %dot_general3A {dimension_numbers = #tpu.dot_dimension_numbers<[1], [0], [0], [1], [0, 0, 1, 1], [], []>, transpose_lhs_hint = false} : vector<1000x128xf32>, vector<128x128xf32>, vector<1000x128xf32> -> vector<1000x128xf32>
    %get3A_32 = arith.constant 1 : index
    %get3A_33 = arith.constant 0 : index
    %get3A_34 = arith.constant 0 : index
    %get3A_35 = vector.load %arg4[%get3A_32, %get3A_33, %get3A_34] : memref<2x128x128xf32, #tpu.memory_space<vmem>>, vector<1x128x128xf32>
    %get3A_36 = vector.shape_cast %get3A_35 : vector<1x128x128xf32> to vector<128x128xf32>
    %dot_general3A_37 = arith.constant dense<0.000000e+00> : vector<1000x128xf32>
    %dot_general3A_38 = tpu.matmul %div3A_25, %get3A_36, %dot_general3A_37 {dimension_numbers = #tpu.dot_dimension_numbers<[1], [0], [0], [1], [0, 0, 1, 1], [], []>, transpose_lhs_hint = false} : vector<1000x128xf32>, vector<128x128xf32>, vector<1000x128xf32> -> vector<1000x128xf32>
    %add3A_39 = arith.addf %dot_general3A_31, %dot_general3A_38 : vector<1000x128xf32>
    %get3A_40 = arith.constant 0 : index
    %get3A_41 = arith.constant 0 : index
    %get3A_42 = vector.load %arg5[%get3A_40, %get3A_41] : memref<1x128xf32, #tpu.memory_space<vmem>>, vector<1x128xf32>
    %add3A_43 = vector.broadcast %get3A_42 : vector<1x128xf32> to vector<1000x128xf32>
    %add3A_44 = arith.addf %add3A_39, %add3A_43 : vector<1000x128xf32>
    %logistic3A = arith.negf %add3A_44 : vector<1000x128xf32>
    %logistic3A_45 = math.exp %logistic3A : vector<1000x128xf32>
    %logistic3A_46 = arith.constant 1.000000e+00 : f32
    %logistic3A_47 = vector.broadcast %logistic3A_46 : f32 to vector<1000x128xf32>
    %logistic3A_48 = arith.addf %logistic3A_47, %logistic3A_45 : vector<1000x128xf32>
    %logistic3A_49 = arith.divf %logistic3A_47, %logistic3A_48 : vector<1000x128xf32>
    %mul3A = arith.mulf %add3A_44, %logistic3A_49 : vector<1000x128xf32>
    %add3A_50 = arith.addf %get3A_1, %mul3A : vector<1000x128xf32>
    %swap3A = arith.constant 0 : index
    %swap3A_51 = arith.constant 0 : index
    %swap3A_52 = vector.load %arg6[%swap3A, %swap3A_51] : memref<1000x128xf32, #tpu.memory_space<vmem>>, vector<1000x128xf32>
    tpu.vector_store %arg6[%swap3A, %swap3A_51], %add3A_50 {strides = array<i32>} : memref<1000x128xf32, #tpu.memory_space<vmem>>, vector<1000x128xf32>,
    return
  }
  func.func @transform_0(%arg0: i32) -> (i32, i32) {
    %c0_i32 = arith.constant 0 : i32
    %c0_i32_0 = arith.constant 0 : i32
    return %arg0, %c0_i32 : i32, i32
  }
  func.func @transform_1(%arg0: i32) -> (i32, i32, i32) {
    %c0_i32 = arith.constant 0 : i32
    %c0_i32_0 = arith.constant 0 : i32
    %c0_i32_1 = arith.constant 0 : i32
    return %c0_i32, %arg0, %c0_i32_0 : i32, i32, i32
  }
  func.func @transform_2(%arg0: i32) -> (i32, i32, i32) {
    %c0_i32 = arith.constant 0 : i32
    %c0_i32_0 = arith.constant 0 : i32
    %c0_i32_1 = arith.constant 0 : i32
    return %c0_i32, %arg0, %c0_i32_0 : i32, i32, i32
  }
  func.func @transform_3(%arg0: i32) -> (i32, i32, i32) {
    %c0_i32 = arith.constant 0 : i32
    %c0_i32_0 = arith.constant 0 : i32
    %c0_i32_1 = arith.constant 0 : i32
    %c0_i32_2 = arith.constant 0 : i32
    return %c0_i32, %c0_i32_0, %c0_i32_1 : i32, i32, i32
  }
  func.func @transform_4(%arg0: i32) -> (i32, i32) {
    %c0_i32 = arith.constant 0 : i32
    %c0_i32_0 = arith.constant 0 : i32
    %c0_i32_1 = arith.constant 0 : i32
    return %c0_i32, %c0_i32_0 : i32, i32
  }
  func.func @transform_5(%arg0: i32) -> (i32, i32) {
    %c0_i32 = arith.constant 0 : i32
    %c0_i32_0 = arith.constant 0 : i32
    return %arg0, %c0_i32 : i32, i32
  }
}

module attributes {stable_mosaic.version = 14 : i64} {
  func.func @body(%arg0: i32, %arg1: memref<1000x128xf32, #tpu.memory_space<vmem>>, %arg2: memref<2x1000x128xf32, #tpu.memory_space<vmem>>, %arg3: memref<2x1000x128xf32, #tpu.memory_space<vmem>>, %arg4: memref<2x128x128xf32, #tpu.memory_space<vmem>>, %arg5: memref<1x128xf32, #tpu.memory_space<vmem>>, %arg6: memref<1000x128xf32, #tpu.memory_space<vmem>>) attributes {dimension_semantics = [#tpu.dimension_semantics<arbitrary>], iteration_bounds = array<i64: 10>, scalar_prefetch = 0 : i64, scratch_operands = 0 : i64, tpu.core_type = #tpu.core_type<tc>, window_params = [{transform_indices = @transform_0, window_bounds = array<i64: 1000, 128>}, {transform_indices = @transform_1, window_bounds = array<i64: 2, 1000, 128>}, {transform_indices = @transform_2, window_bounds = array<i64: 2, 1000, 128>}, {pipeline_mode = #tpu.pipeline_mode<synchronous>, transform_indices = @transform_3, window_bounds = array<i64: 2, 128, 128>}, {pipeline_mode = #tpu.pipeline_mode<synchronous>, transform_indices = @transform_4, window_bounds = array<i64: 1, 128>}, {transform_indices = @transform_5, window_bounds = array<i64: 1000, 128>}]} {
    %get3A = arith.constant 0 : index
    %get3A_0 = arith.constant 0 : index
    %get3A_1 = vector.load %arg1[%get3A, %get3A_0] : memref<1000x128xf32, #tpu.memory_space<vmem>>, vector<1000x128xf32>
    %get3A_2 = arith.constant 0 : index
    %get3A_3 = arith.constant 0 : index
    %get3A_4 = arith.constant 0 : index
    %get3A_5 = vector.load %arg3[%get3A_2, %get3A_3, %get3A_4] : memref<2x1000x128xf32, #tpu.memory_space<vmem>>, vector<1x1000x1xf32>
    %get3A_6 = vector.shape_cast %get3A_5 : vector<1x1000x1xf32> to vector<1000x1xf32>
    %get3A_7 = arith.constant 1 : index
    %get3A_8 = arith.constant 0 : index
    %get3A_9 = arith.constant 0 : index
    %get3A_10 = vector.load %arg3[%get3A_7, %get3A_8, %get3A_9] : memref<2x1000x128xf32, #tpu.memory_space<vmem>>, vector<1x1000x1xf32>
    %get3A_11 = vector.shape_cast %get3A_10 : vector<1x1000x1xf32> to vector<1000x1xf32>
    %add3A = arith.addf %get3A_6, %get3A_11 : vector<1000x1xf32>
    %get3A_12 = arith.constant 0 : index
    %get3A_13 = arith.constant 0 : index
    %get3A_14 = arith.constant 0 : index
    %get3A_15 = vector.load %arg2[%get3A_12, %get3A_13, %get3A_14] : memref<2x1000x128xf32, #tpu.memory_space<vmem>>, vector<1x1000x128xf32>
    %get3A_16 = vector.shape_cast %get3A_15 : vector<1x1000x128xf32> to vector<1000x128xf32>
    %get3A_17 = arith.constant 1 : index
    %get3A_18 = arith.constant 0 : index
    %get3A_19 = arith.constant 0 : index
    %get3A_20 = vector.load %arg2[%get3A_17, %get3A_18, %get3A_19] : memref<2x1000x128xf32, #tpu.memory_space<vmem>>, vector<1x1000x128xf32>
    %get3A_21 = vector.shape_cast %get3A_20 : vector<1x1000x128xf32> to vector<1000x128xf32>
    %add3A_22 = arith.addf %get3A_16, %get3A_21 : vector<1000x128xf32>
    %max3A = arith.constant 1.000000e+00 : f32
    %max3A_23 = vector.broadcast %max3A : f32 to vector<1000x1xf32>
    %max3A_24 = arith.maximumf %add3A, %max3A_23 : vector<1000x1xf32>
    %div3A = vector.broadcast %max3A_24 : vector<1000x1xf32> to vector<1000x128xf32>
    %div3A_25 = arith.divf %add3A_22, %div3A : vector<1000x128xf32>
    %get3A_26 = arith.constant 0 : index
    %get3A_27 = arith.constant 0 : index
    %get3A_28 = arith.constant 0 : index
    %get3A_29 = vector.load %arg4[%get3A_26, %get3A_27, %get3A_28] : memref<2x128x128xf32, #tpu.memory_space<vmem>>, vector<1x128x128xf32>
    %get3A_30 = vector.shape_cast %get3A_29 : vector<1x128x128xf32> to vector<128x128xf32>
    %dot_general3A = arith.constant dense<0.000000e+00> : vector<1000x128xf32>
    %dot_general3A_31 = tpu.matmul %get3A_1, %get3A_30, %dot_general3A {dimension_numbers = #tpu.dot_dimension_numbers<[1], [0], [0], [1], [0, 0, 1, 1], [], []>, transpose_lhs_hint = false} : vector<1000x128xf32>, vector<128x128xf32>, vector<1000x128xf32> -> vector<1000x128xf32>
    %get3A_32 = arith.constant 1 : index
    %get3A_33 = arith.constant 0 : index
    %get3A_34 = arith.constant 0 : index
    %get3A_35 = vector.load %arg4[%get3A_32, %get3A_33, %get3A_34] : memref<2x128x128xf32, #tpu.memory_space<vmem>>, vector<1x128x128xf32>
    %get3A_36 = vector.shape_cast %get3A_35 : vector<1x128x128xf32> to vector<128x128xf32>
    %dot_general3A_37 = arith.constant dense<0.000000e+00> : vector<1000x128xf32>
    %dot_general3A_38 = tpu.matmul %div3A_25, %get3A_36, %dot_general3A_37 {dimension_numbers = #tpu.dot_dimension_numbers<[1], [0], [0], [1], [0, 0, 1, 1], [], []>, transpose_lhs_hint = false} : vector<1000x128xf32>, vector<128x128xf32>, vector<1000x128xf32> -> vector<1000x128xf32>
    %add3A_39 = arith.addf %dot_general3A_31, %dot_general3A_38 : vector<1000x128xf32>
    %get3A_40 = arith.constant 0 : index
    %get3A_41 = arith.constant 0 : index
    %get3A_42 = vector.load %arg5[%get3A_40, %get3A_41] : memref<1x128xf32, #tpu.memory_space<vmem>>, vector<1x128xf32>
    %add3A_43 = vector.broadcast %get3A_42 : vector<1x128xf32> to vector<1000x128xf32>
    %add3A_44 = arith.addf %add3A_39, %add3A_43 : vector<1000x128xf32>
    %logistic3A = arith.negf %add3A_44 : vector<1000x128xf32>
    %logistic3A_45 = math.exp %logistic3A : vector<1000x128xf32>
    %logistic3A_46 = arith.constant 1.000000e+00 : f32
    %logistic3A_47 = vector.broadcast %logistic3A_46 : f32 to vector<1000x128xf32>
    %logistic3A_48 = arith.addf %logistic3A_47, %logistic3A_45 : vector<1000x128xf32>
    %logistic3A_49 = arith.divf %logistic3A_47, %logistic3A_48 : vector<1000x128xf32>
    %mul3A = arith.mulf %add3A_44, %logistic3A_49 : vector<1000x128xf32>
    %add3A_50 = arith.addf %get3A_1, %mul3A : vector<1000x128xf32>
    %swap3A = arith.constant 0 : index
    %swap3A_51 = arith.constant 0 : index
    %swap3A_52 = vector.load %arg6[%swap3A, %swap3A_51] : memref<1000x128xf32, #tpu.memory_space<vmem>>, vector<1000x128xf32>
    tpu.vector_store %arg6[%swap3A, %swap3A_51], %add3A_50 {strides = array<i32>} : memref<1000x128xf32, #tpu.memory_space<vmem>>, vector<1000x128xf32>,
    return
  }
  func.func @transform_0(%arg0: i32) -> (i32, i32) {
    %c0_i32 = arith.constant 0 : i32
    %c0_i32_0 = arith.constant 0 : i32
    return %arg0, %c0_i32 : i32, i32
  }
  func.func @transform_1(%arg0: i32) -> (i32, i32, i32) {
    %c0_i32 = arith.constant 0 : i32
    %c0_i32_0 = arith.constant 0 : i32
    %c0_i32_1 = arith.constant 0 : i32
    return %c0_i32, %arg0, %c0_i32_0 : i32, i32, i32
  }
  func.func @transform_2(%arg0: i32) -> (i32, i32, i32) {
    %c0_i32 = arith.constant 0 : i32
    %c0_i32_0 = arith.constant 0 : i32
    %c0_i32_1 = arith.constant 0 : i32
    return %c0_i32, %arg0, %c0_i32_0 : i32, i32, i32
  }
  func.func @transform_3(%arg0: i32) -> (i32, i32, i32) {
    %c0_i32 = arith.constant 0 : i32
    %c0_i32_0 = arith.constant 0 : i32
    %c0_i32_1 = arith.constant 0 : i32
    %c0_i32_2 = arith.constant 0 : i32
    return %c0_i32, %c0_i32_0, %c0_i32_1 : i32, i32, i32
  }
  func.func @transform_4(%arg0: i32) -> (i32, i32) {
    %c0_i32 = arith.constant 0 : i32
    %c0_i32_0 = arith.constant 0 : i32
    %c0_i32_1 = arith.constant 0 : i32
    return %c0_i32, %c0_i32_0 : i32, i32
  }
  func.func @transform_5(%arg0: i32) -> (i32, i32) {
    %c0_i32 = arith.constant 0 : i32
    %c0_i32_0 = arith.constant 0 : i32
    return %arg0, %c0_i32 : i32, i32
  }
}

module attributes {stable_mosaic.version = 14 : i64} {
  func.func @body(%arg0: i32, %arg1: memref<1000x256xf32, #tpu.memory_space<vmem>>, %arg2: memref<256x256xf32, #tpu.memory_space<vmem>>, %arg3: memref<1x256xf32, #tpu.memory_space<vmem>>, %arg4: memref<256x128xf32, #tpu.memory_space<vmem>>, %arg5: memref<1x128xf32, #tpu.memory_space<vmem>>, %arg6: memref<1000x128xf32, #tpu.memory_space<vmem>>) attributes {dimension_semantics = [#tpu.dimension_semantics<arbitrary>], iteration_bounds = array<i64: 5>, scalar_prefetch = 0 : i64, scratch_operands = 0 : i64, tpu.core_type = #tpu.core_type<tc>, window_params = [{transform_indices = @transform_0, window_bounds = array<i64: 1000, 256>}, {pipeline_mode = #tpu.pipeline_mode<synchronous>, transform_indices = @transform_1, window_bounds = array<i64: 256, 256>}, {pipeline_mode = #tpu.pipeline_mode<synchronous>, transform_indices = @transform_2, window_bounds = array<i64: 1, 256>}, {pipeline_mode = #tpu.pipeline_mode<synchronous>, transform_indices = @transform_3, window_bounds = array<i64: 256, 128>}, {pipeline_mode = #tpu.pipeline_mode<synchronous>, transform_indices = @transform_4, window_bounds = array<i64: 1, 128>}, {transform_indices = @transform_5, window_bounds = array<i64: 1000, 128>}]} {
    %get3A = arith.constant 0 : index
    %get3A_0 = arith.constant 0 : index
    %get3A_1 = vector.load %arg1[%get3A, %get3A_0] : memref<1000x256xf32, #tpu.memory_space<vmem>>, vector<1000x256xf32>
    %get3A_2 = arith.constant 0 : index
    %get3A_3 = arith.constant 0 : index
    %get3A_4 = vector.load %arg2[%get3A_2, %get3A_3] : memref<256x256xf32, #tpu.memory_space<vmem>>, vector<256x256xf32>
    %dot_general3A = arith.constant dense<0.000000e+00> : vector<1000x256xf32>
    %dot_general3A_5 = tpu.matmul %get3A_1, %get3A_4, %dot_general3A {dimension_numbers = #tpu.dot_dimension_numbers<[1], [0], [0], [1], [0, 0, 1, 1], [], []>, transpose_lhs_hint = false} : vector<1000x256xf32>, vector<256x256xf32>, vector<1000x256xf32> -> vector<1000x256xf32>
    %get3A_6 = arith.constant 0 : index
    %get3A_7 = arith.constant 0 : index
    %get3A_8 = vector.load %arg3[%get3A_6, %get3A_7] : memref<1x256xf32, #tpu.memory_space<vmem>>, vector<1x256xf32>
    %add3A = vector.broadcast %get3A_8 : vector<1x256xf32> to vector<1000x256xf32>
    %add3A_9 = arith.addf %dot_general3A_5, %add3A : vector<1000x256xf32>
    %logistic3A = arith.negf %add3A_9 : vector<1000x256xf32>
    %logistic3A_10 = math.exp %logistic3A : vector<1000x256xf32>
    %logistic3A_11 = arith.constant 1.000000e+00 : f32
    %logistic3A_12 = vector.broadcast %logistic3A_11 : f32 to vector<1000x256xf32>
    %logistic3A_13 = arith.addf %logistic3A_12, %logistic3A_10 : vector<1000x256xf32>
    %logistic3A_14 = arith.divf %logistic3A_12, %logistic3A_13 : vector<1000x256xf32>
    %mul3A = arith.mulf %add3A_9, %logistic3A_14 : vector<1000x256xf32>
    %get3A_15 = arith.constant 0 : index
    %get3A_16 = arith.constant 0 : index
    %get3A_17 = vector.load %arg4[%get3A_15, %get3A_16] : memref<256x128xf32, #tpu.memory_space<vmem>>, vector<256x128xf32>
    %dot_general3A_18 = arith.constant dense<0.000000e+00> : vector<1000x128xf32>
    %dot_general3A_19 = tpu.matmul %mul3A, %get3A_17, %dot_general3A_18 {dimension_numbers = #tpu.dot_dimension_numbers<[1], [0], [0], [1], [0, 0, 1, 1], [], []>, transpose_lhs_hint = false} : vector<1000x256xf32>, vector<256x128xf32>, vector<1000x128xf32> -> vector<1000x128xf32>
    %get3A_20 = arith.constant 0 : index
    %get3A_21 = arith.constant 0 : index
    %get3A_22 = vector.load %arg5[%get3A_20, %get3A_21] : memref<1x128xf32, #tpu.memory_space<vmem>>, vector<1x128xf32>
    %add3A_23 = vector.broadcast %get3A_22 : vector<1x128xf32> to vector<1000x128xf32>
    %add3A_24 = arith.addf %dot_general3A_19, %add3A_23 : vector<1000x128xf32>
    %swap3A = arith.constant 0 : index
    %swap3A_25 = arith.constant 0 : index
    %swap3A_26 = vector.load %arg6[%swap3A, %swap3A_25] : memref<1000x128xf32, #tpu.memory_space<vmem>>, vector<1000x128xf32>
    tpu.vector_store %arg6[%swap3A, %swap3A_25], %add3A_24 {strides = array<i32>} : memref<1000x128xf32, #tpu.memory_space<vmem>>, vector<1000x128xf32>,
    return
  }
  func.func @transform_0(%arg0: i32) -> (i32, i32) {
    %c0_i32 = arith.constant 0 : i32
    %c0_i32_0 = arith.constant 0 : i32
    return %arg0, %c0_i32 : i32, i32
  }
  func.func @transform_1(%arg0: i32) -> (i32, i32) {
    %c0_i32 = arith.constant 0 : i32
    %c0_i32_0 = arith.constant 0 : i32
    %c0_i32_1 = arith.constant 0 : i32
    return %c0_i32, %c0_i32_0 : i32, i32
  }
  func.func @transform_2(%arg0: i32) -> (i32, i32) {
    %c0_i32 = arith.constant 0 : i32
    %c0_i32_0 = arith.constant 0 : i32
    %c0_i32_1 = arith.constant 0 : i32
    return %c0_i32, %c0_i32_0 : i32, i32
  }
  func.func @transform_3(%arg0: i32) -> (i32, i32) {
    %c0_i32 = arith.constant 0 : i32
    %c0_i32_0 = arith.constant 0 : i32
    %c0_i32_1 = arith.constant 0 : i32
    return %c0_i32, %c0_i32_0 : i32, i32
  }
  func.func @transform_4(%arg0: i32) -> (i32, i32) {
    %c0_i32 = arith.constant 0 : i32
    %c0_i32_0 = arith.constant 0 : i32
    %c0_i32_1 = arith.constant 0 : i32
    return %c0_i32, %c0_i32_0 : i32, i32
  }
  func.func @transform_5(%arg0: i32) -> (i32, i32) {
    %c0_i32 = arith.constant 0 : i32
    %c0_i32_0 = arith.constant 0 : i32
    return %arg0, %c0_i32 : i32, i32
  }
}

</mosaic_0001>

<sc_bundles>
// kernel: kernel.18.cloned.1.call-start
scs
__scs_entry_jumppad:
0x0: {  	(pc) =	sbr.rel $0x88, $3  }
0x1: {  	(tag) =	ssettag $0x0;
	lr =	simm.s32 $0x1  }
0x2: {  	[smem:$0x3F91] =	sst lr;
	_ =	strace $0xD0000000  }
0x3: {  	_ = 	snop  }
0x4: {  	_ = 	snop  }
0x5: {  	_ = 	snop  }
0x6: {  	_ = 	snop  }
0x7: {  	_ = 	snop  }
__scs_overlays_trampoline_lowered:
0x8: {  	[smem:$0x3FA0] =	sst s0  }
0x9: {  	[smem:$0x3FA1] =	sst s1  }
0xa: {  	[smem:$0x3FA2] =	sst s2  }
0xb: {  	[smem:$0x3FA3] =	sst s3  }
0xc: {  	[smem:$0x3FA4] =	sst s4  }
0xd: {  	[smem:$0x3FA5] =	sst s5  }
0xe: {  	[smem:$0x3FA6] =	sst s6  }
0xf: {  	[smem:$0x3FA7] =	sst s7  }
0x10: {  	[smem:$0x3FA8] =	sst s8  }
0x11: {  	[smem:$0x3FA9] =	sst s9;
	s0 =	simm.s32 @!p0 $0x0  }
0x12: {  	s1 =	sld [smem:$0x3F8F];
	s0 =	simm.s32 @p0 $0x1  }
0x13: {  	[smem:$0x3FAA] =	sst s0;
	s0 =	simm.s32 @!p1 $0x0  }
0x14: {  	s2 =	sld [smem:$0x3F8E];
	s0 =	simm.s32 @p1 $0x1  }
0x15: {  	[smem:$0x3FAB] =	sst s0;
	s0 =	simm.s32 @!p2 $0x0  }
0x16: {  	s3 =	sld [smem:$0x3FDB];
	s0 =	simm.s32 @p2 $0x1  }
0x17: {  	s4 =	simm.s32 $0x1BF5;
	[smem:$0x3FAD] =	sst s0  }
0x18: {  	s0 =	sld [smem:$0x3F90];
	_ =	swait.ge [sflag:s4], $0x0  }
0x19: {  	s7 =	sld [smem:$0x3F91]  }
0x1a: {  	s8 =	sadd.s32 $0xFFFFE003, lr  }
0x1b: {  	s9 =	sadd.s32 $0xFFFFFEF7, lr;
	s5 =	simm.s32 $0xFFFFFFFF;
	p2 =	slt.u32 s8, $0xFFFFF086  }
0x1c: {  	p1 =	slt.u32 s9, $0xF7A;
	s5 =	simm.s32 @!p2 $0x0  }
0x1d: {  	s5 =	simm.s32 @p1 $0x1;
	p0 =	seq.s32 s7, s2  }
0x1e: {  	s7 =	smul.u32 @!p0 $0xF7A, s2;
	p2 =	seq.s32 @!p0 s5, $0x0  }
0x1f: {  	s9 =	smul.u32 $0xF7A, s1;
	s8 =	simm.s32 @!p0 $0x1BF5;
	p2 =	por !p2, p0  }
0x20: {  	[sflag:s8] =	ssyncset.s32 @!p0 $0xFFFFF086;
	s6 =	sadd.s32 @!p0 s3, s7;
	s7 =	simm.s32 @!p0 $0x108  }
0x21: {  	s3 =	sadd.s32 s3, s9;
	s6 =	sadd.s32 @!p0 $0x88, s6;
	s7 =	simm.s32 @p2 $0x1082  }
0x22: {  	[simem:s7], [sflag:s8] =	dma.local @!p0 [hbm:s6], $0xF7A  }
0x23: {  	s9 =	sor.u32 $0xD0000000, s2;
	s6 =	simm.s32 $0x108;
	_ =	swait.ge @!p0 [sflag:s8], $0x0  }
0x24: {  	s3 =	sadd.s32 $0x88, s3;
	s6 =	simm.s32 @!p1 $0x1082;
	[sflag:s4] =	ssyncset.s32 $0xFFFFF086  }
0x25: {  	[simem:s6], [sflag:s4] =	dma.local [hbm:s3], $0xF7A  }
0x26: {  	[smem:$0x3F91] =	sst s1;
	(tag) =	ssettag s2;
	_ =	strace s9  }
0x27: {  	s1 =	sld [smem:$0x3FA1]  }
0x28: {  	s2 =	sld [smem:$0x3FA2]  }
0x29: {  	s4 =	sld [smem:$0x3FA4]  }
0x2a: {  	p0 =	seq.s32 s5, $0x0;
	s5 =	sld [smem:$0x3FA5]  }
0x2b: {  	s6 =	sld [smem:$0x3FA6]  }
0x2c: {  	s7 =	sld [smem:$0x3FA7]  }
0x2d: {  	s3 =	simm.s32 $0x108;
	s8 =	sld [smem:$0x3FA8]  }
0x2e: {  	s3 =	simm.s32 @!p0 $0x1082;
	s9 =	sld [smem:$0x3FA9]  }
0x2f: {  	lr =	sadd.s32 s0, s3;
	s0 =	sld [smem:$0x3FA0]  }
0x30: {  	s3 =	sld [smem:$0x3FA3]  }
0x31: {  	[smem:$0x3FAC] =	sst s10  }
0x32: {  	s10 =	sld [smem:$0x3FAA];
	_ =	sdelay $0x3  }
0x33: {  	p0 =	seq.s32 s10, $0x1;
	s10 =	sld [smem:$0x3FAC];
	_ =	sdelay $0x3  }
0x34: {  	[smem:$0x3FAC] =	sst s10  }
0x35: {  	s10 =	sld [smem:$0x3FAB];
	_ =	sdelay $0x3  }
0x36: {  	p1 =	seq.s32 s10, $0x1;
	s10 =	sld [smem:$0x3FAC];
	_ =	sdelay $0x3  }
0x37: {  	[smem:$0x3FAC] =	sst s10  }
0x38: {  	s10 =	sld [smem:$0x3FAD]  }
0x39: {  	_ = 	snop;
	(pc) =	sbr.ind lr, $3  }
0x3a: {  	_ = 	snop  }
0x3b: {  	_ = 	snop  }
0x3c: {  	p2 =	seq.s32 s10, $0x1;
	s10 =	sld [smem:$0x3FAC]  }
0x3d: {  	_ =	shalt  }
0x3e: {  	_ =	shalt  }
0x3f: {  	_ =	shalt  }
0x40: {  	_ =	shalt  }
0x41: {  	_ =	shalt  }
0x42: {  	_ =	shalt  }
0x43: {  	_ =	shalt  }
0x44: {  	_ =	shalt  }
0x45: {  	_ =	shalt  }
0x46: {  	_ =	shalt  }
0x47: {  	_ =	shalt  }
0x48: {  	_ =	shalt  }
0x49: {  	_ =	shalt  }
0x4a: {  	_ =	shalt  }
0x4b: {  	_ =	shalt  }
0x4c: {  	_ =	shalt  }
0x4d: {  	_ =	shalt  }
0x4e: {  	_ =	shalt  }
0x4f: {  	_ =	shalt  }
0x50: {  	_ =	shalt  }
0x51: {  	_ =	shalt  }
0x52: {  	_ =	shalt  }
0x53: {  	_ =	shalt  }
0x54: {  	_ =	shalt  }
0x55: {  	_ =	shalt  }
0x56: {  	_ =	shalt  }
0x57: {  	_ =	shalt  }
0x58: {  	_ =	shalt  }
0x59: {  	_ =	shalt  }
0x5a: {  	_ =	shalt  }
0x5b: {  	_ =	shalt  }
0x5c: {  	_ =	shalt  }
0x5d: {  	_ =	shalt  }
0x5e: {  	_ =	shalt  }
0x5f: {  	_ =	shalt  }
0x60: {  	_ =	shalt  }
0x61: {  	_ =	shalt  }
0x62: {  	_ =	shalt  }
0x63: {  	_ =	shalt  }
0x64: {  	_ =	shalt  }
0x65: {  	_ =	shalt  }
0x66: {  	_ =	shalt  }
0x67: {  	_ =	shalt  }
0x68: {  	_ =	shalt  }
0x69: {  	_ =	shalt  }
0x6a: {  	_ =	shalt  }
0x6b: {  	_ =	shalt  }
0x6c: {  	_ =	shalt  }
0x6d: {  	_ =	shalt  }
0x6e: {  	_ =	shalt  }
0x6f: {  	_ =	shalt  }
0x70: {  	_ =	shalt  }
0x71: {  	_ =	shalt  }
0x72: {  	_ =	shalt  }
0x73: {  	_ =	shalt  }
0x74: {  	_ =	shalt  }
0x75: {  	_ =	shalt  }
0x76: {  	_ =	shalt  }
0x77: {  	_ =	shalt  }
0x78: {  	_ =	shalt  }
0x79: {  	_ =	shalt  }
0x7a: {  	_ =	shalt  }
0x7b: {  	_ =	shalt  }
0x7c: {  	_ =	shalt  }
0x7d: {  	_ =	shalt  }
0x7e: {  	_ =	shalt  }
0x7f: {  	_ =	shalt  }
0x80: {  	_ =	shalt  }
0x81: {  	_ =	shalt  }
0x82: {  	_ =	shalt  }
0x83: {  	_ =	shalt  }
0x84: {  	_ =	shalt  }
0x85: {  	_ =	shalt  }
0x86: {  	_ =	shalt  }
0x87: {  	_ =	shalt  }
.Lfunc_end0:
.L_simem_size_0:
called_computation_lowered:
.L_overlay_start_0:
0x88: {  	s2 =	sld [smem:$0x3FD9]  }
0x89: {  	s3 =	sld [smem:$0x3FFE];
	_ =	sdelay $0x1  }
0x8a: {  	s1 =	srdreg.scid  }
0x8b: {  	s0 =	sand.u32 $0x1, s1  }
0x8c: {  	s17 =	sshll.u32 s0, $0xA;
	s2 =	sadd.s32 s3, s2  }
0x8d: {  	s2 =	sadd.s32 s2, s17  }
0x8e: {  	[smem:$0x3FB8] =	sst s2  }
0x8f: {  	_ = 	snop  }
0x90: {  	s2 =	sld [smem:$0x3FD0];
	(tm) =	ssettm $0x1  }
0x91: {  	s18 =	sld [smem:$0x3FFB];
	_ =	sdelay $0x3  }
0x92: {  	_ =	strace s18  }
0x93: {  	s3 =	sld [smem:$0x3FFC];
	_ =	sdelay $0x3  }
0x94: {  	_ =	strace s3  }
0x95: {  	s3 =	sld [smem:$0x3FFD];
	_ =	sdelay $0x3  }
0x96: {  	_ =	strace s3  }
0x97: {  	_ =	strace $0x8FFFFFFF  }
0x98: {  	s19 =	sld [smem:$0x3FDB];
	_ =	sdelay $0x1  }
0x99: {  	s4 =	simm.s32 $_scs_section_size  }
0x9a: {  	s5 =	simm.s32 $_size__tile_overlayer_lowered;
	s6 =	simm.s32 $_tile_overlayer_lowered  }
0x9b: {  	s22 =	simm.s32 $0x1BFF;
	s21 =	sshll.u32 s6, $0x1;
	s3 =	sadd.s32 s4, s19  }
0x9c: {  	s7 =	simm.s32 $0x0;
	s20 =	sshll.u32 s5, $0x1;
	s5 =	sadd.s32 s21, s3  }
0x9d: {  	[timem:s7], [sflag:s22] =	dma.local [hbm:s5], s20  }
0x9e: {  	_ =	swait.ge [sflag:s22], s20  }
0x9f: {  	s4 =	ssub.s32 $0x0, s20;
	[sflag:s22] =	ssyncset.done $0x0  }
0xa0: {  	[sflag:s22] =	ssyncadd.s32 s4;
	_ =	sdelay $0x1  }
0xa1: {  	s23 =	simm.s32 $0x1B8B  }
0xa2: {  	_ =	swait.ge [sflag:s23], $0x1  }
0xa3: {  	[sflag:s23] =	ssyncset.done $0x0  }
0xa4: {  	s25 =	simm.s32 $0x1B8E;
	s24 =	sld [smem:$0x3FFE];
	[sflag:s23] =	ssyncadd.s32 $0xFFFFFFFF  }
0xa5: {  	s26 =	simm.s32 $execute0_lowered;
	[smem:$0x3FD2] =	sst s25  }
0xa6: {  	s5 =	sshll.u32 s26, $0x1;
	_ =	strace $0x80000046;
	[dreg:$0x1] =	wrdreg $0xFFFFFFFF  }
0xa7: {  	s28 =	simm.s32 $_size_execute0_lowered;
	s3 =	sadd.s32 s3, s5;
	[dreg:$0x0] =	wrdreg $0x0  }
0xa8: {  	s5 =	sshll.u32 s28, $0x1;
	[dreg:$0x2] =	wrdreg s3  }
0xa9: {  	[dreg:$0x3] =	wrdreg s5  }
0xaa: {  	[dreg:$0x4] =	wrdreg $0xC0  }
0xab: {  	_ =	task [dreg:s7], $0x5FFFF  }
0xac: {  	[dreg:$0x1] =	wrdreg $0xFFFFFFFF  }
0xad: {  	[dreg:$0x0] =	wrdreg $0x60  }
0xae: {  	[dreg:$0x2] =	wrdreg s24  }
0xaf: {  	[dreg:$0x3] =	wrdreg s2  }
0xb0: {  	[dreg:$0x4] =	wrdreg $0x68000  }
0xb1: {  	[dreg:$0x5] =	wrdreg $0xA  }
0xb2: {  	_ =	task.clear_ibuf [dreg:s7], $0x6FFFF;
	_ =	strace $0x90000046  }
0xb3: {  	s29 =	simm.s32 $0xA;
	_ =	strace $0x80000048  }
0xb4: {  	_ =	swait.ge [sflag:s29], $0x1  }
0xb5: {  	[sflag:s29] =	ssyncadd.s32 $0xFFFFFFFF  }
0xb6: {  	_ =	strace $0x90000048  }
0xb7: {  	_ =	sfence  }
0xb8: {  	s30 =	sld [smem:$0x0];
	_ =	sdelay $0x2  }
0xb9: {  	s31 =	sshll.u32 s1, $0xD;
	s1 =	sshrl.u32 s1, $0x2  }
0xba: {  	s3 =	sand.u32 $0x4000, s31;
	s1 =	sadd.s32 s1, s30  }
0xbb: {  	s0 =	sor.u32 s3, s0;
	s1 =	sshll.u32 s1, $0x11  }
0xbc: {  	s0 =	sor.u32 s1, s0  }
0xbd: {  	s0 =	sadd.s32 $0x8F2B, s0  }
0xbe: {  	[sflag:s0] =	ssyncadd.remote.s32 $0x1  }
0xbf: {  	_ =	sfence.sel $0xFFFF  }
0xc0: {  	[dreg:$0x0] =	wrdreg $0xFFFFFFFF;
	(pc) =	sbr.abs _section_cstart, $3  }
0xc1: {  	[dreg:$0x1] =	wrdreg $0xFFFFFFFF  }
0xc2: {  	_ =	task.clear_ibuf [dreg:s7], $0x2FFFF;
	_ =	strace $0x9FFFFFFF  }
0xc3: {  	(tm) =	ssettm $0x7FFFFFFF  }
tec
execute0_lowered:
.L_overlay_start_1:
0x0: {  	(tag) =	ssettag $0x1  }
0x1: {  	s5 =	rddreg [dreg:$0x0]  }
0x2: {  	s2 =	rddreg [dreg:$0x1]  }
0x3: {  	s3 =	rddreg [dreg:$0x2]  }
0x4: {  	s0 =	rddreg [dreg:$0x3]  }
0x5: {  	s6 =	srdreg.scid;
	s1 =	stileid.u32  }
0x6: {  	s4 =	simm.s32 $0x0;
	s14 =	simm.s32 $0x1;
	s15 =	simm.s32 $0x0  }
0x7: {  	s6 =	sand.u32 $0x1, s6;
	s7 =	smul.u32 $0xA000, s1;
	[smem:$0x7FF] =	sst s4  }
0x8: {  	s28 =	smul.u32 $0x28000, s1;
	s30 =	sshll.u32 s1, $0x6;
	s31 =	sshll.u32 s1, $0xC  }
0x9: {  	s8 =	sshll.u32 s6, $0xB;
	s9 =	smul.u32 $0xA0000, s6;
	_ =	strace $0x80000047  }
0xa: {  	s6 =	ssub.s32 $0x2, s6;
	s8 =	sadd.s32 s8, s5;
	s10 =	sshrl.u32 s7, $0x3  }
0xb: {  	s11 =	sshrl.u32 s6, $0x1;
	s29 =	sshrl.u32 s28, $0x2;
	s7 =	sadd.s32 s7, s9  }
0xc: {  	s10 =	sadd.s32 s10, s5;
	s11 =	ssub.s32 s6, s11;
	s13 =	sadd.s32 s29, s3  }
0xd: {  	s6 =	sor.u32 $0x1C02, s30;
	s7 =	sshrl.u32 s7, $0x3;
	s9 =	smax.u32 s11, $0x1  }
0xe: {  	s11 =	simm.s32 $0x2;
	s12 =	sadd.s32 s7, s5;
	s5 =	sadd.s32 $0x18400, s10  }
0xf: {  	s7 =	sadd.s32 s31, s8;
	s10 =	sshrl.u32 s13, $0x3;
	s13 =	simm.s32 $0x50  }
0x10: {  	s7 =	sadd.s32 $0x8400, s7;
	s8 =	sadd.s32 $0x3FC00, s12;
	s12 =	simm.s32 $0x4000  }
.LBB2_1:
0x11: {  	[spmem:s10], [sflag:s6] =	dma.local [hbm:s5], $0x1400  }
0x12: {  	_ =	swait.ge [sflag:s11], $0x1400  }
0x13: {  	[sflag:s11] =	ssyncset.done $0x0  }
0x14: {  	[sflag:s11] =	ssyncadd.s32 $0xFFFFEC00  }
0x15: {  	[tilespmem:s12], [sflag:$0x2] =	stream.linear.gather [hbm4b:s2+s4], $0x2800, $0x38;
	[tilespmem:$0x10800] =	vst v63  }
0x16: {  	_ =	swait.ge [sflag:s11], $0x2800  }
0x17: {  	[sflag:s11] =	ssyncset.done $0x0  }
0x18: {  	[sflag:s11] =	ssyncadd.s32 $0xFFFFD800  }
0x19: {  	[tilespmem:s4], [sflag:$0x2] =	stream.linear.gather [hbm4b:s7+s4], $0x3E80, $0x38;
	[tilespmem:$0x10800] =	vst v63  }
0x1a: {  	_ =	swait.ge [sflag:s11], $0x3E80  }
0x1b: {  	[sflag:s11] =	ssyncset.done $0x0  }
0x1c: {  	[sflag:s11] =	ssyncadd.s32 $0xFFFFC180  }
0x1d: {  	s16 =	simm.s32 $0x0;
	[bflag:$0x0] =	sbarrier.arrive $0xFFFF  }
.LBB2_2:
0x1e: {  	p0 =	sne.s32 s16, $0xF800  }
.Ltmp0:
0x1f: {  	_ = 	snop;
	(pc) =	sbr.rel @p0 .LBB2_2-.Ltmp0, $3  }
0x20: {  	_ =	sdelay $0x1  }
0x21: {  	s17 =	sshra.s32 s16, $0x2;
	s16 =	sadd.s32 $0x200, s16  }
0x22: {  	[spmem:s3] =	stream.indirect.scatter.add.f32 [tilespmem:s12], [sflag:$0x1], $0x80, s17, s13, $0xb8;
	[tilespmem:$0x10800] =	vst v63  }
0x23: {  	_ =	swait.ge [sflag:s14], $0x2800  }
0x24: {  	s16 =	simm.s32 $0x7C;
	[sflag:s14] =	ssyncset.done $0x0  }
.LBB2_4:
0x25: {  	p0 =	sne.s32 s16, $0x1;
	s16 =	sadd.s32 $0xFFFFFFFF, s16;
	[sflag:s14] =	ssyncadd.s32 $0xFFFFD800  }
.Ltmp1:
0x26: {  	(pc) =	sbr.rel @p0 .LBB2_4-.Ltmp1, $3  }
0x27: {  	_ =	sdelay $0x1  }
0x28: {  	_ =	swait.ge [sflag:s14], $0x2800  }
0x29: {  	[sflag:s14] =	ssyncset.done $0x0  }
0x2a: {  	s15 =	sadd.s32 $0x1, s15  }
0x2b: {  	[sflag:s14] =	ssyncadd.s32 $0xFFFFD800;
	p0 =	sne.s32 s15, s9  }
.Ltmp2:
0x2c: {  	[bflag:$0x0] =	sbarrier.arrive $0xFFFF;
	(pc) =	sbr.rel @p0 .LBB2_1-.Ltmp2, $4  }
0x2d: {  	[hbm:s8], [sflag:s6] =	dma.local [spmem:s10], $0x1400  }
0x2e: {  	_ =	swait.ge [sflag:s11], $0x1400  }
0x2f: {  	[sflag:s11] =	ssyncset.done $0x0  }
0x30: {  	[sflag:s11] =	ssyncadd.s32 $0xFFFFEC00  }
0x31: {  	_ =	sfence.sel $0x180000  }
0x32: {  	[bflag:$0x0] =	sbarrier.arrive $0xFFFF  }
0x33: {  	p0 =	sne.s32 s1, $0x0;
	_ =	strace $0x90000047  }
0x34: {  	s0 =	sadd.s32 @!p0 $0x100000, s0;
	[bflag:$0x2] =	sbarrier.arrive $0xFFFF  }
0x35: {  	[sflag:s0] =	ssyncadd.tile.s32 @!p0 $0x1;
	_ =	shalt  }
.Lfunc_end2:
_tile_overlayer_lowered:
.L_overlay_start_2:
0x36: {  	(tag) =	ssettag $0x2  }
0x37: {  	s0 =	rddreg [dreg:$0x0];
	s2 =	stileid.u32  }
0x38: {  	s1 =	rddreg [dreg:$0x1];
	p0 =	sne.s32 s2, $0x0  }
0x39: {  	s3 =	rddreg [dreg:$0x2];
	[bflag:$0x3] =	sbarrier.arrive $0xFFFF;
	s2 =	simm.s32 @!p0 $0x1C02  }
0x3a: {  	[timem:s3], [sflag:s2] =	dma.local @!p0 [hbm:s0], s1  }
0x3b: {  	s0 =	simm.s32 @!p0 $0x2  }
0x3c: {  	_ =	swait.ge @!p0 [sflag:s0], s1  }
0x3d: {  	s1 =	ssub.s32 @!p0 $0x0, s1;
	[sflag:s0] =	ssyncset.done @!p0 $0x0  }
0x3e: {  	[sflag:s0] =	ssyncadd.s32 @!p0 s1  }
0x3f: {  	[bflag:$0x3] =	sbarrier.arrive $0xFFFF  }
0x40: {  	_ =	shalt  }

// kernel: kernel.21.cloned.1.call-start
scs
__scs_entry_jumppad:
0x0: {  	(pc) =	sbr.rel $0x88, $3  }
0x1: {  	(tag) =	ssettag $0x0;
	lr =	simm.s32 $0x1  }
0x2: {  	[smem:$0x3F91] =	sst lr;
	_ =	strace $0xD0000000  }
0x3: {  	_ = 	snop  }
0x4: {  	_ = 	snop  }
0x5: {  	_ = 	snop  }
0x6: {  	_ = 	snop  }
0x7: {  	_ = 	snop  }
__scs_overlays_trampoline_lowered:
0x8: {  	[smem:$0x3FA0] =	sst s0  }
0x9: {  	[smem:$0x3FA1] =	sst s1  }
0xa: {  	[smem:$0x3FA2] =	sst s2  }
0xb: {  	[smem:$0x3FA3] =	sst s3  }
0xc: {  	[smem:$0x3FA4] =	sst s4  }
0xd: {  	[smem:$0x3FA5] =	sst s5  }
0xe: {  	[smem:$0x3FA6] =	sst s6  }
0xf: {  	[smem:$0x3FA7] =	sst s7  }
0x10: {  	[smem:$0x3FA8] =	sst s8  }
0x11: {  	[smem:$0x3FA9] =	sst s9;
	s0 =	simm.s32 @!p0 $0x0  }
0x12: {  	s1 =	sld [smem:$0x3F8F];
	s0 =	simm.s32 @p0 $0x1  }
0x13: {  	[smem:$0x3FAA] =	sst s0;
	s0 =	simm.s32 @!p1 $0x0  }
0x14: {  	s2 =	sld [smem:$0x3F8E];
	s0 =	simm.s32 @p1 $0x1  }
0x15: {  	[smem:$0x3FAB] =	sst s0;
	s0 =	simm.s32 @!p2 $0x0  }
0x16: {  	s3 =	sld [smem:$0x3FDB];
	s0 =	simm.s32 @p2 $0x1  }
0x17: {  	s4 =	simm.s32 $0x1BF5;
	[smem:$0x3FAD] =	sst s0  }
0x18: {  	s0 =	sld [smem:$0x3F90];
	_ =	swait.ge [sflag:s4], $0x0  }
0x19: {  	s7 =	sld [smem:$0x3F91]  }
0x1a: {  	s8 =	sadd.s32 $0xFFFFE003, lr  }
0x1b: {  	s9 =	sadd.s32 $0xFFFFFEF7, lr;
	s5 =	simm.s32 $0xFFFFFFFF;
	p2 =	slt.u32 s8, $0xFFFFF086  }
0x1c: {  	p1 =	slt.u32 s9, $0xF7A;
	s5 =	simm.s32 @!p2 $0x0  }
0x1d: {  	s5 =	simm.s32 @p1 $0x1;
	p0 =	seq.s32 s7, s2  }
0x1e: {  	s7 =	smul.u32 @!p0 $0xF7A, s2;
	p2 =	seq.s32 @!p0 s5, $0x0  }
0x1f: {  	s9 =	smul.u32 $0xF7A, s1;
	s8 =	simm.s32 @!p0 $0x1BF5;
	p2 =	por !p2, p0  }
0x20: {  	[sflag:s8] =	ssyncset.s32 @!p0 $0xFFFFF086;
	s6 =	sadd.s32 @!p0 s3, s7;
	s7 =	simm.s32 @!p0 $0x108  }
0x21: {  	s3 =	sadd.s32 s3, s9;
	s6 =	sadd.s32 @!p0 $0x88, s6;
	s7 =	simm.s32 @p2 $0x1082  }
0x22: {  	[simem:s7], [sflag:s8] =	dma.local @!p0 [hbm:s6], $0xF7A  }
0x23: {  	s9 =	sor.u32 $0xD0000000, s2;
	s6 =	simm.s32 $0x108;
	_ =	swait.ge @!p0 [sflag:s8], $0x0  }
0x24: {  	s3 =	sadd.s32 $0x88, s3;
	s6 =	simm.s32 @!p1 $0x1082;
	[sflag:s4] =	ssyncset.s32 $0xFFFFF086  }
0x25: {  	[simem:s6], [sflag:s4] =	dma.local [hbm:s3], $0xF7A  }
0x26: {  	[smem:$0x3F91] =	sst s1;
	(tag) =	ssettag s2;
	_ =	strace s9  }
0x27: {  	s1 =	sld [smem:$0x3FA1]  }
0x28: {  	s2 =	sld [smem:$0x3FA2]  }
0x29: {  	s4 =	sld [smem:$0x3FA4]  }
0x2a: {  	p0 =	seq.s32 s5, $0x0;
	s5 =	sld [smem:$0x3FA5]  }
0x2b: {  	s6 =	sld [smem:$0x3FA6]  }
0x2c: {  	s7 =	sld [smem:$0x3FA7]  }
0x2d: {  	s3 =	simm.s32 $0x108;
	s8 =	sld [smem:$0x3FA8]  }
0x2e: {  	s3 =	simm.s32 @!p0 $0x1082;
	s9 =	sld [smem:$0x3FA9]  }
0x2f: {  	lr =	sadd.s32 s0, s3;
	s0 =	sld [smem:$0x3FA0]  }
0x30: {  	s3 =	sld [smem:$0x3FA3]  }
0x31: {  	[smem:$0x3FAC] =	sst s10  }
0x32: {  	s10 =	sld [smem:$0x3FAA];
	_ =	sdelay $0x3  }
0x33: {  	p0 =	seq.s32 s10, $0x1;
	s10 =	sld [smem:$0x3FAC];
	_ =	sdelay $0x3  }
0x34: {  	[smem:$0x3FAC] =	sst s10  }
0x35: {  	s10 =	sld [smem:$0x3FAB];
	_ =	sdelay $0x3  }
0x36: {  	p1 =	seq.s32 s10, $0x1;
	s10 =	sld [smem:$0x3FAC];
	_ =	sdelay $0x3  }
0x37: {  	[smem:$0x3FAC] =	sst s10  }
0x38: {  	s10 =	sld [smem:$0x3FAD]  }
0x39: {  	_ = 	snop;
	(pc) =	sbr.ind lr, $3  }
0x3a: {  	_ = 	snop  }
0x3b: {  	_ = 	snop  }
0x3c: {  	p2 =	seq.s32 s10, $0x1;
	s10 =	sld [smem:$0x3FAC]  }
0x3d: {  	_ =	shalt  }
0x3e: {  	_ =	shalt  }
0x3f: {  	_ =	shalt  }
0x40: {  	_ =	shalt  }
0x41: {  	_ =	shalt  }
0x42: {  	_ =	shalt  }
0x43: {  	_ =	shalt  }
0x44: {  	_ =	shalt  }
0x45: {  	_ =	shalt  }
0x46: {  	_ =	shalt  }
0x47: {  	_ =	shalt  }
0x48: {  	_ =	shalt  }
0x49: {  	_ =	shalt  }
0x4a: {  	_ =	shalt  }
0x4b: {  	_ =	shalt  }
0x4c: {  	_ =	shalt  }
0x4d: {  	_ =	shalt  }
0x4e: {  	_ =	shalt  }
0x4f: {  	_ =	shalt  }
0x50: {  	_ =	shalt  }
0x51: {  	_ =	shalt  }
0x52: {  	_ =	shalt  }
0x53: {  	_ =	shalt  }
0x54: {  	_ =	shalt  }
0x55: {  	_ =	shalt  }
0x56: {  	_ =	shalt  }
0x57: {  	_ =	shalt  }
0x58: {  	_ =	shalt  }
0x59: {  	_ =	shalt  }
0x5a: {  	_ =	shalt  }
0x5b: {  	_ =	shalt  }
0x5c: {  	_ =	shalt  }
0x5d: {  	_ =	shalt  }
0x5e: {  	_ =	shalt  }
0x5f: {  	_ =	shalt  }
0x60: {  	_ =	shalt  }
0x61: {  	_ =	shalt  }
0x62: {  	_ =	shalt  }
0x63: {  	_ =	shalt  }
0x64: {  	_ =	shalt  }
0x65: {  	_ =	shalt  }
0x66: {  	_ =	shalt  }
0x67: {  	_ =	shalt  }
0x68: {  	_ =	shalt  }
0x69: {  	_ =	shalt  }
0x6a: {  	_ =	shalt  }
0x6b: {  	_ =	shalt  }
0x6c: {  	_ =	shalt  }
0x6d: {  	_ =	shalt  }
0x6e: {  	_ =	shalt  }
0x6f: {  	_ =	shalt  }
0x70: {  	_ =	shalt  }
0x71: {  	_ =	shalt  }
0x72: {  	_ =	shalt  }
0x73: {  	_ =	shalt  }
0x74: {  	_ =	shalt  }
0x75: {  	_ =	shalt  }
0x76: {  	_ =	shalt  }
0x77: {  	_ =	shalt  }
0x78: {  	_ =	shalt  }
0x79: {  	_ =	shalt  }
0x7a: {  	_ =	shalt  }
0x7b: {  	_ =	shalt  }
0x7c: {  	_ =	shalt  }
0x7d: {  	_ =	shalt  }
0x7e: {  	_ =	shalt  }
0x7f: {  	_ =	shalt  }
0x80: {  	_ =	shalt  }
0x81: {  	_ =	shalt  }
0x82: {  	_ =	shalt  }
0x83: {  	_ =	shalt  }
0x84: {  	_ =	shalt  }
0x85: {  	_ =	shalt  }
0x86: {  	_ =	shalt  }
0x87: {  	_ =	shalt  }
.Lfunc_end0:
.L_simem_size_0:
called_computation.1_lowered:
.L_overlay_start_0:
0x88: {  	s2 =	sld [smem:$0x3FD9]  }
0x89: {  	s3 =	sld [smem:$0x3FFE];
	_ =	sdelay $0x1  }
0x8a: {  	s1 =	srdreg.scid  }
0x8b: {  	s0 =	sand.u32 $0x1, s1  }
0x8c: {  	s17 =	sshll.u32 s0, $0xA;
	s2 =	sadd.s32 s3, s2  }
0x8d: {  	s2 =	sadd.s32 s2, s17  }
0x8e: {  	[smem:$0x3FB8] =	sst s2  }
0x8f: {  	_ = 	snop  }
0x90: {  	s18 =	sld [smem:$0x3FD0];
	(tm) =	ssettm $0x1  }
0x91: {  	s19 =	sld [smem:$0x3FFB];
	_ =	sdelay $0x3  }
0x92: {  	_ =	strace s19  }
0x93: {  	s2 =	sld [smem:$0x3FFC];
	_ =	sdelay $0x3  }
0x94: {  	_ =	strace s2  }
0x95: {  	s2 =	sld [smem:$0x3FFD];
	_ =	sdelay $0x3  }
0x96: {  	_ =	strace s2  }
0x97: {  	_ =	strace $0x8FFFFFFF  }
0x98: {  	s20 =	sld [smem:$0x3FDB];
	_ =	sdelay $0x1  }
0x99: {  	s4 =	simm.s32 $_scs_section_size  }
0x9a: {  	s5 =	simm.s32 $_size__tile_overlayer_lowered;
	s6 =	simm.s32 $_tile_overlayer_lowered  }
0x9b: {  	s7 =	simm.s32 $0x1BFF;
	s21 =	sshll.u32 s6, $0x1;
	s4 =	sadd.s32 s4, s20  }
0x9c: {  	s22 =	simm.s32 $0x0;
	s5 =	sshll.u32 s5, $0x1;
	s6 =	sadd.s32 s21, s4  }
0x9d: {  	[timem:s22], [sflag:s7] =	dma.local [hbm:s6], s5  }
0x9e: {  	_ =	swait.ge [sflag:s7], s5  }
0x9f: {  	s5 =	ssub.s32 $0x0, s5;
	[sflag:s7] =	ssyncset.done $0x0  }
0xa0: {  	[sflag:s7] =	ssyncadd.s32 s5;
	_ =	sdelay $0x1  }
0xa1: {  	s23 =	simm.s32 $0x1B8B  }
0xa2: {  	_ =	swait.ge [sflag:s23], $0x1  }
0xa3: {  	[sflag:s23] =	ssyncset.done $0x0  }
0xa4: {  	[sflag:s23] =	ssyncadd.s32 $0xFFFFFFFF  }
0xa5: {  	s5 =	sld [smem:$0x0]  }
0xa6: {  	s6 =	sand.u32 $0xFFFFFFFE, s1  }
0xa7: {  	p0 =	sne.s32 s1, s6  }
0xa8: {  	s6 =	sshll.u32 @p0 s6, $0xE  }
0xa9: {  	s6 =	sadd.s32 @p0 $0x11B8D, s6;
	s7 =	sshll.u32 @p0 s5, $0x11  }
0xaa: {  	s6 =	sor.u32 @p0 s7, s6  }
0xab: {  	[sflag:s6] =	ssyncadd.remote.s32 @p0 $0x1;
	_ =	sdelay $0x1  }
0xac: {  	s6 =	simm.s32 @p0 $0x1B8D  }
0xad: {  	_ =	swait.eq @p0 [sflag:s6], $0x1  }
0xae: {  	[sflag:s6] =	ssyncadd.s32 @p0 $0xFFFFFFFF  }
0xaf: {  	s7 =	sshll.u32 @!p0 s1, $0xE  }
0xb0: {  	s7 =	sor.u32 @!p0 $0x4000, s7;
	s6 =	simm.s32 @!p0 $0x1B8D  }
0xb1: {  	s5 =	sshll.u32 @!p0 s5, $0x11;
	s7 =	sadd.s32 @!p0 $0x11B8D, s7;
	_ =	swait.eq @!p0 [sflag:s6], $0x1  }
0xb2: {  	s5 =	sor.u32 @!p0 s5, s7;
	[sflag:s6] =	ssyncadd.s32 @!p0 $0xFFFFFFFF  }
0xb3: {  	s25 =	simm.s32 $0x1B8E;
	s24 =	sld [smem:$0x3FFE];
	[sflag:s5] =	ssyncadd.remote.s32 @!p0 $0x1  }
0xb4: {  	s26 =	simm.s32 $execute0_lowered;
	[smem:$0x3FD2] =	sst s25  }
0xb5: {  	s6 =	sshll.u32 s26, $0x1;
	_ =	strace $0x8000004C;
	[dreg:$0x1] =	wrdreg $0xFFFFFFFF  }
0xb6: {  	s28 =	simm.s32 $_size_execute0_lowered;
	s4 =	sadd.s32 s4, s6;
	[dreg:$0x0] =	wrdreg $0x0  }
0xb7: {  	s6 =	sshll.u32 s28, $0x1;
	[dreg:$0x2] =	wrdreg s4  }
0xb8: {  	[dreg:$0x3] =	wrdreg s6  }
0xb9: {  	[dreg:$0x4] =	wrdreg $0xC0  }
0xba: {  	_ =	task [dreg:s22], $0x5FFFF  }
0xbb: {  	[dreg:$0x1] =	wrdreg $0xFFFFFFFF  }
0xbc: {  	[dreg:$0x0] =	wrdreg $0x60  }
0xbd: {  	[dreg:$0x2] =	wrdreg s24  }
0xbe: {  	[dreg:$0x3] =	wrdreg s18  }
0xbf: {  	[dreg:$0x4] =	wrdreg $0x68000  }
0xc0: {  	[dreg:$0x5] =	wrdreg $0x9  }
0xc1: {  	_ =	task.clear_ibuf [dreg:s22], $0x6FFFF;
	_ =	strace $0x9000004C  }
0xc2: {  	s29 =	simm.s32 $0x9;
	_ =	strace $0x8000004E  }
0xc3: {  	_ =	swait.ge [sflag:s29], $0x1  }
0xc4: {  	[sflag:s29] =	ssyncadd.s32 $0xFFFFFFFF  }
0xc5: {  	_ =	strace $0x9000004E  }
0xc6: {  	_ =	sfence  }
0xc7: {  	s30 =	sld [smem:$0x0];
	_ =	sdelay $0x2  }
0xc8: {  	s31 =	sshll.u32 s1, $0xD;
	s1 =	sshrl.u32 s1, $0x2  }
0xc9: {  	s4 =	sand.u32 $0x4000, s31;
	s1 =	sadd.s32 s1, s30  }
0xca: {  	s0 =	sor.u32 s4, s0;
	s1 =	sshll.u32 s1, $0x11  }
0xcb: {  	s0 =	sor.u32 s1, s0  }
0xcc: {  	s0 =	sadd.s32 $0x8F2B, s0  }
0xcd: {  	[sflag:s0] =	ssyncadd.remote.s32 $0x1  }
0xce: {  	_ =	sfence.sel $0xFFFF  }
0xcf: {  	[dreg:$0x0] =	wrdreg $0xFFFFFFFF;
	(pc) =	sbr.abs _section_cstart, $3  }
0xd0: {  	[dreg:$0x1] =	wrdreg $0xFFFFFFFF  }
0xd1: {  	_ =	task.clear_ibuf [dreg:s22], $0x2FFFF;
	_ =	strace $0x9FFFFFFF  }
0xd2: {  	(tm) =	ssettm $0x7FFFFFFF  }
0xd3: {  	_ =	shalt  }
tec
execute0_lowered:
.L_overlay_start_1:
0x0: {  	(tag) =	ssettag $0x1  }
0x1: {  	s5 =	rddreg [dreg:$0x0]  }
0x2: {  	s2 =	rddreg [dreg:$0x1]  }
0x3: {  	s3 =	rddreg [dreg:$0x2]  }
0x4: {  	s0 =	rddreg [dreg:$0x3]  }
0x5: {  	s6 =	srdreg.scid;
	s1 =	stileid.u32  }
0x6: {  	s4 =	simm.s32 $0x0;
	s14 =	simm.s32 $0x1;
	s15 =	simm.s32 $0x0  }
0x7: {  	s6 =	sand.u32 $0x1, s6;
	s7 =	smul.u32 $0x13C00, s1;
	[smem:$0x7FF] =	sst s4  }
0x8: {  	s28 =	smul.u32 $0x4F000, s1;
	s30 =	sshll.u32 s1, $0x6;
	s31 =	sshll.u32 s1, $0xC  }
0x9: {  	s8 =	sshll.u32 s6, $0xB;
	s9 =	smul.u32 $0x13C000, s6;
	_ =	strace $0x8000004D  }
0xa: {  	s6 =	ssub.s32 $0x2, s6;
	s8 =	sadd.s32 s8, s5;
	s10 =	sshrl.u32 s7, $0x3  }
0xb: {  	s11 =	sshrl.u32 s6, $0x1;
	s29 =	sshrl.u32 s28, $0x2;
	s7 =	sadd.s32 s7, s9  }
0xc: {  	s10 =	sadd.s32 s10, s5;
	s11 =	ssub.s32 s6, s11;
	s13 =	sadd.s32 s29, s3  }
0xd: {  	s6 =	sor.u32 $0x1C02, s30;
	s7 =	sshrl.u32 s7, $0x3;
	s9 =	smax.u32 s11, $0x1  }
0xe: {  	s11 =	simm.s32 $0x2;
	s12 =	sadd.s32 s7, s5;
	s5 =	sadd.s32 $0x18400, s10  }
0xf: {  	s7 =	sadd.s32 s31, s8;
	s10 =	sshrl.u32 s13, $0x3;
	s13 =	simm.s32 $0x50  }
0x10: {  	s7 =	sadd.s32 $0xB6E00, s7;
	s8 =	sadd.s32 $0xC6E00, s12;
	s12 =	simm.s32 $0x4000  }
.LBB2_1:
0x11: {  	[spmem:s10], [sflag:s6] =	dma.local [hbm:s5], $0x2780  }
0x12: {  	_ =	swait.ge [sflag:s11], $0x2780  }
0x13: {  	[sflag:s11] =	ssyncset.done $0x0  }
0x14: {  	[sflag:s11] =	ssyncadd.s32 $0xFFFFD880  }
0x15: {  	[tilespmem:s12], [sflag:$0x2] =	stream.linear.gather [hbm4b:s2+s4], $0x2800, $0x38;
	[tilespmem:$0x1A400] =	vst v63  }
0x16: {  	_ =	swait.ge [sflag:s11], $0x2800  }
0x17: {  	[sflag:s11] =	ssyncset.done $0x0  }
0x18: {  	[sflag:s11] =	ssyncadd.s32 $0xFFFFD800  }
0x19: {  	[tilespmem:s4], [sflag:$0x2] =	stream.linear.gather [hbm4b:s7+s4], $0x3E80, $0x38;
	[tilespmem:$0x1A400] =	vst v63  }
0x1a: {  	_ =	swait.ge [sflag:s11], $0x3E80  }
0x1b: {  	[sflag:s11] =	ssyncset.done $0x0  }
0x1c: {  	[sflag:s11] =	ssyncadd.s32 $0xFFFFC180  }
0x1d: {  	s16 =	simm.s32 $0x0;
	[bflag:$0x0] =	sbarrier.arrive $0xFFFF  }
.LBB2_2:
0x1e: {  	p0 =	sne.s32 s16, $0xF800  }
.Ltmp0:
0x1f: {  	_ = 	snop;
	(pc) =	sbr.rel @p0 .LBB2_2-.Ltmp0, $3  }
0x20: {  	_ =	sdelay $0x1  }
0x21: {  	s17 =	sshra.s32 s16, $0x2;
	s16 =	sadd.s32 $0x200, s16  }
0x22: {  	[spmem:s3] =	stream.indirect.scatter.add.f32 [tilespmem:s12], [sflag:$0x1], $0x80, s17, s13, $0xb8;
	[tilespmem:$0x1A400] =	vst v63  }
0x23: {  	_ =	swait.ge [sflag:s14], $0x2800  }
0x24: {  	s16 =	simm.s32 $0x7C;
	[sflag:s14] =	ssyncset.done $0x0  }
.LBB2_4:
0x25: {  	p0 =	sne.s32 s16, $0x1;
	s16 =	sadd.s32 $0xFFFFFFFF, s16;
	[sflag:s14] =	ssyncadd.s32 $0xFFFFD800  }
.Ltmp1:
0x26: {  	(pc) =	sbr.rel @p0 .LBB2_4-.Ltmp1, $3  }
0x27: {  	_ =	sdelay $0x1  }
0x28: {  	_ =	swait.ge [sflag:s14], $0x2800  }
0x29: {  	[sflag:s14] =	ssyncset.done $0x0  }
0x2a: {  	s15 =	sadd.s32 $0x1, s15  }
0x2b: {  	[sflag:s14] =	ssyncadd.s32 $0xFFFFD800;
	p0 =	sne.s32 s15, s9  }
.Ltmp2:
0x2c: {  	[bflag:$0x0] =	sbarrier.arrive $0xFFFF;
	(pc) =	sbr.rel @p0 .LBB2_1-.Ltmp2, $4  }
0x2d: {  	[hbm:s8], [sflag:s6] =	dma.local [spmem:s10], $0x2780  }
0x2e: {  	_ =	swait.ge [sflag:s11], $0x2780  }
0x2f: {  	[sflag:s11] =	ssyncset.done $0x0  }
0x30: {  	[sflag:s11] =	ssyncadd.s32 $0xFFFFD880  }
0x31: {  	_ =	sfence.sel $0x180000  }
0x32: {  	[bflag:$0x0] =	sbarrier.arrive $0xFFFF  }
0x33: {  	p0 =	sne.s32 s1, $0x0;
	_ =	strace $0x9000004D  }
0x34: {  	s0 =	sadd.s32 @!p0 $0x100000, s0;
	[bflag:$0x2] =	sbarrier.arrive $0xFFFF  }
0x35: {  	[sflag:s0] =	ssyncadd.tile.s32 @!p0 $0x1;
	_ =	shalt  }
.Lfunc_end2:
_tile_overlayer_lowered:
.L_overlay_start_2:
0x36: {  	(tag) =	ssettag $0x2  }
0x37: {  	s0 =	rddreg [dreg:$0x0];
	s2 =	stileid.u32  }
0x38: {  	s1 =	rddreg [dreg:$0x1];
	p0 =	sne.s32 s2, $0x0  }
0x39: {  	s3 =	rddreg [dreg:$0x2];
	[bflag:$0x3] =	sbarrier.arrive $0xFFFF;
	s2 =	simm.s32 @!p0 $0x1C02  }
0x3a: {  	[timem:s3], [sflag:s2] =	dma.local @!p0 [hbm:s0], s1  }
0x3b: {  	s0 =	simm.s32 @!p0 $0x2  }
0x3c: {  	_ =	swait.ge @!p0 [sflag:s0], s1  }
0x3d: {  	s1 =	ssub.s32 @!p0 $0x0, s1;
	[sflag:s0] =	ssyncset.done @!p0 $0x0  }
0x3e: {  	[sflag:s0] =	ssyncadd.s32 @!p0 s1  }
0x3f: {  	[bflag:$0x3] =	sbarrier.arrive $0xFFFF  }
0x40: {  	_ =	shalt  }

// kernel: kernel.24.cloned.1.call-start
scs
__scs_entry_jumppad:
0x0: {  	(pc) =	sbr.rel $0x88, $3  }
0x1: {  	(tag) =	ssettag $0x0;
	lr =	simm.s32 $0x1  }
0x2: {  	[smem:$0x3F91] =	sst lr;
	_ =	strace $0xD0000000  }
0x3: {  	_ = 	snop  }
0x4: {  	_ = 	snop  }
0x5: {  	_ = 	snop  }
0x6: {  	_ = 	snop  }
0x7: {  	_ = 	snop  }
__scs_overlays_trampoline_lowered:
0x8: {  	[smem:$0x3FA0] =	sst s0  }
0x9: {  	[smem:$0x3FA1] =	sst s1  }
0xa: {  	[smem:$0x3FA2] =	sst s2  }
0xb: {  	[smem:$0x3FA3] =	sst s3  }
0xc: {  	[smem:$0x3FA4] =	sst s4  }
0xd: {  	[smem:$0x3FA5] =	sst s5  }
0xe: {  	[smem:$0x3FA6] =	sst s6  }
0xf: {  	[smem:$0x3FA7] =	sst s7  }
0x10: {  	[smem:$0x3FA8] =	sst s8  }
0x11: {  	[smem:$0x3FA9] =	sst s9;
	s0 =	simm.s32 @!p0 $0x0  }
0x12: {  	s1 =	sld [smem:$0x3F8F];
	s0 =	simm.s32 @p0 $0x1  }
0x13: {  	[smem:$0x3FAA] =	sst s0;
	s0 =	simm.s32 @!p1 $0x0  }
0x14: {  	s2 =	sld [smem:$0x3F8E];
	s0 =	simm.s32 @p1 $0x1  }
0x15: {  	[smem:$0x3FAB] =	sst s0;
	s0 =	simm.s32 @!p2 $0x0  }
0x16: {  	s3 =	sld [smem:$0x3FDB];
	s0 =	simm.s32 @p2 $0x1  }
0x17: {  	s4 =	simm.s32 $0x1BF5;
	[smem:$0x3FAD] =	sst s0  }
0x18: {  	s0 =	sld [smem:$0x3F90];
	_ =	swait.ge [sflag:s4], $0x0  }
0x19: {  	s7 =	sld [smem:$0x3F91]  }
0x1a: {  	s8 =	sadd.s32 $0xFFFFE003, lr  }
0x1b: {  	s9 =	sadd.s32 $0xFFFFFEF7, lr;
	s5 =	simm.s32 $0xFFFFFFFF;
	p2 =	slt.u32 s8, $0xFFFFF086  }
0x1c: {  	p1 =	slt.u32 s9, $0xF7A;
	s5 =	simm.s32 @!p2 $0x0  }
0x1d: {  	s5 =	simm.s32 @p1 $0x1;
	p0 =	seq.s32 s7, s2  }
0x1e: {  	s7 =	smul.u32 @!p0 $0xF7A, s2;
	p2 =	seq.s32 @!p0 s5, $0x0  }
0x1f: {  	s9 =	smul.u32 $0xF7A, s1;
	s8 =	simm.s32 @!p0 $0x1BF5;
	p2 =	por !p2, p0  }
0x20: {  	[sflag:s8] =	ssyncset.s32 @!p0 $0xFFFFF086;
	s6 =	sadd.s32 @!p0 s3, s7;
	s7 =	simm.s32 @!p0 $0x108  }
0x21: {  	s3 =	sadd.s32 s3, s9;
	s6 =	sadd.s32 @!p0 $0x88, s6;
	s7 =	simm.s32 @p2 $0x1082  }
0x22: {  	[simem:s7], [sflag:s8] =	dma.local @!p0 [hbm:s6], $0xF7A  }
0x23: {  	s9 =	sor.u32 $0xD0000000, s2;
	s6 =	simm.s32 $0x108;
	_ =	swait.ge @!p0 [sflag:s8], $0x0  }
0x24: {  	s3 =	sadd.s32 $0x88, s3;
	s6 =	simm.s32 @!p1 $0x1082;
	[sflag:s4] =	ssyncset.s32 $0xFFFFF086  }
0x25: {  	[simem:s6], [sflag:s4] =	dma.local [hbm:s3], $0xF7A  }
0x26: {  	[smem:$0x3F91] =	sst s1;
	(tag) =	ssettag s2;
	_ =	strace s9  }
0x27: {  	s1 =	sld [smem:$0x3FA1]  }
0x28: {  	s2 =	sld [smem:$0x3FA2]  }
0x29: {  	s4 =	sld [smem:$0x3FA4]  }
0x2a: {  	p0 =	seq.s32 s5, $0x0;
	s5 =	sld [smem:$0x3FA5]  }
0x2b: {  	s6 =	sld [smem:$0x3FA6]  }
0x2c: {  	s7 =	sld [smem:$0x3FA7]  }
0x2d: {  	s3 =	simm.s32 $0x108;
	s8 =	sld [smem:$0x3FA8]  }
0x2e: {  	s3 =	simm.s32 @!p0 $0x1082;
	s9 =	sld [smem:$0x3FA9]  }
0x2f: {  	lr =	sadd.s32 s0, s3;
	s0 =	sld [smem:$0x3FA0]  }
0x30: {  	s3 =	sld [smem:$0x3FA3]  }
0x31: {  	[smem:$0x3FAC] =	sst s10  }
0x32: {  	s10 =	sld [smem:$0x3FAA];
	_ =	sdelay $0x3  }
0x33: {  	p0 =	seq.s32 s10, $0x1;
	s10 =	sld [smem:$0x3FAC];
	_ =	sdelay $0x3  }
0x34: {  	[smem:$0x3FAC] =	sst s10  }
0x35: {  	s10 =	sld [smem:$0x3FAB];
	_ =	sdelay $0x3  }
0x36: {  	p1 =	seq.s32 s10, $0x1;
	s10 =	sld [smem:$0x3FAC];
	_ =	sdelay $0x3  }
0x37: {  	[smem:$0x3FAC] =	sst s10  }
0x38: {  	s10 =	sld [smem:$0x3FAD]  }
0x39: {  	_ = 	snop;
	(pc) =	sbr.ind lr, $3  }
0x3a: {  	_ = 	snop  }
0x3b: {  	_ = 	snop  }
0x3c: {  	p2 =	seq.s32 s10, $0x1;
	s10 =	sld [smem:$0x3FAC]  }
0x3d: {  	_ =	shalt  }
0x3e: {  	_ =	shalt  }
0x3f: {  	_ =	shalt  }
0x40: {  	_ =	shalt  }
0x41: {  	_ =	shalt  }
0x42: {  	_ =	shalt  }
0x43: {  	_ =	shalt  }
0x44: {  	_ =	shalt  }
0x45: {  	_ =	shalt  }
0x46: {  	_ =	shalt  }
0x47: {  	_ =	shalt  }
0x48: {  	_ =	shalt  }
0x49: {  	_ =	shalt  }
0x4a: {  	_ =	shalt  }
0x4b: {  	_ =	shalt  }
0x4c: {  	_ =	shalt  }
0x4d: {  	_ =	shalt  }
0x4e: {  	_ =	shalt  }
0x4f: {  	_ =	shalt  }
0x50: {  	_ =	shalt  }
0x51: {  	_ =	shalt  }
0x52: {  	_ =	shalt  }
0x53: {  	_ =	shalt  }
0x54: {  	_ =	shalt  }
0x55: {  	_ =	shalt  }
0x56: {  	_ =	shalt  }
0x57: {  	_ =	shalt  }
0x58: {  	_ =	shalt  }
0x59: {  	_ =	shalt  }
0x5a: {  	_ =	shalt  }
0x5b: {  	_ =	shalt  }
0x5c: {  	_ =	shalt  }
0x5d: {  	_ =	shalt  }
0x5e: {  	_ =	shalt  }
0x5f: {  	_ =	shalt  }
0x60: {  	_ =	shalt  }
0x61: {  	_ =	shalt  }
0x62: {  	_ =	shalt  }
0x63: {  	_ =	shalt  }
0x64: {  	_ =	shalt  }
0x65: {  	_ =	shalt  }
0x66: {  	_ =	shalt  }
0x67: {  	_ =	shalt  }
0x68: {  	_ =	shalt  }
0x69: {  	_ =	shalt  }
0x6a: {  	_ =	shalt  }
0x6b: {  	_ =	shalt  }
0x6c: {  	_ =	shalt  }
0x6d: {  	_ =	shalt  }
0x6e: {  	_ =	shalt  }
0x6f: {  	_ =	shalt  }
0x70: {  	_ =	shalt  }
0x71: {  	_ =	shalt  }
0x72: {  	_ =	shalt  }
0x73: {  	_ =	shalt  }
0x74: {  	_ =	shalt  }
0x75: {  	_ =	shalt  }
0x76: {  	_ =	shalt  }
0x77: {  	_ =	shalt  }
0x78: {  	_ =	shalt  }
0x79: {  	_ =	shalt  }
0x7a: {  	_ =	shalt  }
0x7b: {  	_ =	shalt  }
0x7c: {  	_ =	shalt  }
0x7d: {  	_ =	shalt  }
0x7e: {  	_ =	shalt  }
0x7f: {  	_ =	shalt  }
0x80: {  	_ =	shalt  }
0x81: {  	_ =	shalt  }
0x82: {  	_ =	shalt  }
0x83: {  	_ =	shalt  }
0x84: {  	_ =	shalt  }
0x85: {  	_ =	shalt  }
0x86: {  	_ =	shalt  }
0x87: {  	_ =	shalt  }
.Lfunc_end0:
.L_simem_size_0:
called_computation.2_lowered:
.L_overlay_start_0:
0x88: {  	s2 =	sld [smem:$0x3FD9]  }
0x89: {  	s3 =	sld [smem:$0x3FFE];
	_ =	sdelay $0x1  }
0x8a: {  	s1 =	srdreg.scid  }
0x8b: {  	s0 =	sand.u32 $0x1, s1  }
0x8c: {  	s17 =	sshll.u32 s0, $0xA;
	s2 =	sadd.s32 s3, s2  }
0x8d: {  	s2 =	sadd.s32 s2, s17  }
0x8e: {  	[smem:$0x3FB8] =	sst s2  }
0x8f: {  	_ = 	snop  }
0x90: {  	s18 =	sld [smem:$0x3FC7];
	(tm) =	ssettm $0x1  }
0x91: {  	s19 =	sld [smem:$0x3FFB];
	_ =	sdelay $0x3  }
0x92: {  	_ =	strace s19  }
0x93: {  	s2 =	sld [smem:$0x3FFC];
	_ =	sdelay $0x3  }
0x94: {  	_ =	strace s2  }
0x95: {  	s2 =	sld [smem:$0x3FFD];
	_ =	sdelay $0x3  }
0x96: {  	_ =	strace s2  }
0x97: {  	_ =	strace $0x8FFFFFFF  }
0x98: {  	s20 =	sld [smem:$0x3FDB];
	_ =	sdelay $0x1  }
0x99: {  	s4 =	simm.s32 $_scs_section_size  }
0x9a: {  	s5 =	simm.s32 $_size__tile_overlayer_lowered;
	s6 =	simm.s32 $_tile_overlayer_lowered  }
0x9b: {  	s7 =	simm.s32 $0x1BFF;
	s21 =	sshll.u32 s6, $0x1;
	s4 =	sadd.s32 s4, s20  }
0x9c: {  	s22 =	simm.s32 $0x0;
	s5 =	sshll.u32 s5, $0x1;
	s6 =	sadd.s32 s21, s4  }
0x9d: {  	[timem:s22], [sflag:s7] =	dma.local [hbm:s6], s5  }
0x9e: {  	_ =	swait.ge [sflag:s7], s5  }
0x9f: {  	s5 =	ssub.s32 $0x0, s5;
	[sflag:s7] =	ssyncset.done $0x0  }
0xa0: {  	[sflag:s7] =	ssyncadd.s32 s5;
	_ =	sdelay $0x1  }
0xa1: {  	s23 =	simm.s32 $0x1B8B  }
0xa2: {  	_ =	swait.ge [sflag:s23], $0x1  }
0xa3: {  	[sflag:s23] =	ssyncset.done $0x0  }
0xa4: {  	[sflag:s23] =	ssyncadd.s32 $0xFFFFFFFF  }
0xa5: {  	s5 =	sld [smem:$0x0]  }
0xa6: {  	s6 =	sand.u32 $0xFFFFFFFE, s1  }
0xa7: {  	p0 =	sne.s32 s1, s6  }
0xa8: {  	s6 =	sshll.u32 @p0 s6, $0xE  }
0xa9: {  	s6 =	sadd.s32 @p0 $0x11B8D, s6;
	s7 =	sshll.u32 @p0 s5, $0x11  }
0xaa: {  	s6 =	sor.u32 @p0 s7, s6  }
0xab: {  	[sflag:s6] =	ssyncadd.remote.s32 @p0 $0x1;
	_ =	sdelay $0x1  }
0xac: {  	s6 =	simm.s32 @p0 $0x1B8D  }
0xad: {  	_ =	swait.eq @p0 [sflag:s6], $0x1  }
0xae: {  	[sflag:s6] =	ssyncadd.s32 @p0 $0xFFFFFFFF  }
0xaf: {  	s7 =	sshll.u32 @!p0 s1, $0xE  }
0xb0: {  	s7 =	sor.u32 @!p0 $0x4000, s7;
	s6 =	simm.s32 @!p0 $0x1B8D  }
0xb1: {  	s5 =	sshll.u32 @!p0 s5, $0x11;
	s7 =	sadd.s32 @!p0 $0x11B8D, s7;
	_ =	swait.eq @!p0 [sflag:s6], $0x1  }
0xb2: {  	s5 =	sor.u32 @!p0 s5, s7;
	[sflag:s6] =	ssyncadd.s32 @!p0 $0xFFFFFFFF  }
0xb3: {  	s25 =	simm.s32 $0x1B8E;
	s24 =	sld [smem:$0x3FFE];
	[sflag:s5] =	ssyncadd.remote.s32 @!p0 $0x1  }
0xb4: {  	s26 =	simm.s32 $execute0_lowered;
	[smem:$0x3FD2] =	sst s25  }
0xb5: {  	s6 =	sshll.u32 s26, $0x1;
	_ =	strace $0x80000049;
	[dreg:$0x1] =	wrdreg $0xFFFFFFFF  }
0xb6: {  	s28 =	simm.s32 $_size_execute0_lowered;
	s4 =	sadd.s32 s4, s6;
	[dreg:$0x0] =	wrdreg $0x0  }
0xb7: {  	s6 =	sshll.u32 s28, $0x1;
	[dreg:$0x2] =	wrdreg s4  }
0xb8: {  	[dreg:$0x3] =	wrdreg s6  }
0xb9: {  	[dreg:$0x4] =	wrdreg $0xC0  }
0xba: {  	_ =	task [dreg:s22], $0x5FFFF  }
0xbb: {  	[dreg:$0x1] =	wrdreg $0xFFFFFFFF  }
0xbc: {  	[dreg:$0x0] =	wrdreg $0x60  }
0xbd: {  	[dreg:$0x2] =	wrdreg s24  }
0xbe: {  	[dreg:$0x3] =	wrdreg s18  }
0xbf: {  	[dreg:$0x4] =	wrdreg $0xB7800  }
0xc0: {  	[dreg:$0x5] =	wrdreg $0xB  }
0xc1: {  	_ =	task.clear_ibuf [dreg:s22], $0x6FFFF;
	_ =	strace $0x90000049  }
0xc2: {  	s29 =	simm.s32 $0xB;
	_ =	strace $0x8000004B  }
0xc3: {  	_ =	swait.ge [sflag:s29], $0x1  }
0xc4: {  	[sflag:s29] =	ssyncadd.s32 $0xFFFFFFFF  }
0xc5: {  	_ =	strace $0x9000004B  }
0xc6: {  	_ =	sfence  }
0xc7: {  	s30 =	sld [smem:$0x0];
	_ =	sdelay $0x2  }
0xc8: {  	s31 =	sshll.u32 s1, $0xD;
	s1 =	sshrl.u32 s1, $0x2  }
0xc9: {  	s4 =	sand.u32 $0x4000, s31;
	s1 =	sadd.s32 s1, s30  }
0xca: {  	s0 =	sor.u32 s4, s0;
	s1 =	sshll.u32 s1, $0x11  }
0xcb: {  	s0 =	sor.u32 s1, s0  }
0xcc: {  	s0 =	sadd.s32 $0x8F2B, s0  }
0xcd: {  	[sflag:s0] =	ssyncadd.remote.s32 $0x1  }
0xce: {  	_ =	sfence.sel $0xFFFF  }
0xcf: {  	[dreg:$0x0] =	wrdreg $0xFFFFFFFF;
	(pc) =	sbr.abs _section_cstart, $3  }
0xd0: {  	[dreg:$0x1] =	wrdreg $0xFFFFFFFF  }
0xd1: {  	_ =	task.clear_ibuf [dreg:s22], $0x2FFFF;
	_ =	strace $0x9FFFFFFF  }
0xd2: {  	(tm) =	ssettm $0x7FFFFFFF  }
0xd3: {  	_ =	shalt  }
tec
execute0_lowered:
.L_overlay_start_1:
0x0: {  	(tag) =	ssettag $0x1  }
0x1: {  	s0 =	rddreg [dreg:$0x0]  }
0x2: {  	s1 =	rddreg [dreg:$0x1]  }
0x3: {  	s2 =	rddreg [dreg:$0x2]  }
0x4: {  	s3 =	srdreg.scid;
	s13 =	stileid.u32  }
0x5: {  	s14 =	simm.s32 $0x28;
	s15 =	simm.s32 $0x6780;
	s16 =	simm.s32 $0x7B80  }
0x6: {  	s17 =	simm.s32 $0x50;
	s18 =	simm.s32 $0x8F80;
	s20 =	simm.s32 $0xA380  }
0x7: {  	s21 =	simm.s32 $0x1;
	s22 =	simm.s32 $0x2;
	s28 =	simm.s32 $0x26E8  }
0x8: {  	s29 =	simm.s32 $0x6500;
	s30 =	simm.s32 $0x6580;
	s31 =	simm.s32 $0x0  }
0x9: {  	s5 =	sand.u32 $0x1, s3;
	s4 =	sshll.u32 s13, $0x1;
	s7 =	smul.u32 $0xA000, s13  }
0xa: {  	s3 =	simm.s32 $0x0;
	s11 =	smul.u32 $0x28000, s13;
	s25 =	sshll.u32 s13, $0x6  }
0xb: {  	s6 =	sor.u32 s5, s4;
	[smem:$0x7FF] =	sst s3;
	s9 =	smul.u32 $0xA0000, s5  }
0xc: {  	s4 =	sadd.s32 $0x67C00, s0;
	s5 =	ssub.s32 $0x2, s5;
	s8 =	sshll.u32 s6, $0xB  }
0xd: {  	_ =	strace $0x8000004A;
	s10 =	sshrl.u32 s7, $0x3;
	s23 =	sshrl.u32 s5, $0x1  }
0xe: {  	s24 =	sshrl.u32 s11, $0x2;
	s26 =	smul.u32 $0x4E2, s6;
	s6 =	sor.u32 $0x1C05, s25  }
0xf: {  	s25 =	simm.s32 $0x6480;
	s8 =	sadd.s32 s8, s0;
	s7 =	sadd.s32 s7, s9  }
0x10: {  	s10 =	sadd.s32 s10, s0;
	s12 =	ssub.s32 s5, s23;
	s11 =	sadd.s32 s24, s2  }
0x11: {  	s23 =	simm.s32 $0x3;
	s24 =	simm.s32 $0x4;
	s7 =	sshrl.u32 s7, $0x3  }
0x12: {  	s5 =	sadd.s32 $0x18400, s10;
	s8 =	sadd.s32 $0x8400, s8;
	s10 =	smax.u32 s12, $0x1  }
0x13: {  	s11 =	sshrl.u32 s11, $0x3;
	s12 =	simm.s32 $0x5;
	s0 =	sadd.s32 s7, s0  }
0x14: {  	s7 =	sadd.s32 s1, s26;
	s26 =	simm.s32 $0x26C0;
	s9 =	sadd.s32 $0x8EE00, s0  }
.LBB2_1:
0x15: {  	[spmem:s11], [sflag:s6] =	dma.local [hbm:s5], $0x1400  }
0x16: {  	_ =	swait.ge [sflag:s12], $0x1400  }
0x17: {  	[sflag:s12] =	ssyncset.done $0x0  }
0x18: {  	[sflag:s12] =	ssyncadd.s32 $0xFFFFEC00  }
0x19: {  	[tilespmem:s3], [sflag:$0x5] =	stream.linear.gather [hbm4b:s7+s3], $0x2710, $0x38;
	[tilespmem:$0x15780] =	vst v63  }
0x1a: {  	_ =	swait.ge [sflag:s12], $0x2710  }
0x1b: {  	[sflag:s12] =	ssyncset.done $0x0  }
0x1c: {  	s0 =	simm.s32 $0x2780;
	[sflag:s12] =	ssyncadd.s32 $0xFFFFD8F0  }
0x1d: {  	[tilespmem:s0], [sflag:$0x5] =	stream.linear.gather [hbm4b:s8+s3], $0x3E80, $0x38;
	[tilespmem:$0x15780] =	vst v63  }
0x1e: {  	_ =	swait.ge [sflag:s12], $0x3E80  }
0x1f: {  	[sflag:s12] =	ssyncset.done $0x0  }
0x20: {  	[sflag:s12] =	ssyncadd.s32 $0xFFFFC180  }
0x21: {  	[bflag:$0x0] =	sbarrier.arrive $0xFFFF  }
0x22: {  	[tilespmem:s15], [sflag:$0x1] =	stream.indirect.gather [hbm4b:s4+s14], $0x80, s3, s14, $0xb8;
	[tilespmem:$0x15780] =	vst v63  }
0x23: {  	_ = 	snop  }
0x24: {  	[tilespmem:s16], [sflag:$0x2] =	stream.indirect.gather [hbm4b:s4+s14], $0x80, s14, s14, $0xb8;
	[tilespmem:$0x15780] =	vst v63  }
0x25: {  	_ = 	snop  }
0x26: {  	[tilespmem:s18], [sflag:$0x3] =	stream.indirect.gather [hbm4b:s4+s14], $0x80, s17, s14, $0xb8;
	[tilespmem:$0x15780] =	vst v63  }
0x27: {  	s1 =	simm.s32 $0x78  }
0x28: {  	[tilespmem:s20], [sflag:$0x4] =	stream.indirect.gather [hbm4b:s4+s14], $0x80, s1, s14, $0xb8;
	[tilespmem:$0x15780] =	vst v63  }
0x29: {  	_ =	swait.ge [sflag:s21], $0x1400  }
0x2a: {  	[sflag:s21] =	ssyncset.done $0x0  }
0x2b: {  	[sflag:s21] =	ssyncadd.s32 $0xFFFFEC00  }
0x2c: {  	_ =	swait.ge [sflag:s22], $0x1400  }
0x2d: {  	[sflag:s22] =	ssyncset.done $0x0  }
0x2e: {  	s13 =	simm.s32 $0x2780;
	[sflag:s22] =	ssyncadd.s32 $0xFFFFEC00  }
0x2f: {  	[spmem:s2] =	stream.indirect.scatter.add.f32 [tilespmem:s15], [sflag:$0x5], $0x80, s13, s17, $0xb8;
	[tilespmem:$0x15780] =	vst v63  }
0x30: {  	_ =	swait.ge [sflag:s12], $0x2800  }
0x31: {  	[sflag:s12] =	ssyncset.done $0x0  }
0x32: {  	s19 =	simm.s32 $0xA0;
	[sflag:s12] =	ssyncadd.s32 $0xFFFFD800  }
0x33: {  	[tilespmem:s15], [sflag:$0x1] =	stream.indirect.gather [hbm4b:s4+s14], $0x80, s19, s14, $0xb8;
	[tilespmem:$0x15780] =	vst v63  }
0x34: {  	s1 =	simm.s32 $0xC8  }
0x35: {  	[tilespmem:s16], [sflag:$0x2] =	stream.indirect.gather [hbm4b:s4+s14], $0x80, s1, s14, $0xb8;
	[tilespmem:$0x15780] =	vst v63  }
0x36: {  	_ =	swait.ge [sflag:s23], $0x1400  }
0x37: {  	[sflag:s23] =	ssyncset.done $0x0  }
0x38: {  	[sflag:s23] =	ssyncadd.s32 $0xFFFFEC00  }
0x39: {  	_ =	swait.ge [sflag:s24], $0x1400  }
0x3a: {  	[sflag:s24] =	ssyncset.done $0x0  }
0x3b: {  	s13 =	simm.s32 $0x2800;
	[sflag:s24] =	ssyncadd.s32 $0xFFFFEC00  }
0x3c: {  	[spmem:s2] =	stream.indirect.scatter.add.f32 [tilespmem:s18], [sflag:$0x5], $0x80, s13, s17, $0xb8;
	[tilespmem:$0x15780] =	vst v63  }
0x3d: {  	_ =	swait.ge [sflag:s12], $0x2800  }
0x3e: {  	s0 =	simm.s32 $0x280;
	s19 =	simm.s32 $0xF0;
	[sflag:s12] =	ssyncset.done $0x0  }
0x3f: {  	s1 =	simm.s32 $0x2900;
	s13 =	simm.s32 $0x118;
	[sflag:s12] =	ssyncadd.s32 $0xFFFFD800  }
0x40: {  	[tilespmem:s18], [sflag:$0x3] =	stream.indirect.gather [hbm4b:s4+s14], $0x80, s19, s14, $0xb8;
	[tilespmem:$0x15780] =	vst v63  }
.LBB2_2:
0x41: {  	[tilespmem:s20], [sflag:$0x4] =	stream.indirect.gather [hbm4b:s4+s14], $0x80, s13, s14, $0xb8;
	[tilespmem:$0x15780] =	vst v63  }
0x42: {  	s13 =	smov.u32 s0  }
0x43: {  	p0 =	sne.s32 s0, $0x9600;
	s0 =	sadd.s32 $0x280, s0;
	_ =	swait.ge [sflag:s21], $0x1400  }
0x44: {  	[sflag:s21] =	ssyncset.done $0x0  }
0x45: {  	[sflag:s21] =	ssyncadd.s32 $0xFFFFEC00  }
0x46: {  	_ =	swait.ge [sflag:s22], $0x1400  }
0x47: {  	[sflag:s22] =	ssyncset.done $0x0  }
0x48: {  	s19 =	sadd.s32 $0xFFFFFF80, s1;
	[sflag:s22] =	ssyncadd.s32 $0xFFFFEC00  }
0x49: {  	[spmem:s2] =	stream.indirect.scatter.add.f32 [tilespmem:s15], [sflag:$0x5], $0x80, s19, s17, $0xb8;
	[tilespmem:$0x15780] =	vst v63  }
0x4a: {  	_ =	swait.ge [sflag:s12], $0x2800  }
0x4b: {  	s13 =	sshra.s32 s13, $0x2;
	[sflag:s12] =	ssyncset.done $0x0  }
0x4c: {  	s19 =	sadd.s32 $0xA0, s13;
	[sflag:s12] =	ssyncadd.s32 $0xFFFFD800  }
0x4d: {  	[tilespmem:s15], [sflag:$0x1] =	stream.indirect.gather [hbm4b:s4+s14], $0x80, s19, s14, $0xb8;
	[tilespmem:$0x15780] =	vst v63  }
0x4e: {  	s19 =	sadd.s32 $0xC8, s13  }
0x4f: {  	[tilespmem:s16], [sflag:$0x2] =	stream.indirect.gather [hbm4b:s4+s14], $0x80, s19, s14, $0xb8;
	[tilespmem:$0x15780] =	vst v63  }
0x50: {  	_ =	swait.ge [sflag:s23], $0x1400  }
0x51: {  	[sflag:s23] =	ssyncset.done $0x0  }
0x52: {  	[sflag:s23] =	ssyncadd.s32 $0xFFFFEC00  }
0x53: {  	_ =	swait.ge [sflag:s24], $0x1400  }
0x54: {  	[sflag:s24] =	ssyncset.done $0x0  }
0x55: {  	[sflag:s24] =	ssyncadd.s32 $0xFFFFEC00  }
0x56: {  	[spmem:s2] =	stream.indirect.scatter.add.f32 [tilespmem:s18], [sflag:$0x5], $0x80, s1, s17, $0xb8;
	[tilespmem:$0x15780] =	vst v63  }
.Ltmp0:
0x57: {  	_ =	swait.ge [sflag:s12], $0x2800;
	(pc) =	sbr.rel @p0 .LBB2_2-.Ltmp0, $4  }
0x58: {  	[sflag:s12] =	ssyncset.done $0x0  }
0x59: {  	s19 =	sadd.s32 $0xF0, s13;
	[sflag:s12] =	ssyncadd.s32 $0xFFFFD800  }
0x5a: {  	[tilespmem:s18], [sflag:$0x3] =	stream.indirect.gather [hbm4b:s4+s14], $0x80, s19, s14, $0xb8;
	[tilespmem:$0x15780] =	vst v63  }
0x5b: {  	s13 =	sadd.s32 $0x118, s13;
	s1 =	sadd.s32 $0x100, s1  }
0x5c: {  	[tilespmem:s20], [sflag:$0x4] =	stream.indirect.gather [hbm4b:s4+s14], $0x80, s13, s14, $0xb8;
	[tilespmem:$0x15780] =	vst v63  }
0x5d: {  	_ =	swait.ge [sflag:s21], $0x1400  }
0x5e: {  	[sflag:s21] =	ssyncset.done $0x0  }
0x5f: {  	[sflag:s21] =	ssyncadd.s32 $0xFFFFEC00  }
0x60: {  	_ =	swait.ge [sflag:s22], $0x1400  }
0x61: {  	[sflag:s22] =	ssyncset.done $0x0  }
0x62: {  	[sflag:s22] =	ssyncadd.s32 $0xFFFFEC00  }
0x63: {  	[spmem:s2] =	stream.indirect.scatter.add.f32 [tilespmem:s15], [sflag:$0x5], $0x80, s25, s17, $0xb8;
	[tilespmem:$0x15780] =	vst v63  }
0x64: {  	_ =	swait.ge [sflag:s12], $0x2800  }
0x65: {  	[sflag:s12] =	ssyncset.done $0x0  }
0x66: {  	[sflag:s12] =	ssyncadd.s32 $0xFFFFD800  }
0x67: {  	[tilespmem:s15], [sflag:$0x1] =	stream.indirect.gather [hbm4b:s4+s14], $0x80, s26, s14, $0xb8;
	[tilespmem:$0x15780] =	vst v63  }
0x68: {  	_ = 	snop  }
0x69: {  	[tilespmem:s16], [sflag:$0x2] =	stream.indirect.gather [hbm4b:s4+s14], $0x80, s28, s14, $0xb8;
	[tilespmem:$0x15780] =	vst v63  }
0x6a: {  	_ =	swait.ge [sflag:s23], $0x1400  }
0x6b: {  	[sflag:s23] =	ssyncset.done $0x0  }
0x6c: {  	[sflag:s23] =	ssyncadd.s32 $0xFFFFEC00  }
0x6d: {  	_ =	swait.ge [sflag:s24], $0x1400  }
0x6e: {  	[sflag:s24] =	ssyncset.done $0x0  }
0x6f: {  	[sflag:s24] =	ssyncadd.s32 $0xFFFFEC00  }
0x70: {  	[spmem:s2] =	stream.indirect.scatter.add.f32 [tilespmem:s18], [sflag:$0x5], $0x80, s29, s17, $0xb8;
	[tilespmem:$0x15780] =	vst v63  }
0x71: {  	_ =	swait.ge [sflag:s12], $0x2800  }
0x72: {  	[sflag:s12] =	ssyncset.done $0x0  }
0x73: {  	[sflag:s12] =	ssyncadd.s32 $0xFFFFD800  }
0x74: {  	_ =	swait.ge [sflag:s21], $0x1400  }
0x75: {  	[sflag:s21] =	ssyncset.done $0x0  }
0x76: {  	[sflag:s21] =	ssyncadd.s32 $0xFFFFEC00  }
0x77: {  	_ =	swait.ge [sflag:s22], $0x1400  }
0x78: {  	[sflag:s22] =	ssyncset.done $0x0  }
0x79: {  	[sflag:s22] =	ssyncadd.s32 $0xFFFFEC00  }
0x7a: {  	[spmem:s2] =	stream.indirect.scatter.add.f32 [tilespmem:s15], [sflag:$0x5], $0x80, s30, s17, $0xb8;
	[tilespmem:$0x15780] =	vst v63  }
0x7b: {  	_ =	swait.ge [sflag:s12], $0x2800  }
0x7c: {  	s31 =	sadd.s32 $0x1, s31;
	[sflag:s12] =	ssyncset.done $0x0  }
0x7d: {  	p0 =	sne.s32 s31, s10;
	[sflag:s12] =	ssyncadd.s32 $0xFFFFD800  }
.Ltmp1:
0x7e: {  	[bflag:$0x0] =	sbarrier.arrive $0xFFFF;
	(pc) =	sbr.rel @p0 .LBB2_1-.Ltmp1, $4  }
0x7f: {  	[hbm:s9], [sflag:s6] =	dma.local [spmem:s11], $0x1400  }
0x80: {  	_ =	swait.ge [sflag:s12], $0x1400  }
0x81: {  	[sflag:s12] =	ssyncset.done $0x0  }
0x82: {  	[sflag:s12] =	ssyncadd.s32 $0xFFFFEC00  }
0x83: {  	_ =	sfence.sel $0x180000  }
0x84: {  	[bflag:$0x0] =	sbarrier.arrive $0xFFFF  }
0x85: {  	_ =	strace $0x9000004A  }
0x86: {  	s0 =	stileid.u32;
	[bflag:$0x2] =	sbarrier.arrive $0xFFFF  }
0x87: {  	p0 =	sne.s32 s0, $0x0;
	s0 =	rddreg [dreg:$0x3]  }
0x88: {  	s0 =	sadd.s32 @!p0 $0x100000, s0  }
0x89: {  	[sflag:s0] =	ssyncadd.tile.s32 @!p0 $0x1;
	_ =	shalt  }
.Lfunc_end2:
_tile_overlayer_lowered:
.L_overlay_start_2:
0x8a: {  	(tag) =	ssettag $0x2  }
0x8b: {  	s0 =	rddreg [dreg:$0x0];
	s2 =	stileid.u32  }
0x8c: {  	s1 =	rddreg [dreg:$0x1];
	p0 =	sne.s32 s2, $0x0  }
0x8d: {  	s3 =	rddreg [dreg:$0x2];
	[bflag:$0x3] =	sbarrier.arrive $0xFFFF;
	s2 =	simm.s32 @!p0 $0x1C05  }
0x8e: {  	[timem:s3], [sflag:s2] =	dma.local @!p0 [hbm:s0], s1  }
0x8f: {  	s0 =	simm.s32 @!p0 $0x5  }
0x90: {  	_ =	swait.ge @!p0 [sflag:s0], s1  }
0x91: {  	s1 =	ssub.s32 @!p0 $0x0, s1;
	[sflag:s0] =	ssyncset.done @!p0 $0x0  }
0x92: {  	[sflag:s0] =	ssyncadd.s32 @!p0 s1  }
0x93: {  	[bflag:$0x3] =	sbarrier.arrive $0xFFFF  }
0x94: {  	_ =	shalt  }

// kernel: kernel.27.cloned.1.call-start
scs
__scs_entry_jumppad:
0x0: {  	(pc) =	sbr.rel $0x88, $3  }
0x1: {  	(tag) =	ssettag $0x0;
	lr =	simm.s32 $0x1  }
0x2: {  	[smem:$0x3F91] =	sst lr;
	_ =	strace $0xD0000000  }
0x3: {  	_ = 	snop  }
0x4: {  	_ = 	snop  }
0x5: {  	_ = 	snop  }
0x6: {  	_ = 	snop  }
0x7: {  	_ = 	snop  }
__scs_overlays_trampoline_lowered:
0x8: {  	[smem:$0x3FA0] =	sst s0  }
0x9: {  	[smem:$0x3FA1] =	sst s1  }
0xa: {  	[smem:$0x3FA2] =	sst s2  }
0xb: {  	[smem:$0x3FA3] =	sst s3  }
0xc: {  	[smem:$0x3FA4] =	sst s4  }
0xd: {  	[smem:$0x3FA5] =	sst s5  }
0xe: {  	[smem:$0x3FA6] =	sst s6  }
0xf: {  	[smem:$0x3FA7] =	sst s7  }
0x10: {  	[smem:$0x3FA8] =	sst s8  }
0x11: {  	[smem:$0x3FA9] =	sst s9;
	s0 =	simm.s32 @!p0 $0x0  }
0x12: {  	s1 =	sld [smem:$0x3F8F];
	s0 =	simm.s32 @p0 $0x1  }
0x13: {  	[smem:$0x3FAA] =	sst s0;
	s0 =	simm.s32 @!p1 $0x0  }
0x14: {  	s2 =	sld [smem:$0x3F8E];
	s0 =	simm.s32 @p1 $0x1  }
0x15: {  	[smem:$0x3FAB] =	sst s0;
	s0 =	simm.s32 @!p2 $0x0  }
0x16: {  	s3 =	sld [smem:$0x3FDB];
	s0 =	simm.s32 @p2 $0x1  }
0x17: {  	s4 =	simm.s32 $0x1BF5;
	[smem:$0x3FAD] =	sst s0  }
0x18: {  	s0 =	sld [smem:$0x3F90];
	_ =	swait.ge [sflag:s4], $0x0  }
0x19: {  	s7 =	sld [smem:$0x3F91]  }
0x1a: {  	s8 =	sadd.s32 $0xFFFFE003, lr  }
0x1b: {  	s9 =	sadd.s32 $0xFFFFFEF7, lr;
	s5 =	simm.s32 $0xFFFFFFFF;
	p2 =	slt.u32 s8, $0xFFFFF086  }
0x1c: {  	p1 =	slt.u32 s9, $0xF7A;
	s5 =	simm.s32 @!p2 $0x0  }
0x1d: {  	s5 =	simm.s32 @p1 $0x1;
	p0 =	seq.s32 s7, s2  }
0x1e: {  	s7 =	smul.u32 @!p0 $0xF7A, s2;
	p2 =	seq.s32 @!p0 s5, $0x0  }
0x1f: {  	s9 =	smul.u32 $0xF7A, s1;
	s8 =	simm.s32 @!p0 $0x1BF5;
	p2 =	por !p2, p0  }
0x20: {  	[sflag:s8] =	ssyncset.s32 @!p0 $0xFFFFF086;
	s6 =	sadd.s32 @!p0 s3, s7;
	s7 =	simm.s32 @!p0 $0x108  }
0x21: {  	s3 =	sadd.s32 s3, s9;
	s6 =	sadd.s32 @!p0 $0x88, s6;
	s7 =	simm.s32 @p2 $0x1082  }
0x22: {  	[simem:s7], [sflag:s8] =	dma.local @!p0 [hbm:s6], $0xF7A  }
0x23: {  	s9 =	sor.u32 $0xD0000000, s2;
	s6 =	simm.s32 $0x108;
	_ =	swait.ge @!p0 [sflag:s8], $0x0  }
0x24: {  	s3 =	sadd.s32 $0x88, s3;
	s6 =	simm.s32 @!p1 $0x1082;
	[sflag:s4] =	ssyncset.s32 $0xFFFFF086  }
0x25: {  	[simem:s6], [sflag:s4] =	dma.local [hbm:s3], $0xF7A  }
0x26: {  	[smem:$0x3F91] =	sst s1;
	(tag) =	ssettag s2;
	_ =	strace s9  }
0x27: {  	s1 =	sld [smem:$0x3FA1]  }
0x28: {  	s2 =	sld [smem:$0x3FA2]  }
0x29: {  	s4 =	sld [smem:$0x3FA4]  }
0x2a: {  	p0 =	seq.s32 s5, $0x0;
	s5 =	sld [smem:$0x3FA5]  }
0x2b: {  	s6 =	sld [smem:$0x3FA6]  }
0x2c: {  	s7 =	sld [smem:$0x3FA7]  }
0x2d: {  	s3 =	simm.s32 $0x108;
	s8 =	sld [smem:$0x3FA8]  }
0x2e: {  	s3 =	simm.s32 @!p0 $0x1082;
	s9 =	sld [smem:$0x3FA9]  }
0x2f: {  	lr =	sadd.s32 s0, s3;
	s0 =	sld [smem:$0x3FA0]  }
0x30: {  	s3 =	sld [smem:$0x3FA3]  }
0x31: {  	[smem:$0x3FAC] =	sst s10  }
0x32: {  	s10 =	sld [smem:$0x3FAA];
	_ =	sdelay $0x3  }
0x33: {  	p0 =	seq.s32 s10, $0x1;
	s10 =	sld [smem:$0x3FAC];
	_ =	sdelay $0x3  }
0x34: {  	[smem:$0x3FAC] =	sst s10  }
0x35: {  	s10 =	sld [smem:$0x3FAB];
	_ =	sdelay $0x3  }
0x36: {  	p1 =	seq.s32 s10, $0x1;
	s10 =	sld [smem:$0x3FAC];
	_ =	sdelay $0x3  }
0x37: {  	[smem:$0x3FAC] =	sst s10  }
0x38: {  	s10 =	sld [smem:$0x3FAD]  }
0x39: {  	_ = 	snop;
	(pc) =	sbr.ind lr, $3  }
0x3a: {  	_ = 	snop  }
0x3b: {  	_ = 	snop  }
0x3c: {  	p2 =	seq.s32 s10, $0x1;
	s10 =	sld [smem:$0x3FAC]  }
0x3d: {  	_ =	shalt  }
0x3e: {  	_ =	shalt  }
0x3f: {  	_ =	shalt  }
0x40: {  	_ =	shalt  }
0x41: {  	_ =	shalt  }
0x42: {  	_ =	shalt  }
0x43: {  	_ =	shalt  }
0x44: {  	_ =	shalt  }
0x45: {  	_ =	shalt  }
0x46: {  	_ =	shalt  }
0x47: {  	_ =	shalt  }
0x48: {  	_ =	shalt  }
0x49: {  	_ =	shalt  }
0x4a: {  	_ =	shalt  }
0x4b: {  	_ =	shalt  }
0x4c: {  	_ =	shalt  }
0x4d: {  	_ =	shalt  }
0x4e: {  	_ =	shalt  }
0x4f: {  	_ =	shalt  }
0x50: {  	_ =	shalt  }
0x51: {  	_ =	shalt  }
0x52: {  	_ =	shalt  }
0x53: {  	_ =	shalt  }
0x54: {  	_ =	shalt  }
0x55: {  	_ =	shalt  }
0x56: {  	_ =	shalt  }
0x57: {  	_ =	shalt  }
0x58: {  	_ =	shalt  }
0x59: {  	_ =	shalt  }
0x5a: {  	_ =	shalt  }
0x5b: {  	_ =	shalt  }
0x5c: {  	_ =	shalt  }
0x5d: {  	_ =	shalt  }
0x5e: {  	_ =	shalt  }
0x5f: {  	_ =	shalt  }
0x60: {  	_ =	shalt  }
0x61: {  	_ =	shalt  }
0x62: {  	_ =	shalt  }
0x63: {  	_ =	shalt  }
0x64: {  	_ =	shalt  }
0x65: {  	_ =	shalt  }
0x66: {  	_ =	shalt  }
0x67: {  	_ =	shalt  }
0x68: {  	_ =	shalt  }
0x69: {  	_ =	shalt  }
0x6a: {  	_ =	shalt  }
0x6b: {  	_ =	shalt  }
0x6c: {  	_ =	shalt  }
0x6d: {  	_ =	shalt  }
0x6e: {  	_ =	shalt  }
0x6f: {  	_ =	shalt  }
0x70: {  	_ =	shalt  }
0x71: {  	_ =	shalt  }
0x72: {  	_ =	shalt  }
0x73: {  	_ =	shalt  }
0x74: {  	_ =	shalt  }
0x75: {  	_ =	shalt  }
0x76: {  	_ =	shalt  }
0x77: {  	_ =	shalt  }
0x78: {  	_ =	shalt  }
0x79: {  	_ =	shalt  }
0x7a: {  	_ =	shalt  }
0x7b: {  	_ =	shalt  }
0x7c: {  	_ =	shalt  }
0x7d: {  	_ =	shalt  }
0x7e: {  	_ =	shalt  }
0x7f: {  	_ =	shalt  }
0x80: {  	_ =	shalt  }
0x81: {  	_ =	shalt  }
0x82: {  	_ =	shalt  }
0x83: {  	_ =	shalt  }
0x84: {  	_ =	shalt  }
0x85: {  	_ =	shalt  }
0x86: {  	_ =	shalt  }
0x87: {  	_ =	shalt  }
.Lfunc_end0:
.L_simem_size_0:
called_computation.3_lowered:
.L_overlay_start_0:
0x88: {  	s2 =	sld [smem:$0x3FD9]  }
0x89: {  	s3 =	sld [smem:$0x3FFE];
	_ =	sdelay $0x1  }
0x8a: {  	s1 =	srdreg.scid  }
0x8b: {  	s0 =	sand.u32 $0x1, s1  }
0x8c: {  	s17 =	sshll.u32 s0, $0xA;
	s2 =	sadd.s32 s3, s2  }
0x8d: {  	s2 =	sadd.s32 s2, s17  }
0x8e: {  	[smem:$0x3FB8] =	sst s2  }
0x8f: {  	_ = 	snop  }
0x90: {  	s18 =	sld [smem:$0x3FC6];
	(tm) =	ssettm $0x1  }
0x91: {  	s19 =	sld [smem:$0x3FFB];
	_ =	sdelay $0x3  }
0x92: {  	_ =	strace s19  }
0x93: {  	s2 =	sld [smem:$0x3FFC];
	_ =	sdelay $0x3  }
0x94: {  	_ =	strace s2  }
0x95: {  	s2 =	sld [smem:$0x3FFD];
	_ =	sdelay $0x3  }
0x96: {  	_ =	strace s2  }
0x97: {  	_ =	strace $0x8FFFFFFF  }
0x98: {  	s20 =	sld [smem:$0x3FDB];
	_ =	sdelay $0x1  }
0x99: {  	s4 =	simm.s32 $_scs_section_size  }
0x9a: {  	s5 =	simm.s32 $_size__tile_overlayer_lowered;
	s6 =	simm.s32 $_tile_overlayer_lowered  }
0x9b: {  	s7 =	simm.s32 $0x1BFF;
	s21 =	sshll.u32 s6, $0x1;
	s4 =	sadd.s32 s4, s20  }
0x9c: {  	s22 =	simm.s32 $0x0;
	s5 =	sshll.u32 s5, $0x1;
	s6 =	sadd.s32 s21, s4  }
0x9d: {  	[timem:s22], [sflag:s7] =	dma.local [hbm:s6], s5  }
0x9e: {  	_ =	swait.ge [sflag:s7], s5  }
0x9f: {  	s5 =	ssub.s32 $0x0, s5;
	[sflag:s7] =	ssyncset.done $0x0  }
0xa0: {  	[sflag:s7] =	ssyncadd.s32 s5;
	_ =	sdelay $0x1  }
0xa1: {  	s23 =	simm.s32 $0x1B8B  }
0xa2: {  	_ =	swait.ge [sflag:s23], $0x1  }
0xa3: {  	[sflag:s23] =	ssyncset.done $0x0  }
0xa4: {  	[sflag:s23] =	ssyncadd.s32 $0xFFFFFFFF  }
0xa5: {  	s5 =	sld [smem:$0x0]  }
0xa6: {  	s6 =	sand.u32 $0xFFFFFFFE, s1  }
0xa7: {  	p0 =	sne.s32 s1, s6  }
0xa8: {  	s6 =	sshll.u32 @p0 s6, $0xE  }
0xa9: {  	s6 =	sadd.s32 @p0 $0x11B8D, s6;
	s7 =	sshll.u32 @p0 s5, $0x11  }
0xaa: {  	s6 =	sor.u32 @p0 s7, s6  }
0xab: {  	[sflag:s6] =	ssyncadd.remote.s32 @p0 $0x1;
	_ =	sdelay $0x1  }
0xac: {  	s6 =	simm.s32 @p0 $0x1B8D  }
0xad: {  	_ =	swait.eq @p0 [sflag:s6], $0x1  }
0xae: {  	[sflag:s6] =	ssyncadd.s32 @p0 $0xFFFFFFFF  }
0xaf: {  	s7 =	sshll.u32 @!p0 s1, $0xE  }
0xb0: {  	s7 =	sor.u32 @!p0 $0x4000, s7;
	s6 =	simm.s32 @!p0 $0x1B8D  }
0xb1: {  	s5 =	sshll.u32 @!p0 s5, $0x11;
	s7 =	sadd.s32 @!p0 $0x11B8D, s7;
	_ =	swait.eq @!p0 [sflag:s6], $0x1  }
0xb2: {  	s5 =	sor.u32 @!p0 s5, s7;
	[sflag:s6] =	ssyncadd.s32 @!p0 $0xFFFFFFFF  }
0xb3: {  	s25 =	simm.s32 $0x1B8E;
	s24 =	sld [smem:$0x3FFE];
	[sflag:s5] =	ssyncadd.remote.s32 @!p0 $0x1  }
0xb4: {  	s26 =	simm.s32 $execute0_lowered;
	[smem:$0x3FD2] =	sst s25  }
0xb5: {  	s6 =	sshll.u32 s26, $0x1;
	_ =	strace $0x8000004F;
	[dreg:$0x1] =	wrdreg $0xFFFFFFFF  }
0xb6: {  	s28 =	simm.s32 $_size_execute0_lowered;
	s4 =	sadd.s32 s4, s6;
	[dreg:$0x0] =	wrdreg $0x0  }
0xb7: {  	s6 =	sshll.u32 s28, $0x1;
	[dreg:$0x2] =	wrdreg s4  }
0xb8: {  	[dreg:$0x3] =	wrdreg s6  }
0xb9: {  	[dreg:$0x4] =	wrdreg $0xC0  }
0xba: {  	_ =	task [dreg:s22], $0x5FFFF  }
0xbb: {  	[dreg:$0x1] =	wrdreg $0xFFFFFFFF  }
0xbc: {  	[dreg:$0x0] =	wrdreg $0x60  }
0xbd: {  	[dreg:$0x2] =	wrdreg s24  }
0xbe: {  	[dreg:$0x3] =	wrdreg s18  }
0xbf: {  	[dreg:$0x4] =	wrdreg $0xB7800  }
0xc0: {  	[dreg:$0x5] =	wrdreg $0xA  }
0xc1: {  	_ =	task.clear_ibuf [dreg:s22], $0x6FFFF;
	_ =	strace $0x9000004F  }
0xc2: {  	s29 =	simm.s32 $0xA;
	_ =	strace $0x80000051  }
0xc3: {  	_ =	swait.ge [sflag:s29], $0x1  }
0xc4: {  	[sflag:s29] =	ssyncadd.s32 $0xFFFFFFFF  }
0xc5: {  	_ =	strace $0x90000051  }
0xc6: {  	_ =	sfence  }
0xc7: {  	s30 =	sld [smem:$0x0];
	_ =	sdelay $0x2  }
0xc8: {  	s31 =	sshll.u32 s1, $0xD;
	s1 =	sshrl.u32 s1, $0x2  }
0xc9: {  	s4 =	sand.u32 $0x4000, s31;
	s1 =	sadd.s32 s1, s30  }
0xca: {  	s0 =	sor.u32 s4, s0;
	s1 =	sshll.u32 s1, $0x11  }
0xcb: {  	s0 =	sor.u32 s1, s0  }
0xcc: {  	s0 =	sadd.s32 $0x8F2B, s0  }
0xcd: {  	[sflag:s0] =	ssyncadd.remote.s32 $0x1  }
0xce: {  	_ =	sfence.sel $0xFFFF  }
0xcf: {  	[dreg:$0x0] =	wrdreg $0xFFFFFFFF;
	(pc) =	sbr.abs _section_cstart, $3  }
0xd0: {  	[dreg:$0x1] =	wrdreg $0xFFFFFFFF  }
0xd1: {  	_ =	task.clear_ibuf [dreg:s22], $0x2FFFF;
	_ =	strace $0x9FFFFFFF  }
0xd2: {  	(tm) =	ssettm $0x7FFFFFFF  }
0xd3: {  	_ =	shalt  }
tec
execute0_lowered:
.L_overlay_start_1:
0x0: {  	(tag) =	ssettag $0x1  }
0x1: {  	s0 =	rddreg [dreg:$0x0]  }
0x2: {  	s1 =	rddreg [dreg:$0x1]  }
0x3: {  	s2 =	rddreg [dreg:$0x2]  }
0x4: {  	s3 =	srdreg.scid;
	s13 =	stileid.u32  }
0x5: {  	s14 =	simm.s32 $0x28;
	s15 =	simm.s32 $0x6780;
	s16 =	simm.s32 $0x7B80  }
0x6: {  	s17 =	simm.s32 $0x50;
	s18 =	simm.s32 $0x8F80;
	s20 =	simm.s32 $0xA380  }
0x7: {  	s21 =	simm.s32 $0x1;
	s22 =	simm.s32 $0x2;
	s28 =	simm.s32 $0x26E8  }
0x8: {  	s29 =	simm.s32 $0x6500;
	s30 =	simm.s32 $0x6580;
	s31 =	simm.s32 $0x0  }
0x9: {  	s5 =	sand.u32 $0x1, s3;
	s4 =	sshll.u32 s13, $0x1;
	s7 =	smul.u32 $0x13C00, s13  }
0xa: {  	s3 =	simm.s32 $0x0;
	s11 =	smul.u32 $0x4F000, s13;
	s25 =	sshll.u32 s13, $0x6  }
0xb: {  	s6 =	sor.u32 s5, s4;
	[smem:$0x7FF] =	sst s3;
	s9 =	smul.u32 $0x13C000, s5  }
0xc: {  	s4 =	sadd.s32 $0x8EE00, s0;
	s5 =	ssub.s32 $0x2, s5;
	s8 =	sshll.u32 s6, $0xB  }
0xd: {  	_ =	strace $0x80000050;
	s10 =	sshrl.u32 s7, $0x3;
	s23 =	sshrl.u32 s5, $0x1  }
0xe: {  	s24 =	sshrl.u32 s11, $0x2;
	s26 =	smul.u32 $0x4E2, s6;
	s6 =	sor.u32 $0x1C05, s25  }
0xf: {  	s25 =	simm.s32 $0x6480;
	s8 =	sadd.s32 s8, s0;
	s7 =	sadd.s32 s7, s9  }
0x10: {  	s10 =	sadd.s32 s10, s0;
	s12 =	ssub.s32 s5, s23;
	s11 =	sadd.s32 s24, s2  }
0x11: {  	s23 =	simm.s32 $0x3;
	s24 =	simm.s32 $0x4;
	s7 =	sshrl.u32 s7, $0x3  }
0x12: {  	s5 =	sadd.s32 $0x18400, s10;
	s8 =	sadd.s32 $0xB6E00, s8;
	s10 =	smax.u32 s12, $0x1  }
0x13: {  	s11 =	sshrl.u32 s11, $0x3;
	s12 =	simm.s32 $0x5;
	s0 =	sadd.s32 s7, s0  }
0x14: {  	s7 =	sadd.s32 s1, s26;
	s26 =	simm.s32 $0x26C0;
	s9 =	sadd.s32 $0x115E00, s0  }
.LBB2_1:
0x15: {  	[spmem:s11], [sflag:s6] =	dma.local [hbm:s5], $0x2780  }
0x16: {  	_ =	swait.ge [sflag:s12], $0x2780  }
0x17: {  	[sflag:s12] =	ssyncset.done $0x0  }
0x18: {  	[sflag:s12] =	ssyncadd.s32 $0xFFFFD880  }
0x19: {  	[tilespmem:s3], [sflag:$0x5] =	stream.linear.gather [hbm4b:s7+s3], $0x2710, $0x38;
	[tilespmem:$0x1F380] =	vst v63  }
0x1a: {  	_ =	swait.ge [sflag:s12], $0x2710  }
0x1b: {  	[sflag:s12] =	ssyncset.done $0x0  }
0x1c: {  	s0 =	simm.s32 $0x2780;
	[sflag:s12] =	ssyncadd.s32 $0xFFFFD8F0  }
0x1d: {  	[tilespmem:s0], [sflag:$0x5] =	stream.linear.gather [hbm4b:s8+s3], $0x3E80, $0x38;
	[tilespmem:$0x1F380] =	vst v63  }
0x1e: {  	_ =	swait.ge [sflag:s12], $0x3E80  }
0x1f: {  	[sflag:s12] =	ssyncset.done $0x0  }
0x20: {  	[sflag:s12] =	ssyncadd.s32 $0xFFFFC180  }
0x21: {  	[bflag:$0x0] =	sbarrier.arrive $0xFFFF  }
0x22: {  	[tilespmem:s15], [sflag:$0x1] =	stream.indirect.gather [hbm4b:s4+s14], $0x80, s3, s14, $0xb8;
	[tilespmem:$0x1F380] =	vst v63  }
0x23: {  	_ = 	snop  }
0x24: {  	[tilespmem:s16], [sflag:$0x2] =	stream.indirect.gather [hbm4b:s4+s14], $0x80, s14, s14, $0xb8;
	[tilespmem:$0x1F380] =	vst v63  }
0x25: {  	_ = 	snop  }
0x26: {  	[tilespmem:s18], [sflag:$0x3] =	stream.indirect.gather [hbm4b:s4+s14], $0x80, s17, s14, $0xb8;
	[tilespmem:$0x1F380] =	vst v63  }
0x27: {  	s1 =	simm.s32 $0x78  }
0x28: {  	[tilespmem:s20], [sflag:$0x4] =	stream.indirect.gather [hbm4b:s4+s14], $0x80, s1, s14, $0xb8;
	[tilespmem:$0x1F380] =	vst v63  }
0x29: {  	_ =	swait.ge [sflag:s21], $0x1400  }
0x2a: {  	[sflag:s21] =	ssyncset.done $0x0  }
0x2b: {  	[sflag:s21] =	ssyncadd.s32 $0xFFFFEC00  }
0x2c: {  	_ =	swait.ge [sflag:s22], $0x1400  }
0x2d: {  	[sflag:s22] =	ssyncset.done $0x0  }
0x2e: {  	s13 =	simm.s32 $0x2780;
	[sflag:s22] =	ssyncadd.s32 $0xFFFFEC00  }
0x2f: {  	[spmem:s2] =	stream.indirect.scatter.add.f32 [tilespmem:s15], [sflag:$0x5], $0x80, s13, s17, $0xb8;
	[tilespmem:$0x1F380] =	vst v63  }
0x30: {  	_ =	swait.ge [sflag:s12], $0x2800  }
0x31: {  	[sflag:s12] =	ssyncset.done $0x0  }
0x32: {  	s19 =	simm.s32 $0xA0;
	[sflag:s12] =	ssyncadd.s32 $0xFFFFD800  }
0x33: {  	[tilespmem:s15], [sflag:$0x1] =	stream.indirect.gather [hbm4b:s4+s14], $0x80, s19, s14, $0xb8;
	[tilespmem:$0x1F380] =	vst v63  }
0x34: {  	s1 =	simm.s32 $0xC8  }
0x35: {  	[tilespmem:s16], [sflag:$0x2] =	stream.indirect.gather [hbm4b:s4+s14], $0x80, s1, s14, $0xb8;
	[tilespmem:$0x1F380] =	vst v63  }
0x36: {  	_ =	swait.ge [sflag:s23], $0x1400  }
0x37: {  	[sflag:s23] =	ssyncset.done $0x0  }
0x38: {  	[sflag:s23] =	ssyncadd.s32 $0xFFFFEC00  }
0x39: {  	_ =	swait.ge [sflag:s24], $0x1400  }
0x3a: {  	[sflag:s24] =	ssyncset.done $0x0  }
0x3b: {  	s13 =	simm.s32 $0x2800;
	[sflag:s24] =	ssyncadd.s32 $0xFFFFEC00  }
0x3c: {  	[spmem:s2] =	stream.indirect.scatter.add.f32 [tilespmem:s18], [sflag:$0x5], $0x80, s13, s17, $0xb8;
	[tilespmem:$0x1F380] =	vst v63  }
0x3d: {  	_ =	swait.ge [sflag:s12], $0x2800  }
0x3e: {  	s0 =	simm.s32 $0x280;
	s19 =	simm.s32 $0xF0;
	[sflag:s12] =	ssyncset.done $0x0  }
0x3f: {  	s1 =	simm.s32 $0x2900;
	s13 =	simm.s32 $0x118;
	[sflag:s12] =	ssyncadd.s32 $0xFFFFD800  }
0x40: {  	[tilespmem:s18], [sflag:$0x3] =	stream.indirect.gather [hbm4b:s4+s14], $0x80, s19, s14, $0xb8;
	[tilespmem:$0x1F380] =	vst v63  }
.LBB2_2:
0x41: {  	[tilespmem:s20], [sflag:$0x4] =	stream.indirect.gather [hbm4b:s4+s14], $0x80, s13, s14, $0xb8;
	[tilespmem:$0x1F380] =	vst v63  }
0x42: {  	s13 =	smov.u32 s0  }
0x43: {  	p0 =	sne.s32 s0, $0x9600;
	s0 =	sadd.s32 $0x280, s0;
	_ =	swait.ge [sflag:s21], $0x1400  }
0x44: {  	[sflag:s21] =	ssyncset.done $0x0  }
0x45: {  	[sflag:s21] =	ssyncadd.s32 $0xFFFFEC00  }
0x46: {  	_ =	swait.ge [sflag:s22], $0x1400  }
0x47: {  	[sflag:s22] =	ssyncset.done $0x0  }
0x48: {  	s19 =	sadd.s32 $0xFFFFFF80, s1;
	[sflag:s22] =	ssyncadd.s32 $0xFFFFEC00  }
0x49: {  	[spmem:s2] =	stream.indirect.scatter.add.f32 [tilespmem:s15], [sflag:$0x5], $0x80, s19, s17, $0xb8;
	[tilespmem:$0x1F380] =	vst v63  }
0x4a: {  	_ =	swait.ge [sflag:s12], $0x2800  }
0x4b: {  	s13 =	sshra.s32 s13, $0x2;
	[sflag:s12] =	ssyncset.done $0x0  }
0x4c: {  	s19 =	sadd.s32 $0xA0, s13;
	[sflag:s12] =	ssyncadd.s32 $0xFFFFD800  }
0x4d: {  	[tilespmem:s15], [sflag:$0x1] =	stream.indirect.gather [hbm4b:s4+s14], $0x80, s19, s14, $0xb8;
	[tilespmem:$0x1F380] =	vst v63  }
0x4e: {  	s19 =	sadd.s32 $0xC8, s13  }
0x4f: {  	[tilespmem:s16], [sflag:$0x2] =	stream.indirect.gather [hbm4b:s4+s14], $0x80, s19, s14, $0xb8;
	[tilespmem:$0x1F380] =	vst v63  }
0x50: {  	_ =	swait.ge [sflag:s23], $0x1400  }
0x51: {  	[sflag:s23] =	ssyncset.done $0x0  }
0x52: {  	[sflag:s23] =	ssyncadd.s32 $0xFFFFEC00  }
0x53: {  	_ =	swait.ge [sflag:s24], $0x1400  }
0x54: {  	[sflag:s24] =	ssyncset.done $0x0  }
0x55: {  	[sflag:s24] =	ssyncadd.s32 $0xFFFFEC00  }
0x56: {  	[spmem:s2] =	stream.indirect.scatter.add.f32 [tilespmem:s18], [sflag:$0x5], $0x80, s1, s17, $0xb8;
	[tilespmem:$0x1F380] =	vst v63  }
.Ltmp0:
0x57: {  	_ =	swait.ge [sflag:s12], $0x2800;
	(pc) =	sbr.rel @p0 .LBB2_2-.Ltmp0, $4  }
0x58: {  	[sflag:s12] =	ssyncset.done $0x0  }
0x59: {  	s19 =	sadd.s32 $0xF0, s13;
	[sflag:s12] =	ssyncadd.s32 $0xFFFFD800  }
0x5a: {  	[tilespmem:s18], [sflag:$0x3] =	stream.indirect.gather [hbm4b:s4+s14], $0x80, s19, s14, $0xb8;
	[tilespmem:$0x1F380] =	vst v63  }
0x5b: {  	s13 =	sadd.s32 $0x118, s13;
	s1 =	sadd.s32 $0x100, s1  }
0x5c: {  	[tilespmem:s20], [sflag:$0x4] =	stream.indirect.gather [hbm4b:s4+s14], $0x80, s13, s14, $0xb8;
	[tilespmem:$0x1F380] =	vst v63  }
0x5d: {  	_ =	swait.ge [sflag:s21], $0x1400  }
0x5e: {  	[sflag:s21] =	ssyncset.done $0x0  }
0x5f: {  	[sflag:s21] =	ssyncadd.s32 $0xFFFFEC00  }
0x60: {  	_ =	swait.ge [sflag:s22], $0x1400  }
0x61: {  	[sflag:s22] =	ssyncset.done $0x0  }
0x62: {  	[sflag:s22] =	ssyncadd.s32 $0xFFFFEC00  }
0x63: {  	[spmem:s2] =	stream.indirect.scatter.add.f32 [tilespmem:s15], [sflag:$0x5], $0x80, s25, s17, $0xb8;
	[tilespmem:$0x1F380] =	vst v63  }
0x64: {  	_ =	swait.ge [sflag:s12], $0x2800  }
0x65: {  	[sflag:s12] =	ssyncset.done $0x0  }
0x66: {  	[sflag:s12] =	ssyncadd.s32 $0xFFFFD800  }
0x67: {  	[tilespmem:s15], [sflag:$0x1] =	stream.indirect.gather [hbm4b:s4+s14], $0x80, s26, s14, $0xb8;
	[tilespmem:$0x1F380] =	vst v63  }
0x68: {  	_ = 	snop  }
0x69: {  	[tilespmem:s16], [sflag:$0x2] =	stream.indirect.gather [hbm4b:s4+s14], $0x80, s28, s14, $0xb8;
	[tilespmem:$0x1F380] =	vst v63  }
0x6a: {  	_ =	swait.ge [sflag:s23], $0x1400  }
0x6b: {  	[sflag:s23] =	ssyncset.done $0x0  }
0x6c: {  	[sflag:s23] =	ssyncadd.s32 $0xFFFFEC00  }
0x6d: {  	_ =	swait.ge [sflag:s24], $0x1400  }
0x6e: {  	[sflag:s24] =	ssyncset.done $0x0  }
0x6f: {  	[sflag:s24] =	ssyncadd.s32 $0xFFFFEC00  }
0x70: {  	[spmem:s2] =	stream.indirect.scatter.add.f32 [tilespmem:s18], [sflag:$0x5], $0x80, s29, s17, $0xb8;
	[tilespmem:$0x1F380] =	vst v63  }
0x71: {  	_ =	swait.ge [sflag:s12], $0x2800  }
0x72: {  	[sflag:s12] =	ssyncset.done $0x0  }
0x73: {  	[sflag:s12] =	ssyncadd.s32 $0xFFFFD800  }
0x74: {  	_ =	swait.ge [sflag:s21], $0x1400  }
0x75: {  	[sflag:s21] =	ssyncset.done $0x0  }
0x76: {  	[sflag:s21] =	ssyncadd.s32 $0xFFFFEC00  }
0x77: {  	_ =	swait.ge [sflag:s22], $0x1400  }
0x78: {  	[sflag:s22] =	ssyncset.done $0x0  }
0x79: {  	[sflag:s22] =	ssyncadd.s32 $0xFFFFEC00  }
0x7a: {  	[spmem:s2] =	stream.indirect.scatter.add.f32 [tilespmem:s15], [sflag:$0x5], $0x80, s30, s17, $0xb8;
	[tilespmem:$0x1F380] =	vst v63  }
0x7b: {  	_ =	swait.ge [sflag:s12], $0x2800  }
0x7c: {  	s31 =	sadd.s32 $0x1, s31;
	[sflag:s12] =	ssyncset.done $0x0  }
0x7d: {  	p0 =	sne.s32 s31, s10;
	[sflag:s12] =	ssyncadd.s32 $0xFFFFD800  }
.Ltmp1:
0x7e: {  	[bflag:$0x0] =	sbarrier.arrive $0xFFFF;
	(pc) =	sbr.rel @p0 .LBB2_1-.Ltmp1, $4  }
0x7f: {  	[hbm:s9], [sflag:s6] =	dma.local [spmem:s11], $0x2780  }
0x80: {  	_ =	swait.ge [sflag:s12], $0x2780  }
0x81: {  	[sflag:s12] =	ssyncset.done $0x0  }
0x82: {  	[sflag:s12] =	ssyncadd.s32 $0xFFFFD880  }
0x83: {  	_ =	sfence.sel $0x180000  }
0x84: {  	[bflag:$0x0] =	sbarrier.arrive $0xFFFF  }
0x85: {  	_ =	strace $0x90000050  }
0x86: {  	s0 =	stileid.u32;
	[bflag:$0x2] =	sbarrier.arrive $0xFFFF  }
0x87: {  	p0 =	sne.s32 s0, $0x0;
	s0 =	rddreg [dreg:$0x3]  }
0x88: {  	s0 =	sadd.s32 @!p0 $0x100000, s0  }
0x89: {  	[sflag:s0] =	ssyncadd.tile.s32 @!p0 $0x1;
	_ =	shalt  }
.Lfunc_end2:
_tile_overlayer_lowered:
.L_overlay_start_2:
0x8a: {  	(tag) =	ssettag $0x2  }
0x8b: {  	s0 =	rddreg [dreg:$0x0];
	s2 =	stileid.u32  }
0x8c: {  	s1 =	rddreg [dreg:$0x1];
	p0 =	sne.s32 s2, $0x0  }
0x8d: {  	s3 =	rddreg [dreg:$0x2];
	[bflag:$0x3] =	sbarrier.arrive $0xFFFF;
	s2 =	simm.s32 @!p0 $0x1C05  }
0x8e: {  	[timem:s3], [sflag:s2] =	dma.local @!p0 [hbm:s0], s1  }
0x8f: {  	s0 =	simm.s32 @!p0 $0x5  }
0x90: {  	_ =	swait.ge @!p0 [sflag:s0], s1  }
0x91: {  	s1 =	ssub.s32 @!p0 $0x0, s1;
	[sflag:s0] =	ssyncset.done @!p0 $0x0  }
0x92: {  	[sflag:s0] =	ssyncadd.s32 @!p0 s1  }
0x93: {  	[bflag:$0x3] =	sbarrier.arrive $0xFFFF  }
0x94: {  	_ =	shalt  }

// kernel: kernel.30.cloned.1.call-start
scs
__scs_entry_jumppad:
0x0: {  	(pc) =	sbr.rel $0x88, $3  }
0x1: {  	(tag) =	ssettag $0x0;
	lr =	simm.s32 $0x1  }
0x2: {  	[smem:$0x3F91] =	sst lr;
	_ =	strace $0xD0000000  }
0x3: {  	_ = 	snop  }
0x4: {  	_ = 	snop  }
0x5: {  	_ = 	snop  }
0x6: {  	_ = 	snop  }
0x7: {  	_ = 	snop  }
__scs_overlays_trampoline_lowered:
0x8: {  	[smem:$0x3FA0] =	sst s0  }
0x9: {  	[smem:$0x3FA1] =	sst s1  }
0xa: {  	[smem:$0x3FA2] =	sst s2  }
0xb: {  	[smem:$0x3FA3] =	sst s3  }
0xc: {  	[smem:$0x3FA4] =	sst s4  }
0xd: {  	[smem:$0x3FA5] =	sst s5  }
0xe: {  	[smem:$0x3FA6] =	sst s6  }
0xf: {  	[smem:$0x3FA7] =	sst s7  }
0x10: {  	[smem:$0x3FA8] =	sst s8  }
0x11: {  	[smem:$0x3FA9] =	sst s9;
	s0 =	simm.s32 @!p0 $0x0  }
0x12: {  	s1 =	sld [smem:$0x3F8F];
	s0 =	simm.s32 @p0 $0x1  }
0x13: {  	[smem:$0x3FAA] =	sst s0;
	s0 =	simm.s32 @!p1 $0x0  }
0x14: {  	s2 =	sld [smem:$0x3F8E];
	s0 =	simm.s32 @p1 $0x1  }
0x15: {  	[smem:$0x3FAB] =	sst s0;
	s0 =	simm.s32 @!p2 $0x0  }
0x16: {  	s3 =	sld [smem:$0x3FDB];
	s0 =	simm.s32 @p2 $0x1  }
0x17: {  	s4 =	simm.s32 $0x1BF5;
	[smem:$0x3FAD] =	sst s0  }
0x18: {  	s0 =	sld [smem:$0x3F90];
	_ =	swait.ge [sflag:s4], $0x0  }
0x19: {  	s7 =	sld [smem:$0x3F91]  }
0x1a: {  	s8 =	sadd.s32 $0xFFFFE003, lr  }
0x1b: {  	s9 =	sadd.s32 $0xFFFFFEF7, lr;
	s5 =	simm.s32 $0xFFFFFFFF;
	p2 =	slt.u32 s8, $0xFFFFF086  }
0x1c: {  	p1 =	slt.u32 s9, $0xF7A;
	s5 =	simm.s32 @!p2 $0x0  }
0x1d: {  	s5 =	simm.s32 @p1 $0x1;
	p0 =	seq.s32 s7, s2  }
0x1e: {  	s7 =	smul.u32 @!p0 $0xF7A, s2;
	p2 =	seq.s32 @!p0 s5, $0x0  }
0x1f: {  	s9 =	smul.u32 $0xF7A, s1;
	s8 =	simm.s32 @!p0 $0x1BF5;
	p2 =	por !p2, p0  }
0x20: {  	[sflag:s8] =	ssyncset.s32 @!p0 $0xFFFFF086;
	s6 =	sadd.s32 @!p0 s3, s7;
	s7 =	simm.s32 @!p0 $0x108  }
0x21: {  	s3 =	sadd.s32 s3, s9;
	s6 =	sadd.s32 @!p0 $0x88, s6;
	s7 =	simm.s32 @p2 $0x1082  }
0x22: {  	[simem:s7], [sflag:s8] =	dma.local @!p0 [hbm:s6], $0xF7A  }
0x23: {  	s9 =	sor.u32 $0xD0000000, s2;
	s6 =	simm.s32 $0x108;
	_ =	swait.ge @!p0 [sflag:s8], $0x0  }
0x24: {  	s3 =	sadd.s32 $0x88, s3;
	s6 =	simm.s32 @!p1 $0x1082;
	[sflag:s4] =	ssyncset.s32 $0xFFFFF086  }
0x25: {  	[simem:s6], [sflag:s4] =	dma.local [hbm:s3], $0xF7A  }
0x26: {  	[smem:$0x3F91] =	sst s1;
	(tag) =	ssettag s2;
	_ =	strace s9  }
0x27: {  	s1 =	sld [smem:$0x3FA1]  }
0x28: {  	s2 =	sld [smem:$0x3FA2]  }
0x29: {  	s4 =	sld [smem:$0x3FA4]  }
0x2a: {  	p0 =	seq.s32 s5, $0x0;
	s5 =	sld [smem:$0x3FA5]  }
0x2b: {  	s6 =	sld [smem:$0x3FA6]  }
0x2c: {  	s7 =	sld [smem:$0x3FA7]  }
0x2d: {  	s3 =	simm.s32 $0x108;
	s8 =	sld [smem:$0x3FA8]  }
0x2e: {  	s3 =	simm.s32 @!p0 $0x1082;
	s9 =	sld [smem:$0x3FA9]  }
0x2f: {  	lr =	sadd.s32 s0, s3;
	s0 =	sld [smem:$0x3FA0]  }
0x30: {  	s3 =	sld [smem:$0x3FA3]  }
0x31: {  	[smem:$0x3FAC] =	sst s10  }
0x32: {  	s10 =	sld [smem:$0x3FAA];
	_ =	sdelay $0x3  }
0x33: {  	p0 =	seq.s32 s10, $0x1;
	s10 =	sld [smem:$0x3FAC];
	_ =	sdelay $0x3  }
0x34: {  	[smem:$0x3FAC] =	sst s10  }
0x35: {  	s10 =	sld [smem:$0x3FAB];
	_ =	sdelay $0x3  }
0x36: {  	p1 =	seq.s32 s10, $0x1;
	s10 =	sld [smem:$0x3FAC];
	_ =	sdelay $0x3  }
0x37: {  	[smem:$0x3FAC] =	sst s10  }
0x38: {  	s10 =	sld [smem:$0x3FAD]  }
0x39: {  	_ = 	snop;
	(pc) =	sbr.ind lr, $3  }
0x3a: {  	_ = 	snop  }
0x3b: {  	_ = 	snop  }
0x3c: {  	p2 =	seq.s32 s10, $0x1;
	s10 =	sld [smem:$0x3FAC]  }
0x3d: {  	_ =	shalt  }
0x3e: {  	_ =	shalt  }
0x3f: {  	_ =	shalt  }
0x40: {  	_ =	shalt  }
0x41: {  	_ =	shalt  }
0x42: {  	_ =	shalt  }
0x43: {  	_ =	shalt  }
0x44: {  	_ =	shalt  }
0x45: {  	_ =	shalt  }
0x46: {  	_ =	shalt  }
0x47: {  	_ =	shalt  }
0x48: {  	_ =	shalt  }
0x49: {  	_ =	shalt  }
0x4a: {  	_ =	shalt  }
0x4b: {  	_ =	shalt  }
0x4c: {  	_ =	shalt  }
0x4d: {  	_ =	shalt  }
0x4e: {  	_ =	shalt  }
0x4f: {  	_ =	shalt  }
0x50: {  	_ =	shalt  }
0x51: {  	_ =	shalt  }
0x52: {  	_ =	shalt  }
0x53: {  	_ =	shalt  }
0x54: {  	_ =	shalt  }
0x55: {  	_ =	shalt  }
0x56: {  	_ =	shalt  }
0x57: {  	_ =	shalt  }
0x58: {  	_ =	shalt  }
0x59: {  	_ =	shalt  }
0x5a: {  	_ =	shalt  }
0x5b: {  	_ =	shalt  }
0x5c: {  	_ =	shalt  }
0x5d: {  	_ =	shalt  }
0x5e: {  	_ =	shalt  }
0x5f: {  	_ =	shalt  }
0x60: {  	_ =	shalt  }
0x61: {  	_ =	shalt  }
0x62: {  	_ =	shalt  }
0x63: {  	_ =	shalt  }
0x64: {  	_ =	shalt  }
0x65: {  	_ =	shalt  }
0x66: {  	_ =	shalt  }
0x67: {  	_ =	shalt  }
0x68: {  	_ =	shalt  }
0x69: {  	_ =	shalt  }
0x6a: {  	_ =	shalt  }
0x6b: {  	_ =	shalt  }
0x6c: {  	_ =	shalt  }
0x6d: {  	_ =	shalt  }
0x6e: {  	_ =	shalt  }
0x6f: {  	_ =	shalt  }
0x70: {  	_ =	shalt  }
0x71: {  	_ =	shalt  }
0x72: {  	_ =	shalt  }
0x73: {  	_ =	shalt  }
0x74: {  	_ =	shalt  }
0x75: {  	_ =	shalt  }
0x76: {  	_ =	shalt  }
0x77: {  	_ =	shalt  }
0x78: {  	_ =	shalt  }
0x79: {  	_ =	shalt  }
0x7a: {  	_ =	shalt  }
0x7b: {  	_ =	shalt  }
0x7c: {  	_ =	shalt  }
0x7d: {  	_ =	shalt  }
0x7e: {  	_ =	shalt  }
0x7f: {  	_ =	shalt  }
0x80: {  	_ =	shalt  }
0x81: {  	_ =	shalt  }
0x82: {  	_ =	shalt  }
0x83: {  	_ =	shalt  }
0x84: {  	_ =	shalt  }
0x85: {  	_ =	shalt  }
0x86: {  	_ =	shalt  }
0x87: {  	_ =	shalt  }
.Lfunc_end0:
.L_simem_size_0:
called_computation.4_lowered:
.L_overlay_start_0:
0x88: {  	s2 =	sld [smem:$0x3FD9]  }
0x89: {  	s3 =	sld [smem:$0x3FFE];
	_ =	sdelay $0x1  }
0x8a: {  	s1 =	srdreg.scid  }
0x8b: {  	s0 =	sand.u32 $0x1, s1  }
0x8c: {  	s17 =	sshll.u32 s0, $0xA;
	s2 =	sadd.s32 s3, s2  }
0x8d: {  	s2 =	sadd.s32 s2, s17  }
0x8e: {  	[smem:$0x3FB8] =	sst s2  }
0x8f: {  	_ = 	snop  }
0x90: {  	s2 =	sld [smem:$0x3FC7];
	(tm) =	ssettm $0x1  }
0x91: {  	s18 =	sld [smem:$0x3FFB];
	_ =	sdelay $0x3  }
0x92: {  	_ =	strace s18  }
0x93: {  	s3 =	sld [smem:$0x3FFC];
	_ =	sdelay $0x3  }
0x94: {  	_ =	strace s3  }
0x95: {  	s3 =	sld [smem:$0x3FFD];
	_ =	sdelay $0x3  }
0x96: {  	_ =	strace s3  }
0x97: {  	_ =	strace $0x8FFFFFFF  }
0x98: {  	s19 =	sld [smem:$0x3FDB];
	_ =	sdelay $0x1  }
0x99: {  	s4 =	simm.s32 $_scs_section_size  }
0x9a: {  	s5 =	simm.s32 $_size__tile_overlayer_lowered;
	s6 =	simm.s32 $_tile_overlayer_lowered  }
0x9b: {  	s22 =	simm.s32 $0x1BFF;
	s21 =	sshll.u32 s6, $0x1;
	s3 =	sadd.s32 s4, s19  }
0x9c: {  	s7 =	simm.s32 $0x0;
	s20 =	sshll.u32 s5, $0x1;
	s5 =	sadd.s32 s21, s3  }
0x9d: {  	[timem:s7], [sflag:s22] =	dma.local [hbm:s5], s20  }
0x9e: {  	_ =	swait.ge [sflag:s22], s20  }
0x9f: {  	s4 =	ssub.s32 $0x0, s20;
	[sflag:s22] =	ssyncset.done $0x0  }
0xa0: {  	[sflag:s22] =	ssyncadd.s32 s4;
	_ =	sdelay $0x1  }
0xa1: {  	s23 =	simm.s32 $0x1B8B  }
0xa2: {  	_ =	swait.ge [sflag:s23], $0x1  }
0xa3: {  	[sflag:s23] =	ssyncset.done $0x0  }
0xa4: {  	s25 =	simm.s32 $0x1B8E;
	s24 =	sld [smem:$0x3FFE];
	[sflag:s23] =	ssyncadd.s32 $0xFFFFFFFF  }
0xa5: {  	s26 =	simm.s32 $execute0_lowered;
	[smem:$0x3FD2] =	sst s25  }
0xa6: {  	s5 =	sshll.u32 s26, $0x1;
	_ =	strace $0x80000052;
	[dreg:$0x1] =	wrdreg $0xFFFFFFFF  }
0xa7: {  	s28 =	simm.s32 $_size_execute0_lowered;
	s3 =	sadd.s32 s3, s5;
	[dreg:$0x0] =	wrdreg $0x0  }
0xa8: {  	s5 =	sshll.u32 s28, $0x1;
	[dreg:$0x2] =	wrdreg s3  }
0xa9: {  	[dreg:$0x3] =	wrdreg s5  }
0xaa: {  	[dreg:$0x4] =	wrdreg $0xC0  }
0xab: {  	_ =	task [dreg:s7], $0x5FFFF  }
0xac: {  	[dreg:$0x1] =	wrdreg $0xFFFFFFFF  }
0xad: {  	[dreg:$0x0] =	wrdreg $0x60  }
0xae: {  	[dreg:$0x2] =	wrdreg s24  }
0xaf: {  	[dreg:$0x3] =	wrdreg s2  }
0xb0: {  	[dreg:$0x4] =	wrdreg $0xB7800  }
0xb1: {  	[dreg:$0x5] =	wrdreg $0x9  }
0xb2: {  	_ =	task.clear_ibuf [dreg:s7], $0x6FFFF;
	_ =	strace $0x90000052  }
0xb3: {  	s29 =	simm.s32 $0x9;
	_ =	strace $0x80000054  }
0xb4: {  	_ =	swait.ge [sflag:s29], $0x1  }
0xb5: {  	[sflag:s29] =	ssyncadd.s32 $0xFFFFFFFF  }
0xb6: {  	_ =	strace $0x90000054  }
0xb7: {  	_ =	sfence  }
0xb8: {  	s30 =	sld [smem:$0x0];
	_ =	sdelay $0x2  }
0xb9: {  	s31 =	sshll.u32 s1, $0xD;
	s1 =	sshrl.u32 s1, $0x2  }
0xba: {  	s3 =	sand.u32 $0x4000, s31;
	s1 =	sadd.s32 s1, s30  }
0xbb: {  	s0 =	sor.u32 s3, s0;
	s1 =	sshll.u32 s1, $0x11  }
0xbc: {  	s0 =	sor.u32 s1, s0  }
0xbd: {  	s0 =	sadd.s32 $0x8F2B, s0  }
0xbe: {  	[sflag:s0] =	ssyncadd.remote.s32 $0x1  }
0xbf: {  	_ =	sfence.sel $0xFFFF  }
0xc0: {  	[dreg:$0x0] =	wrdreg $0xFFFFFFFF;
	(pc) =	sbr.abs _section_cstart, $3  }
0xc1: {  	[dreg:$0x1] =	wrdreg $0xFFFFFFFF  }
0xc2: {  	_ =	task.clear_ibuf [dreg:s7], $0x2FFFF;
	_ =	strace $0x9FFFFFFF  }
0xc3: {  	(tm) =	ssettm $0x7FFFFFFF  }
tec
execute0_lowered:
.L_overlay_start_1:
0x0: {  	(tag) =	ssettag $0x1  }
0x1: {  	s0 =	rddreg [dreg:$0x0]  }
0x2: {  	s1 =	rddreg [dreg:$0x1]  }
0x3: {  	s2 =	rddreg [dreg:$0x2]  }
0x4: {  	s3 =	srdreg.scid;
	s13 =	stileid.u32  }
0x5: {  	s14 =	simm.s32 $0x28;
	s15 =	simm.s32 $0x6780;
	s16 =	simm.s32 $0x7B80  }
0x6: {  	s17 =	simm.s32 $0x50;
	s18 =	simm.s32 $0x8F80;
	s20 =	simm.s32 $0xA380  }
0x7: {  	s21 =	simm.s32 $0x1;
	s22 =	simm.s32 $0x2;
	s28 =	simm.s32 $0x26E8  }
0x8: {  	s29 =	simm.s32 $0x6500;
	s30 =	simm.s32 $0x6580;
	s31 =	simm.s32 $0x0  }
0x9: {  	s5 =	sand.u32 $0x1, s3;
	s4 =	sshll.u32 s13, $0x1;
	s7 =	smul.u32 $0xA000, s13  }
0xa: {  	s3 =	simm.s32 $0x0;
	s11 =	smul.u32 $0x28000, s13;
	s25 =	sshll.u32 s13, $0x6  }
0xb: {  	s6 =	sor.u32 s5, s4;
	[smem:$0x7FF] =	sst s3;
	s9 =	smul.u32 $0xA0000, s5  }
0xc: {  	s4 =	sadd.s32 $0x67C00, s0;
	s5 =	ssub.s32 $0x2, s5;
	s8 =	sshll.u32 s6, $0xB  }
0xd: {  	_ =	strace $0x80000053;
	s10 =	sshrl.u32 s7, $0x3;
	s23 =	sshrl.u32 s5, $0x1  }
0xe: {  	s24 =	sshrl.u32 s11, $0x2;
	s26 =	smul.u32 $0x4E2, s6;
	s6 =	sor.u32 $0x1C05, s25  }
0xf: {  	s25 =	simm.s32 $0x6480;
	s8 =	sadd.s32 s8, s0;
	s7 =	sadd.s32 s7, s9  }
0x10: {  	s10 =	sadd.s32 s10, s0;
	s12 =	ssub.s32 s5, s23;
	s11 =	sadd.s32 s24, s2  }
0x11: {  	s23 =	simm.s32 $0x3;
	s24 =	simm.s32 $0x4;
	s7 =	sshrl.u32 s7, $0x3  }
0x12: {  	s5 =	sadd.s32 $0x18400, s10;
	s8 =	sadd.s32 $0x8400, s8;
	s10 =	smax.u32 s12, $0x1  }
0x13: {  	s11 =	sshrl.u32 s11, $0x3;
	s12 =	simm.s32 $0x5;
	s0 =	sadd.s32 s7, s0  }
0x14: {  	s7 =	sadd.s32 s1, s26;
	s26 =	simm.s32 $0x26C0;
	s9 =	sadd.s32 $0x115E00, s0  }
.LBB2_1:
0x15: {  	[spmem:s11], [sflag:s6] =	dma.local [hbm:s5], $0x1400  }
0x16: {  	_ =	swait.ge [sflag:s12], $0x1400  }
0x17: {  	[sflag:s12] =	ssyncset.done $0x0  }
0x18: {  	[sflag:s12] =	ssyncadd.s32 $0xFFFFEC00  }
0x19: {  	[tilespmem:s3], [sflag:$0x5] =	stream.linear.gather [hbm4b:s7+s3], $0x2710, $0x38;
	[tilespmem:$0x15780] =	vst v63  }
0x1a: {  	_ =	swait.ge [sflag:s12], $0x2710  }
0x1b: {  	[sflag:s12] =	ssyncset.done $0x0  }
0x1c: {  	s0 =	simm.s32 $0x2780;
	[sflag:s12] =	ssyncadd.s32 $0xFFFFD8F0  }
0x1d: {  	[tilespmem:s0], [sflag:$0x5] =	stream.linear.gather [hbm4b:s8+s3], $0x3E80, $0x38;
	[tilespmem:$0x15780] =	vst v63  }
0x1e: {  	_ =	swait.ge [sflag:s12], $0x3E80  }
0x1f: {  	[sflag:s12] =	ssyncset.done $0x0  }
0x20: {  	[sflag:s12] =	ssyncadd.s32 $0xFFFFC180  }
0x21: {  	[bflag:$0x0] =	sbarrier.arrive $0xFFFF  }
0x22: {  	[tilespmem:s15], [sflag:$0x1] =	stream.indirect.gather [hbm4b:s4+s14], $0x80, s3, s14, $0xb8;
	[tilespmem:$0x15780] =	vst v63  }
0x23: {  	_ = 	snop  }
0x24: {  	[tilespmem:s16], [sflag:$0x2] =	stream.indirect.gather [hbm4b:s4+s14], $0x80, s14, s14, $0xb8;
	[tilespmem:$0x15780] =	vst v63  }
0x25: {  	_ = 	snop  }
0x26: {  	[tilespmem:s18], [sflag:$0x3] =	stream.indirect.gather [hbm4b:s4+s14], $0x80, s17, s14, $0xb8;
	[tilespmem:$0x15780] =	vst v63  }
0x27: {  	s1 =	simm.s32 $0x78  }
0x28: {  	[tilespmem:s20], [sflag:$0x4] =	stream.indirect.gather [hbm4b:s4+s14], $0x80, s1, s14, $0xb8;
	[tilespmem:$0x15780] =	vst v63  }
0x29: {  	_ =	swait.ge [sflag:s21], $0x1400  }
0x2a: {  	[sflag:s21] =	ssyncset.done $0x0  }
0x2b: {  	[sflag:s21] =	ssyncadd.s32 $0xFFFFEC00  }
0x2c: {  	_ =	swait.ge [sflag:s22], $0x1400  }
0x2d: {  	[sflag:s22] =	ssyncset.done $0x0  }
0x2e: {  	s13 =	simm.s32 $0x2780;
	[sflag:s22] =	ssyncadd.s32 $0xFFFFEC00  }
0x2f: {  	[spmem:s2] =	stream.indirect.scatter.add.f32 [tilespmem:s15], [sflag:$0x5], $0x80, s13, s17, $0xb8;
	[tilespmem:$0x15780] =	vst v63  }
0x30: {  	_ =	swait.ge [sflag:s12], $0x2800  }
0x31: {  	[sflag:s12] =	ssyncset.done $0x0  }
0x32: {  	s19 =	simm.s32 $0xA0;
	[sflag:s12] =	ssyncadd.s32 $0xFFFFD800  }
0x33: {  	[tilespmem:s15], [sflag:$0x1] =	stream.indirect.gather [hbm4b:s4+s14], $0x80, s19, s14, $0xb8;
	[tilespmem:$0x15780] =	vst v63  }
0x34: {  	s1 =	simm.s32 $0xC8  }
0x35: {  	[tilespmem:s16], [sflag:$0x2] =	stream.indirect.gather [hbm4b:s4+s14], $0x80, s1, s14, $0xb8;
	[tilespmem:$0x15780] =	vst v63  }
0x36: {  	_ =	swait.ge [sflag:s23], $0x1400  }
0x37: {  	[sflag:s23] =	ssyncset.done $0x0  }
0x38: {  	[sflag:s23] =	ssyncadd.s32 $0xFFFFEC00  }
0x39: {  	_ =	swait.ge [sflag:s24], $0x1400  }
0x3a: {  	[sflag:s24] =	ssyncset.done $0x0  }
0x3b: {  	s13 =	simm.s32 $0x2800;
	[sflag:s24] =	ssyncadd.s32 $0xFFFFEC00  }
0x3c: {  	[spmem:s2] =	stream.indirect.scatter.add.f32 [tilespmem:s18], [sflag:$0x5], $0x80, s13, s17, $0xb8;
	[tilespmem:$0x15780] =	vst v63  }
0x3d: {  	_ =	swait.ge [sflag:s12], $0x2800  }
0x3e: {  	s0 =	simm.s32 $0x280;
	s19 =	simm.s32 $0xF0;
	[sflag:s12] =	ssyncset.done $0x0  }
0x3f: {  	s1 =	simm.s32 $0x2900;
	s13 =	simm.s32 $0x118;
	[sflag:s12] =	ssyncadd.s32 $0xFFFFD800  }
0x40: {  	[tilespmem:s18], [sflag:$0x3] =	stream.indirect.gather [hbm4b:s4+s14], $0x80, s19, s14, $0xb8;
	[tilespmem:$0x15780] =	vst v63  }
.LBB2_2:
0x41: {  	[tilespmem:s20], [sflag:$0x4] =	stream.indirect.gather [hbm4b:s4+s14], $0x80, s13, s14, $0xb8;
	[tilespmem:$0x15780] =	vst v63  }
0x42: {  	s13 =	smov.u32 s0  }
0x43: {  	p0 =	sne.s32 s0, $0x9600;
	s0 =	sadd.s32 $0x280, s0;
	_ =	swait.ge [sflag:s21], $0x1400  }
0x44: {  	[sflag:s21] =	ssyncset.done $0x0  }
0x45: {  	[sflag:s21] =	ssyncadd.s32 $0xFFFFEC00  }
0x46: {  	_ =	swait.ge [sflag:s22], $0x1400  }
0x47: {  	[sflag:s22] =	ssyncset.done $0x0  }
0x48: {  	s19 =	sadd.s32 $0xFFFFFF80, s1;
	[sflag:s22] =	ssyncadd.s32 $0xFFFFEC00  }
0x49: {  	[spmem:s2] =	stream.indirect.scatter.add.f32 [tilespmem:s15], [sflag:$0x5], $0x80, s19, s17, $0xb8;
	[tilespmem:$0x15780] =	vst v63  }
0x4a: {  	_ =	swait.ge [sflag:s12], $0x2800  }
0x4b: {  	s13 =	sshra.s32 s13, $0x2;
	[sflag:s12] =	ssyncset.done $0x0  }
0x4c: {  	s19 =	sadd.s32 $0xA0, s13;
	[sflag:s12] =	ssyncadd.s32 $0xFFFFD800  }
0x4d: {  	[tilespmem:s15], [sflag:$0x1] =	stream.indirect.gather [hbm4b:s4+s14], $0x80, s19, s14, $0xb8;
	[tilespmem:$0x15780] =	vst v63  }
0x4e: {  	s19 =	sadd.s32 $0xC8, s13  }
0x4f: {  	[tilespmem:s16], [sflag:$0x2] =	stream.indirect.gather [hbm4b:s4+s14], $0x80, s19, s14, $0xb8;
	[tilespmem:$0x15780] =	vst v63  }
0x50: {  	_ =	swait.ge [sflag:s23], $0x1400  }
0x51: {  	[sflag:s23] =	ssyncset.done $0x0  }
0x52: {  	[sflag:s23] =	ssyncadd.s32 $0xFFFFEC00  }
0x53: {  	_ =	swait.ge [sflag:s24], $0x1400  }
0x54: {  	[sflag:s24] =	ssyncset.done $0x0  }
0x55: {  	[sflag:s24] =	ssyncadd.s32 $0xFFFFEC00  }
0x56: {  	[spmem:s2] =	stream.indirect.scatter.add.f32 [tilespmem:s18], [sflag:$0x5], $0x80, s1, s17, $0xb8;
	[tilespmem:$0x15780] =	vst v63  }
.Ltmp0:
0x57: {  	_ =	swait.ge [sflag:s12], $0x2800;
	(pc) =	sbr.rel @p0 .LBB2_2-.Ltmp0, $4  }
0x58: {  	[sflag:s12] =	ssyncset.done $0x0  }
0x59: {  	s19 =	sadd.s32 $0xF0, s13;
	[sflag:s12] =	ssyncadd.s32 $0xFFFFD800  }
0x5a: {  	[tilespmem:s18], [sflag:$0x3] =	stream.indirect.gather [hbm4b:s4+s14], $0x80, s19, s14, $0xb8;
	[tilespmem:$0x15780] =	vst v63  }
0x5b: {  	s13 =	sadd.s32 $0x118, s13;
	s1 =	sadd.s32 $0x100, s1  }
0x5c: {  	[tilespmem:s20], [sflag:$0x4] =	stream.indirect.gather [hbm4b:s4+s14], $0x80, s13, s14, $0xb8;
	[tilespmem:$0x15780] =	vst v63  }
0x5d: {  	_ =	swait.ge [sflag:s21], $0x1400  }
0x5e: {  	[sflag:s21] =	ssyncset.done $0x0  }
0x5f: {  	[sflag:s21] =	ssyncadd.s32 $0xFFFFEC00  }
0x60: {  	_ =	swait.ge [sflag:s22], $0x1400  }
0x61: {  	[sflag:s22] =	ssyncset.done $0x0  }
0x62: {  	[sflag:s22] =	ssyncadd.s32 $0xFFFFEC00  }
0x63: {  	[spmem:s2] =	stream.indirect.scatter.add.f32 [tilespmem:s15], [sflag:$0x5], $0x80, s25, s17, $0xb8;
	[tilespmem:$0x15780] =	vst v63  }
0x64: {  	_ =	swait.ge [sflag:s12], $0x2800  }
0x65: {  	[sflag:s12] =	ssyncset.done $0x0  }
0x66: {  	[sflag:s12] =	ssyncadd.s32 $0xFFFFD800  }
0x67: {  	[tilespmem:s15], [sflag:$0x1] =	stream.indirect.gather [hbm4b:s4+s14], $0x80, s26, s14, $0xb8;
	[tilespmem:$0x15780] =	vst v63  }
0x68: {  	_ = 	snop  }
0x69: {  	[tilespmem:s16], [sflag:$0x2] =	stream.indirect.gather [hbm4b:s4+s14], $0x80, s28, s14, $0xb8;
	[tilespmem:$0x15780] =	vst v63  }
0x6a: {  	_ =	swait.ge [sflag:s23], $0x1400  }
0x6b: {  	[sflag:s23] =	ssyncset.done $0x0  }
0x6c: {  	[sflag:s23] =	ssyncadd.s32 $0xFFFFEC00  }
0x6d: {  	_ =	swait.ge [sflag:s24], $0x1400  }
0x6e: {  	[sflag:s24] =	ssyncset.done $0x0  }
0x6f: {  	[sflag:s24] =	ssyncadd.s32 $0xFFFFEC00  }
0x70: {  	[spmem:s2] =	stream.indirect.scatter.add.f32 [tilespmem:s18], [sflag:$0x5], $0x80, s29, s17, $0xb8;
	[tilespmem:$0x15780] =	vst v63  }
0x71: {  	_ =	swait.ge [sflag:s12], $0x2800  }
0x72: {  	[sflag:s12] =	ssyncset.done $0x0  }
0x73: {  	[sflag:s12] =	ssyncadd.s32 $0xFFFFD800  }
0x74: {  	_ =	swait.ge [sflag:s21], $0x1400  }
0x75: {  	[sflag:s21] =	ssyncset.done $0x0  }
0x76: {  	[sflag:s21] =	ssyncadd.s32 $0xFFFFEC00  }
0x77: {  	_ =	swait.ge [sflag:s22], $0x1400  }
0x78: {  	[sflag:s22] =	ssyncset.done $0x0  }
0x79: {  	[sflag:s22] =	ssyncadd.s32 $0xFFFFEC00  }
0x7a: {  	[spmem:s2] =	stream.indirect.scatter.add.f32 [tilespmem:s15], [sflag:$0x5], $0x80, s30, s17, $0xb8;
	[tilespmem:$0x15780] =	vst v63  }
0x7b: {  	_ =	swait.ge [sflag:s12], $0x2800  }
0x7c: {  	s31 =	sadd.s32 $0x1, s31;
	[sflag:s12] =	ssyncset.done $0x0  }
0x7d: {  	p0 =	sne.s32 s31, s10;
	[sflag:s12] =	ssyncadd.s32 $0xFFFFD800  }
.Ltmp1:
0x7e: {  	[bflag:$0x0] =	sbarrier.arrive $0xFFFF;
	(pc) =	sbr.rel @p0 .LBB2_1-.Ltmp1, $4  }
0x7f: {  	[hbm:s9], [sflag:s6] =	dma.local [spmem:s11], $0x1400  }
0x80: {  	_ =	swait.ge [sflag:s12], $0x1400  }
0x81: {  	[sflag:s12] =	ssyncset.done $0x0  }
0x82: {  	[sflag:s12] =	ssyncadd.s32 $0xFFFFEC00  }
0x83: {  	_ =	sfence.sel $0x180000  }
0x84: {  	[bflag:$0x0] =	sbarrier.arrive $0xFFFF  }
0x85: {  	_ =	strace $0x90000053  }
0x86: {  	s0 =	stileid.u32;
	[bflag:$0x2] =	sbarrier.arrive $0xFFFF  }
0x87: {  	p0 =	sne.s32 s0, $0x0;
	s0 =	rddreg [dreg:$0x3]  }
0x88: {  	s0 =	sadd.s32 @!p0 $0x100000, s0  }
0x89: {  	[sflag:s0] =	ssyncadd.tile.s32 @!p0 $0x1;
	_ =	shalt  }
.Lfunc_end2:
_tile_overlayer_lowered:
.L_overlay_start_2:
0x8a: {  	(tag) =	ssettag $0x2  }
0x8b: {  	s0 =	rddreg [dreg:$0x0];
	s2 =	stileid.u32  }
0x8c: {  	s1 =	rddreg [dreg:$0x1];
	p0 =	sne.s32 s2, $0x0  }
0x8d: {  	s3 =	rddreg [dreg:$0x2];
	[bflag:$0x3] =	sbarrier.arrive $0xFFFF;
	s2 =	simm.s32 @!p0 $0x1C05  }
0x8e: {  	[timem:s3], [sflag:s2] =	dma.local @!p0 [hbm:s0], s1  }
0x8f: {  	s0 =	simm.s32 @!p0 $0x5  }
0x90: {  	_ =	swait.ge @!p0 [sflag:s0], s1  }
0x91: {  	s1 =	ssub.s32 @!p0 $0x0, s1;
	[sflag:s0] =	ssyncset.done @!p0 $0x0  }
0x92: {  	[sflag:s0] =	ssyncadd.s32 @!p0 s1  }
0x93: {  	[bflag:$0x3] =	sbarrier.arrive $0xFFFF  }
0x94: {  	_ =	shalt  }

// kernel: kernel.33.cloned.1.call-start
scs
__scs_entry_jumppad:
0x0: {  	(pc) =	sbr.rel $0x88, $3  }
0x1: {  	(tag) =	ssettag $0x0;
	lr =	simm.s32 $0x1  }
0x2: {  	[smem:$0x3F91] =	sst lr;
	_ =	strace $0xD0000000  }
0x3: {  	_ = 	snop  }
0x4: {  	_ = 	snop  }
0x5: {  	_ = 	snop  }
0x6: {  	_ = 	snop  }
0x7: {  	_ = 	snop  }
__scs_overlays_trampoline_lowered:
0x8: {  	[smem:$0x3FA0] =	sst s0  }
0x9: {  	[smem:$0x3FA1] =	sst s1  }
0xa: {  	[smem:$0x3FA2] =	sst s2  }
0xb: {  	[smem:$0x3FA3] =	sst s3  }
0xc: {  	[smem:$0x3FA4] =	sst s4  }
0xd: {  	[smem:$0x3FA5] =	sst s5  }
0xe: {  	[smem:$0x3FA6] =	sst s6  }
0xf: {  	[smem:$0x3FA7] =	sst s7  }
0x10: {  	[smem:$0x3FA8] =	sst s8  }
0x11: {  	[smem:$0x3FA9] =	sst s9;
	s0 =	simm.s32 @!p0 $0x0  }
0x12: {  	s1 =	sld [smem:$0x3F8F];
	s0 =	simm.s32 @p0 $0x1  }
0x13: {  	[smem:$0x3FAA] =	sst s0;
	s0 =	simm.s32 @!p1 $0x0  }
0x14: {  	s2 =	sld [smem:$0x3F8E];
	s0 =	simm.s32 @p1 $0x1  }
0x15: {  	[smem:$0x3FAB] =	sst s0;
	s0 =	simm.s32 @!p2 $0x0  }
0x16: {  	s3 =	sld [smem:$0x3FDB];
	s0 =	simm.s32 @p2 $0x1  }
0x17: {  	s4 =	simm.s32 $0x1BF5;
	[smem:$0x3FAD] =	sst s0  }
0x18: {  	s0 =	sld [smem:$0x3F90];
	_ =	swait.ge [sflag:s4], $0x0  }
0x19: {  	s7 =	sld [smem:$0x3F91]  }
0x1a: {  	s8 =	sadd.s32 $0xFFFFE003, lr  }
0x1b: {  	s9 =	sadd.s32 $0xFFFFFEF7, lr;
	s5 =	simm.s32 $0xFFFFFFFF;
	p2 =	slt.u32 s8, $0xFFFFF086  }
0x1c: {  	p1 =	slt.u32 s9, $0xF7A;
	s5 =	simm.s32 @!p2 $0x0  }
0x1d: {  	s5 =	simm.s32 @p1 $0x1;
	p0 =	seq.s32 s7, s2  }
0x1e: {  	s7 =	smul.u32 @!p0 $0xF7A, s2;
	p2 =	seq.s32 @!p0 s5, $0x0  }
0x1f: {  	s9 =	smul.u32 $0xF7A, s1;
	s8 =	simm.s32 @!p0 $0x1BF5;
	p2 =	por !p2, p0  }
0x20: {  	[sflag:s8] =	ssyncset.s32 @!p0 $0xFFFFF086;
	s6 =	sadd.s32 @!p0 s3, s7;
	s7 =	simm.s32 @!p0 $0x108  }
0x21: {  	s3 =	sadd.s32 s3, s9;
	s6 =	sadd.s32 @!p0 $0x88, s6;
	s7 =	simm.s32 @p2 $0x1082  }
0x22: {  	[simem:s7], [sflag:s8] =	dma.local @!p0 [hbm:s6], $0xF7A  }
0x23: {  	s9 =	sor.u32 $0xD0000000, s2;
	s6 =	simm.s32 $0x108;
	_ =	swait.ge @!p0 [sflag:s8], $0x0  }
0x24: {  	s3 =	sadd.s32 $0x88, s3;
	s6 =	simm.s32 @!p1 $0x1082;
	[sflag:s4] =	ssyncset.s32 $0xFFFFF086  }
0x25: {  	[simem:s6], [sflag:s4] =	dma.local [hbm:s3], $0xF7A  }
0x26: {  	[smem:$0x3F91] =	sst s1;
	(tag) =	ssettag s2;
	_ =	strace s9  }
0x27: {  	s1 =	sld [smem:$0x3FA1]  }
0x28: {  	s2 =	sld [smem:$0x3FA2]  }
0x29: {  	s4 =	sld [smem:$0x3FA4]  }
0x2a: {  	p0 =	seq.s32 s5, $0x0;
	s5 =	sld [smem:$0x3FA5]  }
0x2b: {  	s6 =	sld [smem:$0x3FA6]  }
0x2c: {  	s7 =	sld [smem:$0x3FA7]  }
0x2d: {  	s3 =	simm.s32 $0x108;
	s8 =	sld [smem:$0x3FA8]  }
0x2e: {  	s3 =	simm.s32 @!p0 $0x1082;
	s9 =	sld [smem:$0x3FA9]  }
0x2f: {  	lr =	sadd.s32 s0, s3;
	s0 =	sld [smem:$0x3FA0]  }
0x30: {  	s3 =	sld [smem:$0x3FA3]  }
0x31: {  	[smem:$0x3FAC] =	sst s10  }
0x32: {  	s10 =	sld [smem:$0x3FAA];
	_ =	sdelay $0x3  }
0x33: {  	p0 =	seq.s32 s10, $0x1;
	s10 =	sld [smem:$0x3FAC];
	_ =	sdelay $0x3  }
0x34: {  	[smem:$0x3FAC] =	sst s10  }
0x35: {  	s10 =	sld [smem:$0x3FAB];
	_ =	sdelay $0x3  }
0x36: {  	p1 =	seq.s32 s10, $0x1;
	s10 =	sld [smem:$0x3FAC];
	_ =	sdelay $0x3  }
0x37: {  	[smem:$0x3FAC] =	sst s10  }
0x38: {  	s10 =	sld [smem:$0x3FAD]  }
0x39: {  	_ = 	snop;
	(pc) =	sbr.ind lr, $3  }
0x3a: {  	_ = 	snop  }
0x3b: {  	_ = 	snop  }
0x3c: {  	p2 =	seq.s32 s10, $0x1;
	s10 =	sld [smem:$0x3FAC]  }
0x3d: {  	_ =	shalt  }
0x3e: {  	_ =	shalt  }
0x3f: {  	_ =	shalt  }
0x40: {  	_ =	shalt  }
0x41: {  	_ =	shalt  }
0x42: {  	_ =	shalt  }
0x43: {  	_ =	shalt  }
0x44: {  	_ =	shalt  }
0x45: {  	_ =	shalt  }
0x46: {  	_ =	shalt  }
0x47: {  	_ =	shalt  }
0x48: {  	_ =	shalt  }
0x49: {  	_ =	shalt  }
0x4a: {  	_ =	shalt  }
0x4b: {  	_ =	shalt  }
0x4c: {  	_ =	shalt  }
0x4d: {  	_ =	shalt  }
0x4e: {  	_ =	shalt  }
0x4f: {  	_ =	shalt  }
0x50: {  	_ =	shalt  }
0x51: {  	_ =	shalt  }
0x52: {  	_ =	shalt  }
0x53: {  	_ =	shalt  }
0x54: {  	_ =	shalt  }
0x55: {  	_ =	shalt  }
0x56: {  	_ =	shalt  }
0x57: {  	_ =	shalt  }
0x58: {  	_ =	shalt  }
0x59: {  	_ =	shalt  }
0x5a: {  	_ =	shalt  }
0x5b: {  	_ =	shalt  }
0x5c: {  	_ =	shalt  }
0x5d: {  	_ =	shalt  }
0x5e: {  	_ =	shalt  }
0x5f: {  	_ =	shalt  }
0x60: {  	_ =	shalt  }
0x61: {  	_ =	shalt  }
0x62: {  	_ =	shalt  }
0x63: {  	_ =	shalt  }
0x64: {  	_ =	shalt  }
0x65: {  	_ =	shalt  }
0x66: {  	_ =	shalt  }
0x67: {  	_ =	shalt  }
0x68: {  	_ =	shalt  }
0x69: {  	_ =	shalt  }
0x6a: {  	_ =	shalt  }
0x6b: {  	_ =	shalt  }
0x6c: {  	_ =	shalt  }
0x6d: {  	_ =	shalt  }
0x6e: {  	_ =	shalt  }
0x6f: {  	_ =	shalt  }
0x70: {  	_ =	shalt  }
0x71: {  	_ =	shalt  }
0x72: {  	_ =	shalt  }
0x73: {  	_ =	shalt  }
0x74: {  	_ =	shalt  }
0x75: {  	_ =	shalt  }
0x76: {  	_ =	shalt  }
0x77: {  	_ =	shalt  }
0x78: {  	_ =	shalt  }
0x79: {  	_ =	shalt  }
0x7a: {  	_ =	shalt  }
0x7b: {  	_ =	shalt  }
0x7c: {  	_ =	shalt  }
0x7d: {  	_ =	shalt  }
0x7e: {  	_ =	shalt  }
0x7f: {  	_ =	shalt  }
0x80: {  	_ =	shalt  }
0x81: {  	_ =	shalt  }
0x82: {  	_ =	shalt  }
0x83: {  	_ =	shalt  }
0x84: {  	_ =	shalt  }
0x85: {  	_ =	shalt  }
0x86: {  	_ =	shalt  }
0x87: {  	_ =	shalt  }
.Lfunc_end0:
.L_simem_size_0:
called_computation.5_lowered:
.L_overlay_start_0:
0x88: {  	s2 =	sld [smem:$0x3FD9]  }
0x89: {  	s3 =	sld [smem:$0x3FFE];
	_ =	sdelay $0x1  }
0x8a: {  	s1 =	srdreg.scid  }
0x8b: {  	s0 =	sand.u32 $0x1, s1  }
0x8c: {  	s17 =	sshll.u32 s0, $0xA;
	s2 =	sadd.s32 s3, s2  }
0x8d: {  	s2 =	sadd.s32 s2, s17  }
0x8e: {  	[smem:$0x3FB8] =	sst s2  }
0x8f: {  	_ = 	snop  }
0x90: {  	s2 =	sld [smem:$0x3FC6];
	(tm) =	ssettm $0x1  }
0x91: {  	s18 =	sld [smem:$0x3FFB];
	_ =	sdelay $0x3  }
0x92: {  	_ =	strace s18  }
0x93: {  	s3 =	sld [smem:$0x3FFC];
	_ =	sdelay $0x3  }
0x94: {  	_ =	strace s3  }
0x95: {  	s3 =	sld [smem:$0x3FFD];
	_ =	sdelay $0x3  }
0x96: {  	_ =	strace s3  }
0x97: {  	_ =	strace $0x8FFFFFFF  }
0x98: {  	s19 =	sld [smem:$0x3FDB];
	_ =	sdelay $0x1  }
0x99: {  	s4 =	simm.s32 $_scs_section_size  }
0x9a: {  	s5 =	simm.s32 $_size__tile_overlayer_lowered;
	s6 =	simm.s32 $_tile_overlayer_lowered  }
0x9b: {  	s22 =	simm.s32 $0x1BFF;
	s21 =	sshll.u32 s6, $0x1;
	s3 =	sadd.s32 s4, s19  }
0x9c: {  	s7 =	simm.s32 $0x0;
	s20 =	sshll.u32 s5, $0x1;
	s5 =	sadd.s32 s21, s3  }
0x9d: {  	[timem:s7], [sflag:s22] =	dma.local [hbm:s5], s20  }
0x9e: {  	_ =	swait.ge [sflag:s22], s20  }
0x9f: {  	s4 =	ssub.s32 $0x0, s20;
	[sflag:s22] =	ssyncset.done $0x0  }
0xa0: {  	[sflag:s22] =	ssyncadd.s32 s4;
	_ =	sdelay $0x1  }
0xa1: {  	s23 =	simm.s32 $0x1B8B  }
0xa2: {  	_ =	swait.ge [sflag:s23], $0x1  }
0xa3: {  	[sflag:s23] =	ssyncset.done $0x0  }
0xa4: {  	s25 =	simm.s32 $0x1B8E;
	s24 =	sld [smem:$0x3FFE];
	[sflag:s23] =	ssyncadd.s32 $0xFFFFFFFF  }
0xa5: {  	s26 =	simm.s32 $execute0_lowered;
	[smem:$0x3FD2] =	sst s25  }
0xa6: {  	s5 =	sshll.u32 s26, $0x1;
	_ =	strace $0x80000055;
	[dreg:$0x1] =	wrdreg $0xFFFFFFFF  }
0xa7: {  	s28 =	simm.s32 $_size_execute0_lowered;
	s3 =	sadd.s32 s3, s5;
	[dreg:$0x0] =	wrdreg $0x0  }
0xa8: {  	s5 =	sshll.u32 s28, $0x1;
	[dreg:$0x2] =	wrdreg s3  }
0xa9: {  	[dreg:$0x3] =	wrdreg s5  }
0xaa: {  	[dreg:$0x4] =	wrdreg $0xC0  }
0xab: {  	_ =	task [dreg:s7], $0x5FFFF  }
0xac: {  	[dreg:$0x1] =	wrdreg $0xFFFFFFFF  }
0xad: {  	[dreg:$0x0] =	wrdreg $0x60  }
0xae: {  	[dreg:$0x2] =	wrdreg s24  }
0xaf: {  	[dreg:$0x3] =	wrdreg s2  }
0xb0: {  	[dreg:$0x4] =	wrdreg $0xB7800  }
0xb1: {  	[dreg:$0x5] =	wrdreg $0x9  }
0xb2: {  	_ =	task.clear_ibuf [dreg:s7], $0x6FFFF;
	_ =	strace $0x90000055  }
0xb3: {  	s29 =	simm.s32 $0x9;
	_ =	strace $0x80000057  }
0xb4: {  	_ =	swait.ge [sflag:s29], $0x1  }
0xb5: {  	[sflag:s29] =	ssyncadd.s32 $0xFFFFFFFF  }
0xb6: {  	_ =	strace $0x90000057  }
0xb7: {  	_ =	sfence  }
0xb8: {  	s30 =	sld [smem:$0x0];
	_ =	sdelay $0x2  }
0xb9: {  	s31 =	sshll.u32 s1, $0xD;
	s1 =	sshrl.u32 s1, $0x2  }
0xba: {  	s3 =	sand.u32 $0x4000, s31;
	s1 =	sadd.s32 s1, s30  }
0xbb: {  	s0 =	sor.u32 s3, s0;
	s1 =	sshll.u32 s1, $0x11  }
0xbc: {  	s0 =	sor.u32 s1, s0  }
0xbd: {  	s0 =	sadd.s32 $0x8F2B, s0  }
0xbe: {  	[sflag:s0] =	ssyncadd.remote.s32 $0x1  }
0xbf: {  	_ =	sfence.sel $0xFFFF  }
0xc0: {  	[dreg:$0x0] =	wrdreg $0xFFFFFFFF;
	(pc) =	sbr.abs _section_cstart, $3  }
0xc1: {  	[dreg:$0x1] =	wrdreg $0xFFFFFFFF  }
0xc2: {  	_ =	task.clear_ibuf [dreg:s7], $0x2FFFF;
	_ =	strace $0x9FFFFFFF  }
0xc3: {  	(tm) =	ssettm $0x7FFFFFFF  }
tec
execute0_lowered:
.L_overlay_start_1:
0x0: {  	(tag) =	ssettag $0x1  }
0x1: {  	s0 =	rddreg [dreg:$0x0]  }
0x2: {  	s1 =	rddreg [dreg:$0x1]  }
0x3: {  	s2 =	rddreg [dreg:$0x2]  }
0x4: {  	s3 =	srdreg.scid;
	s13 =	stileid.u32  }
0x5: {  	s14 =	simm.s32 $0x28;
	s15 =	simm.s32 $0x6780;
	s16 =	simm.s32 $0x7B80  }
0x6: {  	s17 =	simm.s32 $0x50;
	s18 =	simm.s32 $0x8F80;
	s20 =	simm.s32 $0xA380  }
0x7: {  	s21 =	simm.s32 $0x1;
	s22 =	simm.s32 $0x2;
	s28 =	simm.s32 $0x26E8  }
0x8: {  	s29 =	simm.s32 $0x6500;
	s30 =	simm.s32 $0x6580;
	s31 =	simm.s32 $0x0  }
0x9: {  	s5 =	sand.u32 $0x1, s3;
	s4 =	sshll.u32 s13, $0x1;
	s7 =	smul.u32 $0x13C00, s13  }
0xa: {  	s3 =	simm.s32 $0x0;
	s11 =	smul.u32 $0x4F000, s13;
	s25 =	sshll.u32 s13, $0x6  }
0xb: {  	s6 =	sor.u32 s5, s4;
	[smem:$0x7FF] =	sst s3;
	s9 =	smul.u32 $0x13C000, s5  }
0xc: {  	s4 =	sadd.s32 $0x3FC00, s0;
	s5 =	ssub.s32 $0x2, s5;
	s8 =	sshll.u32 s6, $0xB  }
0xd: {  	_ =	strace $0x80000056;
	s10 =	sshrl.u32 s7, $0x3;
	s23 =	sshrl.u32 s5, $0x1  }
0xe: {  	s24 =	sshrl.u32 s11, $0x2;
	s26 =	smul.u32 $0x4E2, s6;
	s6 =	sor.u32 $0x1C05, s25  }
0xf: {  	s25 =	simm.s32 $0x6480;
	s8 =	sadd.s32 s8, s0;
	s7 =	sadd.s32 s7, s9  }
0x10: {  	s10 =	sadd.s32 s10, s0;
	s12 =	ssub.s32 s5, s23;
	s11 =	sadd.s32 s24, s2  }
0x11: {  	s23 =	simm.s32 $0x3;
	s24 =	simm.s32 $0x4;
	s7 =	sshrl.u32 s7, $0x3  }
0x12: {  	s5 =	sadd.s32 $0x18400, s10;
	s8 =	sadd.s32 $0xB6E00, s8;
	s10 =	smax.u32 s12, $0x1  }
0x13: {  	s11 =	sshrl.u32 s11, $0x3;
	s12 =	simm.s32 $0x5;
	s0 =	sadd.s32 s7, s0  }
0x14: {  	s7 =	sadd.s32 s1, s26;
	s26 =	simm.s32 $0x26C0;
	s9 =	sadd.s32 $0x115E00, s0  }
.LBB2_1:
0x15: {  	[spmem:s11], [sflag:s6] =	dma.local [hbm:s5], $0x2780  }
0x16: {  	_ =	swait.ge [sflag:s12], $0x2780  }
0x17: {  	[sflag:s12] =	ssyncset.done $0x0  }
0x18: {  	[sflag:s12] =	ssyncadd.s32 $0xFFFFD880  }
0x19: {  	[tilespmem:s3], [sflag:$0x5] =	stream.linear.gather [hbm4b:s7+s3], $0x2710, $0x38;
	[tilespmem:$0x1F380] =	vst v63  }
0x1a: {  	_ =	swait.ge [sflag:s12], $0x2710  }
0x1b: {  	[sflag:s12] =	ssyncset.done $0x0  }
0x1c: {  	s0 =	simm.s32 $0x2780;
	[sflag:s12] =	ssyncadd.s32 $0xFFFFD8F0  }
0x1d: {  	[tilespmem:s0], [sflag:$0x5] =	stream.linear.gather [hbm4b:s8+s3], $0x3E80, $0x38;
	[tilespmem:$0x1F380] =	vst v63  }
0x1e: {  	_ =	swait.ge [sflag:s12], $0x3E80  }
0x1f: {  	[sflag:s12] =	ssyncset.done $0x0  }
0x20: {  	[sflag:s12] =	ssyncadd.s32 $0xFFFFC180  }
0x21: {  	[bflag:$0x0] =	sbarrier.arrive $0xFFFF  }
0x22: {  	[tilespmem:s15], [sflag:$0x1] =	stream.indirect.gather [hbm4b:s4+s14], $0x80, s3, s14, $0xb8;
	[tilespmem:$0x1F380] =	vst v63  }
0x23: {  	_ = 	snop  }
0x24: {  	[tilespmem:s16], [sflag:$0x2] =	stream.indirect.gather [hbm4b:s4+s14], $0x80, s14, s14, $0xb8;
	[tilespmem:$0x1F380] =	vst v63  }
0x25: {  	_ = 	snop  }
0x26: {  	[tilespmem:s18], [sflag:$0x3] =	stream.indirect.gather [hbm4b:s4+s14], $0x80, s17, s14, $0xb8;
	[tilespmem:$0x1F380] =	vst v63  }
0x27: {  	s1 =	simm.s32 $0x78  }
0x28: {  	[tilespmem:s20], [sflag:$0x4] =	stream.indirect.gather [hbm4b:s4+s14], $0x80, s1, s14, $0xb8;
	[tilespmem:$0x1F380] =	vst v63  }
0x29: {  	_ =	swait.ge [sflag:s21], $0x1400  }
0x2a: {  	[sflag:s21] =	ssyncset.done $0x0  }
0x2b: {  	[sflag:s21] =	ssyncadd.s32 $0xFFFFEC00  }
0x2c: {  	_ =	swait.ge [sflag:s22], $0x1400  }
0x2d: {  	[sflag:s22] =	ssyncset.done $0x0  }
0x2e: {  	s13 =	simm.s32 $0x2780;
	[sflag:s22] =	ssyncadd.s32 $0xFFFFEC00  }
0x2f: {  	[spmem:s2] =	stream.indirect.scatter.add.f32 [tilespmem:s15], [sflag:$0x5], $0x80, s13, s17, $0xb8;
	[tilespmem:$0x1F380] =	vst v63  }
0x30: {  	_ =	swait.ge [sflag:s12], $0x2800  }
0x31: {  	[sflag:s12] =	ssyncset.done $0x0  }
0x32: {  	s19 =	simm.s32 $0xA0;
	[sflag:s12] =	ssyncadd.s32 $0xFFFFD800  }
0x33: {  	[tilespmem:s15], [sflag:$0x1] =	stream.indirect.gather [hbm4b:s4+s14], $0x80, s19, s14, $0xb8;
	[tilespmem:$0x1F380] =	vst v63  }
0x34: {  	s1 =	simm.s32 $0xC8  }
0x35: {  	[tilespmem:s16], [sflag:$0x2] =	stream.indirect.gather [hbm4b:s4+s14], $0x80, s1, s14, $0xb8;
	[tilespmem:$0x1F380] =	vst v63  }
0x36: {  	_ =	swait.ge [sflag:s23], $0x1400  }
0x37: {  	[sflag:s23] =	ssyncset.done $0x0  }
0x38: {  	[sflag:s23] =	ssyncadd.s32 $0xFFFFEC00  }
0x39: {  	_ =	swait.ge [sflag:s24], $0x1400  }
0x3a: {  	[sflag:s24] =	ssyncset.done $0x0  }
0x3b: {  	s13 =	simm.s32 $0x2800;
	[sflag:s24] =	ssyncadd.s32 $0xFFFFEC00  }
0x3c: {  	[spmem:s2] =	stream.indirect.scatter.add.f32 [tilespmem:s18], [sflag:$0x5], $0x80, s13, s17, $0xb8;
	[tilespmem:$0x1F380] =	vst v63  }
0x3d: {  	_ =	swait.ge [sflag:s12], $0x2800  }
0x3e: {  	s0 =	simm.s32 $0x280;
	s19 =	simm.s32 $0xF0;
	[sflag:s12] =	ssyncset.done $0x0  }
0x3f: {  	s1 =	simm.s32 $0x2900;
	s13 =	simm.s32 $0x118;
	[sflag:s12] =	ssyncadd.s32 $0xFFFFD800  }
0x40: {  	[tilespmem:s18], [sflag:$0x3] =	stream.indirect.gather [hbm4b:s4+s14], $0x80, s19, s14, $0xb8;
	[tilespmem:$0x1F380] =	vst v63  }
.LBB2_2:
0x41: {  	[tilespmem:s20], [sflag:$0x4] =	stream.indirect.gather [hbm4b:s4+s14], $0x80, s13, s14, $0xb8;
	[tilespmem:$0x1F380] =	vst v63  }
0x42: {  	s13 =	smov.u32 s0  }
0x43: {  	p0 =	sne.s32 s0, $0x9600;
	s0 =	sadd.s32 $0x280, s0;
	_ =	swait.ge [sflag:s21], $0x1400  }
0x44: {  	[sflag:s21] =	ssyncset.done $0x0  }
0x45: {  	[sflag:s21] =	ssyncadd.s32 $0xFFFFEC00  }
0x46: {  	_ =	swait.ge [sflag:s22], $0x1400  }
0x47: {  	[sflag:s22] =	ssyncset.done $0x0  }
0x48: {  	s19 =	sadd.s32 $0xFFFFFF80, s1;
	[sflag:s22] =	ssyncadd.s32 $0xFFFFEC00  }
0x49: {  	[spmem:s2] =	stream.indirect.scatter.add.f32 [tilespmem:s15], [sflag:$0x5], $0x80, s19, s17, $0xb8;
	[tilespmem:$0x1F380] =	vst v63  }
0x4a: {  	_ =	swait.ge [sflag:s12], $0x2800  }
0x4b: {  	s13 =	sshra.s32 s13, $0x2;
	[sflag:s12] =	ssyncset.done $0x0  }
0x4c: {  	s19 =	sadd.s32 $0xA0, s13;
	[sflag:s12] =	ssyncadd.s32 $0xFFFFD800  }
0x4d: {  	[tilespmem:s15], [sflag:$0x1] =	stream.indirect.gather [hbm4b:s4+s14], $0x80, s19, s14, $0xb8;
	[tilespmem:$0x1F380] =	vst v63  }
0x4e: {  	s19 =	sadd.s32 $0xC8, s13  }
0x4f: {  	[tilespmem:s16], [sflag:$0x2] =	stream.indirect.gather [hbm4b:s4+s14], $0x80, s19, s14, $0xb8;
	[tilespmem:$0x1F380] =	vst v63  }
0x50: {  	_ =	swait.ge [sflag:s23], $0x1400  }
0x51: {  	[sflag:s23] =	ssyncset.done $0x0  }
0x52: {  	[sflag:s23] =	ssyncadd.s32 $0xFFFFEC00  }
0x53: {  	_ =	swait.ge [sflag:s24], $0x1400  }
0x54: {  	[sflag:s24] =	ssyncset.done $0x0  }
0x55: {  	[sflag:s24] =	ssyncadd.s32 $0xFFFFEC00  }
0x56: {  	[spmem:s2] =	stream.indirect.scatter.add.f32 [tilespmem:s18], [sflag:$0x5], $0x80, s1, s17, $0xb8;
	[tilespmem:$0x1F380] =	vst v63  }
.Ltmp0:
0x57: {  	_ =	swait.ge [sflag:s12], $0x2800;
	(pc) =	sbr.rel @p0 .LBB2_2-.Ltmp0, $4  }
0x58: {  	[sflag:s12] =	ssyncset.done $0x0  }
0x59: {  	s19 =	sadd.s32 $0xF0, s13;
	[sflag:s12] =	ssyncadd.s32 $0xFFFFD800  }
0x5a: {  	[tilespmem:s18], [sflag:$0x3] =	stream.indirect.gather [hbm4b:s4+s14], $0x80, s19, s14, $0xb8;
	[tilespmem:$0x1F380] =	vst v63  }
0x5b: {  	s13 =	sadd.s32 $0x118, s13;
	s1 =	sadd.s32 $0x100, s1  }
0x5c: {  	[tilespmem:s20], [sflag:$0x4] =	stream.indirect.gather [hbm4b:s4+s14], $0x80, s13, s14, $0xb8;
	[tilespmem:$0x1F380] =	vst v63  }
0x5d: {  	_ =	swait.ge [sflag:s21], $0x1400  }
0x5e: {  	[sflag:s21] =	ssyncset.done $0x0  }
0x5f: {  	[sflag:s21] =	ssyncadd.s32 $0xFFFFEC00  }
0x60: {  	_ =	swait.ge [sflag:s22], $0x1400  }
0x61: {  	[sflag:s22] =	ssyncset.done $0x0  }
0x62: {  	[sflag:s22] =	ssyncadd.s32 $0xFFFFEC00  }
0x63: {  	[spmem:s2] =	stream.indirect.scatter.add.f32 [tilespmem:s15], [sflag:$0x5], $0x80, s25, s17, $0xb8;
	[tilespmem:$0x1F380] =	vst v63  }
0x64: {  	_ =	swait.ge [sflag:s12], $0x2800  }
0x65: {  	[sflag:s12] =	ssyncset.done $0x0  }
0x66: {  	[sflag:s12] =	ssyncadd.s32 $0xFFFFD800  }
0x67: {  	[tilespmem:s15], [sflag:$0x1] =	stream.indirect.gather [hbm4b:s4+s14], $0x80, s26, s14, $0xb8;
	[tilespmem:$0x1F380] =	vst v63  }
0x68: {  	_ = 	snop  }
0x69: {  	[tilespmem:s16], [sflag:$0x2] =	stream.indirect.gather [hbm4b:s4+s14], $0x80, s28, s14, $0xb8;
	[tilespmem:$0x1F380] =	vst v63  }
0x6a: {  	_ =	swait.ge [sflag:s23], $0x1400  }
0x6b: {  	[sflag:s23] =	ssyncset.done $0x0  }
0x6c: {  	[sflag:s23] =	ssyncadd.s32 $0xFFFFEC00  }
0x6d: {  	_ =	swait.ge [sflag:s24], $0x1400  }
0x6e: {  	[sflag:s24] =	ssyncset.done $0x0  }
0x6f: {  	[sflag:s24] =	ssyncadd.s32 $0xFFFFEC00  }
0x70: {  	[spmem:s2] =	stream.indirect.scatter.add.f32 [tilespmem:s18], [sflag:$0x5], $0x80, s29, s17, $0xb8;
	[tilespmem:$0x1F380] =	vst v63  }
0x71: {  	_ =	swait.ge [sflag:s12], $0x2800  }
0x72: {  	[sflag:s12] =	ssyncset.done $0x0  }
0x73: {  	[sflag:s12] =	ssyncadd.s32 $0xFFFFD800  }
0x74: {  	_ =	swait.ge [sflag:s21], $0x1400  }
0x75: {  	[sflag:s21] =	ssyncset.done $0x0  }
0x76: {  	[sflag:s21] =	ssyncadd.s32 $0xFFFFEC00  }
0x77: {  	_ =	swait.ge [sflag:s22], $0x1400  }
0x78: {  	[sflag:s22] =	ssyncset.done $0x0  }
0x79: {  	[sflag:s22] =	ssyncadd.s32 $0xFFFFEC00  }
0x7a: {  	[spmem:s2] =	stream.indirect.scatter.add.f32 [tilespmem:s15], [sflag:$0x5], $0x80, s30, s17, $0xb8;
	[tilespmem:$0x1F380] =	vst v63  }
0x7b: {  	_ =	swait.ge [sflag:s12], $0x2800  }
0x7c: {  	s31 =	sadd.s32 $0x1, s31;
	[sflag:s12] =	ssyncset.done $0x0  }
0x7d: {  	p0 =	sne.s32 s31, s10;
	[sflag:s12] =	ssyncadd.s32 $0xFFFFD800  }
.Ltmp1:
0x7e: {  	[bflag:$0x0] =	sbarrier.arrive $0xFFFF;
	(pc) =	sbr.rel @p0 .LBB2_1-.Ltmp1, $4  }
0x7f: {  	[hbm:s9], [sflag:s6] =	dma.local [spmem:s11], $0x2780  }
0x80: {  	_ =	swait.ge [sflag:s12], $0x2780  }
0x81: {  	[sflag:s12] =	ssyncset.done $0x0  }
0x82: {  	[sflag:s12] =	ssyncadd.s32 $0xFFFFD880  }
0x83: {  	_ =	sfence.sel $0x180000  }
0x84: {  	[bflag:$0x0] =	sbarrier.arrive $0xFFFF  }
0x85: {  	_ =	strace $0x90000056  }
0x86: {  	s0 =	stileid.u32;
	[bflag:$0x2] =	sbarrier.arrive $0xFFFF  }
0x87: {  	p0 =	sne.s32 s0, $0x0;
	s0 =	rddreg [dreg:$0x3]  }
0x88: {  	s0 =	sadd.s32 @!p0 $0x100000, s0  }
0x89: {  	[sflag:s0] =	ssyncadd.tile.s32 @!p0 $0x1;
	_ =	shalt  }
.Lfunc_end2:
_tile_overlayer_lowered:
.L_overlay_start_2:
0x8a: {  	(tag) =	ssettag $0x2  }
0x8b: {  	s0 =	rddreg [dreg:$0x0];
	s2 =	stileid.u32  }
0x8c: {  	s1 =	rddreg [dreg:$0x1];
	p0 =	sne.s32 s2, $0x0  }
0x8d: {  	s3 =	rddreg [dreg:$0x2];
	[bflag:$0x3] =	sbarrier.arrive $0xFFFF;
	s2 =	simm.s32 @!p0 $0x1C05  }
0x8e: {  	[timem:s3], [sflag:s2] =	dma.local @!p0 [hbm:s0], s1  }
0x8f: {  	s0 =	simm.s32 @!p0 $0x5  }
0x90: {  	_ =	swait.ge @!p0 [sflag:s0], s1  }
0x91: {  	s1 =	ssub.s32 @!p0 $0x0, s1;
	[sflag:s0] =	ssyncset.done @!p0 $0x0  }
0x92: {  	[sflag:s0] =	ssyncadd.s32 @!p0 s1  }
0x93: {  	[bflag:$0x3] =	sbarrier.arrive $0xFFFF  }
0x94: {  	_ =	shalt  }

// kernel: kernel.36.cloned.1.call-start
scs
__scs_entry_jumppad:
0x0: {  	(pc) =	sbr.rel $0x88, $3  }
0x1: {  	(tag) =	ssettag $0x0;
	lr =	simm.s32 $0x1  }
0x2: {  	[smem:$0x3F91] =	sst lr;
	_ =	strace $0xD0000000  }
0x3: {  	_ = 	snop  }
0x4: {  	_ = 	snop  }
0x5: {  	_ = 	snop  }
0x6: {  	_ = 	snop  }
0x7: {  	_ = 	snop  }
__scs_overlays_trampoline_lowered:
0x8: {  	[smem:$0x3FA0] =	sst s0  }
0x9: {  	[smem:$0x3FA1] =	sst s1  }
0xa: {  	[smem:$0x3FA2] =	sst s2  }
0xb: {  	[smem:$0x3FA3] =	sst s3  }
0xc: {  	[smem:$0x3FA4] =	sst s4  }
0xd: {  	[smem:$0x3FA5] =	sst s5  }
0xe: {  	[smem:$0x3FA6] =	sst s6  }
0xf: {  	[smem:$0x3FA7] =	sst s7  }
0x10: {  	[smem:$0x3FA8] =	sst s8  }
0x11: {  	[smem:$0x3FA9] =	sst s9;
	s0 =	simm.s32 @!p0 $0x0  }
0x12: {  	s1 =	sld [smem:$0x3F8F];
	s0 =	simm.s32 @p0 $0x1  }
0x13: {  	[smem:$0x3FAA] =	sst s0;
	s0 =	simm.s32 @!p1 $0x0  }
0x14: {  	s2 =	sld [smem:$0x3F8E];
	s0 =	simm.s32 @p1 $0x1  }
0x15: {  	[smem:$0x3FAB] =	sst s0;
	s0 =	simm.s32 @!p2 $0x0  }
0x16: {  	s3 =	sld [smem:$0x3FDB];
	s0 =	simm.s32 @p2 $0x1  }
0x17: {  	s4 =	simm.s32 $0x1BF5;
	[smem:$0x3FAD] =	sst s0  }
0x18: {  	s0 =	sld [smem:$0x3F90];
	_ =	swait.ge [sflag:s4], $0x0  }
0x19: {  	s7 =	sld [smem:$0x3F91]  }
0x1a: {  	s8 =	sadd.s32 $0xFFFFE003, lr  }
0x1b: {  	s9 =	sadd.s32 $0xFFFFFEF7, lr;
	s5 =	simm.s32 $0xFFFFFFFF;
	p2 =	slt.u32 s8, $0xFFFFF086  }
0x1c: {  	p1 =	slt.u32 s9, $0xF7A;
	s5 =	simm.s32 @!p2 $0x0  }
0x1d: {  	s5 =	simm.s32 @p1 $0x1;
	p0 =	seq.s32 s7, s2  }
0x1e: {  	s7 =	smul.u32 @!p0 $0xF7A, s2;
	p2 =	seq.s32 @!p0 s5, $0x0  }
0x1f: {  	s9 =	smul.u32 $0xF7A, s1;
	s8 =	simm.s32 @!p0 $0x1BF5;
	p2 =	por !p2, p0  }
0x20: {  	[sflag:s8] =	ssyncset.s32 @!p0 $0xFFFFF086;
	s6 =	sadd.s32 @!p0 s3, s7;
	s7 =	simm.s32 @!p0 $0x108  }
0x21: {  	s3 =	sadd.s32 s3, s9;
	s6 =	sadd.s32 @!p0 $0x88, s6;
	s7 =	simm.s32 @p2 $0x1082  }
0x22: {  	[simem:s7], [sflag:s8] =	dma.local @!p0 [hbm:s6], $0xF7A  }
0x23: {  	s9 =	sor.u32 $0xD0000000, s2;
	s6 =	simm.s32 $0x108;
	_ =	swait.ge @!p0 [sflag:s8], $0x0  }
0x24: {  	s3 =	sadd.s32 $0x88, s3;
	s6 =	simm.s32 @!p1 $0x1082;
	[sflag:s4] =	ssyncset.s32 $0xFFFFF086  }
0x25: {  	[simem:s6], [sflag:s4] =	dma.local [hbm:s3], $0xF7A  }
0x26: {  	[smem:$0x3F91] =	sst s1;
	(tag) =	ssettag s2;
	_ =	strace s9  }
0x27: {  	s1 =	sld [smem:$0x3FA1]  }
0x28: {  	s2 =	sld [smem:$0x3FA2]  }
0x29: {  	s4 =	sld [smem:$0x3FA4]  }
0x2a: {  	p0 =	seq.s32 s5, $0x0;
	s5 =	sld [smem:$0x3FA5]  }
0x2b: {  	s6 =	sld [smem:$0x3FA6]  }
0x2c: {  	s7 =	sld [smem:$0x3FA7]  }
0x2d: {  	s3 =	simm.s32 $0x108;
	s8 =	sld [smem:$0x3FA8]  }
0x2e: {  	s3 =	simm.s32 @!p0 $0x1082;
	s9 =	sld [smem:$0x3FA9]  }
0x2f: {  	lr =	sadd.s32 s0, s3;
	s0 =	sld [smem:$0x3FA0]  }
0x30: {  	s3 =	sld [smem:$0x3FA3]  }
0x31: {  	[smem:$0x3FAC] =	sst s10  }
0x32: {  	s10 =	sld [smem:$0x3FAA];
	_ =	sdelay $0x3  }
0x33: {  	p0 =	seq.s32 s10, $0x1;
	s10 =	sld [smem:$0x3FAC];
	_ =	sdelay $0x3  }
0x34: {  	[smem:$0x3FAC] =	sst s10  }
0x35: {  	s10 =	sld [smem:$0x3FAB];
	_ =	sdelay $0x3  }
0x36: {  	p1 =	seq.s32 s10, $0x1;
	s10 =	sld [smem:$0x3FAC];
	_ =	sdelay $0x3  }
0x37: {  	[smem:$0x3FAC] =	sst s10  }
0x38: {  	s10 =	sld [smem:$0x3FAD]  }
0x39: {  	_ = 	snop;
	(pc) =	sbr.ind lr, $3  }
0x3a: {  	_ = 	snop  }
0x3b: {  	_ = 	snop  }
0x3c: {  	p2 =	seq.s32 s10, $0x1;
	s10 =	sld [smem:$0x3FAC]  }
0x3d: {  	_ =	shalt  }
0x3e: {  	_ =	shalt  }
0x3f: {  	_ =	shalt  }
0x40: {  	_ =	shalt  }
0x41: {  	_ =	shalt  }
0x42: {  	_ =	shalt  }
0x43: {  	_ =	shalt  }
0x44: {  	_ =	shalt  }
0x45: {  	_ =	shalt  }
0x46: {  	_ =	shalt  }
0x47: {  	_ =	shalt  }
0x48: {  	_ =	shalt  }
0x49: {  	_ =	shalt  }
0x4a: {  	_ =	shalt  }
0x4b: {  	_ =	shalt  }
0x4c: {  	_ =	shalt  }
0x4d: {  	_ =	shalt  }
0x4e: {  	_ =	shalt  }
0x4f: {  	_ =	shalt  }
0x50: {  	_ =	shalt  }
0x51: {  	_ =	shalt  }
0x52: {  	_ =	shalt  }
0x53: {  	_ =	shalt  }
0x54: {  	_ =	shalt  }
0x55: {  	_ =	shalt  }
0x56: {  	_ =	shalt  }
0x57: {  	_ =	shalt  }
0x58: {  	_ =	shalt  }
0x59: {  	_ =	shalt  }
0x5a: {  	_ =	shalt  }
0x5b: {  	_ =	shalt  }
0x5c: {  	_ =	shalt  }
0x5d: {  	_ =	shalt  }
0x5e: {  	_ =	shalt  }
0x5f: {  	_ =	shalt  }
0x60: {  	_ =	shalt  }
0x61: {  	_ =	shalt  }
0x62: {  	_ =	shalt  }
0x63: {  	_ =	shalt  }
0x64: {  	_ =	shalt  }
0x65: {  	_ =	shalt  }
0x66: {  	_ =	shalt  }
0x67: {  	_ =	shalt  }
0x68: {  	_ =	shalt  }
0x69: {  	_ =	shalt  }
0x6a: {  	_ =	shalt  }
0x6b: {  	_ =	shalt  }
0x6c: {  	_ =	shalt  }
0x6d: {  	_ =	shalt  }
0x6e: {  	_ =	shalt  }
0x6f: {  	_ =	shalt  }
0x70: {  	_ =	shalt  }
0x71: {  	_ =	shalt  }
0x72: {  	_ =	shalt  }
0x73: {  	_ =	shalt  }
0x74: {  	_ =	shalt  }
0x75: {  	_ =	shalt  }
0x76: {  	_ =	shalt  }
0x77: {  	_ =	shalt  }
0x78: {  	_ =	shalt  }
0x79: {  	_ =	shalt  }
0x7a: {  	_ =	shalt  }
0x7b: {  	_ =	shalt  }
0x7c: {  	_ =	shalt  }
0x7d: {  	_ =	shalt  }
0x7e: {  	_ =	shalt  }
0x7f: {  	_ =	shalt  }
0x80: {  	_ =	shalt  }
0x81: {  	_ =	shalt  }
0x82: {  	_ =	shalt  }
0x83: {  	_ =	shalt  }
0x84: {  	_ =	shalt  }
0x85: {  	_ =	shalt  }
0x86: {  	_ =	shalt  }
0x87: {  	_ =	shalt  }
.Lfunc_end0:
.L_simem_size_0:
called_computation.6_lowered:
.L_overlay_start_0:
0x88: {  	s2 =	sld [smem:$0x3FD9]  }
0x89: {  	s3 =	sld [smem:$0x3FFE];
	_ =	sdelay $0x1  }
0x8a: {  	s1 =	srdreg.scid  }
0x8b: {  	s0 =	sand.u32 $0x1, s1  }
0x8c: {  	s17 =	sshll.u32 s0, $0xA;
	s2 =	sadd.s32 s3, s2  }
0x8d: {  	s2 =	sadd.s32 s2, s17  }
0x8e: {  	[smem:$0x3FB8] =	sst s2  }
0x8f: {  	_ = 	snop  }
0x90: {  	s2 =	sld [smem:$0x3FC7];
	(tm) =	ssettm $0x1  }
0x91: {  	s18 =	sld [smem:$0x3FFB];
	_ =	sdelay $0x3  }
0x92: {  	_ =	strace s18  }
0x93: {  	s3 =	sld [smem:$0x3FFC];
	_ =	sdelay $0x3  }
0x94: {  	_ =	strace s3  }
0x95: {  	s3 =	sld [smem:$0x3FFD];
	_ =	sdelay $0x3  }
0x96: {  	_ =	strace s3  }
0x97: {  	_ =	strace $0x8FFFFFFF  }
0x98: {  	s19 =	sld [smem:$0x3FDB];
	_ =	sdelay $0x1  }
0x99: {  	s4 =	simm.s32 $_scs_section_size  }
0x9a: {  	s5 =	simm.s32 $_size__tile_overlayer_lowered;
	s6 =	simm.s32 $_tile_overlayer_lowered  }
0x9b: {  	s22 =	simm.s32 $0x1BFF;
	s21 =	sshll.u32 s6, $0x1;
	s3 =	sadd.s32 s4, s19  }
0x9c: {  	s7 =	simm.s32 $0x0;
	s20 =	sshll.u32 s5, $0x1;
	s5 =	sadd.s32 s21, s3  }
0x9d: {  	[timem:s7], [sflag:s22] =	dma.local [hbm:s5], s20  }
0x9e: {  	_ =	swait.ge [sflag:s22], s20  }
0x9f: {  	s4 =	ssub.s32 $0x0, s20;
	[sflag:s22] =	ssyncset.done $0x0  }
0xa0: {  	[sflag:s22] =	ssyncadd.s32 s4;
	_ =	sdelay $0x1  }
0xa1: {  	s23 =	simm.s32 $0x1B8B  }
0xa2: {  	_ =	swait.ge [sflag:s23], $0x1  }
0xa3: {  	[sflag:s23] =	ssyncset.done $0x0  }
0xa4: {  	s25 =	simm.s32 $0x1B8E;
	s24 =	sld [smem:$0x3FFE];
	[sflag:s23] =	ssyncadd.s32 $0xFFFFFFFF  }
0xa5: {  	s26 =	simm.s32 $execute0_lowered;
	[smem:$0x3FD2] =	sst s25  }
0xa6: {  	s5 =	sshll.u32 s26, $0x1;
	_ =	strace $0x80000058;
	[dreg:$0x1] =	wrdreg $0xFFFFFFFF  }
0xa7: {  	s28 =	simm.s32 $_size_execute0_lowered;
	s3 =	sadd.s32 s3, s5;
	[dreg:$0x0] =	wrdreg $0x0  }
0xa8: {  	s5 =	sshll.u32 s28, $0x1;
	[dreg:$0x2] =	wrdreg s3  }
0xa9: {  	[dreg:$0x3] =	wrdreg s5  }
0xaa: {  	[dreg:$0x4] =	wrdreg $0xC0  }
0xab: {  	_ =	task [dreg:s7], $0x5FFFF  }
0xac: {  	[dreg:$0x1] =	wrdreg $0xFFFFFFFF  }
0xad: {  	[dreg:$0x0] =	wrdreg $0x60  }
0xae: {  	[dreg:$0x2] =	wrdreg s24  }
0xaf: {  	[dreg:$0x3] =	wrdreg s2  }
0xb0: {  	[dreg:$0x4] =	wrdreg $0xB7800  }
0xb1: {  	[dreg:$0x5] =	wrdreg $0x9  }
0xb2: {  	_ =	task.clear_ibuf [dreg:s7], $0x6FFFF;
	_ =	strace $0x90000058  }
0xb3: {  	s29 =	simm.s32 $0x9;
	_ =	strace $0x8000005A  }
0xb4: {  	_ =	swait.ge [sflag:s29], $0x1  }
0xb5: {  	[sflag:s29] =	ssyncadd.s32 $0xFFFFFFFF  }
0xb6: {  	_ =	strace $0x9000005A  }
0xb7: {  	_ =	sfence  }
0xb8: {  	s30 =	sld [smem:$0x0];
	_ =	sdelay $0x2  }
0xb9: {  	s31 =	sshll.u32 s1, $0xD;
	s1 =	sshrl.u32 s1, $0x2  }
0xba: {  	s3 =	sand.u32 $0x4000, s31;
	s1 =	sadd.s32 s1, s30  }
0xbb: {  	s0 =	sor.u32 s3, s0;
	s1 =	sshll.u32 s1, $0x11  }
0xbc: {  	s0 =	sor.u32 s1, s0  }
0xbd: {  	s0 =	sadd.s32 $0x8F2B, s0  }
0xbe: {  	[sflag:s0] =	ssyncadd.remote.s32 $0x1  }
0xbf: {  	_ =	sfence.sel $0xFFFF  }
0xc0: {  	[dreg:$0x0] =	wrdreg $0xFFFFFFFF;
	(pc) =	sbr.abs _section_cstart, $3  }
0xc1: {  	[dreg:$0x1] =	wrdreg $0xFFFFFFFF  }
0xc2: {  	_ =	task.clear_ibuf [dreg:s7], $0x2FFFF;
	_ =	strace $0x9FFFFFFF  }
0xc3: {  	(tm) =	ssettm $0x7FFFFFFF  }
tec
execute0_lowered:
.L_overlay_start_1:
0x0: {  	(tag) =	ssettag $0x1  }
0x1: {  	s0 =	rddreg [dreg:$0x0]  }
0x2: {  	s1 =	rddreg [dreg:$0x1]  }
0x3: {  	s2 =	rddreg [dreg:$0x2]  }
0x4: {  	s3 =	srdreg.scid;
	s13 =	stileid.u32  }
0x5: {  	s14 =	simm.s32 $0x28;
	s15 =	simm.s32 $0x6780;
	s16 =	simm.s32 $0x7B80  }
0x6: {  	s17 =	simm.s32 $0x50;
	s18 =	simm.s32 $0x8F80;
	s20 =	simm.s32 $0xA380  }
0x7: {  	s21 =	simm.s32 $0x1;
	s22 =	simm.s32 $0x2;
	s28 =	simm.s32 $0x26E8  }
0x8: {  	s29 =	simm.s32 $0x6500;
	s30 =	simm.s32 $0x6580;
	s31 =	simm.s32 $0x0  }
0x9: {  	s5 =	sand.u32 $0x1, s3;
	s4 =	sshll.u32 s13, $0x1;
	s7 =	smul.u32 $0xA000, s13  }
0xa: {  	s3 =	simm.s32 $0x0;
	s11 =	smul.u32 $0x28000, s13;
	s25 =	sshll.u32 s13, $0x6  }
0xb: {  	s6 =	sor.u32 s5, s4;
	[smem:$0x7FF] =	sst s3;
	s9 =	smul.u32 $0xA0000, s5  }
0xc: {  	s4 =	sadd.s32 $0x53600, s0;
	s5 =	ssub.s32 $0x2, s5;
	s8 =	sshll.u32 s6, $0xB  }
0xd: {  	_ =	strace $0x80000059;
	s10 =	sshrl.u32 s7, $0x3;
	s23 =	sshrl.u32 s5, $0x1  }
0xe: {  	s24 =	sshrl.u32 s11, $0x2;
	s26 =	smul.u32 $0x4E2, s6;
	s6 =	sor.u32 $0x1C05, s25  }
0xf: {  	s25 =	simm.s32 $0x6480;
	s8 =	sadd.s32 s8, s0;
	s7 =	sadd.s32 s7, s9  }
0x10: {  	s10 =	sadd.s32 s10, s0;
	s12 =	ssub.s32 s5, s23;
	s11 =	sadd.s32 s24, s2  }
0x11: {  	s23 =	simm.s32 $0x3;
	s24 =	simm.s32 $0x4;
	s7 =	sshrl.u32 s7, $0x3  }
0x12: {  	s5 =	sadd.s32 $0x18400, s10;
	s8 =	sadd.s32 $0x8400, s8;
	s10 =	smax.u32 s12, $0x1  }
0x13: {  	s11 =	sshrl.u32 s11, $0x3;
	s12 =	simm.s32 $0x5;
	s0 =	sadd.s32 s7, s0  }
0x14: {  	s7 =	sadd.s32 s1, s26;
	s26 =	simm.s32 $0x26C0;
	s9 =	sadd.s32 $0x7A800, s0  }
.LBB2_1:
0x15: {  	[spmem:s11], [sflag:s6] =	dma.local [hbm:s5], $0x1400  }
0x16: {  	_ =	swait.ge [sflag:s12], $0x1400  }
0x17: {  	[sflag:s12] =	ssyncset.done $0x0  }
0x18: {  	[sflag:s12] =	ssyncadd.s32 $0xFFFFEC00  }
0x19: {  	[tilespmem:s3], [sflag:$0x5] =	stream.linear.gather [hbm4b:s7+s3], $0x2710, $0x38;
	[tilespmem:$0x15780] =	vst v63  }
0x1a: {  	_ =	swait.ge [sflag:s12], $0x2710  }
0x1b: {  	[sflag:s12] =	ssyncset.done $0x0  }
0x1c: {  	s0 =	simm.s32 $0x2780;
	[sflag:s12] =	ssyncadd.s32 $0xFFFFD8F0  }
0x1d: {  	[tilespmem:s0], [sflag:$0x5] =	stream.linear.gather [hbm4b:s8+s3], $0x3E80, $0x38;
	[tilespmem:$0x15780] =	vst v63  }
0x1e: {  	_ =	swait.ge [sflag:s12], $0x3E80  }
0x1f: {  	[sflag:s12] =	ssyncset.done $0x0  }
0x20: {  	[sflag:s12] =	ssyncadd.s32 $0xFFFFC180  }
0x21: {  	[bflag:$0x0] =	sbarrier.arrive $0xFFFF  }
0x22: {  	[tilespmem:s15], [sflag:$0x1] =	stream.indirect.gather [hbm4b:s4+s14], $0x80, s3, s14, $0xb8;
	[tilespmem:$0x15780] =	vst v63  }
0x23: {  	_ = 	snop  }
0x24: {  	[tilespmem:s16], [sflag:$0x2] =	stream.indirect.gather [hbm4b:s4+s14], $0x80, s14, s14, $0xb8;
	[tilespmem:$0x15780] =	vst v63  }
0x25: {  	_ = 	snop  }
0x26: {  	[tilespmem:s18], [sflag:$0x3] =	stream.indirect.gather [hbm4b:s4+s14], $0x80, s17, s14, $0xb8;
	[tilespmem:$0x15780] =	vst v63  }
0x27: {  	s1 =	simm.s32 $0x78  }
0x28: {  	[tilespmem:s20], [sflag:$0x4] =	stream.indirect.gather [hbm4b:s4+s14], $0x80, s1, s14, $0xb8;
	[tilespmem:$0x15780] =	vst v63  }
0x29: {  	_ =	swait.ge [sflag:s21], $0x1400  }
0x2a: {  	[sflag:s21] =	ssyncset.done $0x0  }
0x2b: {  	[sflag:s21] =	ssyncadd.s32 $0xFFFFEC00  }
0x2c: {  	_ =	swait.ge [sflag:s22], $0x1400  }
0x2d: {  	[sflag:s22] =	ssyncset.done $0x0  }
0x2e: {  	s13 =	simm.s32 $0x2780;
	[sflag:s22] =	ssyncadd.s32 $0xFFFFEC00  }
0x2f: {  	[spmem:s2] =	stream.indirect.scatter.add.f32 [tilespmem:s15], [sflag:$0x5], $0x80, s13, s17, $0xb8;
	[tilespmem:$0x15780] =	vst v63  }
0x30: {  	_ =	swait.ge [sflag:s12], $0x2800  }
0x31: {  	[sflag:s12] =	ssyncset.done $0x0  }
0x32: {  	s19 =	simm.s32 $0xA0;
	[sflag:s12] =	ssyncadd.s32 $0xFFFFD800  }
0x33: {  	[tilespmem:s15], [sflag:$0x1] =	stream.indirect.gather [hbm4b:s4+s14], $0x80, s19, s14, $0xb8;
	[tilespmem:$0x15780] =	vst v63  }
0x34: {  	s1 =	simm.s32 $0xC8  }
0x35: {  	[tilespmem:s16], [sflag:$0x2] =	stream.indirect.gather [hbm4b:s4+s14], $0x80, s1, s14, $0xb8;
	[tilespmem:$0x15780] =	vst v63  }
0x36: {  	_ =	swait.ge [sflag:s23], $0x1400  }
0x37: {  	[sflag:s23] =	ssyncset.done $0x0  }
0x38: {  	[sflag:s23] =	ssyncadd.s32 $0xFFFFEC00  }
0x39: {  	_ =	swait.ge [sflag:s24], $0x1400  }
0x3a: {  	[sflag:s24] =	ssyncset.done $0x0  }
0x3b: {  	s13 =	simm.s32 $0x2800;
	[sflag:s24] =	ssyncadd.s32 $0xFFFFEC00  }
0x3c: {  	[spmem:s2] =	stream.indirect.scatter.add.f32 [tilespmem:s18], [sflag:$0x5], $0x80, s13, s17, $0xb8;
	[tilespmem:$0x15780] =	vst v63  }
0x3d: {  	_ =	swait.ge [sflag:s12], $0x2800  }
0x3e: {  	s0 =	simm.s32 $0x280;
	s19 =	simm.s32 $0xF0;
	[sflag:s12] =	ssyncset.done $0x0  }
0x3f: {  	s1 =	simm.s32 $0x2900;
	s13 =	simm.s32 $0x118;
	[sflag:s12] =	ssyncadd.s32 $0xFFFFD800  }
0x40: {  	[tilespmem:s18], [sflag:$0x3] =	stream.indirect.gather [hbm4b:s4+s14], $0x80, s19, s14, $0xb8;
	[tilespmem:$0x15780] =	vst v63  }
.LBB2_2:
0x41: {  	[tilespmem:s20], [sflag:$0x4] =	stream.indirect.gather [hbm4b:s4+s14], $0x80, s13, s14, $0xb8;
	[tilespmem:$0x15780] =	vst v63  }
0x42: {  	s13 =	smov.u32 s0  }
0x43: {  	p0 =	sne.s32 s0, $0x9600;
	s0 =	sadd.s32 $0x280, s0;
	_ =	swait.ge [sflag:s21], $0x1400  }
0x44: {  	[sflag:s21] =	ssyncset.done $0x0  }
0x45: {  	[sflag:s21] =	ssyncadd.s32 $0xFFFFEC00  }
0x46: {  	_ =	swait.ge [sflag:s22], $0x1400  }
0x47: {  	[sflag:s22] =	ssyncset.done $0x0  }
0x48: {  	s19 =	sadd.s32 $0xFFFFFF80, s1;
	[sflag:s22] =	ssyncadd.s32 $0xFFFFEC00  }
0x49: {  	[spmem:s2] =	stream.indirect.scatter.add.f32 [tilespmem:s15], [sflag:$0x5], $0x80, s19, s17, $0xb8;
	[tilespmem:$0x15780] =	vst v63  }
0x4a: {  	_ =	swait.ge [sflag:s12], $0x2800  }
0x4b: {  	s13 =	sshra.s32 s13, $0x2;
	[sflag:s12] =	ssyncset.done $0x0  }
0x4c: {  	s19 =	sadd.s32 $0xA0, s13;
	[sflag:s12] =	ssyncadd.s32 $0xFFFFD800  }
0x4d: {  	[tilespmem:s15], [sflag:$0x1] =	stream.indirect.gather [hbm4b:s4+s14], $0x80, s19, s14, $0xb8;
	[tilespmem:$0x15780] =	vst v63  }
0x4e: {  	s19 =	sadd.s32 $0xC8, s13  }
0x4f: {  	[tilespmem:s16], [sflag:$0x2] =	stream.indirect.gather [hbm4b:s4+s14], $0x80, s19, s14, $0xb8;
	[tilespmem:$0x15780] =	vst v63  }
0x50: {  	_ =	swait.ge [sflag:s23], $0x1400  }
0x51: {  	[sflag:s23] =	ssyncset.done $0x0  }
0x52: {  	[sflag:s23] =	ssyncadd.s32 $0xFFFFEC00  }
0x53: {  	_ =	swait.ge [sflag:s24], $0x1400  }
0x54: {  	[sflag:s24] =	ssyncset.done $0x0  }
0x55: {  	[sflag:s24] =	ssyncadd.s32 $0xFFFFEC00  }
0x56: {  	[spmem:s2] =	stream.indirect.scatter.add.f32 [tilespmem:s18], [sflag:$0x5], $0x80, s1, s17, $0xb8;
	[tilespmem:$0x15780] =	vst v63  }
.Ltmp0:
0x57: {  	_ =	swait.ge [sflag:s12], $0x2800;
	(pc) =	sbr.rel @p0 .LBB2_2-.Ltmp0, $4  }
0x58: {  	[sflag:s12] =	ssyncset.done $0x0  }
0x59: {  	s19 =	sadd.s32 $0xF0, s13;
	[sflag:s12] =	ssyncadd.s32 $0xFFFFD800  }
0x5a: {  	[tilespmem:s18], [sflag:$0x3] =	stream.indirect.gather [hbm4b:s4+s14], $0x80, s19, s14, $0xb8;
	[tilespmem:$0x15780] =	vst v63  }
0x5b: {  	s13 =	sadd.s32 $0x118, s13;
	s1 =	sadd.s32 $0x100, s1  }
0x5c: {  	[tilespmem:s20], [sflag:$0x4] =	stream.indirect.gather [hbm4b:s4+s14], $0x80, s13, s14, $0xb8;
	[tilespmem:$0x15780] =	vst v63  }
0x5d: {  	_ =	swait.ge [sflag:s21], $0x1400  }
0x5e: {  	[sflag:s21] =	ssyncset.done $0x0  }
0x5f: {  	[sflag:s21] =	ssyncadd.s32 $0xFFFFEC00  }
0x60: {  	_ =	swait.ge [sflag:s22], $0x1400  }
0x61: {  	[sflag:s22] =	ssyncset.done $0x0  }
0x62: {  	[sflag:s22] =	ssyncadd.s32 $0xFFFFEC00  }
0x63: {  	[spmem:s2] =	stream.indirect.scatter.add.f32 [tilespmem:s15], [sflag:$0x5], $0x80, s25, s17, $0xb8;
	[tilespmem:$0x15780] =	vst v63  }
0x64: {  	_ =	swait.ge [sflag:s12], $0x2800  }
0x65: {  	[sflag:s12] =	ssyncset.done $0x0  }
0x66: {  	[sflag:s12] =	ssyncadd.s32 $0xFFFFD800  }
0x67: {  	[tilespmem:s15], [sflag:$0x1] =	stream.indirect.gather [hbm4b:s4+s14], $0x80, s26, s14, $0xb8;
	[tilespmem:$0x15780] =	vst v63  }
0x68: {  	_ = 	snop  }
0x69: {  	[tilespmem:s16], [sflag:$0x2] =	stream.indirect.gather [hbm4b:s4+s14], $0x80, s28, s14, $0xb8;
	[tilespmem:$0x15780] =	vst v63  }
0x6a: {  	_ =	swait.ge [sflag:s23], $0x1400  }
0x6b: {  	[sflag:s23] =	ssyncset.done $0x0  }
0x6c: {  	[sflag:s23] =	ssyncadd.s32 $0xFFFFEC00  }
0x6d: {  	_ =	swait.ge [sflag:s24], $0x1400  }
0x6e: {  	[sflag:s24] =	ssyncset.done $0x0  }
0x6f: {  	[sflag:s24] =	ssyncadd.s32 $0xFFFFEC00  }
0x70: {  	[spmem:s2] =	stream.indirect.scatter.add.f32 [tilespmem:s18], [sflag:$0x5], $0x80, s29, s17, $0xb8;
	[tilespmem:$0x15780] =	vst v63  }
0x71: {  	_ =	swait.ge [sflag:s12], $0x2800  }
0x72: {  	[sflag:s12] =	ssyncset.done $0x0  }
0x73: {  	[sflag:s12] =	ssyncadd.s32 $0xFFFFD800  }
0x74: {  	_ =	swait.ge [sflag:s21], $0x1400  }
0x75: {  	[sflag:s21] =	ssyncset.done $0x0  }
0x76: {  	[sflag:s21] =	ssyncadd.s32 $0xFFFFEC00  }
0x77: {  	_ =	swait.ge [sflag:s22], $0x1400  }
0x78: {  	[sflag:s22] =	ssyncset.done $0x0  }
0x79: {  	[sflag:s22] =	ssyncadd.s32 $0xFFFFEC00  }
0x7a: {  	[spmem:s2] =	stream.indirect.scatter.add.f32 [tilespmem:s15], [sflag:$0x5], $0x80, s30, s17, $0xb8;
	[tilespmem:$0x15780] =	vst v63  }
0x7b: {  	_ =	swait.ge [sflag:s12], $0x2800  }
0x7c: {  	s31 =	sadd.s32 $0x1, s31;
	[sflag:s12] =	ssyncset.done $0x0  }
0x7d: {  	p0 =	sne.s32 s31, s10;
	[sflag:s12] =	ssyncadd.s32 $0xFFFFD800  }
.Ltmp1:
0x7e: {  	[bflag:$0x0] =	sbarrier.arrive $0xFFFF;
	(pc) =	sbr.rel @p0 .LBB2_1-.Ltmp1, $4  }
0x7f: {  	[hbm:s9], [sflag:s6] =	dma.local [spmem:s11], $0x1400  }
0x80: {  	_ =	swait.ge [sflag:s12], $0x1400  }
0x81: {  	[sflag:s12] =	ssyncset.done $0x0  }
0x82: {  	[sflag:s12] =	ssyncadd.s32 $0xFFFFEC00  }
0x83: {  	_ =	sfence.sel $0x180000  }
0x84: {  	[bflag:$0x0] =	sbarrier.arrive $0xFFFF  }
0x85: {  	_ =	strace $0x90000059  }
0x86: {  	s0 =	stileid.u32;
	[bflag:$0x2] =	sbarrier.arrive $0xFFFF  }
0x87: {  	p0 =	sne.s32 s0, $0x0;
	s0 =	rddreg [dreg:$0x3]  }
0x88: {  	s0 =	sadd.s32 @!p0 $0x100000, s0  }
0x89: {  	[sflag:s0] =	ssyncadd.tile.s32 @!p0 $0x1;
	_ =	shalt  }
.Lfunc_end2:
_tile_overlayer_lowered:
.L_overlay_start_2:
0x8a: {  	(tag) =	ssettag $0x2  }
0x8b: {  	s0 =	rddreg [dreg:$0x0];
	s2 =	stileid.u32  }
0x8c: {  	s1 =	rddreg [dreg:$0x1];
	p0 =	sne.s32 s2, $0x0  }
0x8d: {  	s3 =	rddreg [dreg:$0x2];
	[bflag:$0x3] =	sbarrier.arrive $0xFFFF;
	s2 =	simm.s32 @!p0 $0x1C05  }
0x8e: {  	[timem:s3], [sflag:s2] =	dma.local @!p0 [hbm:s0], s1  }
0x8f: {  	s0 =	simm.s32 @!p0 $0x5  }
0x90: {  	_ =	swait.ge @!p0 [sflag:s0], s1  }
0x91: {  	s1 =	ssub.s32 @!p0 $0x0, s1;
	[sflag:s0] =	ssyncset.done @!p0 $0x0  }
0x92: {  	[sflag:s0] =	ssyncadd.s32 @!p0 s1  }
0x93: {  	[bflag:$0x3] =	sbarrier.arrive $0xFFFF  }
0x94: {  	_ =	shalt  }

// kernel: kernel.39.cloned.1.call-start
scs
__scs_entry_jumppad:
0x0: {  	(pc) =	sbr.rel $0x88, $3  }
0x1: {  	(tag) =	ssettag $0x0;
	lr =	simm.s32 $0x1  }
0x2: {  	[smem:$0x3F91] =	sst lr;
	_ =	strace $0xD0000000  }
0x3: {  	_ = 	snop  }
0x4: {  	_ = 	snop  }
0x5: {  	_ = 	snop  }
0x6: {  	_ = 	snop  }
0x7: {  	_ = 	snop  }
__scs_overlays_trampoline_lowered:
0x8: {  	[smem:$0x3FA0] =	sst s0  }
0x9: {  	[smem:$0x3FA1] =	sst s1  }
0xa: {  	[smem:$0x3FA2] =	sst s2  }
0xb: {  	[smem:$0x3FA3] =	sst s3  }
0xc: {  	[smem:$0x3FA4] =	sst s4  }
0xd: {  	[smem:$0x3FA5] =	sst s5  }
0xe: {  	[smem:$0x3FA6] =	sst s6  }
0xf: {  	[smem:$0x3FA7] =	sst s7  }
0x10: {  	[smem:$0x3FA8] =	sst s8  }
0x11: {  	[smem:$0x3FA9] =	sst s9;
	s0 =	simm.s32 @!p0 $0x0  }
0x12: {  	s1 =	sld [smem:$0x3F8F];
	s0 =	simm.s32 @p0 $0x1  }
0x13: {  	[smem:$0x3FAA] =	sst s0;
	s0 =	simm.s32 @!p1 $0x0  }
0x14: {  	s2 =	sld [smem:$0x3F8E];
	s0 =	simm.s32 @p1 $0x1  }
0x15: {  	[smem:$0x3FAB] =	sst s0;
	s0 =	simm.s32 @!p2 $0x0  }
0x16: {  	s3 =	sld [smem:$0x3FDB];
	s0 =	simm.s32 @p2 $0x1  }
0x17: {  	s4 =	simm.s32 $0x1BF5;
	[smem:$0x3FAD] =	sst s0  }
0x18: {  	s0 =	sld [smem:$0x3F90];
	_ =	swait.ge [sflag:s4], $0x0  }
0x19: {  	s7 =	sld [smem:$0x3F91]  }
0x1a: {  	s8 =	sadd.s32 $0xFFFFE003, lr  }
0x1b: {  	s9 =	sadd.s32 $0xFFFFFEF7, lr;
	s5 =	simm.s32 $0xFFFFFFFF;
	p2 =	slt.u32 s8, $0xFFFFF086  }
0x1c: {  	p1 =	slt.u32 s9, $0xF7A;
	s5 =	simm.s32 @!p2 $0x0  }
0x1d: {  	s5 =	simm.s32 @p1 $0x1;
	p0 =	seq.s32 s7, s2  }
0x1e: {  	s7 =	smul.u32 @!p0 $0xF7A, s2;
	p2 =	seq.s32 @!p0 s5, $0x0  }
0x1f: {  	s9 =	smul.u32 $0xF7A, s1;
	s8 =	simm.s32 @!p0 $0x1BF5;
	p2 =	por !p2, p0  }
0x20: {  	[sflag:s8] =	ssyncset.s32 @!p0 $0xFFFFF086;
	s6 =	sadd.s32 @!p0 s3, s7;
	s7 =	simm.s32 @!p0 $0x108  }
0x21: {  	s3 =	sadd.s32 s3, s9;
	s6 =	sadd.s32 @!p0 $0x88, s6;
	s7 =	simm.s32 @p2 $0x1082  }
0x22: {  	[simem:s7], [sflag:s8] =	dma.local @!p0 [hbm:s6], $0xF7A  }
0x23: {  	s9 =	sor.u32 $0xD0000000, s2;
	s6 =	simm.s32 $0x108;
	_ =	swait.ge @!p0 [sflag:s8], $0x0  }
0x24: {  	s3 =	sadd.s32 $0x88, s3;
	s6 =	simm.s32 @!p1 $0x1082;
	[sflag:s4] =	ssyncset.s32 $0xFFFFF086  }
0x25: {  	[simem:s6], [sflag:s4] =	dma.local [hbm:s3], $0xF7A  }
0x26: {  	[smem:$0x3F91] =	sst s1;
	(tag) =	ssettag s2;
	_ =	strace s9  }
0x27: {  	s1 =	sld [smem:$0x3FA1]  }
0x28: {  	s2 =	sld [smem:$0x3FA2]  }
0x29: {  	s4 =	sld [smem:$0x3FA4]  }
0x2a: {  	p0 =	seq.s32 s5, $0x0;
	s5 =	sld [smem:$0x3FA5]  }
0x2b: {  	s6 =	sld [smem:$0x3FA6]  }
0x2c: {  	s7 =	sld [smem:$0x3FA7]  }
0x2d: {  	s3 =	simm.s32 $0x108;
	s8 =	sld [smem:$0x3FA8]  }
0x2e: {  	s3 =	simm.s32 @!p0 $0x1082;
	s9 =	sld [smem:$0x3FA9]  }
0x2f: {  	lr =	sadd.s32 s0, s3;
	s0 =	sld [smem:$0x3FA0]  }
0x30: {  	s3 =	sld [smem:$0x3FA3]  }
0x31: {  	[smem:$0x3FAC] =	sst s10  }
0x32: {  	s10 =	sld [smem:$0x3FAA];
	_ =	sdelay $0x3  }
0x33: {  	p0 =	seq.s32 s10, $0x1;
	s10 =	sld [smem:$0x3FAC];
	_ =	sdelay $0x3  }
0x34: {  	[smem:$0x3FAC] =	sst s10  }
0x35: {  	s10 =	sld [smem:$0x3FAB];
	_ =	sdelay $0x3  }
0x36: {  	p1 =	seq.s32 s10, $0x1;
	s10 =	sld [smem:$0x3FAC];
	_ =	sdelay $0x3  }
0x37: {  	[smem:$0x3FAC] =	sst s10  }
0x38: {  	s10 =	sld [smem:$0x3FAD]  }
0x39: {  	_ = 	snop;
	(pc) =	sbr.ind lr, $3  }
0x3a: {  	_ = 	snop  }
0x3b: {  	_ = 	snop  }
0x3c: {  	p2 =	seq.s32 s10, $0x1;
	s10 =	sld [smem:$0x3FAC]  }
0x3d: {  	_ =	shalt  }
0x3e: {  	_ =	shalt  }
0x3f: {  	_ =	shalt  }
0x40: {  	_ =	shalt  }
0x41: {  	_ =	shalt  }
0x42: {  	_ =	shalt  }
0x43: {  	_ =	shalt  }
0x44: {  	_ =	shalt  }
0x45: {  	_ =	shalt  }
0x46: {  	_ =	shalt  }
0x47: {  	_ =	shalt  }
0x48: {  	_ =	shalt  }
0x49: {  	_ =	shalt  }
0x4a: {  	_ =	shalt  }
0x4b: {  	_ =	shalt  }
0x4c: {  	_ =	shalt  }
0x4d: {  	_ =	shalt  }
0x4e: {  	_ =	shalt  }
0x4f: {  	_ =	shalt  }
0x50: {  	_ =	shalt  }
0x51: {  	_ =	shalt  }
0x52: {  	_ =	shalt  }
0x53: {  	_ =	shalt  }
0x54: {  	_ =	shalt  }
0x55: {  	_ =	shalt  }
0x56: {  	_ =	shalt  }
0x57: {  	_ =	shalt  }
0x58: {  	_ =	shalt  }
0x59: {  	_ =	shalt  }
0x5a: {  	_ =	shalt  }
0x5b: {  	_ =	shalt  }
0x5c: {  	_ =	shalt  }
0x5d: {  	_ =	shalt  }
0x5e: {  	_ =	shalt  }
0x5f: {  	_ =	shalt  }
0x60: {  	_ =	shalt  }
0x61: {  	_ =	shalt  }
0x62: {  	_ =	shalt  }
0x63: {  	_ =	shalt  }
0x64: {  	_ =	shalt  }
0x65: {  	_ =	shalt  }
0x66: {  	_ =	shalt  }
0x67: {  	_ =	shalt  }
0x68: {  	_ =	shalt  }
0x69: {  	_ =	shalt  }
0x6a: {  	_ =	shalt  }
0x6b: {  	_ =	shalt  }
0x6c: {  	_ =	shalt  }
0x6d: {  	_ =	shalt  }
0x6e: {  	_ =	shalt  }
0x6f: {  	_ =	shalt  }
0x70: {  	_ =	shalt  }
0x71: {  	_ =	shalt  }
0x72: {  	_ =	shalt  }
0x73: {  	_ =	shalt  }
0x74: {  	_ =	shalt  }
0x75: {  	_ =	shalt  }
0x76: {  	_ =	shalt  }
0x77: {  	_ =	shalt  }
0x78: {  	_ =	shalt  }
0x79: {  	_ =	shalt  }
0x7a: {  	_ =	shalt  }
0x7b: {  	_ =	shalt  }
0x7c: {  	_ =	shalt  }
0x7d: {  	_ =	shalt  }
0x7e: {  	_ =	shalt  }
0x7f: {  	_ =	shalt  }
0x80: {  	_ =	shalt  }
0x81: {  	_ =	shalt  }
0x82: {  	_ =	shalt  }
0x83: {  	_ =	shalt  }
0x84: {  	_ =	shalt  }
0x85: {  	_ =	shalt  }
0x86: {  	_ =	shalt  }
0x87: {  	_ =	shalt  }
.Lfunc_end0:
.L_simem_size_0:
called_computation.7_lowered:
.L_overlay_start_0:
0x88: {  	s2 =	sld [smem:$0x3FD9]  }
0x89: {  	s3 =	sld [smem:$0x3FFE];
	_ =	sdelay $0x1  }
0x8a: {  	s1 =	srdreg.scid  }
0x8b: {  	s0 =	sand.u32 $0x1, s1  }
0x8c: {  	s17 =	sshll.u32 s0, $0xA;
	s2 =	sadd.s32 s3, s2  }
0x8d: {  	s2 =	sadd.s32 s2, s17  }
0x8e: {  	[smem:$0x3FB8] =	sst s2  }
0x8f: {  	_ = 	snop  }
0x90: {  	s2 =	sld [smem:$0x3FC6];
	(tm) =	ssettm $0x1  }
0x91: {  	s18 =	sld [smem:$0x3FFB];
	_ =	sdelay $0x3  }
0x92: {  	_ =	strace s18  }
0x93: {  	s3 =	sld [smem:$0x3FFC];
	_ =	sdelay $0x3  }
0x94: {  	_ =	strace s3  }
0x95: {  	s3 =	sld [smem:$0x3FFD];
	_ =	sdelay $0x3  }
0x96: {  	_ =	strace s3  }
0x97: {  	_ =	strace $0x8FFFFFFF  }
0x98: {  	s19 =	sld [smem:$0x3FDB];
	_ =	sdelay $0x1  }
0x99: {  	s4 =	simm.s32 $_scs_section_size  }
0x9a: {  	s5 =	simm.s32 $_size__tile_overlayer_lowered;
	s6 =	simm.s32 $_tile_overlayer_lowered  }
0x9b: {  	s22 =	simm.s32 $0x1BFF;
	s21 =	sshll.u32 s6, $0x1;
	s3 =	sadd.s32 s4, s19  }
0x9c: {  	s7 =	simm.s32 $0x0;
	s20 =	sshll.u32 s5, $0x1;
	s5 =	sadd.s32 s21, s3  }
0x9d: {  	[timem:s7], [sflag:s22] =	dma.local [hbm:s5], s20  }
0x9e: {  	_ =	swait.ge [sflag:s22], s20  }
0x9f: {  	s4 =	ssub.s32 $0x0, s20;
	[sflag:s22] =	ssyncset.done $0x0  }
0xa0: {  	[sflag:s22] =	ssyncadd.s32 s4;
	_ =	sdelay $0x1  }
0xa1: {  	s23 =	simm.s32 $0x1B8B  }
0xa2: {  	_ =	swait.ge [sflag:s23], $0x1  }
0xa3: {  	[sflag:s23] =	ssyncset.done $0x0  }
0xa4: {  	s25 =	simm.s32 $0x1B8E;
	s24 =	sld [smem:$0x3FFE];
	[sflag:s23] =	ssyncadd.s32 $0xFFFFFFFF  }
0xa5: {  	s26 =	simm.s32 $execute0_lowered;
	[smem:$0x3FD2] =	sst s25  }
0xa6: {  	s5 =	sshll.u32 s26, $0x1;
	_ =	strace $0x8000005B;
	[dreg:$0x1] =	wrdreg $0xFFFFFFFF  }
0xa7: {  	s28 =	simm.s32 $_size_execute0_lowered;
	s3 =	sadd.s32 s3, s5;
	[dreg:$0x0] =	wrdreg $0x0  }
0xa8: {  	s5 =	sshll.u32 s28, $0x1;
	[dreg:$0x2] =	wrdreg s3  }
0xa9: {  	[dreg:$0x3] =	wrdreg s5  }
0xaa: {  	[dreg:$0x4] =	wrdreg $0xC0  }
0xab: {  	_ =	task [dreg:s7], $0x5FFFF  }
0xac: {  	[dreg:$0x1] =	wrdreg $0xFFFFFFFF  }
0xad: {  	[dreg:$0x0] =	wrdreg $0x60  }
0xae: {  	[dreg:$0x2] =	wrdreg s24  }
0xaf: {  	[dreg:$0x3] =	wrdreg s2  }
0xb0: {  	[dreg:$0x4] =	wrdreg $0xB7800  }
0xb1: {  	[dreg:$0x5] =	wrdreg $0x9  }
0xb2: {  	_ =	task.clear_ibuf [dreg:s7], $0x6FFFF;
	_ =	strace $0x9000005B  }
0xb3: {  	s29 =	simm.s32 $0x9;
	_ =	strace $0x8000005D  }
0xb4: {  	_ =	swait.ge [sflag:s29], $0x1  }
0xb5: {  	[sflag:s29] =	ssyncadd.s32 $0xFFFFFFFF  }
0xb6: {  	_ =	strace $0x9000005D  }
0xb7: {  	_ =	sfence  }
0xb8: {  	s30 =	sld [smem:$0x0];
	_ =	sdelay $0x2  }
0xb9: {  	s31 =	sshll.u32 s1, $0xD;
	s1 =	sshrl.u32 s1, $0x2  }
0xba: {  	s3 =	sand.u32 $0x4000, s31;
	s1 =	sadd.s32 s1, s30  }
0xbb: {  	s0 =	sor.u32 s3, s0;
	s1 =	sshll.u32 s1, $0x11  }
0xbc: {  	s0 =	sor.u32 s1, s0  }
0xbd: {  	s0 =	sadd.s32 $0x8F2B, s0  }
0xbe: {  	[sflag:s0] =	ssyncadd.remote.s32 $0x1  }
0xbf: {  	_ =	sfence.sel $0xFFFF  }
0xc0: {  	[dreg:$0x0] =	wrdreg $0xFFFFFFFF;
	(pc) =	sbr.abs _section_cstart, $3  }
0xc1: {  	[dreg:$0x1] =	wrdreg $0xFFFFFFFF  }
0xc2: {  	_ =	task.clear_ibuf [dreg:s7], $0x2FFFF;
	_ =	strace $0x9FFFFFFF  }
0xc3: {  	(tm) =	ssettm $0x7FFFFFFF  }
tec
execute0_lowered:
.L_overlay_start_1:
0x0: {  	(tag) =	ssettag $0x1  }
0x1: {  	s0 =	rddreg [dreg:$0x0]  }
0x2: {  	s1 =	rddreg [dreg:$0x1]  }
0x3: {  	s2 =	rddreg [dreg:$0x2]  }
0x4: {  	s3 =	srdreg.scid;
	s13 =	stileid.u32  }
0x5: {  	s14 =	simm.s32 $0x28;
	s15 =	simm.s32 $0x6780;
	s16 =	simm.s32 $0x7B80  }
0x6: {  	s17 =	simm.s32 $0x50;
	s18 =	simm.s32 $0x8F80;
	s20 =	simm.s32 $0xA380  }
0x7: {  	s21 =	simm.s32 $0x1;
	s22 =	simm.s32 $0x2;
	s28 =	simm.s32 $0x26E8  }
0x8: {  	s29 =	simm.s32 $0x6500;
	s30 =	simm.s32 $0x6580;
	s31 =	simm.s32 $0x0  }
0x9: {  	s5 =	sand.u32 $0x1, s3;
	s4 =	sshll.u32 s13, $0x1;
	s7 =	smul.u32 $0x13C00, s13  }
0xa: {  	s3 =	simm.s32 $0x0;
	s11 =	smul.u32 $0x4F000, s13;
	s25 =	sshll.u32 s13, $0x6  }
0xb: {  	s6 =	sor.u32 s5, s4;
	[smem:$0x7FF] =	sst s3;
	s9 =	smul.u32 $0x13C000, s5  }
0xc: {  	s4 =	sadd.s32 $0x3FC00, s0;
	s5 =	ssub.s32 $0x2, s5;
	s8 =	sshll.u32 s6, $0xB  }
0xd: {  	_ =	strace $0x8000005C;
	s10 =	sshrl.u32 s7, $0x3;
	s23 =	sshrl.u32 s5, $0x1  }
0xe: {  	s24 =	sshrl.u32 s11, $0x2;
	s26 =	smul.u32 $0x4E2, s6;
	s6 =	sor.u32 $0x1C05, s25  }
0xf: {  	s25 =	simm.s32 $0x6480;
	s8 =	sadd.s32 s8, s0;
	s7 =	sadd.s32 s7, s9  }
0x10: {  	s10 =	sadd.s32 s10, s0;
	s12 =	ssub.s32 s5, s23;
	s11 =	sadd.s32 s24, s2  }
0x11: {  	s23 =	simm.s32 $0x3;
	s24 =	simm.s32 $0x4;
	s7 =	sshrl.u32 s7, $0x3  }
0x12: {  	s5 =	sadd.s32 $0x18400, s10;
	s8 =	sadd.s32 $0xB6E00, s8;
	s10 =	smax.u32 s12, $0x1  }
0x13: {  	s11 =	sshrl.u32 s11, $0x3;
	s12 =	simm.s32 $0x5;
	s0 =	sadd.s32 s7, s0  }
0x14: {  	s7 =	sadd.s32 s1, s26;
	s26 =	simm.s32 $0x26C0;
	s9 =	sadd.s32 $0x115E00, s0  }
.LBB2_1:
0x15: {  	[spmem:s11], [sflag:s6] =	dma.local [hbm:s5], $0x2780  }
0x16: {  	_ =	swait.ge [sflag:s12], $0x2780  }
0x17: {  	[sflag:s12] =	ssyncset.done $0x0  }
0x18: {  	[sflag:s12] =	ssyncadd.s32 $0xFFFFD880  }
0x19: {  	[tilespmem:s3], [sflag:$0x5] =	stream.linear.gather [hbm4b:s7+s3], $0x2710, $0x38;
	[tilespmem:$0x1F380] =	vst v63  }
0x1a: {  	_ =	swait.ge [sflag:s12], $0x2710  }
0x1b: {  	[sflag:s12] =	ssyncset.done $0x0  }
0x1c: {  	s0 =	simm.s32 $0x2780;
	[sflag:s12] =	ssyncadd.s32 $0xFFFFD8F0  }
0x1d: {  	[tilespmem:s0], [sflag:$0x5] =	stream.linear.gather [hbm4b:s8+s3], $0x3E80, $0x38;
	[tilespmem:$0x1F380] =	vst v63  }
0x1e: {  	_ =	swait.ge [sflag:s12], $0x3E80  }
0x1f: {  	[sflag:s12] =	ssyncset.done $0x0  }
0x20: {  	[sflag:s12] =	ssyncadd.s32 $0xFFFFC180  }
0x21: {  	[bflag:$0x0] =	sbarrier.arrive $0xFFFF  }
0x22: {  	[tilespmem:s15], [sflag:$0x1] =	stream.indirect.gather [hbm4b:s4+s14], $0x80, s3, s14, $0xb8;
	[tilespmem:$0x1F380] =	vst v63  }
0x23: {  	_ = 	snop  }
0x24: {  	[tilespmem:s16], [sflag:$0x2] =	stream.indirect.gather [hbm4b:s4+s14], $0x80, s14, s14, $0xb8;
	[tilespmem:$0x1F380] =	vst v63  }
0x25: {  	_ = 	snop  }
0x26: {  	[tilespmem:s18], [sflag:$0x3] =	stream.indirect.gather [hbm4b:s4+s14], $0x80, s17, s14, $0xb8;
	[tilespmem:$0x1F380] =	vst v63  }
0x27: {  	s1 =	simm.s32 $0x78  }
0x28: {  	[tilespmem:s20], [sflag:$0x4] =	stream.indirect.gather [hbm4b:s4+s14], $0x80, s1, s14, $0xb8;
	[tilespmem:$0x1F380] =	vst v63  }
0x29: {  	_ =	swait.ge [sflag:s21], $0x1400  }
0x2a: {  	[sflag:s21] =	ssyncset.done $0x0  }
0x2b: {  	[sflag:s21] =	ssyncadd.s32 $0xFFFFEC00  }
0x2c: {  	_ =	swait.ge [sflag:s22], $0x1400  }
0x2d: {  	[sflag:s22] =	ssyncset.done $0x0  }
0x2e: {  	s13 =	simm.s32 $0x2780;
	[sflag:s22] =	ssyncadd.s32 $0xFFFFEC00  }
0x2f: {  	[spmem:s2] =	stream.indirect.scatter.add.f32 [tilespmem:s15], [sflag:$0x5], $0x80, s13, s17, $0xb8;
	[tilespmem:$0x1F380] =	vst v63  }
0x30: {  	_ =	swait.ge [sflag:s12], $0x2800  }
0x31: {  	[sflag:s12] =	ssyncset.done $0x0  }
0x32: {  	s19 =	simm.s32 $0xA0;
	[sflag:s12] =	ssyncadd.s32 $0xFFFFD800  }
0x33: {  	[tilespmem:s15], [sflag:$0x1] =	stream.indirect.gather [hbm4b:s4+s14], $0x80, s19, s14, $0xb8;
	[tilespmem:$0x1F380] =	vst v63  }
0x34: {  	s1 =	simm.s32 $0xC8  }
0x35: {  	[tilespmem:s16], [sflag:$0x2] =	stream.indirect.gather [hbm4b:s4+s14], $0x80, s1, s14, $0xb8;
	[tilespmem:$0x1F380] =	vst v63  }
0x36: {  	_ =	swait.ge [sflag:s23], $0x1400  }
0x37: {  	[sflag:s23] =	ssyncset.done $0x0  }
0x38: {  	[sflag:s23] =	ssyncadd.s32 $0xFFFFEC00  }
0x39: {  	_ =	swait.ge [sflag:s24], $0x1400  }
0x3a: {  	[sflag:s24] =	ssyncset.done $0x0  }
0x3b: {  	s13 =	simm.s32 $0x2800;
	[sflag:s24] =	ssyncadd.s32 $0xFFFFEC00  }
0x3c: {  	[spmem:s2] =	stream.indirect.scatter.add.f32 [tilespmem:s18], [sflag:$0x5], $0x80, s13, s17, $0xb8;
	[tilespmem:$0x1F380] =	vst v63  }
0x3d: {  	_ =	swait.ge [sflag:s12], $0x2800  }
0x3e: {  	s0 =	simm.s32 $0x280;
	s19 =	simm.s32 $0xF0;
	[sflag:s12] =	ssyncset.done $0x0  }
0x3f: {  	s1 =	simm.s32 $0x2900;
	s13 =	simm.s32 $0x118;
	[sflag:s12] =	ssyncadd.s32 $0xFFFFD800  }
0x40: {  	[tilespmem:s18], [sflag:$0x3] =	stream.indirect.gather [hbm4b:s4+s14], $0x80, s19, s14, $0xb8;
	[tilespmem:$0x1F380] =	vst v63  }
.LBB2_2:
0x41: {  	[tilespmem:s20], [sflag:$0x4] =	stream.indirect.gather [hbm4b:s4+s14], $0x80, s13, s14, $0xb8;
	[tilespmem:$0x1F380] =	vst v63  }
0x42: {  	s13 =	smov.u32 s0  }
0x43: {  	p0 =	sne.s32 s0, $0x9600;
	s0 =	sadd.s32 $0x280, s0;
	_ =	swait.ge [sflag:s21], $0x1400  }
0x44: {  	[sflag:s21] =	ssyncset.done $0x0  }
0x45: {  	[sflag:s21] =	ssyncadd.s32 $0xFFFFEC00  }
0x46: {  	_ =	swait.ge [sflag:s22], $0x1400  }
0x47: {  	[sflag:s22] =	ssyncset.done $0x0  }
0x48: {  	s19 =	sadd.s32 $0xFFFFFF80, s1;
	[sflag:s22] =	ssyncadd.s32 $0xFFFFEC00  }
0x49: {  	[spmem:s2] =	stream.indirect.scatter.add.f32 [tilespmem:s15], [sflag:$0x5], $0x80, s19, s17, $0xb8;
	[tilespmem:$0x1F380] =	vst v63  }
0x4a: {  	_ =	swait.ge [sflag:s12], $0x2800  }
0x4b: {  	s13 =	sshra.s32 s13, $0x2;
	[sflag:s12] =	ssyncset.done $0x0  }
0x4c: {  	s19 =	sadd.s32 $0xA0, s13;
	[sflag:s12] =	ssyncadd.s32 $0xFFFFD800  }
0x4d: {  	[tilespmem:s15], [sflag:$0x1] =	stream.indirect.gather [hbm4b:s4+s14], $0x80, s19, s14, $0xb8;
	[tilespmem:$0x1F380] =	vst v63  }
0x4e: {  	s19 =	sadd.s32 $0xC8, s13  }
0x4f: {  	[tilespmem:s16], [sflag:$0x2] =	stream.indirect.gather [hbm4b:s4+s14], $0x80, s19, s14, $0xb8;
	[tilespmem:$0x1F380] =	vst v63  }
0x50: {  	_ =	swait.ge [sflag:s23], $0x1400  }
0x51: {  	[sflag:s23] =	ssyncset.done $0x0  }
0x52: {  	[sflag:s23] =	ssyncadd.s32 $0xFFFFEC00  }
0x53: {  	_ =	swait.ge [sflag:s24], $0x1400  }
0x54: {  	[sflag:s24] =	ssyncset.done $0x0  }
0x55: {  	[sflag:s24] =	ssyncadd.s32 $0xFFFFEC00  }
0x56: {  	[spmem:s2] =	stream.indirect.scatter.add.f32 [tilespmem:s18], [sflag:$0x5], $0x80, s1, s17, $0xb8;
	[tilespmem:$0x1F380] =	vst v63  }
.Ltmp0:
0x57: {  	_ =	swait.ge [sflag:s12], $0x2800;
	(pc) =	sbr.rel @p0 .LBB2_2-.Ltmp0, $4  }
0x58: {  	[sflag:s12] =	ssyncset.done $0x0  }
0x59: {  	s19 =	sadd.s32 $0xF0, s13;
	[sflag:s12] =	ssyncadd.s32 $0xFFFFD800  }
0x5a: {  	[tilespmem:s18], [sflag:$0x3] =	stream.indirect.gather [hbm4b:s4+s14], $0x80, s19, s14, $0xb8;
	[tilespmem:$0x1F380] =	vst v63  }
0x5b: {  	s13 =	sadd.s32 $0x118, s13;
	s1 =	sadd.s32 $0x100, s1  }
0x5c: {  	[tilespmem:s20], [sflag:$0x4] =	stream.indirect.gather [hbm4b:s4+s14], $0x80, s13, s14, $0xb8;
	[tilespmem:$0x1F380] =	vst v63  }
0x5d: {  	_ =	swait.ge [sflag:s21], $0x1400  }
0x5e: {  	[sflag:s21] =	ssyncset.done $0x0  }
0x5f: {  	[sflag:s21] =	ssyncadd.s32 $0xFFFFEC00  }
0x60: {  	_ =	swait.ge [sflag:s22], $0x1400  }
0x61: {  	[sflag:s22] =	ssyncset.done $0x0  }
0x62: {  	[sflag:s22] =	ssyncadd.s32 $0xFFFFEC00  }
0x63: {  	[spmem:s2] =	stream.indirect.scatter.add.f32 [tilespmem:s15], [sflag:$0x5], $0x80, s25, s17, $0xb8;
	[tilespmem:$0x1F380] =	vst v63  }
0x64: {  	_ =	swait.ge [sflag:s12], $0x2800  }
0x65: {  	[sflag:s12] =	ssyncset.done $0x0  }
0x66: {  	[sflag:s12] =	ssyncadd.s32 $0xFFFFD800  }
0x67: {  	[tilespmem:s15], [sflag:$0x1] =	stream.indirect.gather [hbm4b:s4+s14], $0x80, s26, s14, $0xb8;
	[tilespmem:$0x1F380] =	vst v63  }
0x68: {  	_ = 	snop  }
0x69: {  	[tilespmem:s16], [sflag:$0x2] =	stream.indirect.gather [hbm4b:s4+s14], $0x80, s28, s14, $0xb8;
	[tilespmem:$0x1F380] =	vst v63  }
0x6a: {  	_ =	swait.ge [sflag:s23], $0x1400  }
0x6b: {  	[sflag:s23] =	ssyncset.done $0x0  }
0x6c: {  	[sflag:s23] =	ssyncadd.s32 $0xFFFFEC00  }
0x6d: {  	_ =	swait.ge [sflag:s24], $0x1400  }
0x6e: {  	[sflag:s24] =	ssyncset.done $0x0  }
0x6f: {  	[sflag:s24] =	ssyncadd.s32 $0xFFFFEC00  }
0x70: {  	[spmem:s2] =	stream.indirect.scatter.add.f32 [tilespmem:s18], [sflag:$0x5], $0x80, s29, s17, $0xb8;
	[tilespmem:$0x1F380] =	vst v63  }
0x71: {  	_ =	swait.ge [sflag:s12], $0x2800  }
0x72: {  	[sflag:s12] =	ssyncset.done $0x0  }
0x73: {  	[sflag:s12] =	ssyncadd.s32 $0xFFFFD800  }
0x74: {  	_ =	swait.ge [sflag:s21], $0x1400  }
0x75: {  	[sflag:s21] =	ssyncset.done $0x0  }
0x76: {  	[sflag:s21] =	ssyncadd.s32 $0xFFFFEC00  }
0x77: {  	_ =	swait.ge [sflag:s22], $0x1400  }
0x78: {  	[sflag:s22] =	ssyncset.done $0x0  }
0x79: {  	[sflag:s22] =	ssyncadd.s32 $0xFFFFEC00  }
0x7a: {  	[spmem:s2] =	stream.indirect.scatter.add.f32 [tilespmem:s15], [sflag:$0x5], $0x80, s30, s17, $0xb8;
	[tilespmem:$0x1F380] =	vst v63  }
0x7b: {  	_ =	swait.ge [sflag:s12], $0x2800  }
0x7c: {  	s31 =	sadd.s32 $0x1, s31;
	[sflag:s12] =	ssyncset.done $0x0  }
0x7d: {  	p0 =	sne.s32 s31, s10;
	[sflag:s12] =	ssyncadd.s32 $0xFFFFD800  }
.Ltmp1:
0x7e: {  	[bflag:$0x0] =	sbarrier.arrive $0xFFFF;
	(pc) =	sbr.rel @p0 .LBB2_1-.Ltmp1, $4  }
0x7f: {  	[hbm:s9], [sflag:s6] =	dma.local [spmem:s11], $0x2780  }
0x80: {  	_ =	swait.ge [sflag:s12], $0x2780  }
0x81: {  	[sflag:s12] =	ssyncset.done $0x0  }
0x82: {  	[sflag:s12] =	ssyncadd.s32 $0xFFFFD880  }
0x83: {  	_ =	sfence.sel $0x180000  }
0x84: {  	[bflag:$0x0] =	sbarrier.arrive $0xFFFF  }
0x85: {  	_ =	strace $0x9000005C  }
0x86: {  	s0 =	stileid.u32;
	[bflag:$0x2] =	sbarrier.arrive $0xFFFF  }
0x87: {  	p0 =	sne.s32 s0, $0x0;
	s0 =	rddreg [dreg:$0x3]  }
0x88: {  	s0 =	sadd.s32 @!p0 $0x100000, s0  }
0x89: {  	[sflag:s0] =	ssyncadd.tile.s32 @!p0 $0x1;
	_ =	shalt  }
.Lfunc_end2:
_tile_overlayer_lowered:
.L_overlay_start_2:
0x8a: {  	(tag) =	ssettag $0x2  }
0x8b: {  	s0 =	rddreg [dreg:$0x0];
	s2 =	stileid.u32  }
0x8c: {  	s1 =	rddreg [dreg:$0x1];
	p0 =	sne.s32 s2, $0x0  }
0x8d: {  	s3 =	rddreg [dreg:$0x2];
	[bflag:$0x3] =	sbarrier.arrive $0xFFFF;
	s2 =	simm.s32 @!p0 $0x1C05  }
0x8e: {  	[timem:s3], [sflag:s2] =	dma.local @!p0 [hbm:s0], s1  }
0x8f: {  	s0 =	simm.s32 @!p0 $0x5  }
0x90: {  	_ =	swait.ge @!p0 [sflag:s0], s1  }
0x91: {  	s1 =	ssub.s32 @!p0 $0x0, s1;
	[sflag:s0] =	ssyncset.done @!p0 $0x0  }
0x92: {  	[sflag:s0] =	ssyncadd.s32 @!p0 s1  }
0x93: {  	[bflag:$0x3] =	sbarrier.arrive $0xFFFF  }
0x94: {  	_ =	shalt  }

</sc_bundles>
